<compile_context>
chip_gen: v7x
topology: tpu7x:2x2x1
jax: 0.10.2.dev20260603
libtpu: 0.0.44.dev20260713+nightly
codegen_flags: <defaults>
</compile_context>

<pallas_src>
import functools

import jax
import jax.numpy as jnp
from jax import lax
from jax.experimental import pallas as pl
from jax.experimental.pallas import tpu as pltpu
from jax.experimental.pallas import tpu_sc as plsc

N = 10000
E = 320000
D_FEAT = 128
D = 64
NUM_ACTIONS = 10

NC = 2
NS = 16
NW = NC * NS
C = 80
EPW = E // NW
CHUNKS = EPW // C
NB = 12
NP = 10240
RPS = NP // NS
DEGW = 16


def _degree_body(dst_hbm, ones_hbm, zeros_hbm, out_hbm, didx, ones_v, acc, sem):
    c = lax.axis_index("c")
    s = lax.axis_index("s")
    w = c * NS + s
    pltpu.sync_copy(zeros_hbm, acc.at[pl.ds(s * RPS, RPS)])
    pltpu.sync_copy(dst_hbm.at[w], didx)
    pltpu.sync_copy(ones_hbm, ones_v)
    plsc.subcore_barrier()

    def fire(k, carry):
        pltpu.async_copy(ones_v, acc.at[didx.at[k]], sem, add=True)
        return carry

    lax.fori_loop(0, CHUNKS, fire, 0)

    def drain(k, carry):
        pltpu.make_async_copy(ones_v, acc.at[didx.at[k]], sem).wait()
        return carry

    lax.fori_loop(0, CHUNKS, drain, 0)
    plsc.subcore_barrier()
    pltpu.sync_copy(acc.at[pl.ds(s * RPS, RPS)],
                    out_hbm.at[c, pl.ds(s * RPS, RPS)])


def _gs_body(src_hbm, dst_hbm, z_hbm, zeros_hbm, out_hbm,
             sidx, didx, acc, *bufs):
    rows = bufs[:NB]
    gsem = bufs[NB:2 * NB]
    ssem = bufs[2 * NB:3 * NB]
    c = lax.axis_index("c")
    s = lax.axis_index("s")
    w = c * NS + s
    pltpu.sync_copy(zeros_hbm, acc.at[pl.ds(s * RPS, RPS)])
    pltpu.sync_copy(src_hbm.at[w], sidx)
    pltpu.sync_copy(dst_hbm.at[w], didx)
    plsc.subcore_barrier()

    def gather(k, b):
        pltpu.async_copy(z_hbm.at[sidx.at[k]], rows[b], gsem[b])

    def gather_wait(k, b):
        pltpu.make_async_copy(z_hbm.at[sidx.at[k]], rows[b], gsem[b]).wait()

    def scatter(k, b):
        pltpu.async_copy(rows[b], acc.at[didx.at[k]], ssem[b], add=True)

    def scatter_wait(k, b):
        pltpu.make_async_copy(rows[b], acc.at[didx.at[k]], ssem[b]).wait()

    GA = NB - 3

    for b in range(GA):
        gather(b, b)
    for b in range(NB):
        k = b
        gather_wait(k, b)
        scatter(k, b)
        bq = (b + GA) % NB
        if k >= 3:
            scatter_wait(k - 3, bq)
        gather(k + GA, bq)

    def block(j, carry):
        for b in range(NB):
            k = j * NB + b
            gather_wait(k, b)
            scatter(k, b)
            bq = (b + GA) % NB
            scatter_wait(k - 3, bq)
            gather(k + GA, bq)
        return carry

    nfull = CHUNKS // NB
    lax.fori_loop(1, nfull, block, 0)
    for k in range(nfull * NB, CHUNKS):
        b = k % NB
        gather_wait(k, b)
        scatter(k, b)
        scatter_wait(k - 3, (b + GA) % NB)
        if k + GA < CHUNKS:
            gather(k + GA, (b + GA) % NB)
    for k in range(CHUNKS - 3, CHUNKS):
        scatter_wait(k, k % NB)

    plsc.subcore_barrier()
    pltpu.sync_copy(acc.at[pl.ds(s * RPS, RPS)],
                    out_hbm.at[c, pl.ds(s * RPS, RPS)])


@functools.cache
def _sc_kernels():
    mesh = plsc.VectorSubcoreMesh(core_axis_name="c", subcore_axis_name="s",
                                  num_cores=NC, num_subcores=NS)
    sc_degree = functools.partial(
        pl.kernel,
        out_type=jax.ShapeDtypeStruct((NC, NP, DEGW), jnp.float32),
        mesh=mesh,
        compiler_params=pltpu.CompilerParams(use_tc_tiling_on_sc=False),
        scratch_types=[
            pltpu.VMEM((CHUNKS, C), jnp.int32),
            pltpu.VMEM((C, DEGW), jnp.float32),
            pltpu.VMEM_SHARED((NP, DEGW), jnp.float32),
            pltpu.SemaphoreType.DMA,
        ],
    )(_degree_body)
    sc_gather_scatter = functools.partial(
        pl.kernel,
        out_type=jax.ShapeDtypeStruct((NC, NP, D), jnp.float32),
        mesh=mesh,
        compiler_params=pltpu.CompilerParams(use_tc_tiling_on_sc=False),
        scratch_types=(
            [pltpu.VMEM((CHUNKS, C), jnp.int32),
             pltpu.VMEM((CHUNKS, C), jnp.int32),
             pltpu.VMEM_SHARED((NP, D), jnp.float32)]
            + [pltpu.VMEM((C, D), jnp.float32) for _ in range(NB)]
            + [pltpu.SemaphoreType.DMA for _ in range(2 * NB)]
        ),
    )(_gs_body)
    return sc_degree, sc_gather_scatter



R = 2000


def _bdot(a, b):
    return jnp.dot(a, b, preferred_element_type=jnp.float32)


def _hdot(a, b):
    return jnp.dot(a, b, preferred_element_type=jnp.float32,
                   precision=lax.Precision.HIGHEST)


def _dinv_block(deg_ref):
    deg = 1.0 + deg_ref[0, :, 0:1] + deg_ref[1, :, 0:1]
    return 1.0 / jnp.sqrt(deg)


def _mm1_kernel(nodes_ref, wfc_ref, bfc_ref, w1_ref, deg_ref, z1_ref):
    h = jnp.maximum(_bdot(nodes_ref[...], wfc_ref[...]) + bfc_ref[...], 0.0)
    z1_ref[...] = _bdot(h, w1_ref[...]) * _dinv_block(deg_ref)


def _mm2_kernel(a_ref, z1_ref, deg_ref, b1_ref, w2_ref, z2_ref):
    dinv = _dinv_block(deg_ref)
    h1 = jnp.maximum(
        (a_ref[0] + a_ref[1] + z1_ref[...]) * dinv + b1_ref[...], 0.0)
    z2_ref[...] = _bdot(h1, w2_ref[...]) * dinv


def _fin_kernel(a_ref, z2_ref, deg_ref, b2_ref, wa_ref, ba_ref, wc_ref,
                bc_ref, logits_ref, value_ref, sum_ref):
    i = pl.program_id(0)
    dinv = _dinv_block(deg_ref)
    h2 = jnp.maximum(
        (a_ref[0] + a_ref[1] + z2_ref[...]) * dinv + b2_ref[...], 0.0)
    part = jnp.sum(h2, axis=0, keepdims=True)

    @pl.when(i == 0)
    def _init():
        sum_ref[...] = jnp.zeros_like(sum_ref)

    sum_ref[...] += part

    @pl.when(i == pl.num_programs(0) - 1)
    def _finish():
        rep = sum_ref[...] * (1.0 / N)
        logits_ref[...] = _hdot(rep, wa_ref[...]) + ba_ref[...]
        value_ref[...] = _hdot(rep, wc_ref[...]) + bc_ref[...]


def _full(shape):
    return pl.BlockSpec(shape, lambda i: (0,) * len(shape))


@functools.cache
def _tc_kernels():
    mm1 = pl.pallas_call(
    _mm1_kernel,
    grid=(N // R,),
    in_specs=[
        pl.BlockSpec((R, D_FEAT), lambda i: (i, 0)),
        _full((D_FEAT, D)),
        _full((1, D)),
        _full((D, D)),
        pl.BlockSpec((NC, R, DEGW), lambda i: (0, i, 0)),
    ],
    out_specs=pl.BlockSpec((R, D), lambda i: (i, 0)),
    out_shape=jax.ShapeDtypeStruct((N, D), jnp.float32),
    )
    mm2 = pl.pallas_call(
    _mm2_kernel,
    grid=(N // R,),
    in_specs=[
        pl.BlockSpec((NC, R, D), lambda i: (0, i, 0)),
        pl.BlockSpec((R, D), lambda i: (i, 0)),
        pl.BlockSpec((NC, R, DEGW), lambda i: (0, i, 0)),
        _full((1, D)),
        _full((D, D)),
    ],
    out_specs=pl.BlockSpec((R, D), lambda i: (i, 0)),
    out_shape=jax.ShapeDtypeStruct((N, D), jnp.float32),
    )
    fin = pl.pallas_call(
    _fin_kernel,
    grid=(N // R,),
    in_specs=[
        pl.BlockSpec((NC, R, D), lambda i: (0, i, 0)),
        pl.BlockSpec((R, D), lambda i: (i, 0)),
        pl.BlockSpec((NC, R, DEGW), lambda i: (0, i, 0)),
        _full((1, D)),
        _full((D, NUM_ACTIONS)),
        _full((1, NUM_ACTIONS)),
        _full((D, 1)),
        _full((1, 1)),
    ],
    out_specs=[_full((1, NUM_ACTIONS)), _full((1, 1))],
    out_shape=[jax.ShapeDtypeStruct((1, NUM_ACTIONS), jnp.float32),
               jax.ShapeDtypeStruct((1, 1), jnp.float32)],
    scratch_shapes=[pltpu.VMEM((1, D), jnp.float32)],
    )
    return mm1, mm2, fin



def kernel(nodes, edge_links, W_fc, b_fc, W1, b1, W2, b2, Wa, ba, Wc, bc):
    src = edge_links[:, 0].reshape(NW, CHUNKS, C)
    dst = edge_links[:, 1].reshape(NW, CHUNKS, C)
    zeros_d = jnp.zeros((RPS, D), jnp.float32)
    zeros_g = jnp.zeros((RPS, DEGW), jnp.float32)
    ones_g = jnp.ones((C, DEGW), jnp.float32)

    sc_degree, sc_gather_scatter = _sc_kernels()
    mm1, mm2, fin = _tc_kernels()
    deg = sc_degree(dst, ones_g, zeros_g)
    z1 = mm1(nodes, W_fc, b_fc.reshape(1, D), W1, deg)
    a1 = sc_gather_scatter(src, dst, z1, zeros_d)
    z2 = mm2(a1, z1, deg, b1.reshape(1, D), W2)
    a2 = sc_gather_scatter(src, dst, z2, zeros_d)
    logits, value = fin(a2, z2, deg, b2.reshape(1, D), Wa,
                        ba.reshape(1, NUM_ACTIONS), Wc, bc.reshape(1, 1))
    return logits, value

# --- scband reference (transcript-rebuilt; emitter-appended) ---
"""Pipeline reference for scband-graph-a2-c-35596688949779 (READ-ONLY COPY).

The authoritative reference and input builder live on the scoring server;
editing this copy changes nothing except your own understanding.
"""

import jax, jax.numpy as jnp
import numpy as np

N = 10000
E = 320000
D_FEAT = 128
D = 64
NUM_ACTIONS = 10


def _glorot(key, shape):
    fan_in, fan_out = shape[0], shape[1]
    lim = (6.0 / (fan_in + fan_out)) ** 0.5
    return jax.random.uniform(key, shape, jnp.float32, -lim, lim)


def setup_inputs(seed: int = 0) -> dict:
    key = jax.random.key(seed)
    ks = jax.random.split(key, 12)
    nodes = jax.random.normal(ks[0], (N, D_FEAT), jnp.float32)
    edge_links = jax.random.randint(ks[1], (E, 2), 0, N, jnp.int32)
    W_fc = _glorot(ks[2], (D_FEAT, D))
    b_fc = jnp.zeros((D,), jnp.float32)
    W1 = _glorot(ks[3], (D, D))
    b1 = jnp.zeros((D,), jnp.float32)
    W2 = _glorot(ks[4], (D, D))
    b2 = jnp.zeros((D,), jnp.float32)
    Wa = _glorot(ks[5], (D, NUM_ACTIONS))
    ba = jnp.zeros((NUM_ACTIONS,), jnp.float32)
    Wc = _glorot(ks[6], (D, 1))
    bc = jnp.zeros((1,), jnp.float32)
    return {"nodes": nodes, "edge_links": edge_links, "W_fc": W_fc, "b_fc": b_fc,
            "W1": W1, "b1": b1, "W2": W2, "b2": b2, "Wa": Wa, "ba": ba, "Wc": Wc, "bc": bc}


def _gcn_conv(x, src, dst, W, b, n):
    # PyG GCNConv: add self-loops, symmetric normalization D^-1/2 (A+I) D^-1/2, then linear.
    x = x @ W
    loop = jnp.arange(n, dtype=src.dtype)
    s = jnp.concatenate([src, loop])
    d = jnp.concatenate([dst, loop])
    deg = jnp.zeros((n,), x.dtype).at[d].add(1.0)
    dinv = jnp.where(deg > 0, jax.lax.rsqrt(jnp.maximum(deg, 1e-12)), 0.0)
    norm = dinv[s] * dinv[d]
    msg = x[s] * norm[:, None]
    out = jnp.zeros_like(x).at[d].add(msg)
    return out + b


def reference(nodes, edge_links, W_fc, b_fc, W1, b1, W2, b2, Wa, ba, Wc, bc):
    # edge_links is [E, 2]; the torch module transposes to [2, E]
    src = edge_links[:, 0]
    dst = edge_links[:, 1]
    h = jax.nn.relu(nodes @ W_fc + b_fc)
    h = _gcn_conv(h, src, dst, W1, b1, N)
    h = jax.nn.relu(h)
    # F.dropout with training=False is identity (eval mode)
    h = _gcn_conv(h, src, dst, W2, b2, N)
    h = jax.nn.relu(h)
    # global_mean_pool with a single graph (batch index all zeros)
    rep = jnp.mean(h, axis=0, keepdims=True)
    action_logits = rep @ Wa + ba
    value_estimate = rep @ Wc + bc
    return (action_logits, value_estimate)

if __name__ == "__main__":
    import jax
    _d = setup_inputs()
    print(jax.jit(kernel)(*tuple(_d.values())))

</pallas_src>

<mosaic_0001>
#map = affine_map<(d0, d1) -> (0, 0, 0)>
#map1 = affine_map<(d0, d1) -> (0, 0)>
module attributes {stable_mosaic.version = 14 : i64} {
  func.func @_degree_body(%arg0: i32, %arg1: i32, %arg2: memref<32x125x80xi32, #tpu.memory_space<hbm>>, %arg3: memref<80x16xf32, #tpu.memory_space<hbm>>, %arg4: memref<640x16xf32, #tpu.memory_space<hbm>>, %arg5: memref<2x10240x16xf32, #tpu.memory_space<hbm>>, %arg6: memref<125x80xi32, #tpu.memory_space<vmem>>, %arg7: memref<80x16xf32, #tpu.memory_space<vmem>>, %arg8: memref<10240x16xf32, #tpu.memory_space<vmem_shared>>, %arg9: memref<!tpu.dma_semaphore, #tpu.memory_space<semaphore_mem>>) attributes {dimension_semantics = [#tpu.dimension_semantics<core_parallel>, #tpu.dimension_semantics<subcore_parallel>], iteration_bounds = array<i64: 2, 16>, scalar_prefetch = 0 : i64, scratch_operands = 4 : i64, tpu.core_type = #tpu.core_type<sc_vector_subcore>, window_params = [{transform_indices = #map}, {transform_indices = #map1}, {transform_indices = #map1}, {transform_indices = #map}]} {
    %mul3A = arith.constant 16 : i32
    %mul3A_0 = arith.muli %arg0, %mul3A : i32
    %add3A = arith.addi %mul3A_0, %arg1 : i32
    %mul3A_1 = arith.constant 640 : i32
    %mul3A_2 = arith.muli %arg1, %mul3A_1 : i32
    "tpu.region"() ({
      %run_scoped3A = tpu.sem_alloc : memref<!tpu.dma_semaphore, #tpu.memory_space<semaphore_mem>>
      %dma_start3A = arith.constant 0 : i32
      %dma_start3A_19 = tpu.memref_slice %arg8[%mul3A_2, %dma_start3A] : memref<10240x16xf32, #tpu.memory_space<vmem_shared>> -> memref<640x16xf32, #tpu.memory_space<vmem_shared>>
      tpu.enqueue_dma source(%arg4 : memref<640x16xf32, #tpu.memory_space<hbm>>) target(%dma_start3A_19 : memref<640x16xf32, #tpu.memory_space<vmem_shared>>) target_semaphore(%run_scoped3A : memref<!tpu.dma_semaphore, #tpu.memory_space<semaphore_mem>>)
      %dma_wait3A = arith.constant 0 : i32
      %dma_wait3A_20 = tpu.memref_slice %arg8[%mul3A_2, %dma_wait3A] : memref<10240x16xf32, #tpu.memory_space<vmem_shared>> -> memref<640x16xf32, #tpu.memory_space<vmem_shared>>
      tpu.wait_dma2 semaphore(%run_scoped3A : memref<!tpu.dma_semaphore, #tpu.memory_space<semaphore_mem>>) src(%arg4 : memref<640x16xf32, #tpu.memory_space<hbm>>) dst(%dma_wait3A_20 : memref<640x16xf32, #tpu.memory_space<vmem_shared>>)
      tpu.yield
    }) : () -> ()
    "tpu.region"() ({
      %run_scoped3A = tpu.sem_alloc : memref<!tpu.dma_semaphore, #tpu.memory_space<semaphore_mem>>
      %dma_start3A = arith.constant 0 : i32
      %dma_start3A_19 = arith.constant 0 : i32
      %dma_start3A_20 = tpu.memref_slice %arg2[%add3A, %dma_start3A, %dma_start3A_19] : memref<32x125x80xi32, #tpu.memory_space<hbm>> -> memref<1x125x80xi32, #tpu.memory_space<hbm>>
      %dma_start3A_21 = tpu.memref_squeeze %dma_start3A_20 : memref<1x125x80xi32, #tpu.memory_space<hbm>> -> memref<125x80xi32, #tpu.memory_space<hbm>>
      %dma_start3A_22 = arith.constant 0 : i32
      %dma_start3A_23 = arith.constant 0 : i32
      %dma_start3A_24 = tpu.memref_slice %arg2[%add3A, %dma_start3A_22, %dma_start3A_23] : memref<32x125x80xi32, #tpu.memory_space<hbm>> -> memref<1x125x80xi32, #tpu.memory_space<hbm>>
      %dma_start3A_25 = tpu.memref_squeeze %dma_start3A_24 : memref<1x125x80xi32, #tpu.memory_space<hbm>> -> memref<125x80xi32, #tpu.memory_space<hbm>>
      tpu.enqueue_dma source(%dma_start3A_25 : memref<125x80xi32, #tpu.memory_space<hbm>>) target(%arg6 : memref<125x80xi32, #tpu.memory_space<vmem>>) target_semaphore(%run_scoped3A : memref<!tpu.dma_semaphore, #tpu.memory_space<semaphore_mem>>)
      %dma_wait3A = arith.constant 0 : i32
      %dma_wait3A_26 = arith.constant 0 : i32
      %dma_wait3A_27 = tpu.memref_slice %arg2[%add3A, %dma_wait3A, %dma_wait3A_26] : memref<32x125x80xi32, #tpu.memory_space<hbm>> -> memref<1x125x80xi32, #tpu.memory_space<hbm>>
      %dma_wait3A_28 = tpu.memref_squeeze %dma_wait3A_27 : memref<1x125x80xi32, #tpu.memory_space<hbm>> -> memref<125x80xi32, #tpu.memory_space<hbm>>
      %dma_wait3A_29 = arith.constant 0 : i32
      %dma_wait3A_30 = arith.constant 0 : i32
      %dma_wait3A_31 = tpu.memref_slice %arg2[%add3A, %dma_wait3A_29, %dma_wait3A_30] : memref<32x125x80xi32, #tpu.memory_space<hbm>> -> memref<1x125x80xi32, #tpu.memory_space<hbm>>
      %dma_wait3A_32 = tpu.memref_squeeze %dma_wait3A_31 : memref<1x125x80xi32, #tpu.memory_space<hbm>> -> memref<125x80xi32, #tpu.memory_space<hbm>>
      tpu.wait_dma2 semaphore(%run_scoped3A : memref<!tpu.dma_semaphore, #tpu.memory_space<semaphore_mem>>) src(%dma_wait3A_32 : memref<125x80xi32, #tpu.memory_space<hbm>>) dst(%arg6 : memref<125x80xi32, #tpu.memory_space<vmem>>)
      tpu.yield
    }) : () -> ()
    "tpu.region"() ({
      %run_scoped3A = tpu.sem_alloc : memref<!tpu.dma_semaphore, #tpu.memory_space<semaphore_mem>>
      tpu.enqueue_dma source(%arg3 : memref<80x16xf32, #tpu.memory_space<hbm>>) target(%arg7 : memref<80x16xf32, #tpu.memory_space<vmem>>) target_semaphore(%run_scoped3A : memref<!tpu.dma_semaphore, #tpu.memory_space<semaphore_mem>>)
      tpu.wait_dma2 semaphore(%run_scoped3A : memref<!tpu.dma_semaphore, #tpu.memory_space<semaphore_mem>>) src(%arg3 : memref<80x16xf32, #tpu.memory_space<hbm>>) dst(%arg7 : memref<80x16xf32, #tpu.memory_space<vmem>>)
      tpu.yield
    }) : () -> ()
    %barrier3A = arith.constant 0 : index
    tpu.barrier barrier_id(%barrier3A)
    %scan3A = arith.constant 0 : i32
    %scan3A_3 = arith.constant 0 : i32
    %scan3A_4 = arith.constant 125 : i32
    %scan3A_5 = arith.addi %scan3A_3, %scan3A_4 : i32
    %scan3A_6 = arith.constant 1 : i32
    scf.for %scan3A_19 = %scan3A_3 to %scan3A_5 step %scan3A_6  : i32 {
      %dma_start3A = arith.constant 0 : i32
      %dma_start3A_20 = tpu.memref_slice %arg6[%scan3A_19, %dma_start3A] : memref<125x80xi32, #tpu.memory_space<vmem>> -> memref<1x80xi32, #tpu.memory_space<vmem>>
      %dma_start3A_21 = tpu.memref_squeeze %dma_start3A_20 : memref<1x80xi32, #tpu.memory_space<vmem>> -> memref<80xi32, #tpu.memory_space<vmem>>
      %dma_start3A_22 = arith.constant 0 : i32
      %dma_start3A_23 = arith.constant 0 : i32
      %dma_start3A_24 = tpu.memref_slice %arg8[%dma_start3A_22, %dma_start3A_23] : memref<10240x16xf32, #tpu.memory_space<vmem_shared>> -> memref<10240x16xf32, #tpu.memory_space<vmem_shared>>
      tpu.enqueue_indirect_dma source(%arg7 : memref<80x16xf32, #tpu.memory_space<vmem>>) target(%dma_start3A_24 : memref<10240x16xf32, #tpu.memory_space<vmem_shared>>) offsets(%dma_start3A_21 : memref<80xi32, #tpu.memory_space<vmem>>) semaphore(%arg9 : memref<!tpu.dma_semaphore, #tpu.memory_space<semaphore_mem>>) {add = true}
    }
    %scan3A_7 = arith.constant 125 : i32
    %scan3A_8 = arith.constant 0 : i32
    %scan3A_9 = arith.constant 0 : i32
    %scan3A_10 = arith.constant 125 : i32
    %scan3A_11 = arith.addi %scan3A_9, %scan3A_10 : i32
    %scan3A_12 = arith.constant 1 : i32
    scf.for %scan3A_19 = %scan3A_9 to %scan3A_11 step %scan3A_12  : i32 {
      %dma_wait3A = arith.constant 0 : i32
      %dma_wait3A_20 = tpu.memref_slice %arg6[%scan3A_19, %dma_wait3A] : memref<125x80xi32, #tpu.memory_space<vmem>> -> memref<1x80xi32, #tpu.memory_space<vmem>>
      %dma_wait3A_21 = tpu.memref_squeeze %dma_wait3A_20 : memref<1x80xi32, #tpu.memory_space<vmem>> -> memref<80xi32, #tpu.memory_space<vmem>>
      %dma_wait3A_22 = arith.constant 0 : i32
      %dma_wait3A_23 = arith.constant 0 : i32
      %dma_wait3A_24 = tpu.memref_slice %arg8[%dma_wait3A_22, %dma_wait3A_23] : memref<10240x16xf32, #tpu.memory_space<vmem_shared>> -> memref<10240x16xf32, #tpu.memory_space<vmem_shared>>
      tpu.wait_indirect_dma semaphore(%arg9 : memref<!tpu.dma_semaphore, #tpu.memory_space<semaphore_mem>>) src(%arg7 : memref<80x16xf32, #tpu.memory_space<vmem>>) dst(%dma_wait3A_24 : memref<10240x16xf32, #tpu.memory_space<vmem_shared>>)
    }
    %scan3A_13 = arith.constant 125 : i32
    %barrier3A_14 = arith.constant 0 : index
    tpu.barrier barrier_id(%barrier3A_14)
    %mul3A_15 = arith.constant 640 : i32
    %mul3A_16 = arith.muli %arg1, %mul3A_15 : i32
    %mul3A_17 = arith.constant 640 : i32
    %mul3A_18 = arith.muli %arg1, %mul3A_17 : i32
    "tpu.region"() ({
      %run_scoped3A = tpu.sem_alloc : memref<!tpu.dma_semaphore, #tpu.memory_space<semaphore_mem>>
      %dma_start3A = arith.constant 0 : i32
      %dma_start3A_19 = tpu.memref_slice %arg5[%arg0, %mul3A_18, %dma_start3A] : memref<2x10240x16xf32, #tpu.memory_space<hbm>> -> memref<1x640x16xf32, #tpu.memory_space<hbm>>
      %dma_start3A_20 = tpu.memref_squeeze %dma_start3A_19 : memref<1x640x16xf32, #tpu.memory_space<hbm>> -> memref<640x16xf32, #tpu.memory_space<hbm>>
      %dma_start3A_21 = arith.constant 0 : i32
      %dma_start3A_22 = tpu.memref_slice %arg8[%mul3A_16, %dma_start3A_21] : memref<10240x16xf32, #tpu.memory_space<vmem_shared>> -> memref<640x16xf32, #tpu.memory_space<vmem_shared>>
      tpu.enqueue_dma source(%dma_start3A_22 : memref<640x16xf32, #tpu.memory_space<vmem_shared>>) target(%dma_start3A_20 : memref<640x16xf32, #tpu.memory_space<hbm>>) target_semaphore(%run_scoped3A : memref<!tpu.dma_semaphore, #tpu.memory_space<semaphore_mem>>)
      %dma_wait3A = arith.constant 0 : i32
      %dma_wait3A_23 = tpu.memref_slice %arg5[%arg0, %mul3A_18, %dma_wait3A] : memref<2x10240x16xf32, #tpu.memory_space<hbm>> -> memref<1x640x16xf32, #tpu.memory_space<hbm>>
      %dma_wait3A_24 = tpu.memref_squeeze %dma_wait3A_23 : memref<1x640x16xf32, #tpu.memory_space<hbm>> -> memref<640x16xf32, #tpu.memory_space<hbm>>
      %dma_wait3A_25 = arith.constant 0 : i32
      %dma_wait3A_26 = tpu.memref_slice %arg8[%mul3A_16, %dma_wait3A_25] : memref<10240x16xf32, #tpu.memory_space<vmem_shared>> -> memref<640x16xf32, #tpu.memory_space<vmem_shared>>
      tpu.wait_dma2 semaphore(%run_scoped3A : memref<!tpu.dma_semaphore, #tpu.memory_space<semaphore_mem>>) src(%dma_wait3A_26 : memref<640x16xf32, #tpu.memory_space<vmem_shared>>) dst(%dma_wait3A_24 : memref<640x16xf32, #tpu.memory_space<hbm>>)
      tpu.yield
    }) : () -> ()
    return
  }
}

#map = affine_map<(d0, d1) -> (0, 0, 0)>
#map1 = affine_map<(d0, d1) -> (0, 0)>
module attributes {stable_mosaic.version = 14 : i64} {
  func.func @_gs_body(%arg0: i32, %arg1: i32, %arg2: memref<32x125x80xi32, #tpu.memory_space<hbm>>, %arg3: memref<32x125x80xi32, #tpu.memory_space<hbm>>, %arg4: memref<10000x64xf32, #tpu.memory_space<hbm>>, %arg5: memref<640x64xf32, #tpu.memory_space<hbm>>, %arg6: memref<2x10240x64xf32, #tpu.memory_space<hbm>>, %arg7: memref<125x80xi32, #tpu.memory_space<vmem>>, %arg8: memref<125x80xi32, #tpu.memory_space<vmem>>, %arg9: memref<10240x64xf32, #tpu.memory_space<vmem_shared>>, %arg10: memref<80x64xf32, #tpu.memory_space<vmem>>, %arg11: memref<80x64xf32, #tpu.memory_space<vmem>>, %arg12: memref<80x64xf32, #tpu.memory_space<vmem>>, %arg13: memref<80x64xf32, #tpu.memory_space<vmem>>, %arg14: memref<80x64xf32, #tpu.memory_space<vmem>>, %arg15: memref<80x64xf32, #tpu.memory_space<vmem>>, %arg16: memref<80x64xf32, #tpu.memory_space<vmem>>, %arg17: memref<80x64xf32, #tpu.memory_space<vmem>>, %arg18: memref<80x64xf32, #tpu.memory_space<vmem>>, %arg19: memref<80x64xf32, #tpu.memory_space<vmem>>, %arg20: memref<80x64xf32, #tpu.memory_space<vmem>>, %arg21: memref<80x64xf32, #tpu.memory_space<vmem>>, %arg22: memref<!tpu.dma_semaphore, #tpu.memory_space<semaphore_mem>>, %arg23: memref<!tpu.dma_semaphore, #tpu.memory_space<semaphore_mem>>, %arg24: memref<!tpu.dma_semaphore, #tpu.memory_space<semaphore_mem>>, %arg25: memref<!tpu.dma_semaphore, #tpu.memory_space<semaphore_mem>>, %arg26: memref<!tpu.dma_semaphore, #tpu.memory_space<semaphore_mem>>, %arg27: memref<!tpu.dma_semaphore, #tpu.memory_space<semaphore_mem>>, %arg28: memref<!tpu.dma_semaphore, #tpu.memory_space<semaphore_mem>>, %arg29: memref<!tpu.dma_semaphore, #tpu.memory_space<semaphore_mem>>, %arg30: memref<!tpu.dma_semaphore, #tpu.memory_space<semaphore_mem>>, %arg31: memref<!tpu.dma_semaphore, #tpu.memory_space<semaphore_mem>>, %arg32: memref<!tpu.dma_semaphore, #tpu.memory_space<semaphore_mem>>, %arg33: memref<!tpu.dma_semaphore, #tpu.memory_space<semaphore_mem>>, %arg34: memref<!tpu.dma_semaphore, #tpu.memory_space<semaphore_mem>>, %arg35: memref<!tpu.dma_semaphore, #tpu.memory_space<semaphore_mem>>, %arg36: memref<!tpu.dma_semaphore, #tpu.memory_space<semaphore_mem>>, %arg37: memref<!tpu.dma_semaphore, #tpu.memory_space<semaphore_mem>>, %arg38: memref<!tpu.dma_semaphore, #tpu.memory_space<semaphore_mem>>, %arg39: memref<!tpu.dma_semaphore, #tpu.memory_space<semaphore_mem>>, %arg40: memref<!tpu.dma_semaphore, #tpu.memory_space<semaphore_mem>>, %arg41: memref<!tpu.dma_semaphore, #tpu.memory_space<semaphore_mem>>, %arg42: memref<!tpu.dma_semaphore, #tpu.memory_space<semaphore_mem>>, %arg43: memref<!tpu.dma_semaphore, #tpu.memory_space<semaphore_mem>>, %arg44: memref<!tpu.dma_semaphore, #tpu.memory_space<semaphore_mem>>, %arg45: memref<!tpu.dma_semaphore, #tpu.memory_space<semaphore_mem>>) attributes {dimension_semantics = [#tpu.dimension_semantics<core_parallel>, #tpu.dimension_semantics<subcore_parallel>], iteration_bounds = array<i64: 2, 16>, scalar_prefetch = 0 : i64, scratch_operands = 39 : i64, tpu.core_type = #tpu.core_type<sc_vector_subcore>, window_params = [{transform_indices = #map}, {transform_indices = #map}, {transform_indices = #map1}, {transform_indices = #map1}, {transform_indices = #map}]} {
    %mul3A = arith.constant 16 : i32
    %mul3A_0 = arith.muli %arg0, %mul3A : i32
    %add3A = arith.addi %mul3A_0, %arg1 : i32
    %mul3A_1 = arith.constant 640 : i32
    %mul3A_2 = arith.muli %arg1, %mul3A_1 : i32
    "tpu.region"() ({
      %run_scoped3A = tpu.sem_alloc : memref<!tpu.dma_semaphore, #tpu.memory_space<semaphore_mem>>
      %dma_start3A_515 = arith.constant 0 : i32
      %dma_start3A_516 = tpu.memref_slice %arg9[%mul3A_2, %dma_start3A_515] : memref<10240x64xf32, #tpu.memory_space<vmem_shared>> -> memref<640x64xf32, #tpu.memory_space<vmem_shared>>
      tpu.enqueue_dma source(%arg5 : memref<640x64xf32, #tpu.memory_space<hbm>>) target(%dma_start3A_516 : memref<640x64xf32, #tpu.memory_space<vmem_shared>>) target_semaphore(%run_scoped3A : memref<!tpu.dma_semaphore, #tpu.memory_space<semaphore_mem>>)
      %dma_wait3A_517 = arith.constant 0 : i32
      %dma_wait3A_518 = tpu.memref_slice %arg9[%mul3A_2, %dma_wait3A_517] : memref<10240x64xf32, #tpu.memory_space<vmem_shared>> -> memref<640x64xf32, #tpu.memory_space<vmem_shared>>
      tpu.wait_dma2 semaphore(%run_scoped3A : memref<!tpu.dma_semaphore, #tpu.memory_space<semaphore_mem>>) src(%arg5 : memref<640x64xf32, #tpu.memory_space<hbm>>) dst(%dma_wait3A_518 : memref<640x64xf32, #tpu.memory_space<vmem_shared>>)
      tpu.yield
    }) : () -> ()
    "tpu.region"() ({
      %run_scoped3A = tpu.sem_alloc : memref<!tpu.dma_semaphore, #tpu.memory_space<semaphore_mem>>
      %dma_start3A_515 = arith.constant 0 : i32
      %dma_start3A_516 = arith.constant 0 : i32
      %dma_start3A_517 = tpu.memref_slice %arg2[%add3A, %dma_start3A_515, %dma_start3A_516] : memref<32x125x80xi32, #tpu.memory_space<hbm>> -> memref<1x125x80xi32, #tpu.memory_space<hbm>>
      %dma_start3A_518 = tpu.memref_squeeze %dma_start3A_517 : memref<1x125x80xi32, #tpu.memory_space<hbm>> -> memref<125x80xi32, #tpu.memory_space<hbm>>
      %dma_start3A_519 = arith.constant 0 : i32
      %dma_start3A_520 = arith.constant 0 : i32
      %dma_start3A_521 = tpu.memref_slice %arg2[%add3A, %dma_start3A_519, %dma_start3A_520] : memref<32x125x80xi32, #tpu.memory_space<hbm>> -> memref<1x125x80xi32, #tpu.memory_space<hbm>>
      %dma_start3A_522 = tpu.memref_squeeze %dma_start3A_521 : memref<1x125x80xi32, #tpu.memory_space<hbm>> -> memref<125x80xi32, #tpu.memory_space<hbm>>
      tpu.enqueue_dma source(%dma_start3A_522 : memref<125x80xi32, #tpu.memory_space<hbm>>) target(%arg7 : memref<125x80xi32, #tpu.memory_space<vmem>>) target_semaphore(%run_scoped3A : memref<!tpu.dma_semaphore, #tpu.memory_space<semaphore_mem>>)
      %dma_wait3A_523 = arith.constant 0 : i32
      %dma_wait3A_524 = arith.constant 0 : i32
      %dma_wait3A_525 = tpu.memref_slice %arg2[%add3A, %dma_wait3A_523, %dma_wait3A_524] : memref<32x125x80xi32, #tpu.memory_space<hbm>> -> memref<1x125x80xi32, #tpu.memory_space<hbm>>
      %dma_wait3A_526 = tpu.memref_squeeze %dma_wait3A_525 : memref<1x125x80xi32, #tpu.memory_space<hbm>> -> memref<125x80xi32, #tpu.memory_space<hbm>>
      %dma_wait3A_527 = arith.constant 0 : i32
      %dma_wait3A_528 = arith.constant 0 : i32
      %dma_wait3A_529 = tpu.memref_slice %arg2[%add3A, %dma_wait3A_527, %dma_wait3A_528] : memref<32x125x80xi32, #tpu.memory_space<hbm>> -> memref<1x125x80xi32, #tpu.memory_space<hbm>>
      %dma_wait3A_530 = tpu.memref_squeeze %dma_wait3A_529 : memref<1x125x80xi32, #tpu.memory_space<hbm>> -> memref<125x80xi32, #tpu.memory_space<hbm>>
      tpu.wait_dma2 semaphore(%run_scoped3A : memref<!tpu.dma_semaphore, #tpu.memory_space<semaphore_mem>>) src(%dma_wait3A_530 : memref<125x80xi32, #tpu.memory_space<hbm>>) dst(%arg7 : memref<125x80xi32, #tpu.memory_space<vmem>>)
      tpu.yield
    }) : () -> ()
    "tpu.region"() ({
      %run_scoped3A = tpu.sem_alloc : memref<!tpu.dma_semaphore, #tpu.memory_space<semaphore_mem>>
      %dma_start3A_515 = arith.constant 0 : i32
      %dma_start3A_516 = arith.constant 0 : i32
      %dma_start3A_517 = tpu.memref_slice %arg3[%add3A, %dma_start3A_515, %dma_start3A_516] : memref<32x125x80xi32, #tpu.memory_space<hbm>> -> memref<1x125x80xi32, #tpu.memory_space<hbm>>
      %dma_start3A_518 = tpu.memref_squeeze %dma_start3A_517 : memref<1x125x80xi32, #tpu.memory_space<hbm>> -> memref<125x80xi32, #tpu.memory_space<hbm>>
      %dma_start3A_519 = arith.constant 0 : i32
      %dma_start3A_520 = arith.constant 0 : i32
      %dma_start3A_521 = tpu.memref_slice %arg3[%add3A, %dma_start3A_519, %dma_start3A_520] : memref<32x125x80xi32, #tpu.memory_space<hbm>> -> memref<1x125x80xi32, #tpu.memory_space<hbm>>
      %dma_start3A_522 = tpu.memref_squeeze %dma_start3A_521 : memref<1x125x80xi32, #tpu.memory_space<hbm>> -> memref<125x80xi32, #tpu.memory_space<hbm>>
      tpu.enqueue_dma source(%dma_start3A_522 : memref<125x80xi32, #tpu.memory_space<hbm>>) target(%arg8 : memref<125x80xi32, #tpu.memory_space<vmem>>) target_semaphore(%run_scoped3A : memref<!tpu.dma_semaphore, #tpu.memory_space<semaphore_mem>>)
      %dma_wait3A_523 = arith.constant 0 : i32
      %dma_wait3A_524 = arith.constant 0 : i32
      %dma_wait3A_525 = tpu.memref_slice %arg3[%add3A, %dma_wait3A_523, %dma_wait3A_524] : memref<32x125x80xi32, #tpu.memory_space<hbm>> -> memref<1x125x80xi32, #tpu.memory_space<hbm>>
      %dma_wait3A_526 = tpu.memref_squeeze %dma_wait3A_525 : memref<1x125x80xi32, #tpu.memory_space<hbm>> -> memref<125x80xi32, #tpu.memory_space<hbm>>
      %dma_wait3A_527 = arith.constant 0 : i32
      %dma_wait3A_528 = arith.constant 0 : i32
      %dma_wait3A_529 = tpu.memref_slice %arg3[%add3A, %dma_wait3A_527, %dma_wait3A_528] : memref<32x125x80xi32, #tpu.memory_space<hbm>> -> memref<1x125x80xi32, #tpu.memory_space<hbm>>
      %dma_wait3A_530 = tpu.memref_squeeze %dma_wait3A_529 : memref<1x125x80xi32, #tpu.memory_space<hbm>> -> memref<125x80xi32, #tpu.memory_space<hbm>>
      tpu.wait_dma2 semaphore(%run_scoped3A : memref<!tpu.dma_semaphore, #tpu.memory_space<semaphore_mem>>) src(%dma_wait3A_530 : memref<125x80xi32, #tpu.memory_space<hbm>>) dst(%arg8 : memref<125x80xi32, #tpu.memory_space<vmem>>)
      tpu.yield
    }) : () -> ()
    %barrier3A = arith.constant 0 : index
    tpu.barrier barrier_id(%barrier3A)
    %dma_start3A = arith.constant 0 : i32
    %dma_start3A_3 = arith.constant 0 : i32
    %dma_start3A_4 = tpu.memref_slice %arg7[%dma_start3A, %dma_start3A_3] : memref<125x80xi32, #tpu.memory_space<vmem>> -> memref<1x80xi32, #tpu.memory_space<vmem>>
    %dma_start3A_5 = tpu.memref_squeeze %dma_start3A_4 : memref<1x80xi32, #tpu.memory_space<vmem>> -> memref<80xi32, #tpu.memory_space<vmem>>
    %dma_start3A_6 = arith.constant 0 : i32
    %dma_start3A_7 = arith.constant 0 : i32
    %dma_start3A_8 = tpu.memref_slice %arg4[%dma_start3A_6, %dma_start3A_7] : memref<10000x64xf32, #tpu.memory_space<hbm>> -> memref<10000x64xf32, #tpu.memory_space<hbm>>
    tpu.enqueue_indirect_dma source(%dma_start3A_8 : memref<10000x64xf32, #tpu.memory_space<hbm>>) target(%arg10 : memref<80x64xf32, #tpu.memory_space<vmem>>) offsets(%dma_start3A_5 : memref<80xi32, #tpu.memory_space<vmem>>) semaphore(%arg22 : memref<!tpu.dma_semaphore, #tpu.memory_space<semaphore_mem>>)
    %dma_start3A_9 = arith.constant 1 : i32
    %dma_start3A_10 = arith.constant 0 : i32
    %dma_start3A_11 = tpu.memref_slice %arg7[%dma_start3A_9, %dma_start3A_10] : memref<125x80xi32, #tpu.memory_space<vmem>> -> memref<1x80xi32, #tpu.memory_space<vmem>>
    %dma_start3A_12 = tpu.memref_squeeze %dma_start3A_11 : memref<1x80xi32, #tpu.memory_space<vmem>> -> memref<80xi32, #tpu.memory_space<vmem>>
    %dma_start3A_13 = arith.constant 0 : i32
    %dma_start3A_14 = arith.constant 0 : i32
    %dma_start3A_15 = tpu.memref_slice %arg4[%dma_start3A_13, %dma_start3A_14] : memref<10000x64xf32, #tpu.memory_space<hbm>> -> memref<10000x64xf32, #tpu.memory_space<hbm>>
    tpu.enqueue_indirect_dma source(%dma_start3A_15 : memref<10000x64xf32, #tpu.memory_space<hbm>>) target(%arg11 : memref<80x64xf32, #tpu.memory_space<vmem>>) offsets(%dma_start3A_12 : memref<80xi32, #tpu.memory_space<vmem>>) semaphore(%arg23 : memref<!tpu.dma_semaphore, #tpu.memory_space<semaphore_mem>>)
    %dma_start3A_16 = arith.constant 2 : i32
    %dma_start3A_17 = arith.constant 0 : i32
    %dma_start3A_18 = tpu.memref_slice %arg7[%dma_start3A_16, %dma_start3A_17] : memref<125x80xi32, #tpu.memory_space<vmem>> -> memref<1x80xi32, #tpu.memory_space<vmem>>
    %dma_start3A_19 = tpu.memref_squeeze %dma_start3A_18 : memref<1x80xi32, #tpu.memory_space<vmem>> -> memref<80xi32, #tpu.memory_space<vmem>>
    %dma_start3A_20 = arith.constant 0 : i32
    %dma_start3A_21 = arith.constant 0 : i32
    %dma_start3A_22 = tpu.memref_slice %arg4[%dma_start3A_20, %dma_start3A_21] : memref<10000x64xf32, #tpu.memory_space<hbm>> -> memref<10000x64xf32, #tpu.memory_space<hbm>>
    tpu.enqueue_indirect_dma source(%dma_start3A_22 : memref<10000x64xf32, #tpu.memory_space<hbm>>) target(%arg12 : memref<80x64xf32, #tpu.memory_space<vmem>>) offsets(%dma_start3A_19 : memref<80xi32, #tpu.memory_space<vmem>>) semaphore(%arg24 : memref<!tpu.dma_semaphore, #tpu.memory_space<semaphore_mem>>)
    %dma_start3A_23 = arith.constant 3 : i32
    %dma_start3A_24 = arith.constant 0 : i32
    %dma_start3A_25 = tpu.memref_slice %arg7[%dma_start3A_23, %dma_start3A_24] : memref<125x80xi32, #tpu.memory_space<vmem>> -> memref<1x80xi32, #tpu.memory_space<vmem>>
    %dma_start3A_26 = tpu.memref_squeeze %dma_start3A_25 : memref<1x80xi32, #tpu.memory_space<vmem>> -> memref<80xi32, #tpu.memory_space<vmem>>
    %dma_start3A_27 = arith.constant 0 : i32
    %dma_start3A_28 = arith.constant 0 : i32
    %dma_start3A_29 = tpu.memref_slice %arg4[%dma_start3A_27, %dma_start3A_28] : memref<10000x64xf32, #tpu.memory_space<hbm>> -> memref<10000x64xf32, #tpu.memory_space<hbm>>
    tpu.enqueue_indirect_dma source(%dma_start3A_29 : memref<10000x64xf32, #tpu.memory_space<hbm>>) target(%arg13 : memref<80x64xf32, #tpu.memory_space<vmem>>) offsets(%dma_start3A_26 : memref<80xi32, #tpu.memory_space<vmem>>) semaphore(%arg25 : memref<!tpu.dma_semaphore, #tpu.memory_space<semaphore_mem>>)
    %dma_start3A_30 = arith.constant 4 : i32
    %dma_start3A_31 = arith.constant 0 : i32
    %dma_start3A_32 = tpu.memref_slice %arg7[%dma_start3A_30, %dma_start3A_31] : memref<125x80xi32, #tpu.memory_space<vmem>> -> memref<1x80xi32, #tpu.memory_space<vmem>>
    %dma_start3A_33 = tpu.memref_squeeze %dma_start3A_32 : memref<1x80xi32, #tpu.memory_space<vmem>> -> memref<80xi32, #tpu.memory_space<vmem>>
    %dma_start3A_34 = arith.constant 0 : i32
    %dma_start3A_35 = arith.constant 0 : i32
    %dma_start3A_36 = tpu.memref_slice %arg4[%dma_start3A_34, %dma_start3A_35] : memref<10000x64xf32, #tpu.memory_space<hbm>> -> memref<10000x64xf32, #tpu.memory_space<hbm>>
    tpu.enqueue_indirect_dma source(%dma_start3A_36 : memref<10000x64xf32, #tpu.memory_space<hbm>>) target(%arg14 : memref<80x64xf32, #tpu.memory_space<vmem>>) offsets(%dma_start3A_33 : memref<80xi32, #tpu.memory_space<vmem>>) semaphore(%arg26 : memref<!tpu.dma_semaphore, #tpu.memory_space<semaphore_mem>>)
    %dma_start3A_37 = arith.constant 5 : i32
    %dma_start3A_38 = arith.constant 0 : i32
    %dma_start3A_39 = tpu.memref_slice %arg7[%dma_start3A_37, %dma_start3A_38] : memref<125x80xi32, #tpu.memory_space<vmem>> -> memref<1x80xi32, #tpu.memory_space<vmem>>
    %dma_start3A_40 = tpu.memref_squeeze %dma_start3A_39 : memref<1x80xi32, #tpu.memory_space<vmem>> -> memref<80xi32, #tpu.memory_space<vmem>>
    %dma_start3A_41 = arith.constant 0 : i32
    %dma_start3A_42 = arith.constant 0 : i32
    %dma_start3A_43 = tpu.memref_slice %arg4[%dma_start3A_41, %dma_start3A_42] : memref<10000x64xf32, #tpu.memory_space<hbm>> -> memref<10000x64xf32, #tpu.memory_space<hbm>>
    tpu.enqueue_indirect_dma source(%dma_start3A_43 : memref<10000x64xf32, #tpu.memory_space<hbm>>) target(%arg15 : memref<80x64xf32, #tpu.memory_space<vmem>>) offsets(%dma_start3A_40 : memref<80xi32, #tpu.memory_space<vmem>>) semaphore(%arg27 : memref<!tpu.dma_semaphore, #tpu.memory_space<semaphore_mem>>)
    %dma_start3A_44 = arith.constant 6 : i32
    %dma_start3A_45 = arith.constant 0 : i32
    %dma_start3A_46 = tpu.memref_slice %arg7[%dma_start3A_44, %dma_start3A_45] : memref<125x80xi32, #tpu.memory_space<vmem>> -> memref<1x80xi32, #tpu.memory_space<vmem>>
    %dma_start3A_47 = tpu.memref_squeeze %dma_start3A_46 : memref<1x80xi32, #tpu.memory_space<vmem>> -> memref<80xi32, #tpu.memory_space<vmem>>
    %dma_start3A_48 = arith.constant 0 : i32
    %dma_start3A_49 = arith.constant 0 : i32
    %dma_start3A_50 = tpu.memref_slice %arg4[%dma_start3A_48, %dma_start3A_49] : memref<10000x64xf32, #tpu.memory_space<hbm>> -> memref<10000x64xf32, #tpu.memory_space<hbm>>
    tpu.enqueue_indirect_dma source(%dma_start3A_50 : memref<10000x64xf32, #tpu.memory_space<hbm>>) target(%arg16 : memref<80x64xf32, #tpu.memory_space<vmem>>) offsets(%dma_start3A_47 : memref<80xi32, #tpu.memory_space<vmem>>) semaphore(%arg28 : memref<!tpu.dma_semaphore, #tpu.memory_space<semaphore_mem>>)
    %dma_start3A_51 = arith.constant 7 : i32
    %dma_start3A_52 = arith.constant 0 : i32
    %dma_start3A_53 = tpu.memref_slice %arg7[%dma_start3A_51, %dma_start3A_52] : memref<125x80xi32, #tpu.memory_space<vmem>> -> memref<1x80xi32, #tpu.memory_space<vmem>>
    %dma_start3A_54 = tpu.memref_squeeze %dma_start3A_53 : memref<1x80xi32, #tpu.memory_space<vmem>> -> memref<80xi32, #tpu.memory_space<vmem>>
    %dma_start3A_55 = arith.constant 0 : i32
    %dma_start3A_56 = arith.constant 0 : i32
    %dma_start3A_57 = tpu.memref_slice %arg4[%dma_start3A_55, %dma_start3A_56] : memref<10000x64xf32, #tpu.memory_space<hbm>> -> memref<10000x64xf32, #tpu.memory_space<hbm>>
    tpu.enqueue_indirect_dma source(%dma_start3A_57 : memref<10000x64xf32, #tpu.memory_space<hbm>>) target(%arg17 : memref<80x64xf32, #tpu.memory_space<vmem>>) offsets(%dma_start3A_54 : memref<80xi32, #tpu.memory_space<vmem>>) semaphore(%arg29 : memref<!tpu.dma_semaphore, #tpu.memory_space<semaphore_mem>>)
    %dma_start3A_58 = arith.constant 8 : i32
    %dma_start3A_59 = arith.constant 0 : i32
    %dma_start3A_60 = tpu.memref_slice %arg7[%dma_start3A_58, %dma_start3A_59] : memref<125x80xi32, #tpu.memory_space<vmem>> -> memref<1x80xi32, #tpu.memory_space<vmem>>
    %dma_start3A_61 = tpu.memref_squeeze %dma_start3A_60 : memref<1x80xi32, #tpu.memory_space<vmem>> -> memref<80xi32, #tpu.memory_space<vmem>>
    %dma_start3A_62 = arith.constant 0 : i32
    %dma_start3A_63 = arith.constant 0 : i32
    %dma_start3A_64 = tpu.memref_slice %arg4[%dma_start3A_62, %dma_start3A_63] : memref<10000x64xf32, #tpu.memory_space<hbm>> -> memref<10000x64xf32, #tpu.memory_space<hbm>>
    tpu.enqueue_indirect_dma source(%dma_start3A_64 : memref<10000x64xf32, #tpu.memory_space<hbm>>) target(%arg18 : memref<80x64xf32, #tpu.memory_space<vmem>>) offsets(%dma_start3A_61 : memref<80xi32, #tpu.memory_space<vmem>>) semaphore(%arg30 : memref<!tpu.dma_semaphore, #tpu.memory_space<semaphore_mem>>)
    %dma_wait3A = arith.constant 0 : i32
    %dma_wait3A_65 = arith.constant 0 : i32
    %dma_wait3A_66 = tpu.memref_slice %arg7[%dma_wait3A, %dma_wait3A_65] : memref<125x80xi32, #tpu.memory_space<vmem>> -> memref<1x80xi32, #tpu.memory_space<vmem>>
    %dma_wait3A_67 = tpu.memref_squeeze %dma_wait3A_66 : memref<1x80xi32, #tpu.memory_space<vmem>> -> memref<80xi32, #tpu.memory_space<vmem>>
    %dma_wait3A_68 = arith.constant 0 : i32
    %dma_wait3A_69 = arith.constant 0 : i32
    %dma_wait3A_70 = tpu.memref_slice %arg4[%dma_wait3A_68, %dma_wait3A_69] : memref<10000x64xf32, #tpu.memory_space<hbm>> -> memref<10000x64xf32, #tpu.memory_space<hbm>>
    tpu.wait_indirect_dma semaphore(%arg22 : memref<!tpu.dma_semaphore, #tpu.memory_space<semaphore_mem>>) src(%dma_wait3A_70 : memref<10000x64xf32, #tpu.memory_space<hbm>>) dst(%arg10 : memref<80x64xf32, #tpu.memory_space<vmem>>)
    %dma_start3A_71 = arith.constant 0 : i32
    %dma_start3A_72 = arith.constant 0 : i32
    %dma_start3A_73 = tpu.memref_slice %arg8[%dma_start3A_71, %dma_start3A_72] : memref<125x80xi32, #tpu.memory_space<vmem>> -> memref<1x80xi32, #tpu.memory_space<vmem>>
    %dma_start3A_74 = tpu.memref_squeeze %dma_start3A_73 : memref<1x80xi32, #tpu.memory_space<vmem>> -> memref<80xi32, #tpu.memory_space<vmem>>
    %dma_start3A_75 = arith.constant 0 : i32
    %dma_start3A_76 = arith.constant 0 : i32
    %dma_start3A_77 = tpu.memref_slice %arg9[%dma_start3A_75, %dma_start3A_76] : memref<10240x64xf32, #tpu.memory_space<vmem_shared>> -> memref<10240x64xf32, #tpu.memory_space<vmem_shared>>
    tpu.enqueue_indirect_dma source(%arg10 : memref<80x64xf32, #tpu.memory_space<vmem>>) target(%dma_start3A_77 : memref<10240x64xf32, #tpu.memory_space<vmem_shared>>) offsets(%dma_start3A_74 : memref<80xi32, #tpu.memory_space<vmem>>) semaphore(%arg34 : memref<!tpu.dma_semaphore, #tpu.memory_space<semaphore_mem>>) {add = true}
    %dma_start3A_78 = arith.constant 9 : i32
    %dma_start3A_79 = arith.constant 0 : i32
    %dma_start3A_80 = tpu.memref_slice %arg7[%dma_start3A_78, %dma_start3A_79] : memref<125x80xi32, #tpu.memory_space<vmem>> -> memref<1x80xi32, #tpu.memory_space<vmem>>
    %dma_start3A_81 = tpu.memref_squeeze %dma_start3A_80 : memref<1x80xi32, #tpu.memory_space<vmem>> -> memref<80xi32, #tpu.memory_space<vmem>>
    %dma_start3A_82 = arith.constant 0 : i32
    %dma_start3A_83 = arith.constant 0 : i32
    %dma_start3A_84 = tpu.memref_slice %arg4[%dma_start3A_82, %dma_start3A_83] : memref<10000x64xf32, #tpu.memory_space<hbm>> -> memref<10000x64xf32, #tpu.memory_space<hbm>>
    tpu.enqueue_indirect_dma source(%dma_start3A_84 : memref<10000x64xf32, #tpu.memory_space<hbm>>) target(%arg19 : memref<80x64xf32, #tpu.memory_space<vmem>>) offsets(%dma_start3A_81 : memref<80xi32, #tpu.memory_space<vmem>>) semaphore(%arg31 : memref<!tpu.dma_semaphore, #tpu.memory_space<semaphore_mem>>)
    %dma_wait3A_85 = arith.constant 1 : i32
    %dma_wait3A_86 = arith.constant 0 : i32
    %dma_wait3A_87 = tpu.memref_slice %arg7[%dma_wait3A_85, %dma_wait3A_86] : memref<125x80xi32, #tpu.memory_space<vmem>> -> memref<1x80xi32, #tpu.memory_space<vmem>>
    %dma_wait3A_88 = tpu.memref_squeeze %dma_wait3A_87 : memref<1x80xi32, #tpu.memory_space<vmem>> -> memref<80xi32, #tpu.memory_space<vmem>>
    %dma_wait3A_89 = arith.constant 0 : i32
    %dma_wait3A_90 = arith.constant 0 : i32
    %dma_wait3A_91 = tpu.memref_slice %arg4[%dma_wait3A_89, %dma_wait3A_90] : memref<10000x64xf32, #tpu.memory_space<hbm>> -> memref<10000x64xf32, #tpu.memory_space<hbm>>
    tpu.wait_indirect_dma semaphore(%arg23 : memref<!tpu.dma_semaphore, #tpu.memory_space<semaphore_mem>>) src(%dma_wait3A_91 : memref<10000x64xf32, #tpu.memory_space<hbm>>) dst(%arg11 : memref<80x64xf32, #tpu.memory_space<vmem>>)
    %dma_start3A_92 = arith.constant 1 : i32
    %dma_start3A_93 = arith.constant 0 : i32
    %dma_start3A_94 = tpu.memref_slice %arg8[%dma_start3A_92, %dma_start3A_93] : memref<125x80xi32, #tpu.memory_space<vmem>> -> memref<1x80xi32, #tpu.memory_space<vmem>>
    %dma_start3A_95 = tpu.memref_squeeze %dma_start3A_94 : memref<1x80xi32, #tpu.memory_space<vmem>> -> memref<80xi32, #tpu.memory_space<vmem>>
    %dma_start3A_96 = arith.constant 0 : i32
    %dma_start3A_97 = arith.constant 0 : i32
    %dma_start3A_98 = tpu.memref_slice %arg9[%dma_start3A_96, %dma_start3A_97] : memref<10240x64xf32, #tpu.memory_space<vmem_shared>> -> memref<10240x64xf32, #tpu.memory_space<vmem_shared>>
    tpu.enqueue_indirect_dma source(%arg11 : memref<80x64xf32, #tpu.memory_space<vmem>>) target(%dma_start3A_98 : memref<10240x64xf32, #tpu.memory_space<vmem_shared>>) offsets(%dma_start3A_95 : memref<80xi32, #tpu.memory_space<vmem>>) semaphore(%arg35 : memref<!tpu.dma_semaphore, #tpu.memory_space<semaphore_mem>>) {add = true}
    %dma_start3A_99 = arith.constant 10 : i32
    %dma_start3A_100 = arith.constant 0 : i32
    %dma_start3A_101 = tpu.memref_slice %arg7[%dma_start3A_99, %dma_start3A_100] : memref<125x80xi32, #tpu.memory_space<vmem>> -> memref<1x80xi32, #tpu.memory_space<vmem>>
    %dma_start3A_102 = tpu.memref_squeeze %dma_start3A_101 : memref<1x80xi32, #tpu.memory_space<vmem>> -> memref<80xi32, #tpu.memory_space<vmem>>
    %dma_start3A_103 = arith.constant 0 : i32
    %dma_start3A_104 = arith.constant 0 : i32
    %dma_start3A_105 = tpu.memref_slice %arg4[%dma_start3A_103, %dma_start3A_104] : memref<10000x64xf32, #tpu.memory_space<hbm>> -> memref<10000x64xf32, #tpu.memory_space<hbm>>
    tpu.enqueue_indirect_dma source(%dma_start3A_105 : memref<10000x64xf32, #tpu.memory_space<hbm>>) target(%arg20 : memref<80x64xf32, #tpu.memory_space<vmem>>) offsets(%dma_start3A_102 : memref<80xi32, #tpu.memory_space<vmem>>) semaphore(%arg32 : memref<!tpu.dma_semaphore, #tpu.memory_space<semaphore_mem>>)
    %dma_wait3A_106 = arith.constant 2 : i32
    %dma_wait3A_107 = arith.constant 0 : i32
    %dma_wait3A_108 = tpu.memref_slice %arg7[%dma_wait3A_106, %dma_wait3A_107] : memref<125x80xi32, #tpu.memory_space<vmem>> -> memref<1x80xi32, #tpu.memory_space<vmem>>
    %dma_wait3A_109 = tpu.memref_squeeze %dma_wait3A_108 : memref<1x80xi32, #tpu.memory_space<vmem>> -> memref<80xi32, #tpu.memory_space<vmem>>
    %dma_wait3A_110 = arith.constant 0 : i32
    %dma_wait3A_111 = arith.constant 0 : i32
    %dma_wait3A_112 = tpu.memref_slice %arg4[%dma_wait3A_110, %dma_wait3A_111] : memref<10000x64xf32, #tpu.memory_space<hbm>> -> memref<10000x64xf32, #tpu.memory_space<hbm>>
    tpu.wait_indirect_dma semaphore(%arg24 : memref<!tpu.dma_semaphore, #tpu.memory_space<semaphore_mem>>) src(%dma_wait3A_112 : memref<10000x64xf32, #tpu.memory_space<hbm>>) dst(%arg12 : memref<80x64xf32, #tpu.memory_space<vmem>>)
    %dma_start3A_113 = arith.constant 2 : i32
    %dma_start3A_114 = arith.constant 0 : i32
    %dma_start3A_115 = tpu.memref_slice %arg8[%dma_start3A_113, %dma_start3A_114] : memref<125x80xi32, #tpu.memory_space<vmem>> -> memref<1x80xi32, #tpu.memory_space<vmem>>
    %dma_start3A_116 = tpu.memref_squeeze %dma_start3A_115 : memref<1x80xi32, #tpu.memory_space<vmem>> -> memref<80xi32, #tpu.memory_space<vmem>>
    %dma_start3A_117 = arith.constant 0 : i32
    %dma_start3A_118 = arith.constant 0 : i32
    %dma_start3A_119 = tpu.memref_slice %arg9[%dma_start3A_117, %dma_start3A_118] : memref<10240x64xf32, #tpu.memory_space<vmem_shared>> -> memref<10240x64xf32, #tpu.memory_space<vmem_shared>>
    tpu.enqueue_indirect_dma source(%arg12 : memref<80x64xf32, #tpu.memory_space<vmem>>) target(%dma_start3A_119 : memref<10240x64xf32, #tpu.memory_space<vmem_shared>>) offsets(%dma_start3A_116 : memref<80xi32, #tpu.memory_space<vmem>>) semaphore(%arg36 : memref<!tpu.dma_semaphore, #tpu.memory_space<semaphore_mem>>) {add = true}
    %dma_start3A_120 = arith.constant 11 : i32
    %dma_start3A_121 = arith.constant 0 : i32
    %dma_start3A_122 = tpu.memref_slice %arg7[%dma_start3A_120, %dma_start3A_121] : memref<125x80xi32, #tpu.memory_space<vmem>> -> memref<1x80xi32, #tpu.memory_space<vmem>>
    %dma_start3A_123 = tpu.memref_squeeze %dma_start3A_122 : memref<1x80xi32, #tpu.memory_space<vmem>> -> memref<80xi32, #tpu.memory_space<vmem>>
    %dma_start3A_124 = arith.constant 0 : i32
    %dma_start3A_125 = arith.constant 0 : i32
    %dma_start3A_126 = tpu.memref_slice %arg4[%dma_start3A_124, %dma_start3A_125] : memref<10000x64xf32, #tpu.memory_space<hbm>> -> memref<10000x64xf32, #tpu.memory_space<hbm>>
    tpu.enqueue_indirect_dma source(%dma_start3A_126 : memref<10000x64xf32, #tpu.memory_space<hbm>>) target(%arg21 : memref<80x64xf32, #tpu.memory_space<vmem>>) offsets(%dma_start3A_123 : memref<80xi32, #tpu.memory_space<vmem>>) semaphore(%arg33 : memref<!tpu.dma_semaphore, #tpu.memory_space<semaphore_mem>>)
    %dma_wait3A_127 = arith.constant 3 : i32
    %dma_wait3A_128 = arith.constant 0 : i32
    %dma_wait3A_129 = tpu.memref_slice %arg7[%dma_wait3A_127, %dma_wait3A_128] : memref<125x80xi32, #tpu.memory_space<vmem>> -> memref<1x80xi32, #tpu.memory_space<vmem>>
    %dma_wait3A_130 = tpu.memref_squeeze %dma_wait3A_129 : memref<1x80xi32, #tpu.memory_space<vmem>> -> memref<80xi32, #tpu.memory_space<vmem>>
    %dma_wait3A_131 = arith.constant 0 : i32
    %dma_wait3A_132 = arith.constant 0 : i32
    %dma_wait3A_133 = tpu.memref_slice %arg4[%dma_wait3A_131, %dma_wait3A_132] : memref<10000x64xf32, #tpu.memory_space<hbm>> -> memref<10000x64xf32, #tpu.memory_space<hbm>>
    tpu.wait_indirect_dma semaphore(%arg25 : memref<!tpu.dma_semaphore, #tpu.memory_space<semaphore_mem>>) src(%dma_wait3A_133 : memref<10000x64xf32, #tpu.memory_space<hbm>>) dst(%arg13 : memref<80x64xf32, #tpu.memory_space<vmem>>)
    %dma_start3A_134 = arith.constant 3 : i32
    %dma_start3A_135 = arith.constant 0 : i32
    %dma_start3A_136 = tpu.memref_slice %arg8[%dma_start3A_134, %dma_start3A_135] : memref<125x80xi32, #tpu.memory_space<vmem>> -> memref<1x80xi32, #tpu.memory_space<vmem>>
    %dma_start3A_137 = tpu.memref_squeeze %dma_start3A_136 : memref<1x80xi32, #tpu.memory_space<vmem>> -> memref<80xi32, #tpu.memory_space<vmem>>
    %dma_start3A_138 = arith.constant 0 : i32
    %dma_start3A_139 = arith.constant 0 : i32
    %dma_start3A_140 = tpu.memref_slice %arg9[%dma_start3A_138, %dma_start3A_139] : memref<10240x64xf32, #tpu.memory_space<vmem_shared>> -> memref<10240x64xf32, #tpu.memory_space<vmem_shared>>
    tpu.enqueue_indirect_dma source(%arg13 : memref<80x64xf32, #tpu.memory_space<vmem>>) target(%dma_start3A_140 : memref<10240x64xf32, #tpu.memory_space<vmem_shared>>) offsets(%dma_start3A_137 : memref<80xi32, #tpu.memory_space<vmem>>) semaphore(%arg37 : memref<!tpu.dma_semaphore, #tpu.memory_space<semaphore_mem>>) {add = true}
    %dma_wait3A_141 = arith.constant 0 : i32
    %dma_wait3A_142 = arith.constant 0 : i32
    %dma_wait3A_143 = tpu.memref_slice %arg8[%dma_wait3A_141, %dma_wait3A_142] : memref<125x80xi32, #tpu.memory_space<vmem>> -> memref<1x80xi32, #tpu.memory_space<vmem>>
    %dma_wait3A_144 = tpu.memref_squeeze %dma_wait3A_143 : memref<1x80xi32, #tpu.memory_space<vmem>> -> memref<80xi32, #tpu.memory_space<vmem>>
    %dma_wait3A_145 = arith.constant 0 : i32
    %dma_wait3A_146 = arith.constant 0 : i32
    %dma_wait3A_147 = tpu.memref_slice %arg9[%dma_wait3A_145, %dma_wait3A_146] : memref<10240x64xf32, #tpu.memory_space<vmem_shared>> -> memref<10240x64xf32, #tpu.memory_space<vmem_shared>>
    tpu.wait_indirect_dma semaphore(%arg34 : memref<!tpu.dma_semaphore, #tpu.memory_space<semaphore_mem>>) src(%arg10 : memref<80x64xf32, #tpu.memory_space<vmem>>) dst(%dma_wait3A_147 : memref<10240x64xf32, #tpu.memory_space<vmem_shared>>)
    %dma_start3A_148 = arith.constant 12 : i32
    %dma_start3A_149 = arith.constant 0 : i32
    %dma_start3A_150 = tpu.memref_slice %arg7[%dma_start3A_148, %dma_start3A_149] : memref<125x80xi32, #tpu.memory_space<vmem>> -> memref<1x80xi32, #tpu.memory_space<vmem>>
    %dma_start3A_151 = tpu.memref_squeeze %dma_start3A_150 : memref<1x80xi32, #tpu.memory_space<vmem>> -> memref<80xi32, #tpu.memory_space<vmem>>
    %dma_start3A_152 = arith.constant 0 : i32
    %dma_start3A_153 = arith.constant 0 : i32
    %dma_start3A_154 = tpu.memref_slice %arg4[%dma_start3A_152, %dma_start3A_153] : memref<10000x64xf32, #tpu.memory_space<hbm>> -> memref<10000x64xf32, #tpu.memory_space<hbm>>
    tpu.enqueue_indirect_dma source(%dma_start3A_154 : memref<10000x64xf32, #tpu.memory_space<hbm>>) target(%arg10 : memref<80x64xf32, #tpu.memory_space<vmem>>) offsets(%dma_start3A_151 : memref<80xi32, #tpu.memory_space<vmem>>) semaphore(%arg22 : memref<!tpu.dma_semaphore, #tpu.memory_space<semaphore_mem>>)
    %dma_wait3A_155 = arith.constant 4 : i32
    %dma_wait3A_156 = arith.constant 0 : i32
    %dma_wait3A_157 = tpu.memref_slice %arg7[%dma_wait3A_155, %dma_wait3A_156] : memref<125x80xi32, #tpu.memory_space<vmem>> -> memref<1x80xi32, #tpu.memory_space<vmem>>
    %dma_wait3A_158 = tpu.memref_squeeze %dma_wait3A_157 : memref<1x80xi32, #tpu.memory_space<vmem>> -> memref<80xi32, #tpu.memory_space<vmem>>
    %dma_wait3A_159 = arith.constant 0 : i32
    %dma_wait3A_160 = arith.constant 0 : i32
    %dma_wait3A_161 = tpu.memref_slice %arg4[%dma_wait3A_159, %dma_wait3A_160] : memref<10000x64xf32, #tpu.memory_space<hbm>> -> memref<10000x64xf32, #tpu.memory_space<hbm>>
    tpu.wait_indirect_dma semaphore(%arg26 : memref<!tpu.dma_semaphore, #tpu.memory_space<semaphore_mem>>) src(%dma_wait3A_161 : memref<10000x64xf32, #tpu.memory_space<hbm>>) dst(%arg14 : memref<80x64xf32, #tpu.memory_space<vmem>>)
    %dma_start3A_162 = arith.constant 4 : i32
    %dma_start3A_163 = arith.constant 0 : i32
    %dma_start3A_164 = tpu.memref_slice %arg8[%dma_start3A_162, %dma_start3A_163] : memref<125x80xi32, #tpu.memory_space<vmem>> -> memref<1x80xi32, #tpu.memory_space<vmem>>
    %dma_start3A_165 = tpu.memref_squeeze %dma_start3A_164 : memref<1x80xi32, #tpu.memory_space<vmem>> -> memref<80xi32, #tpu.memory_space<vmem>>
    %dma_start3A_166 = arith.constant 0 : i32
    %dma_start3A_167 = arith.constant 0 : i32
    %dma_start3A_168 = tpu.memref_slice %arg9[%dma_start3A_166, %dma_start3A_167] : memref<10240x64xf32, #tpu.memory_space<vmem_shared>> -> memref<10240x64xf32, #tpu.memory_space<vmem_shared>>
    tpu.enqueue_indirect_dma source(%arg14 : memref<80x64xf32, #tpu.memory_space<vmem>>) target(%dma_start3A_168 : memref<10240x64xf32, #tpu.memory_space<vmem_shared>>) offsets(%dma_start3A_165 : memref<80xi32, #tpu.memory_space<vmem>>) semaphore(%arg38 : memref<!tpu.dma_semaphore, #tpu.memory_space<semaphore_mem>>) {add = true}
    %dma_wait3A_169 = arith.constant 1 : i32
    %dma_wait3A_170 = arith.constant 0 : i32
    %dma_wait3A_171 = tpu.memref_slice %arg8[%dma_wait3A_169, %dma_wait3A_170] : memref<125x80xi32, #tpu.memory_space<vmem>> -> memref<1x80xi32, #tpu.memory_space<vmem>>
    %dma_wait3A_172 = tpu.memref_squeeze %dma_wait3A_171 : memref<1x80xi32, #tpu.memory_space<vmem>> -> memref<80xi32, #tpu.memory_space<vmem>>
    %dma_wait3A_173 = arith.constant 0 : i32
    %dma_wait3A_174 = arith.constant 0 : i32
    %dma_wait3A_175 = tpu.memref_slice %arg9[%dma_wait3A_173, %dma_wait3A_174] : memref<10240x64xf32, #tpu.memory_space<vmem_shared>> -> memref<10240x64xf32, #tpu.memory_space<vmem_shared>>
    tpu.wait_indirect_dma semaphore(%arg35 : memref<!tpu.dma_semaphore, #tpu.memory_space<semaphore_mem>>) src(%arg11 : memref<80x64xf32, #tpu.memory_space<vmem>>) dst(%dma_wait3A_175 : memref<10240x64xf32, #tpu.memory_space<vmem_shared>>)
    %dma_start3A_176 = arith.constant 13 : i32
    %dma_start3A_177 = arith.constant 0 : i32
    %dma_start3A_178 = tpu.memref_slice %arg7[%dma_start3A_176, %dma_start3A_177] : memref<125x80xi32, #tpu.memory_space<vmem>> -> memref<1x80xi32, #tpu.memory_space<vmem>>
    %dma_start3A_179 = tpu.memref_squeeze %dma_start3A_178 : memref<1x80xi32, #tpu.memory_space<vmem>> -> memref<80xi32, #tpu.memory_space<vmem>>
    %dma_start3A_180 = arith.constant 0 : i32
    %dma_start3A_181 = arith.constant 0 : i32
    %dma_start3A_182 = tpu.memref_slice %arg4[%dma_start3A_180, %dma_start3A_181] : memref<10000x64xf32, #tpu.memory_space<hbm>> -> memref<10000x64xf32, #tpu.memory_space<hbm>>
    tpu.enqueue_indirect_dma source(%dma_start3A_182 : memref<10000x64xf32, #tpu.memory_space<hbm>>) target(%arg11 : memref<80x64xf32, #tpu.memory_space<vmem>>) offsets(%dma_start3A_179 : memref<80xi32, #tpu.memory_space<vmem>>) semaphore(%arg23 : memref<!tpu.dma_semaphore, #tpu.memory_space<semaphore_mem>>)
    %dma_wait3A_183 = arith.constant 5 : i32
    %dma_wait3A_184 = arith.constant 0 : i32
    %dma_wait3A_185 = tpu.memref_slice %arg7[%dma_wait3A_183, %dma_wait3A_184] : memref<125x80xi32, #tpu.memory_space<vmem>> -> memref<1x80xi32, #tpu.memory_space<vmem>>
    %dma_wait3A_186 = tpu.memref_squeeze %dma_wait3A_185 : memref<1x80xi32, #tpu.memory_space<vmem>> -> memref<80xi32, #tpu.memory_space<vmem>>
    %dma_wait3A_187 = arith.constant 0 : i32
    %dma_wait3A_188 = arith.constant 0 : i32
    %dma_wait3A_189 = tpu.memref_slice %arg4[%dma_wait3A_187, %dma_wait3A_188] : memref<10000x64xf32, #tpu.memory_space<hbm>> -> memref<10000x64xf32, #tpu.memory_space<hbm>>
    tpu.wait_indirect_dma semaphore(%arg27 : memref<!tpu.dma_semaphore, #tpu.memory_space<semaphore_mem>>) src(%dma_wait3A_189 : memref<10000x64xf32, #tpu.memory_space<hbm>>) dst(%arg15 : memref<80x64xf32, #tpu.memory_space<vmem>>)
    %dma_start3A_190 = arith.constant 5 : i32
    %dma_start3A_191 = arith.constant 0 : i32
    %dma_start3A_192 = tpu.memref_slice %arg8[%dma_start3A_190, %dma_start3A_191] : memref<125x80xi32, #tpu.memory_space<vmem>> -> memref<1x80xi32, #tpu.memory_space<vmem>>
    %dma_start3A_193 = tpu.memref_squeeze %dma_start3A_192 : memref<1x80xi32, #tpu.memory_space<vmem>> -> memref<80xi32, #tpu.memory_space<vmem>>
    %dma_start3A_194 = arith.constant 0 : i32
    %dma_start3A_195 = arith.constant 0 : i32
    %dma_start3A_196 = tpu.memref_slice %arg9[%dma_start3A_194, %dma_start3A_195] : memref<10240x64xf32, #tpu.memory_space<vmem_shared>> -> memref<10240x64xf32, #tpu.memory_space<vmem_shared>>
    tpu.enqueue_indirect_dma source(%arg15 : memref<80x64xf32, #tpu.memory_space<vmem>>) target(%dma_start3A_196 : memref<10240x64xf32, #tpu.memory_space<vmem_shared>>) offsets(%dma_start3A_193 : memref<80xi32, #tpu.memory_space<vmem>>) semaphore(%arg39 : memref<!tpu.dma_semaphore, #tpu.memory_space<semaphore_mem>>) {add = true}
    %dma_wait3A_197 = arith.constant 2 : i32
    %dma_wait3A_198 = arith.constant 0 : i32
    %dma_wait3A_199 = tpu.memref_slice %arg8[%dma_wait3A_197, %dma_wait3A_198] : memref<125x80xi32, #tpu.memory_space<vmem>> -> memref<1x80xi32, #tpu.memory_space<vmem>>
    %dma_wait3A_200 = tpu.memref_squeeze %dma_wait3A_199 : memref<1x80xi32, #tpu.memory_space<vmem>> -> memref<80xi32, #tpu.memory_space<vmem>>
    %dma_wait3A_201 = arith.constant 0 : i32
    %dma_wait3A_202 = arith.constant 0 : i32
    %dma_wait3A_203 = tpu.memref_slice %arg9[%dma_wait3A_201, %dma_wait3A_202] : memref<10240x64xf32, #tpu.memory_space<vmem_shared>> -> memref<10240x64xf32, #tpu.memory_space<vmem_shared>>
    tpu.wait_indirect_dma semaphore(%arg36 : memref<!tpu.dma_semaphore, #tpu.memory_space<semaphore_mem>>) src(%arg12 : memref<80x64xf32, #tpu.memory_space<vmem>>) dst(%dma_wait3A_203 : memref<10240x64xf32, #tpu.memory_space<vmem_shared>>)
    %dma_start3A_204 = arith.constant 14 : i32
    %dma_start3A_205 = arith.constant 0 : i32
    %dma_start3A_206 = tpu.memref_slice %arg7[%dma_start3A_204, %dma_start3A_205] : memref<125x80xi32, #tpu.memory_space<vmem>> -> memref<1x80xi32, #tpu.memory_space<vmem>>
    %dma_start3A_207 = tpu.memref_squeeze %dma_start3A_206 : memref<1x80xi32, #tpu.memory_space<vmem>> -> memref<80xi32, #tpu.memory_space<vmem>>
    %dma_start3A_208 = arith.constant 0 : i32
    %dma_start3A_209 = arith.constant 0 : i32
    %dma_start3A_210 = tpu.memref_slice %arg4[%dma_start3A_208, %dma_start3A_209] : memref<10000x64xf32, #tpu.memory_space<hbm>> -> memref<10000x64xf32, #tpu.memory_space<hbm>>
    tpu.enqueue_indirect_dma source(%dma_start3A_210 : memref<10000x64xf32, #tpu.memory_space<hbm>>) target(%arg12 : memref<80x64xf32, #tpu.memory_space<vmem>>) offsets(%dma_start3A_207 : memref<80xi32, #tpu.memory_space<vmem>>) semaphore(%arg24 : memref<!tpu.dma_semaphore, #tpu.memory_space<semaphore_mem>>)
    %dma_wait3A_211 = arith.constant 6 : i32
    %dma_wait3A_212 = arith.constant 0 : i32
    %dma_wait3A_213 = tpu.memref_slice %arg7[%dma_wait3A_211, %dma_wait3A_212] : memref<125x80xi32, #tpu.memory_space<vmem>> -> memref<1x80xi32, #tpu.memory_space<vmem>>
    %dma_wait3A_214 = tpu.memref_squeeze %dma_wait3A_213 : memref<1x80xi32, #tpu.memory_space<vmem>> -> memref<80xi32, #tpu.memory_space<vmem>>
    %dma_wait3A_215 = arith.constant 0 : i32
    %dma_wait3A_216 = arith.constant 0 : i32
    %dma_wait3A_217 = tpu.memref_slice %arg4[%dma_wait3A_215, %dma_wait3A_216] : memref<10000x64xf32, #tpu.memory_space<hbm>> -> memref<10000x64xf32, #tpu.memory_space<hbm>>
    tpu.wait_indirect_dma semaphore(%arg28 : memref<!tpu.dma_semaphore, #tpu.memory_space<semaphore_mem>>) src(%dma_wait3A_217 : memref<10000x64xf32, #tpu.memory_space<hbm>>) dst(%arg16 : memref<80x64xf32, #tpu.memory_space<vmem>>)
    %dma_start3A_218 = arith.constant 6 : i32
    %dma_start3A_219 = arith.constant 0 : i32
    %dma_start3A_220 = tpu.memref_slice %arg8[%dma_start3A_218, %dma_start3A_219] : memref<125x80xi32, #tpu.memory_space<vmem>> -> memref<1x80xi32, #tpu.memory_space<vmem>>
    %dma_start3A_221 = tpu.memref_squeeze %dma_start3A_220 : memref<1x80xi32, #tpu.memory_space<vmem>> -> memref<80xi32, #tpu.memory_space<vmem>>
    %dma_start3A_222 = arith.constant 0 : i32
    %dma_start3A_223 = arith.constant 0 : i32
    %dma_start3A_224 = tpu.memref_slice %arg9[%dma_start3A_222, %dma_start3A_223] : memref<10240x64xf32, #tpu.memory_space<vmem_shared>> -> memref<10240x64xf32, #tpu.memory_space<vmem_shared>>
    tpu.enqueue_indirect_dma source(%arg16 : memref<80x64xf32, #tpu.memory_space<vmem>>) target(%dma_start3A_224 : memref<10240x64xf32, #tpu.memory_space<vmem_shared>>) offsets(%dma_start3A_221 : memref<80xi32, #tpu.memory_space<vmem>>) semaphore(%arg40 : memref<!tpu.dma_semaphore, #tpu.memory_space<semaphore_mem>>) {add = true}
    %dma_wait3A_225 = arith.constant 3 : i32
    %dma_wait3A_226 = arith.constant 0 : i32
    %dma_wait3A_227 = tpu.memref_slice %arg8[%dma_wait3A_225, %dma_wait3A_226] : memref<125x80xi32, #tpu.memory_space<vmem>> -> memref<1x80xi32, #tpu.memory_space<vmem>>
    %dma_wait3A_228 = tpu.memref_squeeze %dma_wait3A_227 : memref<1x80xi32, #tpu.memory_space<vmem>> -> memref<80xi32, #tpu.memory_space<vmem>>
    %dma_wait3A_229 = arith.constant 0 : i32
    %dma_wait3A_230 = arith.constant 0 : i32
    %dma_wait3A_231 = tpu.memref_slice %arg9[%dma_wait3A_229, %dma_wait3A_230] : memref<10240x64xf32, #tpu.memory_space<vmem_shared>> -> memref<10240x64xf32, #tpu.memory_space<vmem_shared>>
    tpu.wait_indirect_dma semaphore(%arg37 : memref<!tpu.dma_semaphore, #tpu.memory_space<semaphore_mem>>) src(%arg13 : memref<80x64xf32, #tpu.memory_space<vmem>>) dst(%dma_wait3A_231 : memref<10240x64xf32, #tpu.memory_space<vmem_shared>>)
    %dma_start3A_232 = arith.constant 15 : i32
    %dma_start3A_233 = arith.constant 0 : i32
    %dma_start3A_234 = tpu.memref_slice %arg7[%dma_start3A_232, %dma_start3A_233] : memref<125x80xi32, #tpu.memory_space<vmem>> -> memref<1x80xi32, #tpu.memory_space<vmem>>
    %dma_start3A_235 = tpu.memref_squeeze %dma_start3A_234 : memref<1x80xi32, #tpu.memory_space<vmem>> -> memref<80xi32, #tpu.memory_space<vmem>>
    %dma_start3A_236 = arith.constant 0 : i32
    %dma_start3A_237 = arith.constant 0 : i32
    %dma_start3A_238 = tpu.memref_slice %arg4[%dma_start3A_236, %dma_start3A_237] : memref<10000x64xf32, #tpu.memory_space<hbm>> -> memref<10000x64xf32, #tpu.memory_space<hbm>>
    tpu.enqueue_indirect_dma source(%dma_start3A_238 : memref<10000x64xf32, #tpu.memory_space<hbm>>) target(%arg13 : memref<80x64xf32, #tpu.memory_space<vmem>>) offsets(%dma_start3A_235 : memref<80xi32, #tpu.memory_space<vmem>>) semaphore(%arg25 : memref<!tpu.dma_semaphore, #tpu.memory_space<semaphore_mem>>)
    %dma_wait3A_239 = arith.constant 7 : i32
    %dma_wait3A_240 = arith.constant 0 : i32
    %dma_wait3A_241 = tpu.memref_slice %arg7[%dma_wait3A_239, %dma_wait3A_240] : memref<125x80xi32, #tpu.memory_space<vmem>> -> memref<1x80xi32, #tpu.memory_space<vmem>>
    %dma_wait3A_242 = tpu.memref_squeeze %dma_wait3A_241 : memref<1x80xi32, #tpu.memory_space<vmem>> -> memref<80xi32, #tpu.memory_space<vmem>>
    %dma_wait3A_243 = arith.constant 0 : i32
    %dma_wait3A_244 = arith.constant 0 : i32
    %dma_wait3A_245 = tpu.memref_slice %arg4[%dma_wait3A_243, %dma_wait3A_244] : memref<10000x64xf32, #tpu.memory_space<hbm>> -> memref<10000x64xf32, #tpu.memory_space<hbm>>
    tpu.wait_indirect_dma semaphore(%arg29 : memref<!tpu.dma_semaphore, #tpu.memory_space<semaphore_mem>>) src(%dma_wait3A_245 : memref<10000x64xf32, #tpu.memory_space<hbm>>) dst(%arg17 : memref<80x64xf32, #tpu.memory_space<vmem>>)
    %dma_start3A_246 = arith.constant 7 : i32
    %dma_start3A_247 = arith.constant 0 : i32
    %dma_start3A_248 = tpu.memref_slice %arg8[%dma_start3A_246, %dma_start3A_247] : memref<125x80xi32, #tpu.memory_space<vmem>> -> memref<1x80xi32, #tpu.memory_space<vmem>>
    %dma_start3A_249 = tpu.memref_squeeze %dma_start3A_248 : memref<1x80xi32, #tpu.memory_space<vmem>> -> memref<80xi32, #tpu.memory_space<vmem>>
    %dma_start3A_250 = arith.constant 0 : i32
    %dma_start3A_251 = arith.constant 0 : i32
    %dma_start3A_252 = tpu.memref_slice %arg9[%dma_start3A_250, %dma_start3A_251] : memref<10240x64xf32, #tpu.memory_space<vmem_shared>> -> memref<10240x64xf32, #tpu.memory_space<vmem_shared>>
    tpu.enqueue_indirect_dma source(%arg17 : memref<80x64xf32, #tpu.memory_space<vmem>>) target(%dma_start3A_252 : memref<10240x64xf32, #tpu.memory_space<vmem_shared>>) offsets(%dma_start3A_249 : memref<80xi32, #tpu.memory_space<vmem>>) semaphore(%arg41 : memref<!tpu.dma_semaphore, #tpu.memory_space<semaphore_mem>>) {add = true}
    %dma_wait3A_253 = arith.constant 4 : i32
    %dma_wait3A_254 = arith.constant 0 : i32
    %dma_wait3A_255 = tpu.memref_slice %arg8[%dma_wait3A_253, %dma_wait3A_254] : memref<125x80xi32, #tpu.memory_space<vmem>> -> memref<1x80xi32, #tpu.memory_space<vmem>>
    %dma_wait3A_256 = tpu.memref_squeeze %dma_wait3A_255 : memref<1x80xi32, #tpu.memory_space<vmem>> -> memref<80xi32, #tpu.memory_space<vmem>>
    %dma_wait3A_257 = arith.constant 0 : i32
    %dma_wait3A_258 = arith.constant 0 : i32
    %dma_wait3A_259 = tpu.memref_slice %arg9[%dma_wait3A_257, %dma_wait3A_258] : memref<10240x64xf32, #tpu.memory_space<vmem_shared>> -> memref<10240x64xf32, #tpu.memory_space<vmem_shared>>
    tpu.wait_indirect_dma semaphore(%arg38 : memref<!tpu.dma_semaphore, #tpu.memory_space<semaphore_mem>>) src(%arg14 : memref<80x64xf32, #tpu.memory_space<vmem>>) dst(%dma_wait3A_259 : memref<10240x64xf32, #tpu.memory_space<vmem_shared>>)
    %dma_start3A_260 = arith.constant 16 : i32
    %dma_start3A_261 = arith.constant 0 : i32
    %dma_start3A_262 = tpu.memref_slice %arg7[%dma_start3A_260, %dma_start3A_261] : memref<125x80xi32, #tpu.memory_space<vmem>> -> memref<1x80xi32, #tpu.memory_space<vmem>>
    %dma_start3A_263 = tpu.memref_squeeze %dma_start3A_262 : memref<1x80xi32, #tpu.memory_space<vmem>> -> memref<80xi32, #tpu.memory_space<vmem>>
    %dma_start3A_264 = arith.constant 0 : i32
    %dma_start3A_265 = arith.constant 0 : i32
    %dma_start3A_266 = tpu.memref_slice %arg4[%dma_start3A_264, %dma_start3A_265] : memref<10000x64xf32, #tpu.memory_space<hbm>> -> memref<10000x64xf32, #tpu.memory_space<hbm>>
    tpu.enqueue_indirect_dma source(%dma_start3A_266 : memref<10000x64xf32, #tpu.memory_space<hbm>>) target(%arg14 : memref<80x64xf32, #tpu.memory_space<vmem>>) offsets(%dma_start3A_263 : memref<80xi32, #tpu.memory_space<vmem>>) semaphore(%arg26 : memref<!tpu.dma_semaphore, #tpu.memory_space<semaphore_mem>>)
    %dma_wait3A_267 = arith.constant 8 : i32
    %dma_wait3A_268 = arith.constant 0 : i32
    %dma_wait3A_269 = tpu.memref_slice %arg7[%dma_wait3A_267, %dma_wait3A_268] : memref<125x80xi32, #tpu.memory_space<vmem>> -> memref<1x80xi32, #tpu.memory_space<vmem>>
    %dma_wait3A_270 = tpu.memref_squeeze %dma_wait3A_269 : memref<1x80xi32, #tpu.memory_space<vmem>> -> memref<80xi32, #tpu.memory_space<vmem>>
    %dma_wait3A_271 = arith.constant 0 : i32
    %dma_wait3A_272 = arith.constant 0 : i32
    %dma_wait3A_273 = tpu.memref_slice %arg4[%dma_wait3A_271, %dma_wait3A_272] : memref<10000x64xf32, #tpu.memory_space<hbm>> -> memref<10000x64xf32, #tpu.memory_space<hbm>>
    tpu.wait_indirect_dma semaphore(%arg30 : memref<!tpu.dma_semaphore, #tpu.memory_space<semaphore_mem>>) src(%dma_wait3A_273 : memref<10000x64xf32, #tpu.memory_space<hbm>>) dst(%arg18 : memref<80x64xf32, #tpu.memory_space<vmem>>)
    %dma_start3A_274 = arith.constant 8 : i32
    %dma_start3A_275 = arith.constant 0 : i32
    %dma_start3A_276 = tpu.memref_slice %arg8[%dma_start3A_274, %dma_start3A_275] : memref<125x80xi32, #tpu.memory_space<vmem>> -> memref<1x80xi32, #tpu.memory_space<vmem>>
    %dma_start3A_277 = tpu.memref_squeeze %dma_start3A_276 : memref<1x80xi32, #tpu.memory_space<vmem>> -> memref<80xi32, #tpu.memory_space<vmem>>
    %dma_start3A_278 = arith.constant 0 : i32
    %dma_start3A_279 = arith.constant 0 : i32
    %dma_start3A_280 = tpu.memref_slice %arg9[%dma_start3A_278, %dma_start3A_279] : memref<10240x64xf32, #tpu.memory_space<vmem_shared>> -> memref<10240x64xf32, #tpu.memory_space<vmem_shared>>
    tpu.enqueue_indirect_dma source(%arg18 : memref<80x64xf32, #tpu.memory_space<vmem>>) target(%dma_start3A_280 : memref<10240x64xf32, #tpu.memory_space<vmem_shared>>) offsets(%dma_start3A_277 : memref<80xi32, #tpu.memory_space<vmem>>) semaphore(%arg42 : memref<!tpu.dma_semaphore, #tpu.memory_space<semaphore_mem>>) {add = true}
    %dma_wait3A_281 = arith.constant 5 : i32
    %dma_wait3A_282 = arith.constant 0 : i32
    %dma_wait3A_283 = tpu.memref_slice %arg8[%dma_wait3A_281, %dma_wait3A_282] : memref<125x80xi32, #tpu.memory_space<vmem>> -> memref<1x80xi32, #tpu.memory_space<vmem>>
    %dma_wait3A_284 = tpu.memref_squeeze %dma_wait3A_283 : memref<1x80xi32, #tpu.memory_space<vmem>> -> memref<80xi32, #tpu.memory_space<vmem>>
    %dma_wait3A_285 = arith.constant 0 : i32
    %dma_wait3A_286 = arith.constant 0 : i32
    %dma_wait3A_287 = tpu.memref_slice %arg9[%dma_wait3A_285, %dma_wait3A_286] : memref<10240x64xf32, #tpu.memory_space<vmem_shared>> -> memref<10240x64xf32, #tpu.memory_space<vmem_shared>>
    tpu.wait_indirect_dma semaphore(%arg39 : memref<!tpu.dma_semaphore, #tpu.memory_space<semaphore_mem>>) src(%arg15 : memref<80x64xf32, #tpu.memory_space<vmem>>) dst(%dma_wait3A_287 : memref<10240x64xf32, #tpu.memory_space<vmem_shared>>)
    %dma_start3A_288 = arith.constant 17 : i32
    %dma_start3A_289 = arith.constant 0 : i32
    %dma_start3A_290 = tpu.memref_slice %arg7[%dma_start3A_288, %dma_start3A_289] : memref<125x80xi32, #tpu.memory_space<vmem>> -> memref<1x80xi32, #tpu.memory_space<vmem>>
    %dma_start3A_291 = tpu.memref_squeeze %dma_start3A_290 : memref<1x80xi32, #tpu.memory_space<vmem>> -> memref<80xi32, #tpu.memory_space<vmem>>
    %dma_start3A_292 = arith.constant 0 : i32
    %dma_start3A_293 = arith.constant 0 : i32
    %dma_start3A_294 = tpu.memref_slice %arg4[%dma_start3A_292, %dma_start3A_293] : memref<10000x64xf32, #tpu.memory_space<hbm>> -> memref<10000x64xf32, #tpu.memory_space<hbm>>
    tpu.enqueue_indirect_dma source(%dma_start3A_294 : memref<10000x64xf32, #tpu.memory_space<hbm>>) target(%arg15 : memref<80x64xf32, #tpu.memory_space<vmem>>) offsets(%dma_start3A_291 : memref<80xi32, #tpu.memory_space<vmem>>) semaphore(%arg27 : memref<!tpu.dma_semaphore, #tpu.memory_space<semaphore_mem>>)
    %dma_wait3A_295 = arith.constant 9 : i32
    %dma_wait3A_296 = arith.constant 0 : i32
    %dma_wait3A_297 = tpu.memref_slice %arg7[%dma_wait3A_295, %dma_wait3A_296] : memref<125x80xi32, #tpu.memory_space<vmem>> -> memref<1x80xi32, #tpu.memory_space<vmem>>
    %dma_wait3A_298 = tpu.memref_squeeze %dma_wait3A_297 : memref<1x80xi32, #tpu.memory_space<vmem>> -> memref<80xi32, #tpu.memory_space<vmem>>
    %dma_wait3A_299 = arith.constant 0 : i32
    %dma_wait3A_300 = arith.constant 0 : i32
    %dma_wait3A_301 = tpu.memref_slice %arg4[%dma_wait3A_299, %dma_wait3A_300] : memref<10000x64xf32, #tpu.memory_space<hbm>> -> memref<10000x64xf32, #tpu.memory_space<hbm>>
    tpu.wait_indirect_dma semaphore(%arg31 : memref<!tpu.dma_semaphore, #tpu.memory_space<semaphore_mem>>) src(%dma_wait3A_301 : memref<10000x64xf32, #tpu.memory_space<hbm>>) dst(%arg19 : memref<80x64xf32, #tpu.memory_space<vmem>>)
    %dma_start3A_302 = arith.constant 9 : i32
    %dma_start3A_303 = arith.constant 0 : i32
    %dma_start3A_304 = tpu.memref_slice %arg8[%dma_start3A_302, %dma_start3A_303] : memref<125x80xi32, #tpu.memory_space<vmem>> -> memref<1x80xi32, #tpu.memory_space<vmem>>
    %dma_start3A_305 = tpu.memref_squeeze %dma_start3A_304 : memref<1x80xi32, #tpu.memory_space<vmem>> -> memref<80xi32, #tpu.memory_space<vmem>>
    %dma_start3A_306 = arith.constant 0 : i32
    %dma_start3A_307 = arith.constant 0 : i32
    %dma_start3A_308 = tpu.memref_slice %arg9[%dma_start3A_306, %dma_start3A_307] : memref<10240x64xf32, #tpu.memory_space<vmem_shared>> -> memref<10240x64xf32, #tpu.memory_space<vmem_shared>>
    tpu.enqueue_indirect_dma source(%arg19 : memref<80x64xf32, #tpu.memory_space<vmem>>) target(%dma_start3A_308 : memref<10240x64xf32, #tpu.memory_space<vmem_shared>>) offsets(%dma_start3A_305 : memref<80xi32, #tpu.memory_space<vmem>>) semaphore(%arg43 : memref<!tpu.dma_semaphore, #tpu.memory_space<semaphore_mem>>) {add = true}
    %dma_wait3A_309 = arith.constant 6 : i32
    %dma_wait3A_310 = arith.constant 0 : i32
    %dma_wait3A_311 = tpu.memref_slice %arg8[%dma_wait3A_309, %dma_wait3A_310] : memref<125x80xi32, #tpu.memory_space<vmem>> -> memref<1x80xi32, #tpu.memory_space<vmem>>
    %dma_wait3A_312 = tpu.memref_squeeze %dma_wait3A_311 : memref<1x80xi32, #tpu.memory_space<vmem>> -> memref<80xi32, #tpu.memory_space<vmem>>
    %dma_wait3A_313 = arith.constant 0 : i32
    %dma_wait3A_314 = arith.constant 0 : i32
    %dma_wait3A_315 = tpu.memref_slice %arg9[%dma_wait3A_313, %dma_wait3A_314] : memref<10240x64xf32, #tpu.memory_space<vmem_shared>> -> memref<10240x64xf32, #tpu.memory_space<vmem_shared>>
    tpu.wait_indirect_dma semaphore(%arg40 : memref<!tpu.dma_semaphore, #tpu.memory_space<semaphore_mem>>) src(%arg16 : memref<80x64xf32, #tpu.memory_space<vmem>>) dst(%dma_wait3A_315 : memref<10240x64xf32, #tpu.memory_space<vmem_shared>>)
    %dma_start3A_316 = arith.constant 18 : i32
    %dma_start3A_317 = arith.constant 0 : i32
    %dma_start3A_318 = tpu.memref_slice %arg7[%dma_start3A_316, %dma_start3A_317] : memref<125x80xi32, #tpu.memory_space<vmem>> -> memref<1x80xi32, #tpu.memory_space<vmem>>
    %dma_start3A_319 = tpu.memref_squeeze %dma_start3A_318 : memref<1x80xi32, #tpu.memory_space<vmem>> -> memref<80xi32, #tpu.memory_space<vmem>>
    %dma_start3A_320 = arith.constant 0 : i32
    %dma_start3A_321 = arith.constant 0 : i32
    %dma_start3A_322 = tpu.memref_slice %arg4[%dma_start3A_320, %dma_start3A_321] : memref<10000x64xf32, #tpu.memory_space<hbm>> -> memref<10000x64xf32, #tpu.memory_space<hbm>>
    tpu.enqueue_indirect_dma source(%dma_start3A_322 : memref<10000x64xf32, #tpu.memory_space<hbm>>) target(%arg16 : memref<80x64xf32, #tpu.memory_space<vmem>>) offsets(%dma_start3A_319 : memref<80xi32, #tpu.memory_space<vmem>>) semaphore(%arg28 : memref<!tpu.dma_semaphore, #tpu.memory_space<semaphore_mem>>)
    %dma_wait3A_323 = arith.constant 10 : i32
    %dma_wait3A_324 = arith.constant 0 : i32
    %dma_wait3A_325 = tpu.memref_slice %arg7[%dma_wait3A_323, %dma_wait3A_324] : memref<125x80xi32, #tpu.memory_space<vmem>> -> memref<1x80xi32, #tpu.memory_space<vmem>>
    %dma_wait3A_326 = tpu.memref_squeeze %dma_wait3A_325 : memref<1x80xi32, #tpu.memory_space<vmem>> -> memref<80xi32, #tpu.memory_space<vmem>>
    %dma_wait3A_327 = arith.constant 0 : i32
    %dma_wait3A_328 = arith.constant 0 : i32
    %dma_wait3A_329 = tpu.memref_slice %arg4[%dma_wait3A_327, %dma_wait3A_328] : memref<10000x64xf32, #tpu.memory_space<hbm>> -> memref<10000x64xf32, #tpu.memory_space<hbm>>
    tpu.wait_indirect_dma semaphore(%arg32 : memref<!tpu.dma_semaphore, #tpu.memory_space<semaphore_mem>>) src(%dma_wait3A_329 : memref<10000x64xf32, #tpu.memory_space<hbm>>) dst(%arg20 : memref<80x64xf32, #tpu.memory_space<vmem>>)
    %dma_start3A_330 = arith.constant 10 : i32
    %dma_start3A_331 = arith.constant 0 : i32
    %dma_start3A_332 = tpu.memref_slice %arg8[%dma_start3A_330, %dma_start3A_331] : memref<125x80xi32, #tpu.memory_space<vmem>> -> memref<1x80xi32, #tpu.memory_space<vmem>>
    %dma_start3A_333 = tpu.memref_squeeze %dma_start3A_332 : memref<1x80xi32, #tpu.memory_space<vmem>> -> memref<80xi32, #tpu.memory_space<vmem>>
    %dma_start3A_334 = arith.constant 0 : i32
    %dma_start3A_335 = arith.constant 0 : i32
    %dma_start3A_336 = tpu.memref_slice %arg9[%dma_start3A_334, %dma_start3A_335] : memref<10240x64xf32, #tpu.memory_space<vmem_shared>> -> memref<10240x64xf32, #tpu.memory_space<vmem_shared>>
    tpu.enqueue_indirect_dma source(%arg20 : memref<80x64xf32, #tpu.memory_space<vmem>>) target(%dma_start3A_336 : memref<10240x64xf32, #tpu.memory_space<vmem_shared>>) offsets(%dma_start3A_333 : memref<80xi32, #tpu.memory_space<vmem>>) semaphore(%arg44 : memref<!tpu.dma_semaphore, #tpu.memory_space<semaphore_mem>>) {add = true}
    %dma_wait3A_337 = arith.constant 7 : i32
    %dma_wait3A_338 = arith.constant 0 : i32
    %dma_wait3A_339 = tpu.memref_slice %arg8[%dma_wait3A_337, %dma_wait3A_338] : memref<125x80xi32, #tpu.memory_space<vmem>> -> memref<1x80xi32, #tpu.memory_space<vmem>>
    %dma_wait3A_340 = tpu.memref_squeeze %dma_wait3A_339 : memref<1x80xi32, #tpu.memory_space<vmem>> -> memref<80xi32, #tpu.memory_space<vmem>>
    %dma_wait3A_341 = arith.constant 0 : i32
    %dma_wait3A_342 = arith.constant 0 : i32
    %dma_wait3A_343 = tpu.memref_slice %arg9[%dma_wait3A_341, %dma_wait3A_342] : memref<10240x64xf32, #tpu.memory_space<vmem_shared>> -> memref<10240x64xf32, #tpu.memory_space<vmem_shared>>
    tpu.wait_indirect_dma semaphore(%arg41 : memref<!tpu.dma_semaphore, #tpu.memory_space<semaphore_mem>>) src(%arg17 : memref<80x64xf32, #tpu.memory_space<vmem>>) dst(%dma_wait3A_343 : memref<10240x64xf32, #tpu.memory_space<vmem_shared>>)
    %dma_start3A_344 = arith.constant 19 : i32
    %dma_start3A_345 = arith.constant 0 : i32
    %dma_start3A_346 = tpu.memref_slice %arg7[%dma_start3A_344, %dma_start3A_345] : memref<125x80xi32, #tpu.memory_space<vmem>> -> memref<1x80xi32, #tpu.memory_space<vmem>>
    %dma_start3A_347 = tpu.memref_squeeze %dma_start3A_346 : memref<1x80xi32, #tpu.memory_space<vmem>> -> memref<80xi32, #tpu.memory_space<vmem>>
    %dma_start3A_348 = arith.constant 0 : i32
    %dma_start3A_349 = arith.constant 0 : i32
    %dma_start3A_350 = tpu.memref_slice %arg4[%dma_start3A_348, %dma_start3A_349] : memref<10000x64xf32, #tpu.memory_space<hbm>> -> memref<10000x64xf32, #tpu.memory_space<hbm>>
    tpu.enqueue_indirect_dma source(%dma_start3A_350 : memref<10000x64xf32, #tpu.memory_space<hbm>>) target(%arg17 : memref<80x64xf32, #tpu.memory_space<vmem>>) offsets(%dma_start3A_347 : memref<80xi32, #tpu.memory_space<vmem>>) semaphore(%arg29 : memref<!tpu.dma_semaphore, #tpu.memory_space<semaphore_mem>>)
    %dma_wait3A_351 = arith.constant 11 : i32
    %dma_wait3A_352 = arith.constant 0 : i32
    %dma_wait3A_353 = tpu.memref_slice %arg7[%dma_wait3A_351, %dma_wait3A_352] : memref<125x80xi32, #tpu.memory_space<vmem>> -> memref<1x80xi32, #tpu.memory_space<vmem>>
    %dma_wait3A_354 = tpu.memref_squeeze %dma_wait3A_353 : memref<1x80xi32, #tpu.memory_space<vmem>> -> memref<80xi32, #tpu.memory_space<vmem>>
    %dma_wait3A_355 = arith.constant 0 : i32
    %dma_wait3A_356 = arith.constant 0 : i32
    %dma_wait3A_357 = tpu.memref_slice %arg4[%dma_wait3A_355, %dma_wait3A_356] : memref<10000x64xf32, #tpu.memory_space<hbm>> -> memref<10000x64xf32, #tpu.memory_space<hbm>>
    tpu.wait_indirect_dma semaphore(%arg33 : memref<!tpu.dma_semaphore, #tpu.memory_space<semaphore_mem>>) src(%dma_wait3A_357 : memref<10000x64xf32, #tpu.memory_space<hbm>>) dst(%arg21 : memref<80x64xf32, #tpu.memory_space<vmem>>)
    %dma_start3A_358 = arith.constant 11 : i32
    %dma_start3A_359 = arith.constant 0 : i32
    %dma_start3A_360 = tpu.memref_slice %arg8[%dma_start3A_358, %dma_start3A_359] : memref<125x80xi32, #tpu.memory_space<vmem>> -> memref<1x80xi32, #tpu.memory_space<vmem>>
    %dma_start3A_361 = tpu.memref_squeeze %dma_start3A_360 : memref<1x80xi32, #tpu.memory_space<vmem>> -> memref<80xi32, #tpu.memory_space<vmem>>
    %dma_start3A_362 = arith.constant 0 : i32
    %dma_start3A_363 = arith.constant 0 : i32
    %dma_start3A_364 = tpu.memref_slice %arg9[%dma_start3A_362, %dma_start3A_363] : memref<10240x64xf32, #tpu.memory_space<vmem_shared>> -> memref<10240x64xf32, #tpu.memory_space<vmem_shared>>
    tpu.enqueue_indirect_dma source(%arg21 : memref<80x64xf32, #tpu.memory_space<vmem>>) target(%dma_start3A_364 : memref<10240x64xf32, #tpu.memory_space<vmem_shared>>) offsets(%dma_start3A_361 : memref<80xi32, #tpu.memory_space<vmem>>) semaphore(%arg45 : memref<!tpu.dma_semaphore, #tpu.memory_space<semaphore_mem>>) {add = true}
    %dma_wait3A_365 = arith.constant 8 : i32
    %dma_wait3A_366 = arith.constant 0 : i32
    %dma_wait3A_367 = tpu.memref_slice %arg8[%dma_wait3A_365, %dma_wait3A_366] : memref<125x80xi32, #tpu.memory_space<vmem>> -> memref<1x80xi32, #tpu.memory_space<vmem>>
    %dma_wait3A_368 = tpu.memref_squeeze %dma_wait3A_367 : memref<1x80xi32, #tpu.memory_space<vmem>> -> memref<80xi32, #tpu.memory_space<vmem>>
    %dma_wait3A_369 = arith.constant 0 : i32
    %dma_wait3A_370 = arith.constant 0 : i32
    %dma_wait3A_371 = tpu.memref_slice %arg9[%dma_wait3A_369, %dma_wait3A_370] : memref<10240x64xf32, #tpu.memory_space<vmem_shared>> -> memref<10240x64xf32, #tpu.memory_space<vmem_shared>>
    tpu.wait_indirect_dma semaphore(%arg42 : memref<!tpu.dma_semaphore, #tpu.memory_space<semaphore_mem>>) src(%arg18 : memref<80x64xf32, #tpu.memory_space<vmem>>) dst(%dma_wait3A_371 : memref<10240x64xf32, #tpu.memory_space<vmem_shared>>)
    %dma_start3A_372 = arith.constant 20 : i32
    %dma_start3A_373 = arith.constant 0 : i32
    %dma_start3A_374 = tpu.memref_slice %arg7[%dma_start3A_372, %dma_start3A_373] : memref<125x80xi32, #tpu.memory_space<vmem>> -> memref<1x80xi32, #tpu.memory_space<vmem>>
    %dma_start3A_375 = tpu.memref_squeeze %dma_start3A_374 : memref<1x80xi32, #tpu.memory_space<vmem>> -> memref<80xi32, #tpu.memory_space<vmem>>
    %dma_start3A_376 = arith.constant 0 : i32
    %dma_start3A_377 = arith.constant 0 : i32
    %dma_start3A_378 = tpu.memref_slice %arg4[%dma_start3A_376, %dma_start3A_377] : memref<10000x64xf32, #tpu.memory_space<hbm>> -> memref<10000x64xf32, #tpu.memory_space<hbm>>
    tpu.enqueue_indirect_dma source(%dma_start3A_378 : memref<10000x64xf32, #tpu.memory_space<hbm>>) target(%arg18 : memref<80x64xf32, #tpu.memory_space<vmem>>) offsets(%dma_start3A_375 : memref<80xi32, #tpu.memory_space<vmem>>) semaphore(%arg30 : memref<!tpu.dma_semaphore, #tpu.memory_space<semaphore_mem>>)
    %scan3A = arith.constant 0 : i32
    %scan3A_379 = arith.constant 1 : i32
    %scan3A_380 = arith.constant 9 : i32
    %scan3A_381 = arith.addi %scan3A_379, %scan3A_380 : i32
    %scan3A_382 = arith.constant 1 : i32
    scf.for %scan3A_515 = %scan3A_379 to %scan3A_381 step %scan3A_382  : i32 {
      %mul3A_516 = arith.constant 12 : i32
      %mul3A_517 = arith.muli %scan3A_515, %mul3A_516 : i32
      %add3A_518 = arith.constant 0 : i32
      %add3A_519 = arith.addi %mul3A_517, %add3A_518 : i32
      %dma_wait3A_520 = arith.constant 0 : i32
      %dma_wait3A_521 = tpu.memref_slice %arg7[%add3A_519, %dma_wait3A_520] : memref<125x80xi32, #tpu.memory_space<vmem>> -> memref<1x80xi32, #tpu.memory_space<vmem>>
      %dma_wait3A_522 = tpu.memref_squeeze %dma_wait3A_521 : memref<1x80xi32, #tpu.memory_space<vmem>> -> memref<80xi32, #tpu.memory_space<vmem>>
      %dma_wait3A_523 = arith.constant 0 : i32
      %dma_wait3A_524 = arith.constant 0 : i32
      %dma_wait3A_525 = tpu.memref_slice %arg4[%dma_wait3A_523, %dma_wait3A_524] : memref<10000x64xf32, #tpu.memory_space<hbm>> -> memref<10000x64xf32, #tpu.memory_space<hbm>>
      tpu.wait_indirect_dma semaphore(%arg22 : memref<!tpu.dma_semaphore, #tpu.memory_space<semaphore_mem>>) src(%dma_wait3A_525 : memref<10000x64xf32, #tpu.memory_space<hbm>>) dst(%arg10 : memref<80x64xf32, #tpu.memory_space<vmem>>)
      %dma_start3A_526 = arith.constant 0 : i32
      %dma_start3A_527 = tpu.memref_slice %arg8[%add3A_519, %dma_start3A_526] : memref<125x80xi32, #tpu.memory_space<vmem>> -> memref<1x80xi32, #tpu.memory_space<vmem>>
      %dma_start3A_528 = tpu.memref_squeeze %dma_start3A_527 : memref<1x80xi32, #tpu.memory_space<vmem>> -> memref<80xi32, #tpu.memory_space<vmem>>
      %dma_start3A_529 = arith.constant 0 : i32
      %dma_start3A_530 = arith.constant 0 : i32
      %dma_start3A_531 = tpu.memref_slice %arg9[%dma_start3A_529, %dma_start3A_530] : memref<10240x64xf32, #tpu.memory_space<vmem_shared>> -> memref<10240x64xf32, #tpu.memory_space<vmem_shared>>
      tpu.enqueue_indirect_dma source(%arg10 : memref<80x64xf32, #tpu.memory_space<vmem>>) target(%dma_start3A_531 : memref<10240x64xf32, #tpu.memory_space<vmem_shared>>) offsets(%dma_start3A_528 : memref<80xi32, #tpu.memory_space<vmem>>) semaphore(%arg34 : memref<!tpu.dma_semaphore, #tpu.memory_space<semaphore_mem>>) {add = true}
      %sub3A = arith.constant 3 : i32
      %sub3A_532 = arith.subi %add3A_519, %sub3A : i32
      %dma_wait3A_533 = arith.constant 0 : i32
      %dma_wait3A_534 = tpu.memref_slice %arg8[%sub3A_532, %dma_wait3A_533] : memref<125x80xi32, #tpu.memory_space<vmem>> -> memref<1x80xi32, #tpu.memory_space<vmem>>
      %dma_wait3A_535 = tpu.memref_squeeze %dma_wait3A_534 : memref<1x80xi32, #tpu.memory_space<vmem>> -> memref<80xi32, #tpu.memory_space<vmem>>
      %dma_wait3A_536 = arith.constant 0 : i32
      %dma_wait3A_537 = arith.constant 0 : i32
      %dma_wait3A_538 = tpu.memref_slice %arg9[%dma_wait3A_536, %dma_wait3A_537] : memref<10240x64xf32, #tpu.memory_space<vmem_shared>> -> memref<10240x64xf32, #tpu.memory_space<vmem_shared>>
      tpu.wait_indirect_dma semaphore(%arg43 : memref<!tpu.dma_semaphore, #tpu.memory_space<semaphore_mem>>) src(%arg19 : memref<80x64xf32, #tpu.memory_space<vmem>>) dst(%dma_wait3A_538 : memref<10240x64xf32, #tpu.memory_space<vmem_shared>>)
      %add3A_539 = arith.constant 9 : i32
      %add3A_540 = arith.addi %add3A_519, %add3A_539 : i32
      %dma_start3A_541 = arith.constant 0 : i32
      %dma_start3A_542 = tpu.memref_slice %arg7[%add3A_540, %dma_start3A_541] : memref<125x80xi32, #tpu.memory_space<vmem>> -> memref<1x80xi32, #tpu.memory_space<vmem>>
      %dma_start3A_543 = tpu.memref_squeeze %dma_start3A_542 : memref<1x80xi32, #tpu.memory_space<vmem>> -> memref<80xi32, #tpu.memory_space<vmem>>
      %dma_start3A_544 = arith.constant 0 : i32
      %dma_start3A_545 = arith.constant 0 : i32
      %dma_start3A_546 = tpu.memref_slice %arg4[%dma_start3A_544, %dma_start3A_545] : memref<10000x64xf32, #tpu.memory_space<hbm>> -> memref<10000x64xf32, #tpu.memory_space<hbm>>
      tpu.enqueue_indirect_dma source(%dma_start3A_546 : memref<10000x64xf32, #tpu.memory_space<hbm>>) target(%arg19 : memref<80x64xf32, #tpu.memory_space<vmem>>) offsets(%dma_start3A_543 : memref<80xi32, #tpu.memory_space<vmem>>) semaphore(%arg31 : memref<!tpu.dma_semaphore, #tpu.memory_space<semaphore_mem>>)
      %mul3A_547 = arith.constant 12 : i32
      %mul3A_548 = arith.muli %scan3A_515, %mul3A_547 : i32
      %add3A_549 = arith.constant 1 : i32
      %add3A_550 = arith.addi %mul3A_548, %add3A_549 : i32
      %dma_wait3A_551 = arith.constant 0 : i32
      %dma_wait3A_552 = tpu.memref_slice %arg7[%add3A_550, %dma_wait3A_551] : memref<125x80xi32, #tpu.memory_space<vmem>> -> memref<1x80xi32, #tpu.memory_space<vmem>>
      %dma_wait3A_553 = tpu.memref_squeeze %dma_wait3A_552 : memref<1x80xi32, #tpu.memory_space<vmem>> -> memref<80xi32, #tpu.memory_space<vmem>>
      %dma_wait3A_554 = arith.constant 0 : i32
      %dma_wait3A_555 = arith.constant 0 : i32
      %dma_wait3A_556 = tpu.memref_slice %arg4[%dma_wait3A_554, %dma_wait3A_555] : memref<10000x64xf32, #tpu.memory_space<hbm>> -> memref<10000x64xf32, #tpu.memory_space<hbm>>
      tpu.wait_indirect_dma semaphore(%arg23 : memref<!tpu.dma_semaphore, #tpu.memory_space<semaphore_mem>>) src(%dma_wait3A_556 : memref<10000x64xf32, #tpu.memory_space<hbm>>) dst(%arg11 : memref<80x64xf32, #tpu.memory_space<vmem>>)
      %dma_start3A_557 = arith.constant 0 : i32
      %dma_start3A_558 = tpu.memref_slice %arg8[%add3A_550, %dma_start3A_557] : memref<125x80xi32, #tpu.memory_space<vmem>> -> memref<1x80xi32, #tpu.memory_space<vmem>>
      %dma_start3A_559 = tpu.memref_squeeze %dma_start3A_558 : memref<1x80xi32, #tpu.memory_space<vmem>> -> memref<80xi32, #tpu.memory_space<vmem>>
      %dma_start3A_560 = arith.constant 0 : i32
      %dma_start3A_561 = arith.constant 0 : i32
      %dma_start3A_562 = tpu.memref_slice %arg9[%dma_start3A_560, %dma_start3A_561] : memref<10240x64xf32, #tpu.memory_space<vmem_shared>> -> memref<10240x64xf32, #tpu.memory_space<vmem_shared>>
      tpu.enqueue_indirect_dma source(%arg11 : memref<80x64xf32, #tpu.memory_space<vmem>>) target(%dma_start3A_562 : memref<10240x64xf32, #tpu.memory_space<vmem_shared>>) offsets(%dma_start3A_559 : memref<80xi32, #tpu.memory_space<vmem>>) semaphore(%arg35 : memref<!tpu.dma_semaphore, #tpu.memory_space<semaphore_mem>>) {add = true}
      %sub3A_563 = arith.constant 3 : i32
      %sub3A_564 = arith.subi %add3A_550, %sub3A_563 : i32
      %dma_wait3A_565 = arith.constant 0 : i32
      %dma_wait3A_566 = tpu.memref_slice %arg8[%sub3A_564, %dma_wait3A_565] : memref<125x80xi32, #tpu.memory_space<vmem>> -> memref<1x80xi32, #tpu.memory_space<vmem>>
      %dma_wait3A_567 = tpu.memref_squeeze %dma_wait3A_566 : memref<1x80xi32, #tpu.memory_space<vmem>> -> memref<80xi32, #tpu.memory_space<vmem>>
      %dma_wait3A_568 = arith.constant 0 : i32
      %dma_wait3A_569 = arith.constant 0 : i32
      %dma_wait3A_570 = tpu.memref_slice %arg9[%dma_wait3A_568, %dma_wait3A_569] : memref<10240x64xf32, #tpu.memory_space<vmem_shared>> -> memref<10240x64xf32, #tpu.memory_space<vmem_shared>>
      tpu.wait_indirect_dma semaphore(%arg44 : memref<!tpu.dma_semaphore, #tpu.memory_space<semaphore_mem>>) src(%arg20 : memref<80x64xf32, #tpu.memory_space<vmem>>) dst(%dma_wait3A_570 : memref<10240x64xf32, #tpu.memory_space<vmem_shared>>)
      %add3A_571 = arith.constant 9 : i32
      %add3A_572 = arith.addi %add3A_550, %add3A_571 : i32
      %dma_start3A_573 = arith.constant 0 : i32
      %dma_start3A_574 = tpu.memref_slice %arg7[%add3A_572, %dma_start3A_573] : memref<125x80xi32, #tpu.memory_space<vmem>> -> memref<1x80xi32, #tpu.memory_space<vmem>>
      %dma_start3A_575 = tpu.memref_squeeze %dma_start3A_574 : memref<1x80xi32, #tpu.memory_space<vmem>> -> memref<80xi32, #tpu.memory_space<vmem>>
      %dma_start3A_576 = arith.constant 0 : i32
      %dma_start3A_577 = arith.constant 0 : i32
      %dma_start3A_578 = tpu.memref_slice %arg4[%dma_start3A_576, %dma_start3A_577] : memref<10000x64xf32, #tpu.memory_space<hbm>> -> memref<10000x64xf32, #tpu.memory_space<hbm>>
      tpu.enqueue_indirect_dma source(%dma_start3A_578 : memref<10000x64xf32, #tpu.memory_space<hbm>>) target(%arg20 : memref<80x64xf32, #tpu.memory_space<vmem>>) offsets(%dma_start3A_575 : memref<80xi32, #tpu.memory_space<vmem>>) semaphore(%arg32 : memref<!tpu.dma_semaphore, #tpu.memory_space<semaphore_mem>>)
      %mul3A_579 = arith.constant 12 : i32
      %mul3A_580 = arith.muli %scan3A_515, %mul3A_579 : i32
      %add3A_581 = arith.constant 2 : i32
      %add3A_582 = arith.addi %mul3A_580, %add3A_581 : i32
      %dma_wait3A_583 = arith.constant 0 : i32
      %dma_wait3A_584 = tpu.memref_slice %arg7[%add3A_582, %dma_wait3A_583] : memref<125x80xi32, #tpu.memory_space<vmem>> -> memref<1x80xi32, #tpu.memory_space<vmem>>
      %dma_wait3A_585 = tpu.memref_squeeze %dma_wait3A_584 : memref<1x80xi32, #tpu.memory_space<vmem>> -> memref<80xi32, #tpu.memory_space<vmem>>
      %dma_wait3A_586 = arith.constant 0 : i32
      %dma_wait3A_587 = arith.constant 0 : i32
      %dma_wait3A_588 = tpu.memref_slice %arg4[%dma_wait3A_586, %dma_wait3A_587] : memref<10000x64xf32, #tpu.memory_space<hbm>> -> memref<10000x64xf32, #tpu.memory_space<hbm>>
      tpu.wait_indirect_dma semaphore(%arg24 : memref<!tpu.dma_semaphore, #tpu.memory_space<semaphore_mem>>) src(%dma_wait3A_588 : memref<10000x64xf32, #tpu.memory_space<hbm>>) dst(%arg12 : memref<80x64xf32, #tpu.memory_space<vmem>>)
      %dma_start3A_589 = arith.constant 0 : i32
      %dma_start3A_590 = tpu.memref_slice %arg8[%add3A_582, %dma_start3A_589] : memref<125x80xi32, #tpu.memory_space<vmem>> -> memref<1x80xi32, #tpu.memory_space<vmem>>
      %dma_start3A_591 = tpu.memref_squeeze %dma_start3A_590 : memref<1x80xi32, #tpu.memory_space<vmem>> -> memref<80xi32, #tpu.memory_space<vmem>>
      %dma_start3A_592 = arith.constant 0 : i32
      %dma_start3A_593 = arith.constant 0 : i32
      %dma_start3A_594 = tpu.memref_slice %arg9[%dma_start3A_592, %dma_start3A_593] : memref<10240x64xf32, #tpu.memory_space<vmem_shared>> -> memref<10240x64xf32, #tpu.memory_space<vmem_shared>>
      tpu.enqueue_indirect_dma source(%arg12 : memref<80x64xf32, #tpu.memory_space<vmem>>) target(%dma_start3A_594 : memref<10240x64xf32, #tpu.memory_space<vmem_shared>>) offsets(%dma_start3A_591 : memref<80xi32, #tpu.memory_space<vmem>>) semaphore(%arg36 : memref<!tpu.dma_semaphore, #tpu.memory_space<semaphore_mem>>) {add = true}
      %sub3A_595 = arith.constant 3 : i32
      %sub3A_596 = arith.subi %add3A_582, %sub3A_595 : i32
      %dma_wait3A_597 = arith.constant 0 : i32
      %dma_wait3A_598 = tpu.memref_slice %arg8[%sub3A_596, %dma_wait3A_597] : memref<125x80xi32, #tpu.memory_space<vmem>> -> memref<1x80xi32, #tpu.memory_space<vmem>>
      %dma_wait3A_599 = tpu.memref_squeeze %dma_wait3A_598 : memref<1x80xi32, #tpu.memory_space<vmem>> -> memref<80xi32, #tpu.memory_space<vmem>>
      %dma_wait3A_600 = arith.constant 0 : i32
      %dma_wait3A_601 = arith.constant 0 : i32
      %dma_wait3A_602 = tpu.memref_slice %arg9[%dma_wait3A_600, %dma_wait3A_601] : memref<10240x64xf32, #tpu.memory_space<vmem_shared>> -> memref<10240x64xf32, #tpu.memory_space<vmem_shared>>
      tpu.wait_indirect_dma semaphore(%arg45 : memref<!tpu.dma_semaphore, #tpu.memory_space<semaphore_mem>>) src(%arg21 : memref<80x64xf32, #tpu.memory_space<vmem>>) dst(%dma_wait3A_602 : memref<10240x64xf32, #tpu.memory_space<vmem_shared>>)
      %add3A_603 = arith.constant 9 : i32
      %add3A_604 = arith.addi %add3A_582, %add3A_603 : i32
      %dma_start3A_605 = arith.constant 0 : i32
      %dma_start3A_606 = tpu.memref_slice %arg7[%add3A_604, %dma_start3A_605] : memref<125x80xi32, #tpu.memory_space<vmem>> -> memref<1x80xi32, #tpu.memory_space<vmem>>
      %dma_start3A_607 = tpu.memref_squeeze %dma_start3A_606 : memref<1x80xi32, #tpu.memory_space<vmem>> -> memref<80xi32, #tpu.memory_space<vmem>>
      %dma_start3A_608 = arith.constant 0 : i32
      %dma_start3A_609 = arith.constant 0 : i32
      %dma_start3A_610 = tpu.memref_slice %arg4[%dma_start3A_608, %dma_start3A_609] : memref<10000x64xf32, #tpu.memory_space<hbm>> -> memref<10000x64xf32, #tpu.memory_space<hbm>>
      tpu.enqueue_indirect_dma source(%dma_start3A_610 : memref<10000x64xf32, #tpu.memory_space<hbm>>) target(%arg21 : memref<80x64xf32, #tpu.memory_space<vmem>>) offsets(%dma_start3A_607 : memref<80xi32, #tpu.memory_space<vmem>>) semaphore(%arg33 : memref<!tpu.dma_semaphore, #tpu.memory_space<semaphore_mem>>)
      %mul3A_611 = arith.constant 12 : i32
      %mul3A_612 = arith.muli %scan3A_515, %mul3A_611 : i32
      %add3A_613 = arith.constant 3 : i32
      %add3A_614 = arith.addi %mul3A_612, %add3A_613 : i32
      %dma_wait3A_615 = arith.constant 0 : i32
      %dma_wait3A_616 = tpu.memref_slice %arg7[%add3A_614, %dma_wait3A_615] : memref<125x80xi32, #tpu.memory_space<vmem>> -> memref<1x80xi32, #tpu.memory_space<vmem>>
      %dma_wait3A_617 = tpu.memref_squeeze %dma_wait3A_616 : memref<1x80xi32, #tpu.memory_space<vmem>> -> memref<80xi32, #tpu.memory_space<vmem>>
      %dma_wait3A_618 = arith.constant 0 : i32
      %dma_wait3A_619 = arith.constant 0 : i32
      %dma_wait3A_620 = tpu.memref_slice %arg4[%dma_wait3A_618, %dma_wait3A_619] : memref<10000x64xf32, #tpu.memory_space<hbm>> -> memref<10000x64xf32, #tpu.memory_space<hbm>>
      tpu.wait_indirect_dma semaphore(%arg25 : memref<!tpu.dma_semaphore, #tpu.memory_space<semaphore_mem>>) src(%dma_wait3A_620 : memref<10000x64xf32, #tpu.memory_space<hbm>>) dst(%arg13 : memref<80x64xf32, #tpu.memory_space<vmem>>)
      %dma_start3A_621 = arith.constant 0 : i32
      %dma_start3A_622 = tpu.memref_slice %arg8[%add3A_614, %dma_start3A_621] : memref<125x80xi32, #tpu.memory_space<vmem>> -> memref<1x80xi32, #tpu.memory_space<vmem>>
      %dma_start3A_623 = tpu.memref_squeeze %dma_start3A_622 : memref<1x80xi32, #tpu.memory_space<vmem>> -> memref<80xi32, #tpu.memory_space<vmem>>
      %dma_start3A_624 = arith.constant 0 : i32
      %dma_start3A_625 = arith.constant 0 : i32
      %dma_start3A_626 = tpu.memref_slice %arg9[%dma_start3A_624, %dma_start3A_625] : memref<10240x64xf32, #tpu.memory_space<vmem_shared>> -> memref<10240x64xf32, #tpu.memory_space<vmem_shared>>
      tpu.enqueue_indirect_dma source(%arg13 : memref<80x64xf32, #tpu.memory_space<vmem>>) target(%dma_start3A_626 : memref<10240x64xf32, #tpu.memory_space<vmem_shared>>) offsets(%dma_start3A_623 : memref<80xi32, #tpu.memory_space<vmem>>) semaphore(%arg37 : memref<!tpu.dma_semaphore, #tpu.memory_space<semaphore_mem>>) {add = true}
      %sub3A_627 = arith.constant 3 : i32
      %sub3A_628 = arith.subi %add3A_614, %sub3A_627 : i32
      %dma_wait3A_629 = arith.constant 0 : i32
      %dma_wait3A_630 = tpu.memref_slice %arg8[%sub3A_628, %dma_wait3A_629] : memref<125x80xi32, #tpu.memory_space<vmem>> -> memref<1x80xi32, #tpu.memory_space<vmem>>
      %dma_wait3A_631 = tpu.memref_squeeze %dma_wait3A_630 : memref<1x80xi32, #tpu.memory_space<vmem>> -> memref<80xi32, #tpu.memory_space<vmem>>
      %dma_wait3A_632 = arith.constant 0 : i32
      %dma_wait3A_633 = arith.constant 0 : i32
      %dma_wait3A_634 = tpu.memref_slice %arg9[%dma_wait3A_632, %dma_wait3A_633] : memref<10240x64xf32, #tpu.memory_space<vmem_shared>> -> memref<10240x64xf32, #tpu.memory_space<vmem_shared>>
      tpu.wait_indirect_dma semaphore(%arg34 : memref<!tpu.dma_semaphore, #tpu.memory_space<semaphore_mem>>) src(%arg10 : memref<80x64xf32, #tpu.memory_space<vmem>>) dst(%dma_wait3A_634 : memref<10240x64xf32, #tpu.memory_space<vmem_shared>>)
      %add3A_635 = arith.constant 9 : i32
      %add3A_636 = arith.addi %add3A_614, %add3A_635 : i32
      %dma_start3A_637 = arith.constant 0 : i32
      %dma_start3A_638 = tpu.memref_slice %arg7[%add3A_636, %dma_start3A_637] : memref<125x80xi32, #tpu.memory_space<vmem>> -> memref<1x80xi32, #tpu.memory_space<vmem>>
      %dma_start3A_639 = tpu.memref_squeeze %dma_start3A_638 : memref<1x80xi32, #tpu.memory_space<vmem>> -> memref<80xi32, #tpu.memory_space<vmem>>
      %dma_start3A_640 = arith.constant 0 : i32
      %dma_start3A_641 = arith.constant 0 : i32
      %dma_start3A_642 = tpu.memref_slice %arg4[%dma_start3A_640, %dma_start3A_641] : memref<10000x64xf32, #tpu.memory_space<hbm>> -> memref<10000x64xf32, #tpu.memory_space<hbm>>
      tpu.enqueue_indirect_dma source(%dma_start3A_642 : memref<10000x64xf32, #tpu.memory_space<hbm>>) target(%arg10 : memref<80x64xf32, #tpu.memory_space<vmem>>) offsets(%dma_start3A_639 : memref<80xi32, #tpu.memory_space<vmem>>) semaphore(%arg22 : memref<!tpu.dma_semaphore, #tpu.memory_space<semaphore_mem>>)
      %mul3A_643 = arith.constant 12 : i32
      %mul3A_644 = arith.muli %scan3A_515, %mul3A_643 : i32
      %add3A_645 = arith.constant 4 : i32
      %add3A_646 = arith.addi %mul3A_644, %add3A_645 : i32
      %dma_wait3A_647 = arith.constant 0 : i32
      %dma_wait3A_648 = tpu.memref_slice %arg7[%add3A_646, %dma_wait3A_647] : memref<125x80xi32, #tpu.memory_space<vmem>> -> memref<1x80xi32, #tpu.memory_space<vmem>>
      %dma_wait3A_649 = tpu.memref_squeeze %dma_wait3A_648 : memref<1x80xi32, #tpu.memory_space<vmem>> -> memref<80xi32, #tpu.memory_space<vmem>>
      %dma_wait3A_650 = arith.constant 0 : i32
      %dma_wait3A_651 = arith.constant 0 : i32
      %dma_wait3A_652 = tpu.memref_slice %arg4[%dma_wait3A_650, %dma_wait3A_651] : memref<10000x64xf32, #tpu.memory_space<hbm>> -> memref<10000x64xf32, #tpu.memory_space<hbm>>
      tpu.wait_indirect_dma semaphore(%arg26 : memref<!tpu.dma_semaphore, #tpu.memory_space<semaphore_mem>>) src(%dma_wait3A_652 : memref<10000x64xf32, #tpu.memory_space<hbm>>) dst(%arg14 : memref<80x64xf32, #tpu.memory_space<vmem>>)
      %dma_start3A_653 = arith.constant 0 : i32
      %dma_start3A_654 = tpu.memref_slice %arg8[%add3A_646, %dma_start3A_653] : memref<125x80xi32, #tpu.memory_space<vmem>> -> memref<1x80xi32, #tpu.memory_space<vmem>>
      %dma_start3A_655 = tpu.memref_squeeze %dma_start3A_654 : memref<1x80xi32, #tpu.memory_space<vmem>> -> memref<80xi32, #tpu.memory_space<vmem>>
      %dma_start3A_656 = arith.constant 0 : i32
      %dma_start3A_657 = arith.constant 0 : i32
      %dma_start3A_658 = tpu.memref_slice %arg9[%dma_start3A_656, %dma_start3A_657] : memref<10240x64xf32, #tpu.memory_space<vmem_shared>> -> memref<10240x64xf32, #tpu.memory_space<vmem_shared>>
      tpu.enqueue_indirect_dma source(%arg14 : memref<80x64xf32, #tpu.memory_space<vmem>>) target(%dma_start3A_658 : memref<10240x64xf32, #tpu.memory_space<vmem_shared>>) offsets(%dma_start3A_655 : memref<80xi32, #tpu.memory_space<vmem>>) semaphore(%arg38 : memref<!tpu.dma_semaphore, #tpu.memory_space<semaphore_mem>>) {add = true}
      %sub3A_659 = arith.constant 3 : i32
      %sub3A_660 = arith.subi %add3A_646, %sub3A_659 : i32
      %dma_wait3A_661 = arith.constant 0 : i32
      %dma_wait3A_662 = tpu.memref_slice %arg8[%sub3A_660, %dma_wait3A_661] : memref<125x80xi32, #tpu.memory_space<vmem>> -> memref<1x80xi32, #tpu.memory_space<vmem>>
      %dma_wait3A_663 = tpu.memref_squeeze %dma_wait3A_662 : memref<1x80xi32, #tpu.memory_space<vmem>> -> memref<80xi32, #tpu.memory_space<vmem>>
      %dma_wait3A_664 = arith.constant 0 : i32
      %dma_wait3A_665 = arith.constant 0 : i32
      %dma_wait3A_666 = tpu.memref_slice %arg9[%dma_wait3A_664, %dma_wait3A_665] : memref<10240x64xf32, #tpu.memory_space<vmem_shared>> -> memref<10240x64xf32, #tpu.memory_space<vmem_shared>>
      tpu.wait_indirect_dma semaphore(%arg35 : memref<!tpu.dma_semaphore, #tpu.memory_space<semaphore_mem>>) src(%arg11 : memref<80x64xf32, #tpu.memory_space<vmem>>) dst(%dma_wait3A_666 : memref<10240x64xf32, #tpu.memory_space<vmem_shared>>)
      %add3A_667 = arith.constant 9 : i32
      %add3A_668 = arith.addi %add3A_646, %add3A_667 : i32
      %dma_start3A_669 = arith.constant 0 : i32
      %dma_start3A_670 = tpu.memref_slice %arg7[%add3A_668, %dma_start3A_669] : memref<125x80xi32, #tpu.memory_space<vmem>> -> memref<1x80xi32, #tpu.memory_space<vmem>>
      %dma_start3A_671 = tpu.memref_squeeze %dma_start3A_670 : memref<1x80xi32, #tpu.memory_space<vmem>> -> memref<80xi32, #tpu.memory_space<vmem>>
      %dma_start3A_672 = arith.constant 0 : i32
      %dma_start3A_673 = arith.constant 0 : i32
      %dma_start3A_674 = tpu.memref_slice %arg4[%dma_start3A_672, %dma_start3A_673] : memref<10000x64xf32, #tpu.memory_space<hbm>> -> memref<10000x64xf32, #tpu.memory_space<hbm>>
      tpu.enqueue_indirect_dma source(%dma_start3A_674 : memref<10000x64xf32, #tpu.memory_space<hbm>>) target(%arg11 : memref<80x64xf32, #tpu.memory_space<vmem>>) offsets(%dma_start3A_671 : memref<80xi32, #tpu.memory_space<vmem>>) semaphore(%arg23 : memref<!tpu.dma_semaphore, #tpu.memory_space<semaphore_mem>>)
      %mul3A_675 = arith.constant 12 : i32
      %mul3A_676 = arith.muli %scan3A_515, %mul3A_675 : i32
      %add3A_677 = arith.constant 5 : i32
      %add3A_678 = arith.addi %mul3A_676, %add3A_677 : i32
      %dma_wait3A_679 = arith.constant 0 : i32
      %dma_wait3A_680 = tpu.memref_slice %arg7[%add3A_678, %dma_wait3A_679] : memref<125x80xi32, #tpu.memory_space<vmem>> -> memref<1x80xi32, #tpu.memory_space<vmem>>
      %dma_wait3A_681 = tpu.memref_squeeze %dma_wait3A_680 : memref<1x80xi32, #tpu.memory_space<vmem>> -> memref<80xi32, #tpu.memory_space<vmem>>
      %dma_wait3A_682 = arith.constant 0 : i32
      %dma_wait3A_683 = arith.constant 0 : i32
      %dma_wait3A_684 = tpu.memref_slice %arg4[%dma_wait3A_682, %dma_wait3A_683] : memref<10000x64xf32, #tpu.memory_space<hbm>> -> memref<10000x64xf32, #tpu.memory_space<hbm>>
      tpu.wait_indirect_dma semaphore(%arg27 : memref<!tpu.dma_semaphore, #tpu.memory_space<semaphore_mem>>) src(%dma_wait3A_684 : memref<10000x64xf32, #tpu.memory_space<hbm>>) dst(%arg15 : memref<80x64xf32, #tpu.memory_space<vmem>>)
      %dma_start3A_685 = arith.constant 0 : i32
      %dma_start3A_686 = tpu.memref_slice %arg8[%add3A_678, %dma_start3A_685] : memref<125x80xi32, #tpu.memory_space<vmem>> -> memref<1x80xi32, #tpu.memory_space<vmem>>
      %dma_start3A_687 = tpu.memref_squeeze %dma_start3A_686 : memref<1x80xi32, #tpu.memory_space<vmem>> -> memref<80xi32, #tpu.memory_space<vmem>>
      %dma_start3A_688 = arith.constant 0 : i32
      %dma_start3A_689 = arith.constant 0 : i32
      %dma_start3A_690 = tpu.memref_slice %arg9[%dma_start3A_688, %dma_start3A_689] : memref<10240x64xf32, #tpu.memory_space<vmem_shared>> -> memref<10240x64xf32, #tpu.memory_space<vmem_shared>>
      tpu.enqueue_indirect_dma source(%arg15 : memref<80x64xf32, #tpu.memory_space<vmem>>) target(%dma_start3A_690 : memref<10240x64xf32, #tpu.memory_space<vmem_shared>>) offsets(%dma_start3A_687 : memref<80xi32, #tpu.memory_space<vmem>>) semaphore(%arg39 : memref<!tpu.dma_semaphore, #tpu.memory_space<semaphore_mem>>) {add = true}
      %sub3A_691 = arith.constant 3 : i32
      %sub3A_692 = arith.subi %add3A_678, %sub3A_691 : i32
      %dma_wait3A_693 = arith.constant 0 : i32
      %dma_wait3A_694 = tpu.memref_slice %arg8[%sub3A_692, %dma_wait3A_693] : memref<125x80xi32, #tpu.memory_space<vmem>> -> memref<1x80xi32, #tpu.memory_space<vmem>>
      %dma_wait3A_695 = tpu.memref_squeeze %dma_wait3A_694 : memref<1x80xi32, #tpu.memory_space<vmem>> -> memref<80xi32, #tpu.memory_space<vmem>>
      %dma_wait3A_696 = arith.constant 0 : i32
      %dma_wait3A_697 = arith.constant 0 : i32
      %dma_wait3A_698 = tpu.memref_slice %arg9[%dma_wait3A_696, %dma_wait3A_697] : memref<10240x64xf32, #tpu.memory_space<vmem_shared>> -> memref<10240x64xf32, #tpu.memory_space<vmem_shared>>
      tpu.wait_indirect_dma semaphore(%arg36 : memref<!tpu.dma_semaphore, #tpu.memory_space<semaphore_mem>>) src(%arg12 : memref<80x64xf32, #tpu.memory_space<vmem>>) dst(%dma_wait3A_698 : memref<10240x64xf32, #tpu.memory_space<vmem_shared>>)
      %add3A_699 = arith.constant 9 : i32
      %add3A_700 = arith.addi %add3A_678, %add3A_699 : i32
      %dma_start3A_701 = arith.constant 0 : i32
      %dma_start3A_702 = tpu.memref_slice %arg7[%add3A_700, %dma_start3A_701] : memref<125x80xi32, #tpu.memory_space<vmem>> -> memref<1x80xi32, #tpu.memory_space<vmem>>
      %dma_start3A_703 = tpu.memref_squeeze %dma_start3A_702 : memref<1x80xi32, #tpu.memory_space<vmem>> -> memref<80xi32, #tpu.memory_space<vmem>>
      %dma_start3A_704 = arith.constant 0 : i32
      %dma_start3A_705 = arith.constant 0 : i32
      %dma_start3A_706 = tpu.memref_slice %arg4[%dma_start3A_704, %dma_start3A_705] : memref<10000x64xf32, #tpu.memory_space<hbm>> -> memref<10000x64xf32, #tpu.memory_space<hbm>>
      tpu.enqueue_indirect_dma source(%dma_start3A_706 : memref<10000x64xf32, #tpu.memory_space<hbm>>) target(%arg12 : memref<80x64xf32, #tpu.memory_space<vmem>>) offsets(%dma_start3A_703 : memref<80xi32, #tpu.memory_space<vmem>>) semaphore(%arg24 : memref<!tpu.dma_semaphore, #tpu.memory_space<semaphore_mem>>)
      %mul3A_707 = arith.constant 12 : i32
      %mul3A_708 = arith.muli %scan3A_515, %mul3A_707 : i32
      %add3A_709 = arith.constant 6 : i32
      %add3A_710 = arith.addi %mul3A_708, %add3A_709 : i32
      %dma_wait3A_711 = arith.constant 0 : i32
      %dma_wait3A_712 = tpu.memref_slice %arg7[%add3A_710, %dma_wait3A_711] : memref<125x80xi32, #tpu.memory_space<vmem>> -> memref<1x80xi32, #tpu.memory_space<vmem>>
      %dma_wait3A_713 = tpu.memref_squeeze %dma_wait3A_712 : memref<1x80xi32, #tpu.memory_space<vmem>> -> memref<80xi32, #tpu.memory_space<vmem>>
      %dma_wait3A_714 = arith.constant 0 : i32
      %dma_wait3A_715 = arith.constant 0 : i32
      %dma_wait3A_716 = tpu.memref_slice %arg4[%dma_wait3A_714, %dma_wait3A_715] : memref<10000x64xf32, #tpu.memory_space<hbm>> -> memref<10000x64xf32, #tpu.memory_space<hbm>>
      tpu.wait_indirect_dma semaphore(%arg28 : memref<!tpu.dma_semaphore, #tpu.memory_space<semaphore_mem>>) src(%dma_wait3A_716 : memref<10000x64xf32, #tpu.memory_space<hbm>>) dst(%arg16 : memref<80x64xf32, #tpu.memory_space<vmem>>)
      %dma_start3A_717 = arith.constant 0 : i32
      %dma_start3A_718 = tpu.memref_slice %arg8[%add3A_710, %dma_start3A_717] : memref<125x80xi32, #tpu.memory_space<vmem>> -> memref<1x80xi32, #tpu.memory_space<vmem>>
      %dma_start3A_719 = tpu.memref_squeeze %dma_start3A_718 : memref<1x80xi32, #tpu.memory_space<vmem>> -> memref<80xi32, #tpu.memory_space<vmem>>
      %dma_start3A_720 = arith.constant 0 : i32
      %dma_start3A_721 = arith.constant 0 : i32
      %dma_start3A_722 = tpu.memref_slice %arg9[%dma_start3A_720, %dma_start3A_721] : memref<10240x64xf32, #tpu.memory_space<vmem_shared>> -> memref<10240x64xf32, #tpu.memory_space<vmem_shared>>
      tpu.enqueue_indirect_dma source(%arg16 : memref<80x64xf32, #tpu.memory_space<vmem>>) target(%dma_start3A_722 : memref<10240x64xf32, #tpu.memory_space<vmem_shared>>) offsets(%dma_start3A_719 : memref<80xi32, #tpu.memory_space<vmem>>) semaphore(%arg40 : memref<!tpu.dma_semaphore, #tpu.memory_space<semaphore_mem>>) {add = true}
      %sub3A_723 = arith.constant 3 : i32
      %sub3A_724 = arith.subi %add3A_710, %sub3A_723 : i32
      %dma_wait3A_725 = arith.constant 0 : i32
      %dma_wait3A_726 = tpu.memref_slice %arg8[%sub3A_724, %dma_wait3A_725] : memref<125x80xi32, #tpu.memory_space<vmem>> -> memref<1x80xi32, #tpu.memory_space<vmem>>
      %dma_wait3A_727 = tpu.memref_squeeze %dma_wait3A_726 : memref<1x80xi32, #tpu.memory_space<vmem>> -> memref<80xi32, #tpu.memory_space<vmem>>
      %dma_wait3A_728 = arith.constant 0 : i32
      %dma_wait3A_729 = arith.constant 0 : i32
      %dma_wait3A_730 = tpu.memref_slice %arg9[%dma_wait3A_728, %dma_wait3A_729] : memref<10240x64xf32, #tpu.memory_space<vmem_shared>> -> memref<10240x64xf32, #tpu.memory_space<vmem_shared>>
      tpu.wait_indirect_dma semaphore(%arg37 : memref<!tpu.dma_semaphore, #tpu.memory_space<semaphore_mem>>) src(%arg13 : memref<80x64xf32, #tpu.memory_space<vmem>>) dst(%dma_wait3A_730 : memref<10240x64xf32, #tpu.memory_space<vmem_shared>>)
      %add3A_731 = arith.constant 9 : i32
      %add3A_732 = arith.addi %add3A_710, %add3A_731 : i32
      %dma_start3A_733 = arith.constant 0 : i32
      %dma_start3A_734 = tpu.memref_slice %arg7[%add3A_732, %dma_start3A_733] : memref<125x80xi32, #tpu.memory_space<vmem>> -> memref<1x80xi32, #tpu.memory_space<vmem>>
      %dma_start3A_735 = tpu.memref_squeeze %dma_start3A_734 : memref<1x80xi32, #tpu.memory_space<vmem>> -> memref<80xi32, #tpu.memory_space<vmem>>
      %dma_start3A_736 = arith.constant 0 : i32
      %dma_start3A_737 = arith.constant 0 : i32
      %dma_start3A_738 = tpu.memref_slice %arg4[%dma_start3A_736, %dma_start3A_737] : memref<10000x64xf32, #tpu.memory_space<hbm>> -> memref<10000x64xf32, #tpu.memory_space<hbm>>
      tpu.enqueue_indirect_dma source(%dma_start3A_738 : memref<10000x64xf32, #tpu.memory_space<hbm>>) target(%arg13 : memref<80x64xf32, #tpu.memory_space<vmem>>) offsets(%dma_start3A_735 : memref<80xi32, #tpu.memory_space<vmem>>) semaphore(%arg25 : memref<!tpu.dma_semaphore, #tpu.memory_space<semaphore_mem>>)
      %mul3A_739 = arith.constant 12 : i32
      %mul3A_740 = arith.muli %scan3A_515, %mul3A_739 : i32
      %add3A_741 = arith.constant 7 : i32
      %add3A_742 = arith.addi %mul3A_740, %add3A_741 : i32
      %dma_wait3A_743 = arith.constant 0 : i32
      %dma_wait3A_744 = tpu.memref_slice %arg7[%add3A_742, %dma_wait3A_743] : memref<125x80xi32, #tpu.memory_space<vmem>> -> memref<1x80xi32, #tpu.memory_space<vmem>>
      %dma_wait3A_745 = tpu.memref_squeeze %dma_wait3A_744 : memref<1x80xi32, #tpu.memory_space<vmem>> -> memref<80xi32, #tpu.memory_space<vmem>>
      %dma_wait3A_746 = arith.constant 0 : i32
      %dma_wait3A_747 = arith.constant 0 : i32
      %dma_wait3A_748 = tpu.memref_slice %arg4[%dma_wait3A_746, %dma_wait3A_747] : memref<10000x64xf32, #tpu.memory_space<hbm>> -> memref<10000x64xf32, #tpu.memory_space<hbm>>
      tpu.wait_indirect_dma semaphore(%arg29 : memref<!tpu.dma_semaphore, #tpu.memory_space<semaphore_mem>>) src(%dma_wait3A_748 : memref<10000x64xf32, #tpu.memory_space<hbm>>) dst(%arg17 : memref<80x64xf32, #tpu.memory_space<vmem>>)
      %dma_start3A_749 = arith.constant 0 : i32
      %dma_start3A_750 = tpu.memref_slice %arg8[%add3A_742, %dma_start3A_749] : memref<125x80xi32, #tpu.memory_space<vmem>> -> memref<1x80xi32, #tpu.memory_space<vmem>>
      %dma_start3A_751 = tpu.memref_squeeze %dma_start3A_750 : memref<1x80xi32, #tpu.memory_space<vmem>> -> memref<80xi32, #tpu.memory_space<vmem>>
      %dma_start3A_752 = arith.constant 0 : i32
      %dma_start3A_753 = arith.constant 0 : i32
      %dma_start3A_754 = tpu.memref_slice %arg9[%dma_start3A_752, %dma_start3A_753] : memref<10240x64xf32, #tpu.memory_space<vmem_shared>> -> memref<10240x64xf32, #tpu.memory_space<vmem_shared>>
      tpu.enqueue_indirect_dma source(%arg17 : memref<80x64xf32, #tpu.memory_space<vmem>>) target(%dma_start3A_754 : memref<10240x64xf32, #tpu.memory_space<vmem_shared>>) offsets(%dma_start3A_751 : memref<80xi32, #tpu.memory_space<vmem>>) semaphore(%arg41 : memref<!tpu.dma_semaphore, #tpu.memory_space<semaphore_mem>>) {add = true}
      %sub3A_755 = arith.constant 3 : i32
      %sub3A_756 = arith.subi %add3A_742, %sub3A_755 : i32
      %dma_wait3A_757 = arith.constant 0 : i32
      %dma_wait3A_758 = tpu.memref_slice %arg8[%sub3A_756, %dma_wait3A_757] : memref<125x80xi32, #tpu.memory_space<vmem>> -> memref<1x80xi32, #tpu.memory_space<vmem>>
      %dma_wait3A_759 = tpu.memref_squeeze %dma_wait3A_758 : memref<1x80xi32, #tpu.memory_space<vmem>> -> memref<80xi32, #tpu.memory_space<vmem>>
      %dma_wait3A_760 = arith.constant 0 : i32
      %dma_wait3A_761 = arith.constant 0 : i32
      %dma_wait3A_762 = tpu.memref_slice %arg9[%dma_wait3A_760, %dma_wait3A_761] : memref<10240x64xf32, #tpu.memory_space<vmem_shared>> -> memref<10240x64xf32, #tpu.memory_space<vmem_shared>>
      tpu.wait_indirect_dma semaphore(%arg38 : memref<!tpu.dma_semaphore, #tpu.memory_space<semaphore_mem>>) src(%arg14 : memref<80x64xf32, #tpu.memory_space<vmem>>) dst(%dma_wait3A_762 : memref<10240x64xf32, #tpu.memory_space<vmem_shared>>)
      %add3A_763 = arith.constant 9 : i32
      %add3A_764 = arith.addi %add3A_742, %add3A_763 : i32
      %dma_start3A_765 = arith.constant 0 : i32
      %dma_start3A_766 = tpu.memref_slice %arg7[%add3A_764, %dma_start3A_765] : memref<125x80xi32, #tpu.memory_space<vmem>> -> memref<1x80xi32, #tpu.memory_space<vmem>>
      %dma_start3A_767 = tpu.memref_squeeze %dma_start3A_766 : memref<1x80xi32, #tpu.memory_space<vmem>> -> memref<80xi32, #tpu.memory_space<vmem>>
      %dma_start3A_768 = arith.constant 0 : i32
      %dma_start3A_769 = arith.constant 0 : i32
      %dma_start3A_770 = tpu.memref_slice %arg4[%dma_start3A_768, %dma_start3A_769] : memref<10000x64xf32, #tpu.memory_space<hbm>> -> memref<10000x64xf32, #tpu.memory_space<hbm>>
      tpu.enqueue_indirect_dma source(%dma_start3A_770 : memref<10000x64xf32, #tpu.memory_space<hbm>>) target(%arg14 : memref<80x64xf32, #tpu.memory_space<vmem>>) offsets(%dma_start3A_767 : memref<80xi32, #tpu.memory_space<vmem>>) semaphore(%arg26 : memref<!tpu.dma_semaphore, #tpu.memory_space<semaphore_mem>>)
      %mul3A_771 = arith.constant 12 : i32
      %mul3A_772 = arith.muli %scan3A_515, %mul3A_771 : i32
      %add3A_773 = arith.constant 8 : i32
      %add3A_774 = arith.addi %mul3A_772, %add3A_773 : i32
      %dma_wait3A_775 = arith.constant 0 : i32
      %dma_wait3A_776 = tpu.memref_slice %arg7[%add3A_774, %dma_wait3A_775] : memref<125x80xi32, #tpu.memory_space<vmem>> -> memref<1x80xi32, #tpu.memory_space<vmem>>
      %dma_wait3A_777 = tpu.memref_squeeze %dma_wait3A_776 : memref<1x80xi32, #tpu.memory_space<vmem>> -> memref<80xi32, #tpu.memory_space<vmem>>
      %dma_wait3A_778 = arith.constant 0 : i32
      %dma_wait3A_779 = arith.constant 0 : i32
      %dma_wait3A_780 = tpu.memref_slice %arg4[%dma_wait3A_778, %dma_wait3A_779] : memref<10000x64xf32, #tpu.memory_space<hbm>> -> memref<10000x64xf32, #tpu.memory_space<hbm>>
      tpu.wait_indirect_dma semaphore(%arg30 : memref<!tpu.dma_semaphore, #tpu.memory_space<semaphore_mem>>) src(%dma_wait3A_780 : memref<10000x64xf32, #tpu.memory_space<hbm>>) dst(%arg18 : memref<80x64xf32, #tpu.memory_space<vmem>>)
      %dma_start3A_781 = arith.constant 0 : i32
      %dma_start3A_782 = tpu.memref_slice %arg8[%add3A_774, %dma_start3A_781] : memref<125x80xi32, #tpu.memory_space<vmem>> -> memref<1x80xi32, #tpu.memory_space<vmem>>
      %dma_start3A_783 = tpu.memref_squeeze %dma_start3A_782 : memref<1x80xi32, #tpu.memory_space<vmem>> -> memref<80xi32, #tpu.memory_space<vmem>>
      %dma_start3A_784 = arith.constant 0 : i32
      %dma_start3A_785 = arith.constant 0 : i32
      %dma_start3A_786 = tpu.memref_slice %arg9[%dma_start3A_784, %dma_start3A_785] : memref<10240x64xf32, #tpu.memory_space<vmem_shared>> -> memref<10240x64xf32, #tpu.memory_space<vmem_shared>>
      tpu.enqueue_indirect_dma source(%arg18 : memref<80x64xf32, #tpu.memory_space<vmem>>) target(%dma_start3A_786 : memref<10240x64xf32, #tpu.memory_space<vmem_shared>>) offsets(%dma_start3A_783 : memref<80xi32, #tpu.memory_space<vmem>>) semaphore(%arg42 : memref<!tpu.dma_semaphore, #tpu.memory_space<semaphore_mem>>) {add = true}
      %sub3A_787 = arith.constant 3 : i32
      %sub3A_788 = arith.subi %add3A_774, %sub3A_787 : i32
      %dma_wait3A_789 = arith.constant 0 : i32
      %dma_wait3A_790 = tpu.memref_slice %arg8[%sub3A_788, %dma_wait3A_789] : memref<125x80xi32, #tpu.memory_space<vmem>> -> memref<1x80xi32, #tpu.memory_space<vmem>>
      %dma_wait3A_791 = tpu.memref_squeeze %dma_wait3A_790 : memref<1x80xi32, #tpu.memory_space<vmem>> -> memref<80xi32, #tpu.memory_space<vmem>>
      %dma_wait3A_792 = arith.constant 0 : i32
      %dma_wait3A_793 = arith.constant 0 : i32
      %dma_wait3A_794 = tpu.memref_slice %arg9[%dma_wait3A_792, %dma_wait3A_793] : memref<10240x64xf32, #tpu.memory_space<vmem_shared>> -> memref<10240x64xf32, #tpu.memory_space<vmem_shared>>
      tpu.wait_indirect_dma semaphore(%arg39 : memref<!tpu.dma_semaphore, #tpu.memory_space<semaphore_mem>>) src(%arg15 : memref<80x64xf32, #tpu.memory_space<vmem>>) dst(%dma_wait3A_794 : memref<10240x64xf32, #tpu.memory_space<vmem_shared>>)
      %add3A_795 = arith.constant 9 : i32
      %add3A_796 = arith.addi %add3A_774, %add3A_795 : i32
      %dma_start3A_797 = arith.constant 0 : i32
      %dma_start3A_798 = tpu.memref_slice %arg7[%add3A_796, %dma_start3A_797] : memref<125x80xi32, #tpu.memory_space<vmem>> -> memref<1x80xi32, #tpu.memory_space<vmem>>
      %dma_start3A_799 = tpu.memref_squeeze %dma_start3A_798 : memref<1x80xi32, #tpu.memory_space<vmem>> -> memref<80xi32, #tpu.memory_space<vmem>>
      %dma_start3A_800 = arith.constant 0 : i32
      %dma_start3A_801 = arith.constant 0 : i32
      %dma_start3A_802 = tpu.memref_slice %arg4[%dma_start3A_800, %dma_start3A_801] : memref<10000x64xf32, #tpu.memory_space<hbm>> -> memref<10000x64xf32, #tpu.memory_space<hbm>>
      tpu.enqueue_indirect_dma source(%dma_start3A_802 : memref<10000x64xf32, #tpu.memory_space<hbm>>) target(%arg15 : memref<80x64xf32, #tpu.memory_space<vmem>>) offsets(%dma_start3A_799 : memref<80xi32, #tpu.memory_space<vmem>>) semaphore(%arg27 : memref<!tpu.dma_semaphore, #tpu.memory_space<semaphore_mem>>)
      %mul3A_803 = arith.constant 12 : i32
      %mul3A_804 = arith.muli %scan3A_515, %mul3A_803 : i32
      %add3A_805 = arith.constant 9 : i32
      %add3A_806 = arith.addi %mul3A_804, %add3A_805 : i32
      %dma_wait3A_807 = arith.constant 0 : i32
      %dma_wait3A_808 = tpu.memref_slice %arg7[%add3A_806, %dma_wait3A_807] : memref<125x80xi32, #tpu.memory_space<vmem>> -> memref<1x80xi32, #tpu.memory_space<vmem>>
      %dma_wait3A_809 = tpu.memref_squeeze %dma_wait3A_808 : memref<1x80xi32, #tpu.memory_space<vmem>> -> memref<80xi32, #tpu.memory_space<vmem>>
      %dma_wait3A_810 = arith.constant 0 : i32
      %dma_wait3A_811 = arith.constant 0 : i32
      %dma_wait3A_812 = tpu.memref_slice %arg4[%dma_wait3A_810, %dma_wait3A_811] : memref<10000x64xf32, #tpu.memory_space<hbm>> -> memref<10000x64xf32, #tpu.memory_space<hbm>>
      tpu.wait_indirect_dma semaphore(%arg31 : memref<!tpu.dma_semaphore, #tpu.memory_space<semaphore_mem>>) src(%dma_wait3A_812 : memref<10000x64xf32, #tpu.memory_space<hbm>>) dst(%arg19 : memref<80x64xf32, #tpu.memory_space<vmem>>)
      %dma_start3A_813 = arith.constant 0 : i32
      %dma_start3A_814 = tpu.memref_slice %arg8[%add3A_806, %dma_start3A_813] : memref<125x80xi32, #tpu.memory_space<vmem>> -> memref<1x80xi32, #tpu.memory_space<vmem>>
      %dma_start3A_815 = tpu.memref_squeeze %dma_start3A_814 : memref<1x80xi32, #tpu.memory_space<vmem>> -> memref<80xi32, #tpu.memory_space<vmem>>
      %dma_start3A_816 = arith.constant 0 : i32
      %dma_start3A_817 = arith.constant 0 : i32
      %dma_start3A_818 = tpu.memref_slice %arg9[%dma_start3A_816, %dma_start3A_817] : memref<10240x64xf32, #tpu.memory_space<vmem_shared>> -> memref<10240x64xf32, #tpu.memory_space<vmem_shared>>
      tpu.enqueue_indirect_dma source(%arg19 : memref<80x64xf32, #tpu.memory_space<vmem>>) target(%dma_start3A_818 : memref<10240x64xf32, #tpu.memory_space<vmem_shared>>) offsets(%dma_start3A_815 : memref<80xi32, #tpu.memory_space<vmem>>) semaphore(%arg43 : memref<!tpu.dma_semaphore, #tpu.memory_space<semaphore_mem>>) {add = true}
      %sub3A_819 = arith.constant 3 : i32
      %sub3A_820 = arith.subi %add3A_806, %sub3A_819 : i32
      %dma_wait3A_821 = arith.constant 0 : i32
      %dma_wait3A_822 = tpu.memref_slice %arg8[%sub3A_820, %dma_wait3A_821] : memref<125x80xi32, #tpu.memory_space<vmem>> -> memref<1x80xi32, #tpu.memory_space<vmem>>
      %dma_wait3A_823 = tpu.memref_squeeze %dma_wait3A_822 : memref<1x80xi32, #tpu.memory_space<vmem>> -> memref<80xi32, #tpu.memory_space<vmem>>
      %dma_wait3A_824 = arith.constant 0 : i32
      %dma_wait3A_825 = arith.constant 0 : i32
      %dma_wait3A_826 = tpu.memref_slice %arg9[%dma_wait3A_824, %dma_wait3A_825] : memref<10240x64xf32, #tpu.memory_space<vmem_shared>> -> memref<10240x64xf32, #tpu.memory_space<vmem_shared>>
      tpu.wait_indirect_dma semaphore(%arg40 : memref<!tpu.dma_semaphore, #tpu.memory_space<semaphore_mem>>) src(%arg16 : memref<80x64xf32, #tpu.memory_space<vmem>>) dst(%dma_wait3A_826 : memref<10240x64xf32, #tpu.memory_space<vmem_shared>>)
      %add3A_827 = arith.constant 9 : i32
      %add3A_828 = arith.addi %add3A_806, %add3A_827 : i32
      %dma_start3A_829 = arith.constant 0 : i32
      %dma_start3A_830 = tpu.memref_slice %arg7[%add3A_828, %dma_start3A_829] : memref<125x80xi32, #tpu.memory_space<vmem>> -> memref<1x80xi32, #tpu.memory_space<vmem>>
      %dma_start3A_831 = tpu.memref_squeeze %dma_start3A_830 : memref<1x80xi32, #tpu.memory_space<vmem>> -> memref<80xi32, #tpu.memory_space<vmem>>
      %dma_start3A_832 = arith.constant 0 : i32
      %dma_start3A_833 = arith.constant 0 : i32
      %dma_start3A_834 = tpu.memref_slice %arg4[%dma_start3A_832, %dma_start3A_833] : memref<10000x64xf32, #tpu.memory_space<hbm>> -> memref<10000x64xf32, #tpu.memory_space<hbm>>
      tpu.enqueue_indirect_dma source(%dma_start3A_834 : memref<10000x64xf32, #tpu.memory_space<hbm>>) target(%arg16 : memref<80x64xf32, #tpu.memory_space<vmem>>) offsets(%dma_start3A_831 : memref<80xi32, #tpu.memory_space<vmem>>) semaphore(%arg28 : memref<!tpu.dma_semaphore, #tpu.memory_space<semaphore_mem>>)
      %mul3A_835 = arith.constant 12 : i32
      %mul3A_836 = arith.muli %scan3A_515, %mul3A_835 : i32
      %add3A_837 = arith.constant 10 : i32
      %add3A_838 = arith.addi %mul3A_836, %add3A_837 : i32
      %dma_wait3A_839 = arith.constant 0 : i32
      %dma_wait3A_840 = tpu.memref_slice %arg7[%add3A_838, %dma_wait3A_839] : memref<125x80xi32, #tpu.memory_space<vmem>> -> memref<1x80xi32, #tpu.memory_space<vmem>>
      %dma_wait3A_841 = tpu.memref_squeeze %dma_wait3A_840 : memref<1x80xi32, #tpu.memory_space<vmem>> -> memref<80xi32, #tpu.memory_space<vmem>>
      %dma_wait3A_842 = arith.constant 0 : i32
      %dma_wait3A_843 = arith.constant 0 : i32
      %dma_wait3A_844 = tpu.memref_slice %arg4[%dma_wait3A_842, %dma_wait3A_843] : memref<10000x64xf32, #tpu.memory_space<hbm>> -> memref<10000x64xf32, #tpu.memory_space<hbm>>
      tpu.wait_indirect_dma semaphore(%arg32 : memref<!tpu.dma_semaphore, #tpu.memory_space<semaphore_mem>>) src(%dma_wait3A_844 : memref<10000x64xf32, #tpu.memory_space<hbm>>) dst(%arg20 : memref<80x64xf32, #tpu.memory_space<vmem>>)
      %dma_start3A_845 = arith.constant 0 : i32
      %dma_start3A_846 = tpu.memref_slice %arg8[%add3A_838, %dma_start3A_845] : memref<125x80xi32, #tpu.memory_space<vmem>> -> memref<1x80xi32, #tpu.memory_space<vmem>>
      %dma_start3A_847 = tpu.memref_squeeze %dma_start3A_846 : memref<1x80xi32, #tpu.memory_space<vmem>> -> memref<80xi32, #tpu.memory_space<vmem>>
      %dma_start3A_848 = arith.constant 0 : i32
      %dma_start3A_849 = arith.constant 0 : i32
      %dma_start3A_850 = tpu.memref_slice %arg9[%dma_start3A_848, %dma_start3A_849] : memref<10240x64xf32, #tpu.memory_space<vmem_shared>> -> memref<10240x64xf32, #tpu.memory_space<vmem_shared>>
      tpu.enqueue_indirect_dma source(%arg20 : memref<80x64xf32, #tpu.memory_space<vmem>>) target(%dma_start3A_850 : memref<10240x64xf32, #tpu.memory_space<vmem_shared>>) offsets(%dma_start3A_847 : memref<80xi32, #tpu.memory_space<vmem>>) semaphore(%arg44 : memref<!tpu.dma_semaphore, #tpu.memory_space<semaphore_mem>>) {add = true}
      %sub3A_851 = arith.constant 3 : i32
      %sub3A_852 = arith.subi %add3A_838, %sub3A_851 : i32
      %dma_wait3A_853 = arith.constant 0 : i32
      %dma_wait3A_854 = tpu.memref_slice %arg8[%sub3A_852, %dma_wait3A_853] : memref<125x80xi32, #tpu.memory_space<vmem>> -> memref<1x80xi32, #tpu.memory_space<vmem>>
      %dma_wait3A_855 = tpu.memref_squeeze %dma_wait3A_854 : memref<1x80xi32, #tpu.memory_space<vmem>> -> memref<80xi32, #tpu.memory_space<vmem>>
      %dma_wait3A_856 = arith.constant 0 : i32
      %dma_wait3A_857 = arith.constant 0 : i32
      %dma_wait3A_858 = tpu.memref_slice %arg9[%dma_wait3A_856, %dma_wait3A_857] : memref<10240x64xf32, #tpu.memory_space<vmem_shared>> -> memref<10240x64xf32, #tpu.memory_space<vmem_shared>>
      tpu.wait_indirect_dma semaphore(%arg41 : memref<!tpu.dma_semaphore, #tpu.memory_space<semaphore_mem>>) src(%arg17 : memref<80x64xf32, #tpu.memory_space<vmem>>) dst(%dma_wait3A_858 : memref<10240x64xf32, #tpu.memory_space<vmem_shared>>)
      %add3A_859 = arith.constant 9 : i32
      %add3A_860 = arith.addi %add3A_838, %add3A_859 : i32
      %dma_start3A_861 = arith.constant 0 : i32
      %dma_start3A_862 = tpu.memref_slice %arg7[%add3A_860, %dma_start3A_861] : memref<125x80xi32, #tpu.memory_space<vmem>> -> memref<1x80xi32, #tpu.memory_space<vmem>>
      %dma_start3A_863 = tpu.memref_squeeze %dma_start3A_862 : memref<1x80xi32, #tpu.memory_space<vmem>> -> memref<80xi32, #tpu.memory_space<vmem>>
      %dma_start3A_864 = arith.constant 0 : i32
      %dma_start3A_865 = arith.constant 0 : i32
      %dma_start3A_866 = tpu.memref_slice %arg4[%dma_start3A_864, %dma_start3A_865] : memref<10000x64xf32, #tpu.memory_space<hbm>> -> memref<10000x64xf32, #tpu.memory_space<hbm>>
      tpu.enqueue_indirect_dma source(%dma_start3A_866 : memref<10000x64xf32, #tpu.memory_space<hbm>>) target(%arg17 : memref<80x64xf32, #tpu.memory_space<vmem>>) offsets(%dma_start3A_863 : memref<80xi32, #tpu.memory_space<vmem>>) semaphore(%arg29 : memref<!tpu.dma_semaphore, #tpu.memory_space<semaphore_mem>>)
      %mul3A_867 = arith.constant 12 : i32
      %mul3A_868 = arith.muli %scan3A_515, %mul3A_867 : i32
      %add3A_869 = arith.constant 11 : i32
      %add3A_870 = arith.addi %mul3A_868, %add3A_869 : i32
      %dma_wait3A_871 = arith.constant 0 : i32
      %dma_wait3A_872 = tpu.memref_slice %arg7[%add3A_870, %dma_wait3A_871] : memref<125x80xi32, #tpu.memory_space<vmem>> -> memref<1x80xi32, #tpu.memory_space<vmem>>
      %dma_wait3A_873 = tpu.memref_squeeze %dma_wait3A_872 : memref<1x80xi32, #tpu.memory_space<vmem>> -> memref<80xi32, #tpu.memory_space<vmem>>
      %dma_wait3A_874 = arith.constant 0 : i32
      %dma_wait3A_875 = arith.constant 0 : i32
      %dma_wait3A_876 = tpu.memref_slice %arg4[%dma_wait3A_874, %dma_wait3A_875] : memref<10000x64xf32, #tpu.memory_space<hbm>> -> memref<10000x64xf32, #tpu.memory_space<hbm>>
      tpu.wait_indirect_dma semaphore(%arg33 : memref<!tpu.dma_semaphore, #tpu.memory_space<semaphore_mem>>) src(%dma_wait3A_876 : memref<10000x64xf32, #tpu.memory_space<hbm>>) dst(%arg21 : memref<80x64xf32, #tpu.memory_space<vmem>>)
      %dma_start3A_877 = arith.constant 0 : i32
      %dma_start3A_878 = tpu.memref_slice %arg8[%add3A_870, %dma_start3A_877] : memref<125x80xi32, #tpu.memory_space<vmem>> -> memref<1x80xi32, #tpu.memory_space<vmem>>
      %dma_start3A_879 = tpu.memref_squeeze %dma_start3A_878 : memref<1x80xi32, #tpu.memory_space<vmem>> -> memref<80xi32, #tpu.memory_space<vmem>>
      %dma_start3A_880 = arith.constant 0 : i32
      %dma_start3A_881 = arith.constant 0 : i32
      %dma_start3A_882 = tpu.memref_slice %arg9[%dma_start3A_880, %dma_start3A_881] : memref<10240x64xf32, #tpu.memory_space<vmem_shared>> -> memref<10240x64xf32, #tpu.memory_space<vmem_shared>>
      tpu.enqueue_indirect_dma source(%arg21 : memref<80x64xf32, #tpu.memory_space<vmem>>) target(%dma_start3A_882 : memref<10240x64xf32, #tpu.memory_space<vmem_shared>>) offsets(%dma_start3A_879 : memref<80xi32, #tpu.memory_space<vmem>>) semaphore(%arg45 : memref<!tpu.dma_semaphore, #tpu.memory_space<semaphore_mem>>) {add = true}
      %sub3A_883 = arith.constant 3 : i32
      %sub3A_884 = arith.subi %add3A_870, %sub3A_883 : i32
      %dma_wait3A_885 = arith.constant 0 : i32
      %dma_wait3A_886 = tpu.memref_slice %arg8[%sub3A_884, %dma_wait3A_885] : memref<125x80xi32, #tpu.memory_space<vmem>> -> memref<1x80xi32, #tpu.memory_space<vmem>>
      %dma_wait3A_887 = tpu.memref_squeeze %dma_wait3A_886 : memref<1x80xi32, #tpu.memory_space<vmem>> -> memref<80xi32, #tpu.memory_space<vmem>>
      %dma_wait3A_888 = arith.constant 0 : i32
      %dma_wait3A_889 = arith.constant 0 : i32
      %dma_wait3A_890 = tpu.memref_slice %arg9[%dma_wait3A_888, %dma_wait3A_889] : memref<10240x64xf32, #tpu.memory_space<vmem_shared>> -> memref<10240x64xf32, #tpu.memory_space<vmem_shared>>
      tpu.wait_indirect_dma semaphore(%arg42 : memref<!tpu.dma_semaphore, #tpu.memory_space<semaphore_mem>>) src(%arg18 : memref<80x64xf32, #tpu.memory_space<vmem>>) dst(%dma_wait3A_890 : memref<10240x64xf32, #tpu.memory_space<vmem_shared>>)
      %add3A_891 = arith.constant 9 : i32
      %add3A_892 = arith.addi %add3A_870, %add3A_891 : i32
      %dma_start3A_893 = arith.constant 0 : i32
      %dma_start3A_894 = tpu.memref_slice %arg7[%add3A_892, %dma_start3A_893] : memref<125x80xi32, #tpu.memory_space<vmem>> -> memref<1x80xi32, #tpu.memory_space<vmem>>
      %dma_start3A_895 = tpu.memref_squeeze %dma_start3A_894 : memref<1x80xi32, #tpu.memory_space<vmem>> -> memref<80xi32, #tpu.memory_space<vmem>>
      %dma_start3A_896 = arith.constant 0 : i32
      %dma_start3A_897 = arith.constant 0 : i32
      %dma_start3A_898 = tpu.memref_slice %arg4[%dma_start3A_896, %dma_start3A_897] : memref<10000x64xf32, #tpu.memory_space<hbm>> -> memref<10000x64xf32, #tpu.memory_space<hbm>>
      tpu.enqueue_indirect_dma source(%dma_start3A_898 : memref<10000x64xf32, #tpu.memory_space<hbm>>) target(%arg18 : memref<80x64xf32, #tpu.memory_space<vmem>>) offsets(%dma_start3A_895 : memref<80xi32, #tpu.memory_space<vmem>>) semaphore(%arg30 : memref<!tpu.dma_semaphore, #tpu.memory_space<semaphore_mem>>)
    }
    %scan3A_383 = arith.constant 9 : i32
    %dma_wait3A_384 = arith.constant 120 : i32
    %dma_wait3A_385 = arith.constant 0 : i32
    %dma_wait3A_386 = tpu.memref_slice %arg7[%dma_wait3A_384, %dma_wait3A_385] : memref<125x80xi32, #tpu.memory_space<vmem>> -> memref<1x80xi32, #tpu.memory_space<vmem>>
    %dma_wait3A_387 = tpu.memref_squeeze %dma_wait3A_386 : memref<1x80xi32, #tpu.memory_space<vmem>> -> memref<80xi32, #tpu.memory_space<vmem>>
    %dma_wait3A_388 = arith.constant 0 : i32
    %dma_wait3A_389 = arith.constant 0 : i32
    %dma_wait3A_390 = tpu.memref_slice %arg4[%dma_wait3A_388, %dma_wait3A_389] : memref<10000x64xf32, #tpu.memory_space<hbm>> -> memref<10000x64xf32, #tpu.memory_space<hbm>>
    tpu.wait_indirect_dma semaphore(%arg22 : memref<!tpu.dma_semaphore, #tpu.memory_space<semaphore_mem>>) src(%dma_wait3A_390 : memref<10000x64xf32, #tpu.memory_space<hbm>>) dst(%arg10 : memref<80x64xf32, #tpu.memory_space<vmem>>)
    %dma_start3A_391 = arith.constant 120 : i32
    %dma_start3A_392 = arith.constant 0 : i32
    %dma_start3A_393 = tpu.memref_slice %arg8[%dma_start3A_391, %dma_start3A_392] : memref<125x80xi32, #tpu.memory_space<vmem>> -> memref<1x80xi32, #tpu.memory_space<vmem>>
    %dma_start3A_394 = tpu.memref_squeeze %dma_start3A_393 : memref<1x80xi32, #tpu.memory_space<vmem>> -> memref<80xi32, #tpu.memory_space<vmem>>
    %dma_start3A_395 = arith.constant 0 : i32
    %dma_start3A_396 = arith.constant 0 : i32
    %dma_start3A_397 = tpu.memref_slice %arg9[%dma_start3A_395, %dma_start3A_396] : memref<10240x64xf32, #tpu.memory_space<vmem_shared>> -> memref<10240x64xf32, #tpu.memory_space<vmem_shared>>
    tpu.enqueue_indirect_dma source(%arg10 : memref<80x64xf32, #tpu.memory_space<vmem>>) target(%dma_start3A_397 : memref<10240x64xf32, #tpu.memory_space<vmem_shared>>) offsets(%dma_start3A_394 : memref<80xi32, #tpu.memory_space<vmem>>) semaphore(%arg34 : memref<!tpu.dma_semaphore, #tpu.memory_space<semaphore_mem>>) {add = true}
    %dma_wait3A_398 = arith.constant 117 : i32
    %dma_wait3A_399 = arith.constant 0 : i32
    %dma_wait3A_400 = tpu.memref_slice %arg8[%dma_wait3A_398, %dma_wait3A_399] : memref<125x80xi32, #tpu.memory_space<vmem>> -> memref<1x80xi32, #tpu.memory_space<vmem>>
    %dma_wait3A_401 = tpu.memref_squeeze %dma_wait3A_400 : memref<1x80xi32, #tpu.memory_space<vmem>> -> memref<80xi32, #tpu.memory_space<vmem>>
    %dma_wait3A_402 = arith.constant 0 : i32
    %dma_wait3A_403 = arith.constant 0 : i32
    %dma_wait3A_404 = tpu.memref_slice %arg9[%dma_wait3A_402, %dma_wait3A_403] : memref<10240x64xf32, #tpu.memory_space<vmem_shared>> -> memref<10240x64xf32, #tpu.memory_space<vmem_shared>>
    tpu.wait_indirect_dma semaphore(%arg43 : memref<!tpu.dma_semaphore, #tpu.memory_space<semaphore_mem>>) src(%arg19 : memref<80x64xf32, #tpu.memory_space<vmem>>) dst(%dma_wait3A_404 : memref<10240x64xf32, #tpu.memory_space<vmem_shared>>)
    %dma_wait3A_405 = arith.constant 121 : i32
    %dma_wait3A_406 = arith.constant 0 : i32
    %dma_wait3A_407 = tpu.memref_slice %arg7[%dma_wait3A_405, %dma_wait3A_406] : memref<125x80xi32, #tpu.memory_space<vmem>> -> memref<1x80xi32, #tpu.memory_space<vmem>>
    %dma_wait3A_408 = tpu.memref_squeeze %dma_wait3A_407 : memref<1x80xi32, #tpu.memory_space<vmem>> -> memref<80xi32, #tpu.memory_space<vmem>>
    %dma_wait3A_409 = arith.constant 0 : i32
    %dma_wait3A_410 = arith.constant 0 : i32
    %dma_wait3A_411 = tpu.memref_slice %arg4[%dma_wait3A_409, %dma_wait3A_410] : memref<10000x64xf32, #tpu.memory_space<hbm>> -> memref<10000x64xf32, #tpu.memory_space<hbm>>
    tpu.wait_indirect_dma semaphore(%arg23 : memref<!tpu.dma_semaphore, #tpu.memory_space<semaphore_mem>>) src(%dma_wait3A_411 : memref<10000x64xf32, #tpu.memory_space<hbm>>) dst(%arg11 : memref<80x64xf32, #tpu.memory_space<vmem>>)
    %dma_start3A_412 = arith.constant 121 : i32
    %dma_start3A_413 = arith.constant 0 : i32
    %dma_start3A_414 = tpu.memref_slice %arg8[%dma_start3A_412, %dma_start3A_413] : memref<125x80xi32, #tpu.memory_space<vmem>> -> memref<1x80xi32, #tpu.memory_space<vmem>>
    %dma_start3A_415 = tpu.memref_squeeze %dma_start3A_414 : memref<1x80xi32, #tpu.memory_space<vmem>> -> memref<80xi32, #tpu.memory_space<vmem>>
    %dma_start3A_416 = arith.constant 0 : i32
    %dma_start3A_417 = arith.constant 0 : i32
    %dma_start3A_418 = tpu.memref_slice %arg9[%dma_start3A_416, %dma_start3A_417] : memref<10240x64xf32, #tpu.memory_space<vmem_shared>> -> memref<10240x64xf32, #tpu.memory_space<vmem_shared>>
    tpu.enqueue_indirect_dma source(%arg11 : memref<80x64xf32, #tpu.memory_space<vmem>>) target(%dma_start3A_418 : memref<10240x64xf32, #tpu.memory_space<vmem_shared>>) offsets(%dma_start3A_415 : memref<80xi32, #tpu.memory_space<vmem>>) semaphore(%arg35 : memref<!tpu.dma_semaphore, #tpu.memory_space<semaphore_mem>>) {add = true}
    %dma_wait3A_419 = arith.constant 118 : i32
    %dma_wait3A_420 = arith.constant 0 : i32
    %dma_wait3A_421 = tpu.memref_slice %arg8[%dma_wait3A_419, %dma_wait3A_420] : memref<125x80xi32, #tpu.memory_space<vmem>> -> memref<1x80xi32, #tpu.memory_space<vmem>>
    %dma_wait3A_422 = tpu.memref_squeeze %dma_wait3A_421 : memref<1x80xi32, #tpu.memory_space<vmem>> -> memref<80xi32, #tpu.memory_space<vmem>>
    %dma_wait3A_423 = arith.constant 0 : i32
    %dma_wait3A_424 = arith.constant 0 : i32
    %dma_wait3A_425 = tpu.memref_slice %arg9[%dma_wait3A_423, %dma_wait3A_424] : memref<10240x64xf32, #tpu.memory_space<vmem_shared>> -> memref<10240x64xf32, #tpu.memory_space<vmem_shared>>
    tpu.wait_indirect_dma semaphore(%arg44 : memref<!tpu.dma_semaphore, #tpu.memory_space<semaphore_mem>>) src(%arg20 : memref<80x64xf32, #tpu.memory_space<vmem>>) dst(%dma_wait3A_425 : memref<10240x64xf32, #tpu.memory_space<vmem_shared>>)
    %dma_wait3A_426 = arith.constant 122 : i32
    %dma_wait3A_427 = arith.constant 0 : i32
    %dma_wait3A_428 = tpu.memref_slice %arg7[%dma_wait3A_426, %dma_wait3A_427] : memref<125x80xi32, #tpu.memory_space<vmem>> -> memref<1x80xi32, #tpu.memory_space<vmem>>
    %dma_wait3A_429 = tpu.memref_squeeze %dma_wait3A_428 : memref<1x80xi32, #tpu.memory_space<vmem>> -> memref<80xi32, #tpu.memory_space<vmem>>
    %dma_wait3A_430 = arith.constant 0 : i32
    %dma_wait3A_431 = arith.constant 0 : i32
    %dma_wait3A_432 = tpu.memref_slice %arg4[%dma_wait3A_430, %dma_wait3A_431] : memref<10000x64xf32, #tpu.memory_space<hbm>> -> memref<10000x64xf32, #tpu.memory_space<hbm>>
    tpu.wait_indirect_dma semaphore(%arg24 : memref<!tpu.dma_semaphore, #tpu.memory_space<semaphore_mem>>) src(%dma_wait3A_432 : memref<10000x64xf32, #tpu.memory_space<hbm>>) dst(%arg12 : memref<80x64xf32, #tpu.memory_space<vmem>>)
    %dma_start3A_433 = arith.constant 122 : i32
    %dma_start3A_434 = arith.constant 0 : i32
    %dma_start3A_435 = tpu.memref_slice %arg8[%dma_start3A_433, %dma_start3A_434] : memref<125x80xi32, #tpu.memory_space<vmem>> -> memref<1x80xi32, #tpu.memory_space<vmem>>
    %dma_start3A_436 = tpu.memref_squeeze %dma_start3A_435 : memref<1x80xi32, #tpu.memory_space<vmem>> -> memref<80xi32, #tpu.memory_space<vmem>>
    %dma_start3A_437 = arith.constant 0 : i32
    %dma_start3A_438 = arith.constant 0 : i32
    %dma_start3A_439 = tpu.memref_slice %arg9[%dma_start3A_437, %dma_start3A_438] : memref<10240x64xf32, #tpu.memory_space<vmem_shared>> -> memref<10240x64xf32, #tpu.memory_space<vmem_shared>>
    tpu.enqueue_indirect_dma source(%arg12 : memref<80x64xf32, #tpu.memory_space<vmem>>) target(%dma_start3A_439 : memref<10240x64xf32, #tpu.memory_space<vmem_shared>>) offsets(%dma_start3A_436 : memref<80xi32, #tpu.memory_space<vmem>>) semaphore(%arg36 : memref<!tpu.dma_semaphore, #tpu.memory_space<semaphore_mem>>) {add = true}
    %dma_wait3A_440 = arith.constant 119 : i32
    %dma_wait3A_441 = arith.constant 0 : i32
    %dma_wait3A_442 = tpu.memref_slice %arg8[%dma_wait3A_440, %dma_wait3A_441] : memref<125x80xi32, #tpu.memory_space<vmem>> -> memref<1x80xi32, #tpu.memory_space<vmem>>
    %dma_wait3A_443 = tpu.memref_squeeze %dma_wait3A_442 : memref<1x80xi32, #tpu.memory_space<vmem>> -> memref<80xi32, #tpu.memory_space<vmem>>
    %dma_wait3A_444 = arith.constant 0 : i32
    %dma_wait3A_445 = arith.constant 0 : i32
    %dma_wait3A_446 = tpu.memref_slice %arg9[%dma_wait3A_444, %dma_wait3A_445] : memref<10240x64xf32, #tpu.memory_space<vmem_shared>> -> memref<10240x64xf32, #tpu.memory_space<vmem_shared>>
    tpu.wait_indirect_dma semaphore(%arg45 : memref<!tpu.dma_semaphore, #tpu.memory_space<semaphore_mem>>) src(%arg21 : memref<80x64xf32, #tpu.memory_space<vmem>>) dst(%dma_wait3A_446 : memref<10240x64xf32, #tpu.memory_space<vmem_shared>>)
    %dma_wait3A_447 = arith.constant 123 : i32
    %dma_wait3A_448 = arith.constant 0 : i32
    %dma_wait3A_449 = tpu.memref_slice %arg7[%dma_wait3A_447, %dma_wait3A_448] : memref<125x80xi32, #tpu.memory_space<vmem>> -> memref<1x80xi32, #tpu.memory_space<vmem>>
    %dma_wait3A_450 = tpu.memref_squeeze %dma_wait3A_449 : memref<1x80xi32, #tpu.memory_space<vmem>> -> memref<80xi32, #tpu.memory_space<vmem>>
    %dma_wait3A_451 = arith.constant 0 : i32
    %dma_wait3A_452 = arith.constant 0 : i32
    %dma_wait3A_453 = tpu.memref_slice %arg4[%dma_wait3A_451, %dma_wait3A_452] : memref<10000x64xf32, #tpu.memory_space<hbm>> -> memref<10000x64xf32, #tpu.memory_space<hbm>>
    tpu.wait_indirect_dma semaphore(%arg25 : memref<!tpu.dma_semaphore, #tpu.memory_space<semaphore_mem>>) src(%dma_wait3A_453 : memref<10000x64xf32, #tpu.memory_space<hbm>>) dst(%arg13 : memref<80x64xf32, #tpu.memory_space<vmem>>)
    %dma_start3A_454 = arith.constant 123 : i32
    %dma_start3A_455 = arith.constant 0 : i32
    %dma_start3A_456 = tpu.memref_slice %arg8[%dma_start3A_454, %dma_start3A_455] : memref<125x80xi32, #tpu.memory_space<vmem>> -> memref<1x80xi32, #tpu.memory_space<vmem>>
    %dma_start3A_457 = tpu.memref_squeeze %dma_start3A_456 : memref<1x80xi32, #tpu.memory_space<vmem>> -> memref<80xi32, #tpu.memory_space<vmem>>
    %dma_start3A_458 = arith.constant 0 : i32
    %dma_start3A_459 = arith.constant 0 : i32
    %dma_start3A_460 = tpu.memref_slice %arg9[%dma_start3A_458, %dma_start3A_459] : memref<10240x64xf32, #tpu.memory_space<vmem_shared>> -> memref<10240x64xf32, #tpu.memory_space<vmem_shared>>
    tpu.enqueue_indirect_dma source(%arg13 : memref<80x64xf32, #tpu.memory_space<vmem>>) target(%dma_start3A_460 : memref<10240x64xf32, #tpu.memory_space<vmem_shared>>) offsets(%dma_start3A_457 : memref<80xi32, #tpu.memory_space<vmem>>) semaphore(%arg37 : memref<!tpu.dma_semaphore, #tpu.memory_space<semaphore_mem>>) {add = true}
    %dma_wait3A_461 = arith.constant 120 : i32
    %dma_wait3A_462 = arith.constant 0 : i32
    %dma_wait3A_463 = tpu.memref_slice %arg8[%dma_wait3A_461, %dma_wait3A_462] : memref<125x80xi32, #tpu.memory_space<vmem>> -> memref<1x80xi32, #tpu.memory_space<vmem>>
    %dma_wait3A_464 = tpu.memref_squeeze %dma_wait3A_463 : memref<1x80xi32, #tpu.memory_space<vmem>> -> memref<80xi32, #tpu.memory_space<vmem>>
    %dma_wait3A_465 = arith.constant 0 : i32
    %dma_wait3A_466 = arith.constant 0 : i32
    %dma_wait3A_467 = tpu.memref_slice %arg9[%dma_wait3A_465, %dma_wait3A_466] : memref<10240x64xf32, #tpu.memory_space<vmem_shared>> -> memref<10240x64xf32, #tpu.memory_space<vmem_shared>>
    tpu.wait_indirect_dma semaphore(%arg34 : memref<!tpu.dma_semaphore, #tpu.memory_space<semaphore_mem>>) src(%arg10 : memref<80x64xf32, #tpu.memory_space<vmem>>) dst(%dma_wait3A_467 : memref<10240x64xf32, #tpu.memory_space<vmem_shared>>)
    %dma_wait3A_468 = arith.constant 124 : i32
    %dma_wait3A_469 = arith.constant 0 : i32
    %dma_wait3A_470 = tpu.memref_slice %arg7[%dma_wait3A_468, %dma_wait3A_469] : memref<125x80xi32, #tpu.memory_space<vmem>> -> memref<1x80xi32, #tpu.memory_space<vmem>>
    %dma_wait3A_471 = tpu.memref_squeeze %dma_wait3A_470 : memref<1x80xi32, #tpu.memory_space<vmem>> -> memref<80xi32, #tpu.memory_space<vmem>>
    %dma_wait3A_472 = arith.constant 0 : i32
    %dma_wait3A_473 = arith.constant 0 : i32
    %dma_wait3A_474 = tpu.memref_slice %arg4[%dma_wait3A_472, %dma_wait3A_473] : memref<10000x64xf32, #tpu.memory_space<hbm>> -> memref<10000x64xf32, #tpu.memory_space<hbm>>
    tpu.wait_indirect_dma semaphore(%arg26 : memref<!tpu.dma_semaphore, #tpu.memory_space<semaphore_mem>>) src(%dma_wait3A_474 : memref<10000x64xf32, #tpu.memory_space<hbm>>) dst(%arg14 : memref<80x64xf32, #tpu.memory_space<vmem>>)
    %dma_start3A_475 = arith.constant 124 : i32
    %dma_start3A_476 = arith.constant 0 : i32
    %dma_start3A_477 = tpu.memref_slice %arg8[%dma_start3A_475, %dma_start3A_476] : memref<125x80xi32, #tpu.memory_space<vmem>> -> memref<1x80xi32, #tpu.memory_space<vmem>>
    %dma_start3A_478 = tpu.memref_squeeze %dma_start3A_477 : memref<1x80xi32, #tpu.memory_space<vmem>> -> memref<80xi32, #tpu.memory_space<vmem>>
    %dma_start3A_479 = arith.constant 0 : i32
    %dma_start3A_480 = arith.constant 0 : i32
    %dma_start3A_481 = tpu.memref_slice %arg9[%dma_start3A_479, %dma_start3A_480] : memref<10240x64xf32, #tpu.memory_space<vmem_shared>> -> memref<10240x64xf32, #tpu.memory_space<vmem_shared>>
    tpu.enqueue_indirect_dma source(%arg14 : memref<80x64xf32, #tpu.memory_space<vmem>>) target(%dma_start3A_481 : memref<10240x64xf32, #tpu.memory_space<vmem_shared>>) offsets(%dma_start3A_478 : memref<80xi32, #tpu.memory_space<vmem>>) semaphore(%arg38 : memref<!tpu.dma_semaphore, #tpu.memory_space<semaphore_mem>>) {add = true}
    %dma_wait3A_482 = arith.constant 121 : i32
    %dma_wait3A_483 = arith.constant 0 : i32
    %dma_wait3A_484 = tpu.memref_slice %arg8[%dma_wait3A_482, %dma_wait3A_483] : memref<125x80xi32, #tpu.memory_space<vmem>> -> memref<1x80xi32, #tpu.memory_space<vmem>>
    %dma_wait3A_485 = tpu.memref_squeeze %dma_wait3A_484 : memref<1x80xi32, #tpu.memory_space<vmem>> -> memref<80xi32, #tpu.memory_space<vmem>>
    %dma_wait3A_486 = arith.constant 0 : i32
    %dma_wait3A_487 = arith.constant 0 : i32
    %dma_wait3A_488 = tpu.memref_slice %arg9[%dma_wait3A_486, %dma_wait3A_487] : memref<10240x64xf32, #tpu.memory_space<vmem_shared>> -> memref<10240x64xf32, #tpu.memory_space<vmem_shared>>
    tpu.wait_indirect_dma semaphore(%arg35 : memref<!tpu.dma_semaphore, #tpu.memory_space<semaphore_mem>>) src(%arg11 : memref<80x64xf32, #tpu.memory_space<vmem>>) dst(%dma_wait3A_488 : memref<10240x64xf32, #tpu.memory_space<vmem_shared>>)
    %dma_wait3A_489 = arith.constant 122 : i32
    %dma_wait3A_490 = arith.constant 0 : i32
    %dma_wait3A_491 = tpu.memref_slice %arg8[%dma_wait3A_489, %dma_wait3A_490] : memref<125x80xi32, #tpu.memory_space<vmem>> -> memref<1x80xi32, #tpu.memory_space<vmem>>
    %dma_wait3A_492 = tpu.memref_squeeze %dma_wait3A_491 : memref<1x80xi32, #tpu.memory_space<vmem>> -> memref<80xi32, #tpu.memory_space<vmem>>
    %dma_wait3A_493 = arith.constant 0 : i32
    %dma_wait3A_494 = arith.constant 0 : i32
    %dma_wait3A_495 = tpu.memref_slice %arg9[%dma_wait3A_493, %dma_wait3A_494] : memref<10240x64xf32, #tpu.memory_space<vmem_shared>> -> memref<10240x64xf32, #tpu.memory_space<vmem_shared>>
    tpu.wait_indirect_dma semaphore(%arg36 : memref<!tpu.dma_semaphore, #tpu.memory_space<semaphore_mem>>) src(%arg12 : memref<80x64xf32, #tpu.memory_space<vmem>>) dst(%dma_wait3A_495 : memref<10240x64xf32, #tpu.memory_space<vmem_shared>>)
    %dma_wait3A_496 = arith.constant 123 : i32
    %dma_wait3A_497 = arith.constant 0 : i32
    %dma_wait3A_498 = tpu.memref_slice %arg8[%dma_wait3A_496, %dma_wait3A_497] : memref<125x80xi32, #tpu.memory_space<vmem>> -> memref<1x80xi32, #tpu.memory_space<vmem>>
    %dma_wait3A_499 = tpu.memref_squeeze %dma_wait3A_498 : memref<1x80xi32, #tpu.memory_space<vmem>> -> memref<80xi32, #tpu.memory_space<vmem>>
    %dma_wait3A_500 = arith.constant 0 : i32
    %dma_wait3A_501 = arith.constant 0 : i32
    %dma_wait3A_502 = tpu.memref_slice %arg9[%dma_wait3A_500, %dma_wait3A_501] : memref<10240x64xf32, #tpu.memory_space<vmem_shared>> -> memref<10240x64xf32, #tpu.memory_space<vmem_shared>>
    tpu.wait_indirect_dma semaphore(%arg37 : memref<!tpu.dma_semaphore, #tpu.memory_space<semaphore_mem>>) src(%arg13 : memref<80x64xf32, #tpu.memory_space<vmem>>) dst(%dma_wait3A_502 : memref<10240x64xf32, #tpu.memory_space<vmem_shared>>)
    %dma_wait3A_503 = arith.constant 124 : i32
    %dma_wait3A_504 = arith.constant 0 : i32
    %dma_wait3A_505 = tpu.memref_slice %arg8[%dma_wait3A_503, %dma_wait3A_504] : memref<125x80xi32, #tpu.memory_space<vmem>> -> memref<1x80xi32, #tpu.memory_space<vmem>>
    %dma_wait3A_506 = tpu.memref_squeeze %dma_wait3A_505 : memref<1x80xi32, #tpu.memory_space<vmem>> -> memref<80xi32, #tpu.memory_space<vmem>>
    %dma_wait3A_507 = arith.constant 0 : i32
    %dma_wait3A_508 = arith.constant 0 : i32
    %dma_wait3A_509 = tpu.memref_slice %arg9[%dma_wait3A_507, %dma_wait3A_508] : memref<10240x64xf32, #tpu.memory_space<vmem_shared>> -> memref<10240x64xf32, #tpu.memory_space<vmem_shared>>
    tpu.wait_indirect_dma semaphore(%arg38 : memref<!tpu.dma_semaphore, #tpu.memory_space<semaphore_mem>>) src(%arg14 : memref<80x64xf32, #tpu.memory_space<vmem>>) dst(%dma_wait3A_509 : memref<10240x64xf32, #tpu.memory_space<vmem_shared>>)
    %barrier3A_510 = arith.constant 0 : index
    tpu.barrier barrier_id(%barrier3A_510)
    %mul3A_511 = arith.constant 640 : i32
    %mul3A_512 = arith.muli %arg1, %mul3A_511 : i32
    %mul3A_513 = arith.constant 640 : i32
    %mul3A_514 = arith.muli %arg1, %mul3A_513 : i32
    "tpu.region"() ({
      %run_scoped3A = tpu.sem_alloc : memref<!tpu.dma_semaphore, #tpu.memory_space<semaphore_mem>>
      %dma_start3A_515 = arith.constant 0 : i32
      %dma_start3A_516 = tpu.memref_slice %arg6[%arg0, %mul3A_514, %dma_start3A_515] : memref<2x10240x64xf32, #tpu.memory_space<hbm>> -> memref<1x640x64xf32, #tpu.memory_space<hbm>>
      %dma_start3A_517 = tpu.memref_squeeze %dma_start3A_516 : memref<1x640x64xf32, #tpu.memory_space<hbm>> -> memref<640x64xf32, #tpu.memory_space<hbm>>
      %dma_start3A_518 = arith.constant 0 : i32
      %dma_start3A_519 = tpu.memref_slice %arg9[%mul3A_512, %dma_start3A_518] : memref<10240x64xf32, #tpu.memory_space<vmem_shared>> -> memref<640x64xf32, #tpu.memory_space<vmem_shared>>
      tpu.enqueue_dma source(%dma_start3A_519 : memref<640x64xf32, #tpu.memory_space<vmem_shared>>) target(%dma_start3A_517 : memref<640x64xf32, #tpu.memory_space<hbm>>) target_semaphore(%run_scoped3A : memref<!tpu.dma_semaphore, #tpu.memory_space<semaphore_mem>>)
      %dma_wait3A_520 = arith.constant 0 : i32
      %dma_wait3A_521 = tpu.memref_slice %arg6[%arg0, %mul3A_514, %dma_wait3A_520] : memref<2x10240x64xf32, #tpu.memory_space<hbm>> -> memref<1x640x64xf32, #tpu.memory_space<hbm>>
      %dma_wait3A_522 = tpu.memref_squeeze %dma_wait3A_521 : memref<1x640x64xf32, #tpu.memory_space<hbm>> -> memref<640x64xf32, #tpu.memory_space<hbm>>
      %dma_wait3A_523 = arith.constant 0 : i32
      %dma_wait3A_524 = tpu.memref_slice %arg9[%mul3A_512, %dma_wait3A_523] : memref<10240x64xf32, #tpu.memory_space<vmem_shared>> -> memref<640x64xf32, #tpu.memory_space<vmem_shared>>
      tpu.wait_dma2 semaphore(%run_scoped3A : memref<!tpu.dma_semaphore, #tpu.memory_space<semaphore_mem>>) src(%dma_wait3A_524 : memref<640x64xf32, #tpu.memory_space<vmem_shared>>) dst(%dma_wait3A_522 : memref<640x64xf32, #tpu.memory_space<hbm>>)
      tpu.yield
    }) : () -> ()
    return
  }
}

#map = affine_map<(d0, d1) -> (0, 0, 0)>
#map1 = affine_map<(d0, d1) -> (0, 0)>
module attributes {stable_mosaic.version = 14 : i64} {
  func.func @_gs_body(%arg0: i32, %arg1: i32, %arg2: memref<32x125x80xi32, #tpu.memory_space<hbm>>, %arg3: memref<32x125x80xi32, #tpu.memory_space<hbm>>, %arg4: memref<10000x64xf32, #tpu.memory_space<hbm>>, %arg5: memref<640x64xf32, #tpu.memory_space<hbm>>, %arg6: memref<2x10240x64xf32, #tpu.memory_space<hbm>>, %arg7: memref<125x80xi32, #tpu.memory_space<vmem>>, %arg8: memref<125x80xi32, #tpu.memory_space<vmem>>, %arg9: memref<10240x64xf32, #tpu.memory_space<vmem_shared>>, %arg10: memref<80x64xf32, #tpu.memory_space<vmem>>, %arg11: memref<80x64xf32, #tpu.memory_space<vmem>>, %arg12: memref<80x64xf32, #tpu.memory_space<vmem>>, %arg13: memref<80x64xf32, #tpu.memory_space<vmem>>, %arg14: memref<80x64xf32, #tpu.memory_space<vmem>>, %arg15: memref<80x64xf32, #tpu.memory_space<vmem>>, %arg16: memref<80x64xf32, #tpu.memory_space<vmem>>, %arg17: memref<80x64xf32, #tpu.memory_space<vmem>>, %arg18: memref<80x64xf32, #tpu.memory_space<vmem>>, %arg19: memref<80x64xf32, #tpu.memory_space<vmem>>, %arg20: memref<80x64xf32, #tpu.memory_space<vmem>>, %arg21: memref<80x64xf32, #tpu.memory_space<vmem>>, %arg22: memref<!tpu.dma_semaphore, #tpu.memory_space<semaphore_mem>>, %arg23: memref<!tpu.dma_semaphore, #tpu.memory_space<semaphore_mem>>, %arg24: memref<!tpu.dma_semaphore, #tpu.memory_space<semaphore_mem>>, %arg25: memref<!tpu.dma_semaphore, #tpu.memory_space<semaphore_mem>>, %arg26: memref<!tpu.dma_semaphore, #tpu.memory_space<semaphore_mem>>, %arg27: memref<!tpu.dma_semaphore, #tpu.memory_space<semaphore_mem>>, %arg28: memref<!tpu.dma_semaphore, #tpu.memory_space<semaphore_mem>>, %arg29: memref<!tpu.dma_semaphore, #tpu.memory_space<semaphore_mem>>, %arg30: memref<!tpu.dma_semaphore, #tpu.memory_space<semaphore_mem>>, %arg31: memref<!tpu.dma_semaphore, #tpu.memory_space<semaphore_mem>>, %arg32: memref<!tpu.dma_semaphore, #tpu.memory_space<semaphore_mem>>, %arg33: memref<!tpu.dma_semaphore, #tpu.memory_space<semaphore_mem>>, %arg34: memref<!tpu.dma_semaphore, #tpu.memory_space<semaphore_mem>>, %arg35: memref<!tpu.dma_semaphore, #tpu.memory_space<semaphore_mem>>, %arg36: memref<!tpu.dma_semaphore, #tpu.memory_space<semaphore_mem>>, %arg37: memref<!tpu.dma_semaphore, #tpu.memory_space<semaphore_mem>>, %arg38: memref<!tpu.dma_semaphore, #tpu.memory_space<semaphore_mem>>, %arg39: memref<!tpu.dma_semaphore, #tpu.memory_space<semaphore_mem>>, %arg40: memref<!tpu.dma_semaphore, #tpu.memory_space<semaphore_mem>>, %arg41: memref<!tpu.dma_semaphore, #tpu.memory_space<semaphore_mem>>, %arg42: memref<!tpu.dma_semaphore, #tpu.memory_space<semaphore_mem>>, %arg43: memref<!tpu.dma_semaphore, #tpu.memory_space<semaphore_mem>>, %arg44: memref<!tpu.dma_semaphore, #tpu.memory_space<semaphore_mem>>, %arg45: memref<!tpu.dma_semaphore, #tpu.memory_space<semaphore_mem>>) attributes {dimension_semantics = [#tpu.dimension_semantics<core_parallel>, #tpu.dimension_semantics<subcore_parallel>], iteration_bounds = array<i64: 2, 16>, scalar_prefetch = 0 : i64, scratch_operands = 39 : i64, tpu.core_type = #tpu.core_type<sc_vector_subcore>, window_params = [{transform_indices = #map}, {transform_indices = #map}, {transform_indices = #map1}, {transform_indices = #map1}, {transform_indices = #map}]} {
    %mul3A = arith.constant 16 : i32
    %mul3A_0 = arith.muli %arg0, %mul3A : i32
    %add3A = arith.addi %mul3A_0, %arg1 : i32
    %mul3A_1 = arith.constant 640 : i32
    %mul3A_2 = arith.muli %arg1, %mul3A_1 : i32
    "tpu.region"() ({
      %run_scoped3A = tpu.sem_alloc : memref<!tpu.dma_semaphore, #tpu.memory_space<semaphore_mem>>
      %dma_start3A_515 = arith.constant 0 : i32
      %dma_start3A_516 = tpu.memref_slice %arg9[%mul3A_2, %dma_start3A_515] : memref<10240x64xf32, #tpu.memory_space<vmem_shared>> -> memref<640x64xf32, #tpu.memory_space<vmem_shared>>
      tpu.enqueue_dma source(%arg5 : memref<640x64xf32, #tpu.memory_space<hbm>>) target(%dma_start3A_516 : memref<640x64xf32, #tpu.memory_space<vmem_shared>>) target_semaphore(%run_scoped3A : memref<!tpu.dma_semaphore, #tpu.memory_space<semaphore_mem>>)
      %dma_wait3A_517 = arith.constant 0 : i32
      %dma_wait3A_518 = tpu.memref_slice %arg9[%mul3A_2, %dma_wait3A_517] : memref<10240x64xf32, #tpu.memory_space<vmem_shared>> -> memref<640x64xf32, #tpu.memory_space<vmem_shared>>
      tpu.wait_dma2 semaphore(%run_scoped3A : memref<!tpu.dma_semaphore, #tpu.memory_space<semaphore_mem>>) src(%arg5 : memref<640x64xf32, #tpu.memory_space<hbm>>) dst(%dma_wait3A_518 : memref<640x64xf32, #tpu.memory_space<vmem_shared>>)
      tpu.yield
    }) : () -> ()
    "tpu.region"() ({
      %run_scoped3A = tpu.sem_alloc : memref<!tpu.dma_semaphore, #tpu.memory_space<semaphore_mem>>
      %dma_start3A_515 = arith.constant 0 : i32
      %dma_start3A_516 = arith.constant 0 : i32
      %dma_start3A_517 = tpu.memref_slice %arg2[%add3A, %dma_start3A_515, %dma_start3A_516] : memref<32x125x80xi32, #tpu.memory_space<hbm>> -> memref<1x125x80xi32, #tpu.memory_space<hbm>>
      %dma_start3A_518 = tpu.memref_squeeze %dma_start3A_517 : memref<1x125x80xi32, #tpu.memory_space<hbm>> -> memref<125x80xi32, #tpu.memory_space<hbm>>
      %dma_start3A_519 = arith.constant 0 : i32
      %dma_start3A_520 = arith.constant 0 : i32
      %dma_start3A_521 = tpu.memref_slice %arg2[%add3A, %dma_start3A_519, %dma_start3A_520] : memref<32x125x80xi32, #tpu.memory_space<hbm>> -> memref<1x125x80xi32, #tpu.memory_space<hbm>>
      %dma_start3A_522 = tpu.memref_squeeze %dma_start3A_521 : memref<1x125x80xi32, #tpu.memory_space<hbm>> -> memref<125x80xi32, #tpu.memory_space<hbm>>
      tpu.enqueue_dma source(%dma_start3A_522 : memref<125x80xi32, #tpu.memory_space<hbm>>) target(%arg7 : memref<125x80xi32, #tpu.memory_space<vmem>>) target_semaphore(%run_scoped3A : memref<!tpu.dma_semaphore, #tpu.memory_space<semaphore_mem>>)
      %dma_wait3A_523 = arith.constant 0 : i32
      %dma_wait3A_524 = arith.constant 0 : i32
      %dma_wait3A_525 = tpu.memref_slice %arg2[%add3A, %dma_wait3A_523, %dma_wait3A_524] : memref<32x125x80xi32, #tpu.memory_space<hbm>> -> memref<1x125x80xi32, #tpu.memory_space<hbm>>
      %dma_wait3A_526 = tpu.memref_squeeze %dma_wait3A_525 : memref<1x125x80xi32, #tpu.memory_space<hbm>> -> memref<125x80xi32, #tpu.memory_space<hbm>>
      %dma_wait3A_527 = arith.constant 0 : i32
      %dma_wait3A_528 = arith.constant 0 : i32
      %dma_wait3A_529 = tpu.memref_slice %arg2[%add3A, %dma_wait3A_527, %dma_wait3A_528] : memref<32x125x80xi32, #tpu.memory_space<hbm>> -> memref<1x125x80xi32, #tpu.memory_space<hbm>>
      %dma_wait3A_530 = tpu.memref_squeeze %dma_wait3A_529 : memref<1x125x80xi32, #tpu.memory_space<hbm>> -> memref<125x80xi32, #tpu.memory_space<hbm>>
      tpu.wait_dma2 semaphore(%run_scoped3A : memref<!tpu.dma_semaphore, #tpu.memory_space<semaphore_mem>>) src(%dma_wait3A_530 : memref<125x80xi32, #tpu.memory_space<hbm>>) dst(%arg7 : memref<125x80xi32, #tpu.memory_space<vmem>>)
      tpu.yield
    }) : () -> ()
    "tpu.region"() ({
      %run_scoped3A = tpu.sem_alloc : memref<!tpu.dma_semaphore, #tpu.memory_space<semaphore_mem>>
      %dma_start3A_515 = arith.constant 0 : i32
      %dma_start3A_516 = arith.constant 0 : i32
      %dma_start3A_517 = tpu.memref_slice %arg3[%add3A, %dma_start3A_515, %dma_start3A_516] : memref<32x125x80xi32, #tpu.memory_space<hbm>> -> memref<1x125x80xi32, #tpu.memory_space<hbm>>
      %dma_start3A_518 = tpu.memref_squeeze %dma_start3A_517 : memref<1x125x80xi32, #tpu.memory_space<hbm>> -> memref<125x80xi32, #tpu.memory_space<hbm>>
      %dma_start3A_519 = arith.constant 0 : i32
      %dma_start3A_520 = arith.constant 0 : i32
      %dma_start3A_521 = tpu.memref_slice %arg3[%add3A, %dma_start3A_519, %dma_start3A_520] : memref<32x125x80xi32, #tpu.memory_space<hbm>> -> memref<1x125x80xi32, #tpu.memory_space<hbm>>
      %dma_start3A_522 = tpu.memref_squeeze %dma_start3A_521 : memref<1x125x80xi32, #tpu.memory_space<hbm>> -> memref<125x80xi32, #tpu.memory_space<hbm>>
      tpu.enqueue_dma source(%dma_start3A_522 : memref<125x80xi32, #tpu.memory_space<hbm>>) target(%arg8 : memref<125x80xi32, #tpu.memory_space<vmem>>) target_semaphore(%run_scoped3A : memref<!tpu.dma_semaphore, #tpu.memory_space<semaphore_mem>>)
      %dma_wait3A_523 = arith.constant 0 : i32
      %dma_wait3A_524 = arith.constant 0 : i32
      %dma_wait3A_525 = tpu.memref_slice %arg3[%add3A, %dma_wait3A_523, %dma_wait3A_524] : memref<32x125x80xi32, #tpu.memory_space<hbm>> -> memref<1x125x80xi32, #tpu.memory_space<hbm>>
      %dma_wait3A_526 = tpu.memref_squeeze %dma_wait3A_525 : memref<1x125x80xi32, #tpu.memory_space<hbm>> -> memref<125x80xi32, #tpu.memory_space<hbm>>
      %dma_wait3A_527 = arith.constant 0 : i32
      %dma_wait3A_528 = arith.constant 0 : i32
      %dma_wait3A_529 = tpu.memref_slice %arg3[%add3A, %dma_wait3A_527, %dma_wait3A_528] : memref<32x125x80xi32, #tpu.memory_space<hbm>> -> memref<1x125x80xi32, #tpu.memory_space<hbm>>
      %dma_wait3A_530 = tpu.memref_squeeze %dma_wait3A_529 : memref<1x125x80xi32, #tpu.memory_space<hbm>> -> memref<125x80xi32, #tpu.memory_space<hbm>>
      tpu.wait_dma2 semaphore(%run_scoped3A : memref<!tpu.dma_semaphore, #tpu.memory_space<semaphore_mem>>) src(%dma_wait3A_530 : memref<125x80xi32, #tpu.memory_space<hbm>>) dst(%arg8 : memref<125x80xi32, #tpu.memory_space<vmem>>)
      tpu.yield
    }) : () -> ()
    %barrier3A = arith.constant 0 : index
    tpu.barrier barrier_id(%barrier3A)
    %dma_start3A = arith.constant 0 : i32
    %dma_start3A_3 = arith.constant 0 : i32
    %dma_start3A_4 = tpu.memref_slice %arg7[%dma_start3A, %dma_start3A_3] : memref<125x80xi32, #tpu.memory_space<vmem>> -> memref<1x80xi32, #tpu.memory_space<vmem>>
    %dma_start3A_5 = tpu.memref_squeeze %dma_start3A_4 : memref<1x80xi32, #tpu.memory_space<vmem>> -> memref<80xi32, #tpu.memory_space<vmem>>
    %dma_start3A_6 = arith.constant 0 : i32
    %dma_start3A_7 = arith.constant 0 : i32
    %dma_start3A_8 = tpu.memref_slice %arg4[%dma_start3A_6, %dma_start3A_7] : memref<10000x64xf32, #tpu.memory_space<hbm>> -> memref<10000x64xf32, #tpu.memory_space<hbm>>
    tpu.enqueue_indirect_dma source(%dma_start3A_8 : memref<10000x64xf32, #tpu.memory_space<hbm>>) target(%arg10 : memref<80x64xf32, #tpu.memory_space<vmem>>) offsets(%dma_start3A_5 : memref<80xi32, #tpu.memory_space<vmem>>) semaphore(%arg22 : memref<!tpu.dma_semaphore, #tpu.memory_space<semaphore_mem>>)
    %dma_start3A_9 = arith.constant 1 : i32
    %dma_start3A_10 = arith.constant 0 : i32
    %dma_start3A_11 = tpu.memref_slice %arg7[%dma_start3A_9, %dma_start3A_10] : memref<125x80xi32, #tpu.memory_space<vmem>> -> memref<1x80xi32, #tpu.memory_space<vmem>>
    %dma_start3A_12 = tpu.memref_squeeze %dma_start3A_11 : memref<1x80xi32, #tpu.memory_space<vmem>> -> memref<80xi32, #tpu.memory_space<vmem>>
    %dma_start3A_13 = arith.constant 0 : i32
    %dma_start3A_14 = arith.constant 0 : i32
    %dma_start3A_15 = tpu.memref_slice %arg4[%dma_start3A_13, %dma_start3A_14] : memref<10000x64xf32, #tpu.memory_space<hbm>> -> memref<10000x64xf32, #tpu.memory_space<hbm>>
    tpu.enqueue_indirect_dma source(%dma_start3A_15 : memref<10000x64xf32, #tpu.memory_space<hbm>>) target(%arg11 : memref<80x64xf32, #tpu.memory_space<vmem>>) offsets(%dma_start3A_12 : memref<80xi32, #tpu.memory_space<vmem>>) semaphore(%arg23 : memref<!tpu.dma_semaphore, #tpu.memory_space<semaphore_mem>>)
    %dma_start3A_16 = arith.constant 2 : i32
    %dma_start3A_17 = arith.constant 0 : i32
    %dma_start3A_18 = tpu.memref_slice %arg7[%dma_start3A_16, %dma_start3A_17] : memref<125x80xi32, #tpu.memory_space<vmem>> -> memref<1x80xi32, #tpu.memory_space<vmem>>
    %dma_start3A_19 = tpu.memref_squeeze %dma_start3A_18 : memref<1x80xi32, #tpu.memory_space<vmem>> -> memref<80xi32, #tpu.memory_space<vmem>>
    %dma_start3A_20 = arith.constant 0 : i32
    %dma_start3A_21 = arith.constant 0 : i32
    %dma_start3A_22 = tpu.memref_slice %arg4[%dma_start3A_20, %dma_start3A_21] : memref<10000x64xf32, #tpu.memory_space<hbm>> -> memref<10000x64xf32, #tpu.memory_space<hbm>>
    tpu.enqueue_indirect_dma source(%dma_start3A_22 : memref<10000x64xf32, #tpu.memory_space<hbm>>) target(%arg12 : memref<80x64xf32, #tpu.memory_space<vmem>>) offsets(%dma_start3A_19 : memref<80xi32, #tpu.memory_space<vmem>>) semaphore(%arg24 : memref<!tpu.dma_semaphore, #tpu.memory_space<semaphore_mem>>)
    %dma_start3A_23 = arith.constant 3 : i32
    %dma_start3A_24 = arith.constant 0 : i32
    %dma_start3A_25 = tpu.memref_slice %arg7[%dma_start3A_23, %dma_start3A_24] : memref<125x80xi32, #tpu.memory_space<vmem>> -> memref<1x80xi32, #tpu.memory_space<vmem>>
    %dma_start3A_26 = tpu.memref_squeeze %dma_start3A_25 : memref<1x80xi32, #tpu.memory_space<vmem>> -> memref<80xi32, #tpu.memory_space<vmem>>
    %dma_start3A_27 = arith.constant 0 : i32
    %dma_start3A_28 = arith.constant 0 : i32
    %dma_start3A_29 = tpu.memref_slice %arg4[%dma_start3A_27, %dma_start3A_28] : memref<10000x64xf32, #tpu.memory_space<hbm>> -> memref<10000x64xf32, #tpu.memory_space<hbm>>
    tpu.enqueue_indirect_dma source(%dma_start3A_29 : memref<10000x64xf32, #tpu.memory_space<hbm>>) target(%arg13 : memref<80x64xf32, #tpu.memory_space<vmem>>) offsets(%dma_start3A_26 : memref<80xi32, #tpu.memory_space<vmem>>) semaphore(%arg25 : memref<!tpu.dma_semaphore, #tpu.memory_space<semaphore_mem>>)
    %dma_start3A_30 = arith.constant 4 : i32
    %dma_start3A_31 = arith.constant 0 : i32
    %dma_start3A_32 = tpu.memref_slice %arg7[%dma_start3A_30, %dma_start3A_31] : memref<125x80xi32, #tpu.memory_space<vmem>> -> memref<1x80xi32, #tpu.memory_space<vmem>>
    %dma_start3A_33 = tpu.memref_squeeze %dma_start3A_32 : memref<1x80xi32, #tpu.memory_space<vmem>> -> memref<80xi32, #tpu.memory_space<vmem>>
    %dma_start3A_34 = arith.constant 0 : i32
    %dma_start3A_35 = arith.constant 0 : i32
    %dma_start3A_36 = tpu.memref_slice %arg4[%dma_start3A_34, %dma_start3A_35] : memref<10000x64xf32, #tpu.memory_space<hbm>> -> memref<10000x64xf32, #tpu.memory_space<hbm>>
    tpu.enqueue_indirect_dma source(%dma_start3A_36 : memref<10000x64xf32, #tpu.memory_space<hbm>>) target(%arg14 : memref<80x64xf32, #tpu.memory_space<vmem>>) offsets(%dma_start3A_33 : memref<80xi32, #tpu.memory_space<vmem>>) semaphore(%arg26 : memref<!tpu.dma_semaphore, #tpu.memory_space<semaphore_mem>>)
    %dma_start3A_37 = arith.constant 5 : i32
    %dma_start3A_38 = arith.constant 0 : i32
    %dma_start3A_39 = tpu.memref_slice %arg7[%dma_start3A_37, %dma_start3A_38] : memref<125x80xi32, #tpu.memory_space<vmem>> -> memref<1x80xi32, #tpu.memory_space<vmem>>
    %dma_start3A_40 = tpu.memref_squeeze %dma_start3A_39 : memref<1x80xi32, #tpu.memory_space<vmem>> -> memref<80xi32, #tpu.memory_space<vmem>>
    %dma_start3A_41 = arith.constant 0 : i32
    %dma_start3A_42 = arith.constant 0 : i32
    %dma_start3A_43 = tpu.memref_slice %arg4[%dma_start3A_41, %dma_start3A_42] : memref<10000x64xf32, #tpu.memory_space<hbm>> -> memref<10000x64xf32, #tpu.memory_space<hbm>>
    tpu.enqueue_indirect_dma source(%dma_start3A_43 : memref<10000x64xf32, #tpu.memory_space<hbm>>) target(%arg15 : memref<80x64xf32, #tpu.memory_space<vmem>>) offsets(%dma_start3A_40 : memref<80xi32, #tpu.memory_space<vmem>>) semaphore(%arg27 : memref<!tpu.dma_semaphore, #tpu.memory_space<semaphore_mem>>)
    %dma_start3A_44 = arith.constant 6 : i32
    %dma_start3A_45 = arith.constant 0 : i32
    %dma_start3A_46 = tpu.memref_slice %arg7[%dma_start3A_44, %dma_start3A_45] : memref<125x80xi32, #tpu.memory_space<vmem>> -> memref<1x80xi32, #tpu.memory_space<vmem>>
    %dma_start3A_47 = tpu.memref_squeeze %dma_start3A_46 : memref<1x80xi32, #tpu.memory_space<vmem>> -> memref<80xi32, #tpu.memory_space<vmem>>
    %dma_start3A_48 = arith.constant 0 : i32
    %dma_start3A_49 = arith.constant 0 : i32
    %dma_start3A_50 = tpu.memref_slice %arg4[%dma_start3A_48, %dma_start3A_49] : memref<10000x64xf32, #tpu.memory_space<hbm>> -> memref<10000x64xf32, #tpu.memory_space<hbm>>
    tpu.enqueue_indirect_dma source(%dma_start3A_50 : memref<10000x64xf32, #tpu.memory_space<hbm>>) target(%arg16 : memref<80x64xf32, #tpu.memory_space<vmem>>) offsets(%dma_start3A_47 : memref<80xi32, #tpu.memory_space<vmem>>) semaphore(%arg28 : memref<!tpu.dma_semaphore, #tpu.memory_space<semaphore_mem>>)
    %dma_start3A_51 = arith.constant 7 : i32
    %dma_start3A_52 = arith.constant 0 : i32
    %dma_start3A_53 = tpu.memref_slice %arg7[%dma_start3A_51, %dma_start3A_52] : memref<125x80xi32, #tpu.memory_space<vmem>> -> memref<1x80xi32, #tpu.memory_space<vmem>>
    %dma_start3A_54 = tpu.memref_squeeze %dma_start3A_53 : memref<1x80xi32, #tpu.memory_space<vmem>> -> memref<80xi32, #tpu.memory_space<vmem>>
    %dma_start3A_55 = arith.constant 0 : i32
    %dma_start3A_56 = arith.constant 0 : i32
    %dma_start3A_57 = tpu.memref_slice %arg4[%dma_start3A_55, %dma_start3A_56] : memref<10000x64xf32, #tpu.memory_space<hbm>> -> memref<10000x64xf32, #tpu.memory_space<hbm>>
    tpu.enqueue_indirect_dma source(%dma_start3A_57 : memref<10000x64xf32, #tpu.memory_space<hbm>>) target(%arg17 : memref<80x64xf32, #tpu.memory_space<vmem>>) offsets(%dma_start3A_54 : memref<80xi32, #tpu.memory_space<vmem>>) semaphore(%arg29 : memref<!tpu.dma_semaphore, #tpu.memory_space<semaphore_mem>>)
    %dma_start3A_58 = arith.constant 8 : i32
    %dma_start3A_59 = arith.constant 0 : i32
    %dma_start3A_60 = tpu.memref_slice %arg7[%dma_start3A_58, %dma_start3A_59] : memref<125x80xi32, #tpu.memory_space<vmem>> -> memref<1x80xi32, #tpu.memory_space<vmem>>
    %dma_start3A_61 = tpu.memref_squeeze %dma_start3A_60 : memref<1x80xi32, #tpu.memory_space<vmem>> -> memref<80xi32, #tpu.memory_space<vmem>>
    %dma_start3A_62 = arith.constant 0 : i32
    %dma_start3A_63 = arith.constant 0 : i32
    %dma_start3A_64 = tpu.memref_slice %arg4[%dma_start3A_62, %dma_start3A_63] : memref<10000x64xf32, #tpu.memory_space<hbm>> -> memref<10000x64xf32, #tpu.memory_space<hbm>>
    tpu.enqueue_indirect_dma source(%dma_start3A_64 : memref<10000x64xf32, #tpu.memory_space<hbm>>) target(%arg18 : memref<80x64xf32, #tpu.memory_space<vmem>>) offsets(%dma_start3A_61 : memref<80xi32, #tpu.memory_space<vmem>>) semaphore(%arg30 : memref<!tpu.dma_semaphore, #tpu.memory_space<semaphore_mem>>)
    %dma_wait3A = arith.constant 0 : i32
    %dma_wait3A_65 = arith.constant 0 : i32
    %dma_wait3A_66 = tpu.memref_slice %arg7[%dma_wait3A, %dma_wait3A_65] : memref<125x80xi32, #tpu.memory_space<vmem>> -> memref<1x80xi32, #tpu.memory_space<vmem>>
    %dma_wait3A_67 = tpu.memref_squeeze %dma_wait3A_66 : memref<1x80xi32, #tpu.memory_space<vmem>> -> memref<80xi32, #tpu.memory_space<vmem>>
    %dma_wait3A_68 = arith.constant 0 : i32
    %dma_wait3A_69 = arith.constant 0 : i32
    %dma_wait3A_70 = tpu.memref_slice %arg4[%dma_wait3A_68, %dma_wait3A_69] : memref<10000x64xf32, #tpu.memory_space<hbm>> -> memref<10000x64xf32, #tpu.memory_space<hbm>>
    tpu.wait_indirect_dma semaphore(%arg22 : memref<!tpu.dma_semaphore, #tpu.memory_space<semaphore_mem>>) src(%dma_wait3A_70 : memref<10000x64xf32, #tpu.memory_space<hbm>>) dst(%arg10 : memref<80x64xf32, #tpu.memory_space<vmem>>)
    %dma_start3A_71 = arith.constant 0 : i32
    %dma_start3A_72 = arith.constant 0 : i32
    %dma_start3A_73 = tpu.memref_slice %arg8[%dma_start3A_71, %dma_start3A_72] : memref<125x80xi32, #tpu.memory_space<vmem>> -> memref<1x80xi32, #tpu.memory_space<vmem>>
    %dma_start3A_74 = tpu.memref_squeeze %dma_start3A_73 : memref<1x80xi32, #tpu.memory_space<vmem>> -> memref<80xi32, #tpu.memory_space<vmem>>
    %dma_start3A_75 = arith.constant 0 : i32
    %dma_start3A_76 = arith.constant 0 : i32
    %dma_start3A_77 = tpu.memref_slice %arg9[%dma_start3A_75, %dma_start3A_76] : memref<10240x64xf32, #tpu.memory_space<vmem_shared>> -> memref<10240x64xf32, #tpu.memory_space<vmem_shared>>
    tpu.enqueue_indirect_dma source(%arg10 : memref<80x64xf32, #tpu.memory_space<vmem>>) target(%dma_start3A_77 : memref<10240x64xf32, #tpu.memory_space<vmem_shared>>) offsets(%dma_start3A_74 : memref<80xi32, #tpu.memory_space<vmem>>) semaphore(%arg34 : memref<!tpu.dma_semaphore, #tpu.memory_space<semaphore_mem>>) {add = true}
    %dma_start3A_78 = arith.constant 9 : i32
    %dma_start3A_79 = arith.constant 0 : i32
    %dma_start3A_80 = tpu.memref_slice %arg7[%dma_start3A_78, %dma_start3A_79] : memref<125x80xi32, #tpu.memory_space<vmem>> -> memref<1x80xi32, #tpu.memory_space<vmem>>
    %dma_start3A_81 = tpu.memref_squeeze %dma_start3A_80 : memref<1x80xi32, #tpu.memory_space<vmem>> -> memref<80xi32, #tpu.memory_space<vmem>>
    %dma_start3A_82 = arith.constant 0 : i32
    %dma_start3A_83 = arith.constant 0 : i32
    %dma_start3A_84 = tpu.memref_slice %arg4[%dma_start3A_82, %dma_start3A_83] : memref<10000x64xf32, #tpu.memory_space<hbm>> -> memref<10000x64xf32, #tpu.memory_space<hbm>>
    tpu.enqueue_indirect_dma source(%dma_start3A_84 : memref<10000x64xf32, #tpu.memory_space<hbm>>) target(%arg19 : memref<80x64xf32, #tpu.memory_space<vmem>>) offsets(%dma_start3A_81 : memref<80xi32, #tpu.memory_space<vmem>>) semaphore(%arg31 : memref<!tpu.dma_semaphore, #tpu.memory_space<semaphore_mem>>)
    %dma_wait3A_85 = arith.constant 1 : i32
    %dma_wait3A_86 = arith.constant 0 : i32
    %dma_wait3A_87 = tpu.memref_slice %arg7[%dma_wait3A_85, %dma_wait3A_86] : memref<125x80xi32, #tpu.memory_space<vmem>> -> memref<1x80xi32, #tpu.memory_space<vmem>>
    %dma_wait3A_88 = tpu.memref_squeeze %dma_wait3A_87 : memref<1x80xi32, #tpu.memory_space<vmem>> -> memref<80xi32, #tpu.memory_space<vmem>>
    %dma_wait3A_89 = arith.constant 0 : i32
    %dma_wait3A_90 = arith.constant 0 : i32
    %dma_wait3A_91 = tpu.memref_slice %arg4[%dma_wait3A_89, %dma_wait3A_90] : memref<10000x64xf32, #tpu.memory_space<hbm>> -> memref<10000x64xf32, #tpu.memory_space<hbm>>
    tpu.wait_indirect_dma semaphore(%arg23 : memref<!tpu.dma_semaphore, #tpu.memory_space<semaphore_mem>>) src(%dma_wait3A_91 : memref<10000x64xf32, #tpu.memory_space<hbm>>) dst(%arg11 : memref<80x64xf32, #tpu.memory_space<vmem>>)
    %dma_start3A_92 = arith.constant 1 : i32
    %dma_start3A_93 = arith.constant 0 : i32
    %dma_start3A_94 = tpu.memref_slice %arg8[%dma_start3A_92, %dma_start3A_93] : memref<125x80xi32, #tpu.memory_space<vmem>> -> memref<1x80xi32, #tpu.memory_space<vmem>>
    %dma_start3A_95 = tpu.memref_squeeze %dma_start3A_94 : memref<1x80xi32, #tpu.memory_space<vmem>> -> memref<80xi32, #tpu.memory_space<vmem>>
    %dma_start3A_96 = arith.constant 0 : i32
    %dma_start3A_97 = arith.constant 0 : i32
    %dma_start3A_98 = tpu.memref_slice %arg9[%dma_start3A_96, %dma_start3A_97] : memref<10240x64xf32, #tpu.memory_space<vmem_shared>> -> memref<10240x64xf32, #tpu.memory_space<vmem_shared>>
    tpu.enqueue_indirect_dma source(%arg11 : memref<80x64xf32, #tpu.memory_space<vmem>>) target(%dma_start3A_98 : memref<10240x64xf32, #tpu.memory_space<vmem_shared>>) offsets(%dma_start3A_95 : memref<80xi32, #tpu.memory_space<vmem>>) semaphore(%arg35 : memref<!tpu.dma_semaphore, #tpu.memory_space<semaphore_mem>>) {add = true}
    %dma_start3A_99 = arith.constant 10 : i32
    %dma_start3A_100 = arith.constant 0 : i32
    %dma_start3A_101 = tpu.memref_slice %arg7[%dma_start3A_99, %dma_start3A_100] : memref<125x80xi32, #tpu.memory_space<vmem>> -> memref<1x80xi32, #tpu.memory_space<vmem>>
    %dma_start3A_102 = tpu.memref_squeeze %dma_start3A_101 : memref<1x80xi32, #tpu.memory_space<vmem>> -> memref<80xi32, #tpu.memory_space<vmem>>
    %dma_start3A_103 = arith.constant 0 : i32
    %dma_start3A_104 = arith.constant 0 : i32
    %dma_start3A_105 = tpu.memref_slice %arg4[%dma_start3A_103, %dma_start3A_104] : memref<10000x64xf32, #tpu.memory_space<hbm>> -> memref<10000x64xf32, #tpu.memory_space<hbm>>
    tpu.enqueue_indirect_dma source(%dma_start3A_105 : memref<10000x64xf32, #tpu.memory_space<hbm>>) target(%arg20 : memref<80x64xf32, #tpu.memory_space<vmem>>) offsets(%dma_start3A_102 : memref<80xi32, #tpu.memory_space<vmem>>) semaphore(%arg32 : memref<!tpu.dma_semaphore, #tpu.memory_space<semaphore_mem>>)
    %dma_wait3A_106 = arith.constant 2 : i32
    %dma_wait3A_107 = arith.constant 0 : i32
    %dma_wait3A_108 = tpu.memref_slice %arg7[%dma_wait3A_106, %dma_wait3A_107] : memref<125x80xi32, #tpu.memory_space<vmem>> -> memref<1x80xi32, #tpu.memory_space<vmem>>
    %dma_wait3A_109 = tpu.memref_squeeze %dma_wait3A_108 : memref<1x80xi32, #tpu.memory_space<vmem>> -> memref<80xi32, #tpu.memory_space<vmem>>
    %dma_wait3A_110 = arith.constant 0 : i32
    %dma_wait3A_111 = arith.constant 0 : i32
    %dma_wait3A_112 = tpu.memref_slice %arg4[%dma_wait3A_110, %dma_wait3A_111] : memref<10000x64xf32, #tpu.memory_space<hbm>> -> memref<10000x64xf32, #tpu.memory_space<hbm>>
    tpu.wait_indirect_dma semaphore(%arg24 : memref<!tpu.dma_semaphore, #tpu.memory_space<semaphore_mem>>) src(%dma_wait3A_112 : memref<10000x64xf32, #tpu.memory_space<hbm>>) dst(%arg12 : memref<80x64xf32, #tpu.memory_space<vmem>>)
    %dma_start3A_113 = arith.constant 2 : i32
    %dma_start3A_114 = arith.constant 0 : i32
    %dma_start3A_115 = tpu.memref_slice %arg8[%dma_start3A_113, %dma_start3A_114] : memref<125x80xi32, #tpu.memory_space<vmem>> -> memref<1x80xi32, #tpu.memory_space<vmem>>
    %dma_start3A_116 = tpu.memref_squeeze %dma_start3A_115 : memref<1x80xi32, #tpu.memory_space<vmem>> -> memref<80xi32, #tpu.memory_space<vmem>>
    %dma_start3A_117 = arith.constant 0 : i32
    %dma_start3A_118 = arith.constant 0 : i32
    %dma_start3A_119 = tpu.memref_slice %arg9[%dma_start3A_117, %dma_start3A_118] : memref<10240x64xf32, #tpu.memory_space<vmem_shared>> -> memref<10240x64xf32, #tpu.memory_space<vmem_shared>>
    tpu.enqueue_indirect_dma source(%arg12 : memref<80x64xf32, #tpu.memory_space<vmem>>) target(%dma_start3A_119 : memref<10240x64xf32, #tpu.memory_space<vmem_shared>>) offsets(%dma_start3A_116 : memref<80xi32, #tpu.memory_space<vmem>>) semaphore(%arg36 : memref<!tpu.dma_semaphore, #tpu.memory_space<semaphore_mem>>) {add = true}
    %dma_start3A_120 = arith.constant 11 : i32
    %dma_start3A_121 = arith.constant 0 : i32
    %dma_start3A_122 = tpu.memref_slice %arg7[%dma_start3A_120, %dma_start3A_121] : memref<125x80xi32, #tpu.memory_space<vmem>> -> memref<1x80xi32, #tpu.memory_space<vmem>>
    %dma_start3A_123 = tpu.memref_squeeze %dma_start3A_122 : memref<1x80xi32, #tpu.memory_space<vmem>> -> memref<80xi32, #tpu.memory_space<vmem>>
    %dma_start3A_124 = arith.constant 0 : i32
    %dma_start3A_125 = arith.constant 0 : i32
    %dma_start3A_126 = tpu.memref_slice %arg4[%dma_start3A_124, %dma_start3A_125] : memref<10000x64xf32, #tpu.memory_space<hbm>> -> memref<10000x64xf32, #tpu.memory_space<hbm>>
    tpu.enqueue_indirect_dma source(%dma_start3A_126 : memref<10000x64xf32, #tpu.memory_space<hbm>>) target(%arg21 : memref<80x64xf32, #tpu.memory_space<vmem>>) offsets(%dma_start3A_123 : memref<80xi32, #tpu.memory_space<vmem>>) semaphore(%arg33 : memref<!tpu.dma_semaphore, #tpu.memory_space<semaphore_mem>>)
    %dma_wait3A_127 = arith.constant 3 : i32
    %dma_wait3A_128 = arith.constant 0 : i32
    %dma_wait3A_129 = tpu.memref_slice %arg7[%dma_wait3A_127, %dma_wait3A_128] : memref<125x80xi32, #tpu.memory_space<vmem>> -> memref<1x80xi32, #tpu.memory_space<vmem>>
    %dma_wait3A_130 = tpu.memref_squeeze %dma_wait3A_129 : memref<1x80xi32, #tpu.memory_space<vmem>> -> memref<80xi32, #tpu.memory_space<vmem>>
    %dma_wait3A_131 = arith.constant 0 : i32
    %dma_wait3A_132 = arith.constant 0 : i32
    %dma_wait3A_133 = tpu.memref_slice %arg4[%dma_wait3A_131, %dma_wait3A_132] : memref<10000x64xf32, #tpu.memory_space<hbm>> -> memref<10000x64xf32, #tpu.memory_space<hbm>>
    tpu.wait_indirect_dma semaphore(%arg25 : memref<!tpu.dma_semaphore, #tpu.memory_space<semaphore_mem>>) src(%dma_wait3A_133 : memref<10000x64xf32, #tpu.memory_space<hbm>>) dst(%arg13 : memref<80x64xf32, #tpu.memory_space<vmem>>)
    %dma_start3A_134 = arith.constant 3 : i32
    %dma_start3A_135 = arith.constant 0 : i32
    %dma_start3A_136 = tpu.memref_slice %arg8[%dma_start3A_134, %dma_start3A_135] : memref<125x80xi32, #tpu.memory_space<vmem>> -> memref<1x80xi32, #tpu.memory_space<vmem>>
    %dma_start3A_137 = tpu.memref_squeeze %dma_start3A_136 : memref<1x80xi32, #tpu.memory_space<vmem>> -> memref<80xi32, #tpu.memory_space<vmem>>
    %dma_start3A_138 = arith.constant 0 : i32
    %dma_start3A_139 = arith.constant 0 : i32
    %dma_start3A_140 = tpu.memref_slice %arg9[%dma_start3A_138, %dma_start3A_139] : memref<10240x64xf32, #tpu.memory_space<vmem_shared>> -> memref<10240x64xf32, #tpu.memory_space<vmem_shared>>
    tpu.enqueue_indirect_dma source(%arg13 : memref<80x64xf32, #tpu.memory_space<vmem>>) target(%dma_start3A_140 : memref<10240x64xf32, #tpu.memory_space<vmem_shared>>) offsets(%dma_start3A_137 : memref<80xi32, #tpu.memory_space<vmem>>) semaphore(%arg37 : memref<!tpu.dma_semaphore, #tpu.memory_space<semaphore_mem>>) {add = true}
    %dma_wait3A_141 = arith.constant 0 : i32
    %dma_wait3A_142 = arith.constant 0 : i32
    %dma_wait3A_143 = tpu.memref_slice %arg8[%dma_wait3A_141, %dma_wait3A_142] : memref<125x80xi32, #tpu.memory_space<vmem>> -> memref<1x80xi32, #tpu.memory_space<vmem>>
    %dma_wait3A_144 = tpu.memref_squeeze %dma_wait3A_143 : memref<1x80xi32, #tpu.memory_space<vmem>> -> memref<80xi32, #tpu.memory_space<vmem>>
    %dma_wait3A_145 = arith.constant 0 : i32
    %dma_wait3A_146 = arith.constant 0 : i32
    %dma_wait3A_147 = tpu.memref_slice %arg9[%dma_wait3A_145, %dma_wait3A_146] : memref<10240x64xf32, #tpu.memory_space<vmem_shared>> -> memref<10240x64xf32, #tpu.memory_space<vmem_shared>>
    tpu.wait_indirect_dma semaphore(%arg34 : memref<!tpu.dma_semaphore, #tpu.memory_space<semaphore_mem>>) src(%arg10 : memref<80x64xf32, #tpu.memory_space<vmem>>) dst(%dma_wait3A_147 : memref<10240x64xf32, #tpu.memory_space<vmem_shared>>)
    %dma_start3A_148 = arith.constant 12 : i32
    %dma_start3A_149 = arith.constant 0 : i32
    %dma_start3A_150 = tpu.memref_slice %arg7[%dma_start3A_148, %dma_start3A_149] : memref<125x80xi32, #tpu.memory_space<vmem>> -> memref<1x80xi32, #tpu.memory_space<vmem>>
    %dma_start3A_151 = tpu.memref_squeeze %dma_start3A_150 : memref<1x80xi32, #tpu.memory_space<vmem>> -> memref<80xi32, #tpu.memory_space<vmem>>
    %dma_start3A_152 = arith.constant 0 : i32
    %dma_start3A_153 = arith.constant 0 : i32
    %dma_start3A_154 = tpu.memref_slice %arg4[%dma_start3A_152, %dma_start3A_153] : memref<10000x64xf32, #tpu.memory_space<hbm>> -> memref<10000x64xf32, #tpu.memory_space<hbm>>
    tpu.enqueue_indirect_dma source(%dma_start3A_154 : memref<10000x64xf32, #tpu.memory_space<hbm>>) target(%arg10 : memref<80x64xf32, #tpu.memory_space<vmem>>) offsets(%dma_start3A_151 : memref<80xi32, #tpu.memory_space<vmem>>) semaphore(%arg22 : memref<!tpu.dma_semaphore, #tpu.memory_space<semaphore_mem>>)
    %dma_wait3A_155 = arith.constant 4 : i32
    %dma_wait3A_156 = arith.constant 0 : i32
    %dma_wait3A_157 = tpu.memref_slice %arg7[%dma_wait3A_155, %dma_wait3A_156] : memref<125x80xi32, #tpu.memory_space<vmem>> -> memref<1x80xi32, #tpu.memory_space<vmem>>
    %dma_wait3A_158 = tpu.memref_squeeze %dma_wait3A_157 : memref<1x80xi32, #tpu.memory_space<vmem>> -> memref<80xi32, #tpu.memory_space<vmem>>
    %dma_wait3A_159 = arith.constant 0 : i32
    %dma_wait3A_160 = arith.constant 0 : i32
    %dma_wait3A_161 = tpu.memref_slice %arg4[%dma_wait3A_159, %dma_wait3A_160] : memref<10000x64xf32, #tpu.memory_space<hbm>> -> memref<10000x64xf32, #tpu.memory_space<hbm>>
    tpu.wait_indirect_dma semaphore(%arg26 : memref<!tpu.dma_semaphore, #tpu.memory_space<semaphore_mem>>) src(%dma_wait3A_161 : memref<10000x64xf32, #tpu.memory_space<hbm>>) dst(%arg14 : memref<80x64xf32, #tpu.memory_space<vmem>>)
    %dma_start3A_162 = arith.constant 4 : i32
    %dma_start3A_163 = arith.constant 0 : i32
    %dma_start3A_164 = tpu.memref_slice %arg8[%dma_start3A_162, %dma_start3A_163] : memref<125x80xi32, #tpu.memory_space<vmem>> -> memref<1x80xi32, #tpu.memory_space<vmem>>
    %dma_start3A_165 = tpu.memref_squeeze %dma_start3A_164 : memref<1x80xi32, #tpu.memory_space<vmem>> -> memref<80xi32, #tpu.memory_space<vmem>>
    %dma_start3A_166 = arith.constant 0 : i32
    %dma_start3A_167 = arith.constant 0 : i32
    %dma_start3A_168 = tpu.memref_slice %arg9[%dma_start3A_166, %dma_start3A_167] : memref<10240x64xf32, #tpu.memory_space<vmem_shared>> -> memref<10240x64xf32, #tpu.memory_space<vmem_shared>>
    tpu.enqueue_indirect_dma source(%arg14 : memref<80x64xf32, #tpu.memory_space<vmem>>) target(%dma_start3A_168 : memref<10240x64xf32, #tpu.memory_space<vmem_shared>>) offsets(%dma_start3A_165 : memref<80xi32, #tpu.memory_space<vmem>>) semaphore(%arg38 : memref<!tpu.dma_semaphore, #tpu.memory_space<semaphore_mem>>) {add = true}
    %dma_wait3A_169 = arith.constant 1 : i32
    %dma_wait3A_170 = arith.constant 0 : i32
    %dma_wait3A_171 = tpu.memref_slice %arg8[%dma_wait3A_169, %dma_wait3A_170] : memref<125x80xi32, #tpu.memory_space<vmem>> -> memref<1x80xi32, #tpu.memory_space<vmem>>
    %dma_wait3A_172 = tpu.memref_squeeze %dma_wait3A_171 : memref<1x80xi32, #tpu.memory_space<vmem>> -> memref<80xi32, #tpu.memory_space<vmem>>
    %dma_wait3A_173 = arith.constant 0 : i32
    %dma_wait3A_174 = arith.constant 0 : i32
    %dma_wait3A_175 = tpu.memref_slice %arg9[%dma_wait3A_173, %dma_wait3A_174] : memref<10240x64xf32, #tpu.memory_space<vmem_shared>> -> memref<10240x64xf32, #tpu.memory_space<vmem_shared>>
    tpu.wait_indirect_dma semaphore(%arg35 : memref<!tpu.dma_semaphore, #tpu.memory_space<semaphore_mem>>) src(%arg11 : memref<80x64xf32, #tpu.memory_space<vmem>>) dst(%dma_wait3A_175 : memref<10240x64xf32, #tpu.memory_space<vmem_shared>>)
    %dma_start3A_176 = arith.constant 13 : i32
    %dma_start3A_177 = arith.constant 0 : i32
    %dma_start3A_178 = tpu.memref_slice %arg7[%dma_start3A_176, %dma_start3A_177] : memref<125x80xi32, #tpu.memory_space<vmem>> -> memref<1x80xi32, #tpu.memory_space<vmem>>
    %dma_start3A_179 = tpu.memref_squeeze %dma_start3A_178 : memref<1x80xi32, #tpu.memory_space<vmem>> -> memref<80xi32, #tpu.memory_space<vmem>>
    %dma_start3A_180 = arith.constant 0 : i32
    %dma_start3A_181 = arith.constant 0 : i32
    %dma_start3A_182 = tpu.memref_slice %arg4[%dma_start3A_180, %dma_start3A_181] : memref<10000x64xf32, #tpu.memory_space<hbm>> -> memref<10000x64xf32, #tpu.memory_space<hbm>>
    tpu.enqueue_indirect_dma source(%dma_start3A_182 : memref<10000x64xf32, #tpu.memory_space<hbm>>) target(%arg11 : memref<80x64xf32, #tpu.memory_space<vmem>>) offsets(%dma_start3A_179 : memref<80xi32, #tpu.memory_space<vmem>>) semaphore(%arg23 : memref<!tpu.dma_semaphore, #tpu.memory_space<semaphore_mem>>)
    %dma_wait3A_183 = arith.constant 5 : i32
    %dma_wait3A_184 = arith.constant 0 : i32
    %dma_wait3A_185 = tpu.memref_slice %arg7[%dma_wait3A_183, %dma_wait3A_184] : memref<125x80xi32, #tpu.memory_space<vmem>> -> memref<1x80xi32, #tpu.memory_space<vmem>>
    %dma_wait3A_186 = tpu.memref_squeeze %dma_wait3A_185 : memref<1x80xi32, #tpu.memory_space<vmem>> -> memref<80xi32, #tpu.memory_space<vmem>>
    %dma_wait3A_187 = arith.constant 0 : i32
    %dma_wait3A_188 = arith.constant 0 : i32
    %dma_wait3A_189 = tpu.memref_slice %arg4[%dma_wait3A_187, %dma_wait3A_188] : memref<10000x64xf32, #tpu.memory_space<hbm>> -> memref<10000x64xf32, #tpu.memory_space<hbm>>
    tpu.wait_indirect_dma semaphore(%arg27 : memref<!tpu.dma_semaphore, #tpu.memory_space<semaphore_mem>>) src(%dma_wait3A_189 : memref<10000x64xf32, #tpu.memory_space<hbm>>) dst(%arg15 : memref<80x64xf32, #tpu.memory_space<vmem>>)
    %dma_start3A_190 = arith.constant 5 : i32
    %dma_start3A_191 = arith.constant 0 : i32
    %dma_start3A_192 = tpu.memref_slice %arg8[%dma_start3A_190, %dma_start3A_191] : memref<125x80xi32, #tpu.memory_space<vmem>> -> memref<1x80xi32, #tpu.memory_space<vmem>>
    %dma_start3A_193 = tpu.memref_squeeze %dma_start3A_192 : memref<1x80xi32, #tpu.memory_space<vmem>> -> memref<80xi32, #tpu.memory_space<vmem>>
    %dma_start3A_194 = arith.constant 0 : i32
    %dma_start3A_195 = arith.constant 0 : i32
    %dma_start3A_196 = tpu.memref_slice %arg9[%dma_start3A_194, %dma_start3A_195] : memref<10240x64xf32, #tpu.memory_space<vmem_shared>> -> memref<10240x64xf32, #tpu.memory_space<vmem_shared>>
    tpu.enqueue_indirect_dma source(%arg15 : memref<80x64xf32, #tpu.memory_space<vmem>>) target(%dma_start3A_196 : memref<10240x64xf32, #tpu.memory_space<vmem_shared>>) offsets(%dma_start3A_193 : memref<80xi32, #tpu.memory_space<vmem>>) semaphore(%arg39 : memref<!tpu.dma_semaphore, #tpu.memory_space<semaphore_mem>>) {add = true}
    %dma_wait3A_197 = arith.constant 2 : i32
    %dma_wait3A_198 = arith.constant 0 : i32
    %dma_wait3A_199 = tpu.memref_slice %arg8[%dma_wait3A_197, %dma_wait3A_198] : memref<125x80xi32, #tpu.memory_space<vmem>> -> memref<1x80xi32, #tpu.memory_space<vmem>>
    %dma_wait3A_200 = tpu.memref_squeeze %dma_wait3A_199 : memref<1x80xi32, #tpu.memory_space<vmem>> -> memref<80xi32, #tpu.memory_space<vmem>>
    %dma_wait3A_201 = arith.constant 0 : i32
    %dma_wait3A_202 = arith.constant 0 : i32
    %dma_wait3A_203 = tpu.memref_slice %arg9[%dma_wait3A_201, %dma_wait3A_202] : memref<10240x64xf32, #tpu.memory_space<vmem_shared>> -> memref<10240x64xf32, #tpu.memory_space<vmem_shared>>
    tpu.wait_indirect_dma semaphore(%arg36 : memref<!tpu.dma_semaphore, #tpu.memory_space<semaphore_mem>>) src(%arg12 : memref<80x64xf32, #tpu.memory_space<vmem>>) dst(%dma_wait3A_203 : memref<10240x64xf32, #tpu.memory_space<vmem_shared>>)
    %dma_start3A_204 = arith.constant 14 : i32
    %dma_start3A_205 = arith.constant 0 : i32
    %dma_start3A_206 = tpu.memref_slice %arg7[%dma_start3A_204, %dma_start3A_205] : memref<125x80xi32, #tpu.memory_space<vmem>> -> memref<1x80xi32, #tpu.memory_space<vmem>>
    %dma_start3A_207 = tpu.memref_squeeze %dma_start3A_206 : memref<1x80xi32, #tpu.memory_space<vmem>> -> memref<80xi32, #tpu.memory_space<vmem>>
    %dma_start3A_208 = arith.constant 0 : i32
    %dma_start3A_209 = arith.constant 0 : i32
    %dma_start3A_210 = tpu.memref_slice %arg4[%dma_start3A_208, %dma_start3A_209] : memref<10000x64xf32, #tpu.memory_space<hbm>> -> memref<10000x64xf32, #tpu.memory_space<hbm>>
    tpu.enqueue_indirect_dma source(%dma_start3A_210 : memref<10000x64xf32, #tpu.memory_space<hbm>>) target(%arg12 : memref<80x64xf32, #tpu.memory_space<vmem>>) offsets(%dma_start3A_207 : memref<80xi32, #tpu.memory_space<vmem>>) semaphore(%arg24 : memref<!tpu.dma_semaphore, #tpu.memory_space<semaphore_mem>>)
    %dma_wait3A_211 = arith.constant 6 : i32
    %dma_wait3A_212 = arith.constant 0 : i32
    %dma_wait3A_213 = tpu.memref_slice %arg7[%dma_wait3A_211, %dma_wait3A_212] : memref<125x80xi32, #tpu.memory_space<vmem>> -> memref<1x80xi32, #tpu.memory_space<vmem>>
    %dma_wait3A_214 = tpu.memref_squeeze %dma_wait3A_213 : memref<1x80xi32, #tpu.memory_space<vmem>> -> memref<80xi32, #tpu.memory_space<vmem>>
    %dma_wait3A_215 = arith.constant 0 : i32
    %dma_wait3A_216 = arith.constant 0 : i32
    %dma_wait3A_217 = tpu.memref_slice %arg4[%dma_wait3A_215, %dma_wait3A_216] : memref<10000x64xf32, #tpu.memory_space<hbm>> -> memref<10000x64xf32, #tpu.memory_space<hbm>>
    tpu.wait_indirect_dma semaphore(%arg28 : memref<!tpu.dma_semaphore, #tpu.memory_space<semaphore_mem>>) src(%dma_wait3A_217 : memref<10000x64xf32, #tpu.memory_space<hbm>>) dst(%arg16 : memref<80x64xf32, #tpu.memory_space<vmem>>)
    %dma_start3A_218 = arith.constant 6 : i32
    %dma_start3A_219 = arith.constant 0 : i32
    %dma_start3A_220 = tpu.memref_slice %arg8[%dma_start3A_218, %dma_start3A_219] : memref<125x80xi32, #tpu.memory_space<vmem>> -> memref<1x80xi32, #tpu.memory_space<vmem>>
    %dma_start3A_221 = tpu.memref_squeeze %dma_start3A_220 : memref<1x80xi32, #tpu.memory_space<vmem>> -> memref<80xi32, #tpu.memory_space<vmem>>
    %dma_start3A_222 = arith.constant 0 : i32
    %dma_start3A_223 = arith.constant 0 : i32
    %dma_start3A_224 = tpu.memref_slice %arg9[%dma_start3A_222, %dma_start3A_223] : memref<10240x64xf32, #tpu.memory_space<vmem_shared>> -> memref<10240x64xf32, #tpu.memory_space<vmem_shared>>
    tpu.enqueue_indirect_dma source(%arg16 : memref<80x64xf32, #tpu.memory_space<vmem>>) target(%dma_start3A_224 : memref<10240x64xf32, #tpu.memory_space<vmem_shared>>) offsets(%dma_start3A_221 : memref<80xi32, #tpu.memory_space<vmem>>) semaphore(%arg40 : memref<!tpu.dma_semaphore, #tpu.memory_space<semaphore_mem>>) {add = true}
    %dma_wait3A_225 = arith.constant 3 : i32
    %dma_wait3A_226 = arith.constant 0 : i32
    %dma_wait3A_227 = tpu.memref_slice %arg8[%dma_wait3A_225, %dma_wait3A_226] : memref<125x80xi32, #tpu.memory_space<vmem>> -> memref<1x80xi32, #tpu.memory_space<vmem>>
    %dma_wait3A_228 = tpu.memref_squeeze %dma_wait3A_227 : memref<1x80xi32, #tpu.memory_space<vmem>> -> memref<80xi32, #tpu.memory_space<vmem>>
    %dma_wait3A_229 = arith.constant 0 : i32
    %dma_wait3A_230 = arith.constant 0 : i32
    %dma_wait3A_231 = tpu.memref_slice %arg9[%dma_wait3A_229, %dma_wait3A_230] : memref<10240x64xf32, #tpu.memory_space<vmem_shared>> -> memref<10240x64xf32, #tpu.memory_space<vmem_shared>>
    tpu.wait_indirect_dma semaphore(%arg37 : memref<!tpu.dma_semaphore, #tpu.memory_space<semaphore_mem>>) src(%arg13 : memref<80x64xf32, #tpu.memory_space<vmem>>) dst(%dma_wait3A_231 : memref<10240x64xf32, #tpu.memory_space<vmem_shared>>)
    %dma_start3A_232 = arith.constant 15 : i32
    %dma_start3A_233 = arith.constant 0 : i32
    %dma_start3A_234 = tpu.memref_slice %arg7[%dma_start3A_232, %dma_start3A_233] : memref<125x80xi32, #tpu.memory_space<vmem>> -> memref<1x80xi32, #tpu.memory_space<vmem>>
    %dma_start3A_235 = tpu.memref_squeeze %dma_start3A_234 : memref<1x80xi32, #tpu.memory_space<vmem>> -> memref<80xi32, #tpu.memory_space<vmem>>
    %dma_start3A_236 = arith.constant 0 : i32
    %dma_start3A_237 = arith.constant 0 : i32
    %dma_start3A_238 = tpu.memref_slice %arg4[%dma_start3A_236, %dma_start3A_237] : memref<10000x64xf32, #tpu.memory_space<hbm>> -> memref<10000x64xf32, #tpu.memory_space<hbm>>
    tpu.enqueue_indirect_dma source(%dma_start3A_238 : memref<10000x64xf32, #tpu.memory_space<hbm>>) target(%arg13 : memref<80x64xf32, #tpu.memory_space<vmem>>) offsets(%dma_start3A_235 : memref<80xi32, #tpu.memory_space<vmem>>) semaphore(%arg25 : memref<!tpu.dma_semaphore, #tpu.memory_space<semaphore_mem>>)
    %dma_wait3A_239 = arith.constant 7 : i32
    %dma_wait3A_240 = arith.constant 0 : i32
    %dma_wait3A_241 = tpu.memref_slice %arg7[%dma_wait3A_239, %dma_wait3A_240] : memref<125x80xi32, #tpu.memory_space<vmem>> -> memref<1x80xi32, #tpu.memory_space<vmem>>
    %dma_wait3A_242 = tpu.memref_squeeze %dma_wait3A_241 : memref<1x80xi32, #tpu.memory_space<vmem>> -> memref<80xi32, #tpu.memory_space<vmem>>
    %dma_wait3A_243 = arith.constant 0 : i32
    %dma_wait3A_244 = arith.constant 0 : i32
    %dma_wait3A_245 = tpu.memref_slice %arg4[%dma_wait3A_243, %dma_wait3A_244] : memref<10000x64xf32, #tpu.memory_space<hbm>> -> memref<10000x64xf32, #tpu.memory_space<hbm>>
    tpu.wait_indirect_dma semaphore(%arg29 : memref<!tpu.dma_semaphore, #tpu.memory_space<semaphore_mem>>) src(%dma_wait3A_245 : memref<10000x64xf32, #tpu.memory_space<hbm>>) dst(%arg17 : memref<80x64xf32, #tpu.memory_space<vmem>>)
    %dma_start3A_246 = arith.constant 7 : i32
    %dma_start3A_247 = arith.constant 0 : i32
    %dma_start3A_248 = tpu.memref_slice %arg8[%dma_start3A_246, %dma_start3A_247] : memref<125x80xi32, #tpu.memory_space<vmem>> -> memref<1x80xi32, #tpu.memory_space<vmem>>
    %dma_start3A_249 = tpu.memref_squeeze %dma_start3A_248 : memref<1x80xi32, #tpu.memory_space<vmem>> -> memref<80xi32, #tpu.memory_space<vmem>>
    %dma_start3A_250 = arith.constant 0 : i32
    %dma_start3A_251 = arith.constant 0 : i32
    %dma_start3A_252 = tpu.memref_slice %arg9[%dma_start3A_250, %dma_start3A_251] : memref<10240x64xf32, #tpu.memory_space<vmem_shared>> -> memref<10240x64xf32, #tpu.memory_space<vmem_shared>>
    tpu.enqueue_indirect_dma source(%arg17 : memref<80x64xf32, #tpu.memory_space<vmem>>) target(%dma_start3A_252 : memref<10240x64xf32, #tpu.memory_space<vmem_shared>>) offsets(%dma_start3A_249 : memref<80xi32, #tpu.memory_space<vmem>>) semaphore(%arg41 : memref<!tpu.dma_semaphore, #tpu.memory_space<semaphore_mem>>) {add = true}
    %dma_wait3A_253 = arith.constant 4 : i32
    %dma_wait3A_254 = arith.constant 0 : i32
    %dma_wait3A_255 = tpu.memref_slice %arg8[%dma_wait3A_253, %dma_wait3A_254] : memref<125x80xi32, #tpu.memory_space<vmem>> -> memref<1x80xi32, #tpu.memory_space<vmem>>
    %dma_wait3A_256 = tpu.memref_squeeze %dma_wait3A_255 : memref<1x80xi32, #tpu.memory_space<vmem>> -> memref<80xi32, #tpu.memory_space<vmem>>
    %dma_wait3A_257 = arith.constant 0 : i32
    %dma_wait3A_258 = arith.constant 0 : i32
    %dma_wait3A_259 = tpu.memref_slice %arg9[%dma_wait3A_257, %dma_wait3A_258] : memref<10240x64xf32, #tpu.memory_space<vmem_shared>> -> memref<10240x64xf32, #tpu.memory_space<vmem_shared>>
    tpu.wait_indirect_dma semaphore(%arg38 : memref<!tpu.dma_semaphore, #tpu.memory_space<semaphore_mem>>) src(%arg14 : memref<80x64xf32, #tpu.memory_space<vmem>>) dst(%dma_wait3A_259 : memref<10240x64xf32, #tpu.memory_space<vmem_shared>>)
    %dma_start3A_260 = arith.constant 16 : i32
    %dma_start3A_261 = arith.constant 0 : i32
    %dma_start3A_262 = tpu.memref_slice %arg7[%dma_start3A_260, %dma_start3A_261] : memref<125x80xi32, #tpu.memory_space<vmem>> -> memref<1x80xi32, #tpu.memory_space<vmem>>
    %dma_start3A_263 = tpu.memref_squeeze %dma_start3A_262 : memref<1x80xi32, #tpu.memory_space<vmem>> -> memref<80xi32, #tpu.memory_space<vmem>>
    %dma_start3A_264 = arith.constant 0 : i32
    %dma_start3A_265 = arith.constant 0 : i32
    %dma_start3A_266 = tpu.memref_slice %arg4[%dma_start3A_264, %dma_start3A_265] : memref<10000x64xf32, #tpu.memory_space<hbm>> -> memref<10000x64xf32, #tpu.memory_space<hbm>>
    tpu.enqueue_indirect_dma source(%dma_start3A_266 : memref<10000x64xf32, #tpu.memory_space<hbm>>) target(%arg14 : memref<80x64xf32, #tpu.memory_space<vmem>>) offsets(%dma_start3A_263 : memref<80xi32, #tpu.memory_space<vmem>>) semaphore(%arg26 : memref<!tpu.dma_semaphore, #tpu.memory_space<semaphore_mem>>)
    %dma_wait3A_267 = arith.constant 8 : i32
    %dma_wait3A_268 = arith.constant 0 : i32
    %dma_wait3A_269 = tpu.memref_slice %arg7[%dma_wait3A_267, %dma_wait3A_268] : memref<125x80xi32, #tpu.memory_space<vmem>> -> memref<1x80xi32, #tpu.memory_space<vmem>>
    %dma_wait3A_270 = tpu.memref_squeeze %dma_wait3A_269 : memref<1x80xi32, #tpu.memory_space<vmem>> -> memref<80xi32, #tpu.memory_space<vmem>>
    %dma_wait3A_271 = arith.constant 0 : i32
    %dma_wait3A_272 = arith.constant 0 : i32
    %dma_wait3A_273 = tpu.memref_slice %arg4[%dma_wait3A_271, %dma_wait3A_272] : memref<10000x64xf32, #tpu.memory_space<hbm>> -> memref<10000x64xf32, #tpu.memory_space<hbm>>
    tpu.wait_indirect_dma semaphore(%arg30 : memref<!tpu.dma_semaphore, #tpu.memory_space<semaphore_mem>>) src(%dma_wait3A_273 : memref<10000x64xf32, #tpu.memory_space<hbm>>) dst(%arg18 : memref<80x64xf32, #tpu.memory_space<vmem>>)
    %dma_start3A_274 = arith.constant 8 : i32
    %dma_start3A_275 = arith.constant 0 : i32
    %dma_start3A_276 = tpu.memref_slice %arg8[%dma_start3A_274, %dma_start3A_275] : memref<125x80xi32, #tpu.memory_space<vmem>> -> memref<1x80xi32, #tpu.memory_space<vmem>>
    %dma_start3A_277 = tpu.memref_squeeze %dma_start3A_276 : memref<1x80xi32, #tpu.memory_space<vmem>> -> memref<80xi32, #tpu.memory_space<vmem>>
    %dma_start3A_278 = arith.constant 0 : i32
    %dma_start3A_279 = arith.constant 0 : i32
    %dma_start3A_280 = tpu.memref_slice %arg9[%dma_start3A_278, %dma_start3A_279] : memref<10240x64xf32, #tpu.memory_space<vmem_shared>> -> memref<10240x64xf32, #tpu.memory_space<vmem_shared>>
    tpu.enqueue_indirect_dma source(%arg18 : memref<80x64xf32, #tpu.memory_space<vmem>>) target(%dma_start3A_280 : memref<10240x64xf32, #tpu.memory_space<vmem_shared>>) offsets(%dma_start3A_277 : memref<80xi32, #tpu.memory_space<vmem>>) semaphore(%arg42 : memref<!tpu.dma_semaphore, #tpu.memory_space<semaphore_mem>>) {add = true}
    %dma_wait3A_281 = arith.constant 5 : i32
    %dma_wait3A_282 = arith.constant 0 : i32
    %dma_wait3A_283 = tpu.memref_slice %arg8[%dma_wait3A_281, %dma_wait3A_282] : memref<125x80xi32, #tpu.memory_space<vmem>> -> memref<1x80xi32, #tpu.memory_space<vmem>>
    %dma_wait3A_284 = tpu.memref_squeeze %dma_wait3A_283 : memref<1x80xi32, #tpu.memory_space<vmem>> -> memref<80xi32, #tpu.memory_space<vmem>>
    %dma_wait3A_285 = arith.constant 0 : i32
    %dma_wait3A_286 = arith.constant 0 : i32
    %dma_wait3A_287 = tpu.memref_slice %arg9[%dma_wait3A_285, %dma_wait3A_286] : memref<10240x64xf32, #tpu.memory_space<vmem_shared>> -> memref<10240x64xf32, #tpu.memory_space<vmem_shared>>
    tpu.wait_indirect_dma semaphore(%arg39 : memref<!tpu.dma_semaphore, #tpu.memory_space<semaphore_mem>>) src(%arg15 : memref<80x64xf32, #tpu.memory_space<vmem>>) dst(%dma_wait3A_287 : memref<10240x64xf32, #tpu.memory_space<vmem_shared>>)
    %dma_start3A_288 = arith.constant 17 : i32
    %dma_start3A_289 = arith.constant 0 : i32
    %dma_start3A_290 = tpu.memref_slice %arg7[%dma_start3A_288, %dma_start3A_289] : memref<125x80xi32, #tpu.memory_space<vmem>> -> memref<1x80xi32, #tpu.memory_space<vmem>>
    %dma_start3A_291 = tpu.memref_squeeze %dma_start3A_290 : memref<1x80xi32, #tpu.memory_space<vmem>> -> memref<80xi32, #tpu.memory_space<vmem>>
    %dma_start3A_292 = arith.constant 0 : i32
    %dma_start3A_293 = arith.constant 0 : i32
    %dma_start3A_294 = tpu.memref_slice %arg4[%dma_start3A_292, %dma_start3A_293] : memref<10000x64xf32, #tpu.memory_space<hbm>> -> memref<10000x64xf32, #tpu.memory_space<hbm>>
    tpu.enqueue_indirect_dma source(%dma_start3A_294 : memref<10000x64xf32, #tpu.memory_space<hbm>>) target(%arg15 : memref<80x64xf32, #tpu.memory_space<vmem>>) offsets(%dma_start3A_291 : memref<80xi32, #tpu.memory_space<vmem>>) semaphore(%arg27 : memref<!tpu.dma_semaphore, #tpu.memory_space<semaphore_mem>>)
    %dma_wait3A_295 = arith.constant 9 : i32
    %dma_wait3A_296 = arith.constant 0 : i32
    %dma_wait3A_297 = tpu.memref_slice %arg7[%dma_wait3A_295, %dma_wait3A_296] : memref<125x80xi32, #tpu.memory_space<vmem>> -> memref<1x80xi32, #tpu.memory_space<vmem>>
    %dma_wait3A_298 = tpu.memref_squeeze %dma_wait3A_297 : memref<1x80xi32, #tpu.memory_space<vmem>> -> memref<80xi32, #tpu.memory_space<vmem>>
    %dma_wait3A_299 = arith.constant 0 : i32
    %dma_wait3A_300 = arith.constant 0 : i32
    %dma_wait3A_301 = tpu.memref_slice %arg4[%dma_wait3A_299, %dma_wait3A_300] : memref<10000x64xf32, #tpu.memory_space<hbm>> -> memref<10000x64xf32, #tpu.memory_space<hbm>>
    tpu.wait_indirect_dma semaphore(%arg31 : memref<!tpu.dma_semaphore, #tpu.memory_space<semaphore_mem>>) src(%dma_wait3A_301 : memref<10000x64xf32, #tpu.memory_space<hbm>>) dst(%arg19 : memref<80x64xf32, #tpu.memory_space<vmem>>)
    %dma_start3A_302 = arith.constant 9 : i32
    %dma_start3A_303 = arith.constant 0 : i32
    %dma_start3A_304 = tpu.memref_slice %arg8[%dma_start3A_302, %dma_start3A_303] : memref<125x80xi32, #tpu.memory_space<vmem>> -> memref<1x80xi32, #tpu.memory_space<vmem>>
    %dma_start3A_305 = tpu.memref_squeeze %dma_start3A_304 : memref<1x80xi32, #tpu.memory_space<vmem>> -> memref<80xi32, #tpu.memory_space<vmem>>
    %dma_start3A_306 = arith.constant 0 : i32
    %dma_start3A_307 = arith.constant 0 : i32
    %dma_start3A_308 = tpu.memref_slice %arg9[%dma_start3A_306, %dma_start3A_307] : memref<10240x64xf32, #tpu.memory_space<vmem_shared>> -> memref<10240x64xf32, #tpu.memory_space<vmem_shared>>
    tpu.enqueue_indirect_dma source(%arg19 : memref<80x64xf32, #tpu.memory_space<vmem>>) target(%dma_start3A_308 : memref<10240x64xf32, #tpu.memory_space<vmem_shared>>) offsets(%dma_start3A_305 : memref<80xi32, #tpu.memory_space<vmem>>) semaphore(%arg43 : memref<!tpu.dma_semaphore, #tpu.memory_space<semaphore_mem>>) {add = true}
    %dma_wait3A_309 = arith.constant 6 : i32
    %dma_wait3A_310 = arith.constant 0 : i32
    %dma_wait3A_311 = tpu.memref_slice %arg8[%dma_wait3A_309, %dma_wait3A_310] : memref<125x80xi32, #tpu.memory_space<vmem>> -> memref<1x80xi32, #tpu.memory_space<vmem>>
    %dma_wait3A_312 = tpu.memref_squeeze %dma_wait3A_311 : memref<1x80xi32, #tpu.memory_space<vmem>> -> memref<80xi32, #tpu.memory_space<vmem>>
    %dma_wait3A_313 = arith.constant 0 : i32
    %dma_wait3A_314 = arith.constant 0 : i32
    %dma_wait3A_315 = tpu.memref_slice %arg9[%dma_wait3A_313, %dma_wait3A_314] : memref<10240x64xf32, #tpu.memory_space<vmem_shared>> -> memref<10240x64xf32, #tpu.memory_space<vmem_shared>>
    tpu.wait_indirect_dma semaphore(%arg40 : memref<!tpu.dma_semaphore, #tpu.memory_space<semaphore_mem>>) src(%arg16 : memref<80x64xf32, #tpu.memory_space<vmem>>) dst(%dma_wait3A_315 : memref<10240x64xf32, #tpu.memory_space<vmem_shared>>)
    %dma_start3A_316 = arith.constant 18 : i32
    %dma_start3A_317 = arith.constant 0 : i32
    %dma_start3A_318 = tpu.memref_slice %arg7[%dma_start3A_316, %dma_start3A_317] : memref<125x80xi32, #tpu.memory_space<vmem>> -> memref<1x80xi32, #tpu.memory_space<vmem>>
    %dma_start3A_319 = tpu.memref_squeeze %dma_start3A_318 : memref<1x80xi32, #tpu.memory_space<vmem>> -> memref<80xi32, #tpu.memory_space<vmem>>
    %dma_start3A_320 = arith.constant 0 : i32
    %dma_start3A_321 = arith.constant 0 : i32
    %dma_start3A_322 = tpu.memref_slice %arg4[%dma_start3A_320, %dma_start3A_321] : memref<10000x64xf32, #tpu.memory_space<hbm>> -> memref<10000x64xf32, #tpu.memory_space<hbm>>
    tpu.enqueue_indirect_dma source(%dma_start3A_322 : memref<10000x64xf32, #tpu.memory_space<hbm>>) target(%arg16 : memref<80x64xf32, #tpu.memory_space<vmem>>) offsets(%dma_start3A_319 : memref<80xi32, #tpu.memory_space<vmem>>) semaphore(%arg28 : memref<!tpu.dma_semaphore, #tpu.memory_space<semaphore_mem>>)
    %dma_wait3A_323 = arith.constant 10 : i32
    %dma_wait3A_324 = arith.constant 0 : i32
    %dma_wait3A_325 = tpu.memref_slice %arg7[%dma_wait3A_323, %dma_wait3A_324] : memref<125x80xi32, #tpu.memory_space<vmem>> -> memref<1x80xi32, #tpu.memory_space<vmem>>
    %dma_wait3A_326 = tpu.memref_squeeze %dma_wait3A_325 : memref<1x80xi32, #tpu.memory_space<vmem>> -> memref<80xi32, #tpu.memory_space<vmem>>
    %dma_wait3A_327 = arith.constant 0 : i32
    %dma_wait3A_328 = arith.constant 0 : i32
    %dma_wait3A_329 = tpu.memref_slice %arg4[%dma_wait3A_327, %dma_wait3A_328] : memref<10000x64xf32, #tpu.memory_space<hbm>> -> memref<10000x64xf32, #tpu.memory_space<hbm>>
    tpu.wait_indirect_dma semaphore(%arg32 : memref<!tpu.dma_semaphore, #tpu.memory_space<semaphore_mem>>) src(%dma_wait3A_329 : memref<10000x64xf32, #tpu.memory_space<hbm>>) dst(%arg20 : memref<80x64xf32, #tpu.memory_space<vmem>>)
    %dma_start3A_330 = arith.constant 10 : i32
    %dma_start3A_331 = arith.constant 0 : i32
    %dma_start3A_332 = tpu.memref_slice %arg8[%dma_start3A_330, %dma_start3A_331] : memref<125x80xi32, #tpu.memory_space<vmem>> -> memref<1x80xi32, #tpu.memory_space<vmem>>
    %dma_start3A_333 = tpu.memref_squeeze %dma_start3A_332 : memref<1x80xi32, #tpu.memory_space<vmem>> -> memref<80xi32, #tpu.memory_space<vmem>>
    %dma_start3A_334 = arith.constant 0 : i32
    %dma_start3A_335 = arith.constant 0 : i32
    %dma_start3A_336 = tpu.memref_slice %arg9[%dma_start3A_334, %dma_start3A_335] : memref<10240x64xf32, #tpu.memory_space<vmem_shared>> -> memref<10240x64xf32, #tpu.memory_space<vmem_shared>>
    tpu.enqueue_indirect_dma source(%arg20 : memref<80x64xf32, #tpu.memory_space<vmem>>) target(%dma_start3A_336 : memref<10240x64xf32, #tpu.memory_space<vmem_shared>>) offsets(%dma_start3A_333 : memref<80xi32, #tpu.memory_space<vmem>>) semaphore(%arg44 : memref<!tpu.dma_semaphore, #tpu.memory_space<semaphore_mem>>) {add = true}
    %dma_wait3A_337 = arith.constant 7 : i32
    %dma_wait3A_338 = arith.constant 0 : i32
    %dma_wait3A_339 = tpu.memref_slice %arg8[%dma_wait3A_337, %dma_wait3A_338] : memref<125x80xi32, #tpu.memory_space<vmem>> -> memref<1x80xi32, #tpu.memory_space<vmem>>
    %dma_wait3A_340 = tpu.memref_squeeze %dma_wait3A_339 : memref<1x80xi32, #tpu.memory_space<vmem>> -> memref<80xi32, #tpu.memory_space<vmem>>
    %dma_wait3A_341 = arith.constant 0 : i32
    %dma_wait3A_342 = arith.constant 0 : i32
    %dma_wait3A_343 = tpu.memref_slice %arg9[%dma_wait3A_341, %dma_wait3A_342] : memref<10240x64xf32, #tpu.memory_space<vmem_shared>> -> memref<10240x64xf32, #tpu.memory_space<vmem_shared>>
    tpu.wait_indirect_dma semaphore(%arg41 : memref<!tpu.dma_semaphore, #tpu.memory_space<semaphore_mem>>) src(%arg17 : memref<80x64xf32, #tpu.memory_space<vmem>>) dst(%dma_wait3A_343 : memref<10240x64xf32, #tpu.memory_space<vmem_shared>>)
    %dma_start3A_344 = arith.constant 19 : i32
    %dma_start3A_345 = arith.constant 0 : i32
    %dma_start3A_346 = tpu.memref_slice %arg7[%dma_start3A_344, %dma_start3A_345] : memref<125x80xi32, #tpu.memory_space<vmem>> -> memref<1x80xi32, #tpu.memory_space<vmem>>
    %dma_start3A_347 = tpu.memref_squeeze %dma_start3A_346 : memref<1x80xi32, #tpu.memory_space<vmem>> -> memref<80xi32, #tpu.memory_space<vmem>>
    %dma_start3A_348 = arith.constant 0 : i32
    %dma_start3A_349 = arith.constant 0 : i32
    %dma_start3A_350 = tpu.memref_slice %arg4[%dma_start3A_348, %dma_start3A_349] : memref<10000x64xf32, #tpu.memory_space<hbm>> -> memref<10000x64xf32, #tpu.memory_space<hbm>>
    tpu.enqueue_indirect_dma source(%dma_start3A_350 : memref<10000x64xf32, #tpu.memory_space<hbm>>) target(%arg17 : memref<80x64xf32, #tpu.memory_space<vmem>>) offsets(%dma_start3A_347 : memref<80xi32, #tpu.memory_space<vmem>>) semaphore(%arg29 : memref<!tpu.dma_semaphore, #tpu.memory_space<semaphore_mem>>)
    %dma_wait3A_351 = arith.constant 11 : i32
    %dma_wait3A_352 = arith.constant 0 : i32
    %dma_wait3A_353 = tpu.memref_slice %arg7[%dma_wait3A_351, %dma_wait3A_352] : memref<125x80xi32, #tpu.memory_space<vmem>> -> memref<1x80xi32, #tpu.memory_space<vmem>>
    %dma_wait3A_354 = tpu.memref_squeeze %dma_wait3A_353 : memref<1x80xi32, #tpu.memory_space<vmem>> -> memref<80xi32, #tpu.memory_space<vmem>>
    %dma_wait3A_355 = arith.constant 0 : i32
    %dma_wait3A_356 = arith.constant 0 : i32
    %dma_wait3A_357 = tpu.memref_slice %arg4[%dma_wait3A_355, %dma_wait3A_356] : memref<10000x64xf32, #tpu.memory_space<hbm>> -> memref<10000x64xf32, #tpu.memory_space<hbm>>
    tpu.wait_indirect_dma semaphore(%arg33 : memref<!tpu.dma_semaphore, #tpu.memory_space<semaphore_mem>>) src(%dma_wait3A_357 : memref<10000x64xf32, #tpu.memory_space<hbm>>) dst(%arg21 : memref<80x64xf32, #tpu.memory_space<vmem>>)
    %dma_start3A_358 = arith.constant 11 : i32
    %dma_start3A_359 = arith.constant 0 : i32
    %dma_start3A_360 = tpu.memref_slice %arg8[%dma_start3A_358, %dma_start3A_359] : memref<125x80xi32, #tpu.memory_space<vmem>> -> memref<1x80xi32, #tpu.memory_space<vmem>>
    %dma_start3A_361 = tpu.memref_squeeze %dma_start3A_360 : memref<1x80xi32, #tpu.memory_space<vmem>> -> memref<80xi32, #tpu.memory_space<vmem>>
    %dma_start3A_362 = arith.constant 0 : i32
    %dma_start3A_363 = arith.constant 0 : i32
    %dma_start3A_364 = tpu.memref_slice %arg9[%dma_start3A_362, %dma_start3A_363] : memref<10240x64xf32, #tpu.memory_space<vmem_shared>> -> memref<10240x64xf32, #tpu.memory_space<vmem_shared>>
    tpu.enqueue_indirect_dma source(%arg21 : memref<80x64xf32, #tpu.memory_space<vmem>>) target(%dma_start3A_364 : memref<10240x64xf32, #tpu.memory_space<vmem_shared>>) offsets(%dma_start3A_361 : memref<80xi32, #tpu.memory_space<vmem>>) semaphore(%arg45 : memref<!tpu.dma_semaphore, #tpu.memory_space<semaphore_mem>>) {add = true}
    %dma_wait3A_365 = arith.constant 8 : i32
    %dma_wait3A_366 = arith.constant 0 : i32
    %dma_wait3A_367 = tpu.memref_slice %arg8[%dma_wait3A_365, %dma_wait3A_366] : memref<125x80xi32, #tpu.memory_space<vmem>> -> memref<1x80xi32, #tpu.memory_space<vmem>>
    %dma_wait3A_368 = tpu.memref_squeeze %dma_wait3A_367 : memref<1x80xi32, #tpu.memory_space<vmem>> -> memref<80xi32, #tpu.memory_space<vmem>>
    %dma_wait3A_369 = arith.constant 0 : i32
    %dma_wait3A_370 = arith.constant 0 : i32
    %dma_wait3A_371 = tpu.memref_slice %arg9[%dma_wait3A_369, %dma_wait3A_370] : memref<10240x64xf32, #tpu.memory_space<vmem_shared>> -> memref<10240x64xf32, #tpu.memory_space<vmem_shared>>
    tpu.wait_indirect_dma semaphore(%arg42 : memref<!tpu.dma_semaphore, #tpu.memory_space<semaphore_mem>>) src(%arg18 : memref<80x64xf32, #tpu.memory_space<vmem>>) dst(%dma_wait3A_371 : memref<10240x64xf32, #tpu.memory_space<vmem_shared>>)
    %dma_start3A_372 = arith.constant 20 : i32
    %dma_start3A_373 = arith.constant 0 : i32
    %dma_start3A_374 = tpu.memref_slice %arg7[%dma_start3A_372, %dma_start3A_373] : memref<125x80xi32, #tpu.memory_space<vmem>> -> memref<1x80xi32, #tpu.memory_space<vmem>>
    %dma_start3A_375 = tpu.memref_squeeze %dma_start3A_374 : memref<1x80xi32, #tpu.memory_space<vmem>> -> memref<80xi32, #tpu.memory_space<vmem>>
    %dma_start3A_376 = arith.constant 0 : i32
    %dma_start3A_377 = arith.constant 0 : i32
    %dma_start3A_378 = tpu.memref_slice %arg4[%dma_start3A_376, %dma_start3A_377] : memref<10000x64xf32, #tpu.memory_space<hbm>> -> memref<10000x64xf32, #tpu.memory_space<hbm>>
    tpu.enqueue_indirect_dma source(%dma_start3A_378 : memref<10000x64xf32, #tpu.memory_space<hbm>>) target(%arg18 : memref<80x64xf32, #tpu.memory_space<vmem>>) offsets(%dma_start3A_375 : memref<80xi32, #tpu.memory_space<vmem>>) semaphore(%arg30 : memref<!tpu.dma_semaphore, #tpu.memory_space<semaphore_mem>>)
    %scan3A = arith.constant 0 : i32
    %scan3A_379 = arith.constant 1 : i32
    %scan3A_380 = arith.constant 9 : i32
    %scan3A_381 = arith.addi %scan3A_379, %scan3A_380 : i32
    %scan3A_382 = arith.constant 1 : i32
    scf.for %scan3A_515 = %scan3A_379 to %scan3A_381 step %scan3A_382  : i32 {
      %mul3A_516 = arith.constant 12 : i32
      %mul3A_517 = arith.muli %scan3A_515, %mul3A_516 : i32
      %add3A_518 = arith.constant 0 : i32
      %add3A_519 = arith.addi %mul3A_517, %add3A_518 : i32
      %dma_wait3A_520 = arith.constant 0 : i32
      %dma_wait3A_521 = tpu.memref_slice %arg7[%add3A_519, %dma_wait3A_520] : memref<125x80xi32, #tpu.memory_space<vmem>> -> memref<1x80xi32, #tpu.memory_space<vmem>>
      %dma_wait3A_522 = tpu.memref_squeeze %dma_wait3A_521 : memref<1x80xi32, #tpu.memory_space<vmem>> -> memref<80xi32, #tpu.memory_space<vmem>>
      %dma_wait3A_523 = arith.constant 0 : i32
      %dma_wait3A_524 = arith.constant 0 : i32
      %dma_wait3A_525 = tpu.memref_slice %arg4[%dma_wait3A_523, %dma_wait3A_524] : memref<10000x64xf32, #tpu.memory_space<hbm>> -> memref<10000x64xf32, #tpu.memory_space<hbm>>
      tpu.wait_indirect_dma semaphore(%arg22 : memref<!tpu.dma_semaphore, #tpu.memory_space<semaphore_mem>>) src(%dma_wait3A_525 : memref<10000x64xf32, #tpu.memory_space<hbm>>) dst(%arg10 : memref<80x64xf32, #tpu.memory_space<vmem>>)
      %dma_start3A_526 = arith.constant 0 : i32
      %dma_start3A_527 = tpu.memref_slice %arg8[%add3A_519, %dma_start3A_526] : memref<125x80xi32, #tpu.memory_space<vmem>> -> memref<1x80xi32, #tpu.memory_space<vmem>>
      %dma_start3A_528 = tpu.memref_squeeze %dma_start3A_527 : memref<1x80xi32, #tpu.memory_space<vmem>> -> memref<80xi32, #tpu.memory_space<vmem>>
      %dma_start3A_529 = arith.constant 0 : i32
      %dma_start3A_530 = arith.constant 0 : i32
      %dma_start3A_531 = tpu.memref_slice %arg9[%dma_start3A_529, %dma_start3A_530] : memref<10240x64xf32, #tpu.memory_space<vmem_shared>> -> memref<10240x64xf32, #tpu.memory_space<vmem_shared>>
      tpu.enqueue_indirect_dma source(%arg10 : memref<80x64xf32, #tpu.memory_space<vmem>>) target(%dma_start3A_531 : memref<10240x64xf32, #tpu.memory_space<vmem_shared>>) offsets(%dma_start3A_528 : memref<80xi32, #tpu.memory_space<vmem>>) semaphore(%arg34 : memref<!tpu.dma_semaphore, #tpu.memory_space<semaphore_mem>>) {add = true}
      %sub3A = arith.constant 3 : i32
      %sub3A_532 = arith.subi %add3A_519, %sub3A : i32
      %dma_wait3A_533 = arith.constant 0 : i32
      %dma_wait3A_534 = tpu.memref_slice %arg8[%sub3A_532, %dma_wait3A_533] : memref<125x80xi32, #tpu.memory_space<vmem>> -> memref<1x80xi32, #tpu.memory_space<vmem>>
      %dma_wait3A_535 = tpu.memref_squeeze %dma_wait3A_534 : memref<1x80xi32, #tpu.memory_space<vmem>> -> memref<80xi32, #tpu.memory_space<vmem>>
      %dma_wait3A_536 = arith.constant 0 : i32
      %dma_wait3A_537 = arith.constant 0 : i32
      %dma_wait3A_538 = tpu.memref_slice %arg9[%dma_wait3A_536, %dma_wait3A_537] : memref<10240x64xf32, #tpu.memory_space<vmem_shared>> -> memref<10240x64xf32, #tpu.memory_space<vmem_shared>>
      tpu.wait_indirect_dma semaphore(%arg43 : memref<!tpu.dma_semaphore, #tpu.memory_space<semaphore_mem>>) src(%arg19 : memref<80x64xf32, #tpu.memory_space<vmem>>) dst(%dma_wait3A_538 : memref<10240x64xf32, #tpu.memory_space<vmem_shared>>)
      %add3A_539 = arith.constant 9 : i32
      %add3A_540 = arith.addi %add3A_519, %add3A_539 : i32
      %dma_start3A_541 = arith.constant 0 : i32
      %dma_start3A_542 = tpu.memref_slice %arg7[%add3A_540, %dma_start3A_541] : memref<125x80xi32, #tpu.memory_space<vmem>> -> memref<1x80xi32, #tpu.memory_space<vmem>>
      %dma_start3A_543 = tpu.memref_squeeze %dma_start3A_542 : memref<1x80xi32, #tpu.memory_space<vmem>> -> memref<80xi32, #tpu.memory_space<vmem>>
      %dma_start3A_544 = arith.constant 0 : i32
      %dma_start3A_545 = arith.constant 0 : i32
      %dma_start3A_546 = tpu.memref_slice %arg4[%dma_start3A_544, %dma_start3A_545] : memref<10000x64xf32, #tpu.memory_space<hbm>> -> memref<10000x64xf32, #tpu.memory_space<hbm>>
      tpu.enqueue_indirect_dma source(%dma_start3A_546 : memref<10000x64xf32, #tpu.memory_space<hbm>>) target(%arg19 : memref<80x64xf32, #tpu.memory_space<vmem>>) offsets(%dma_start3A_543 : memref<80xi32, #tpu.memory_space<vmem>>) semaphore(%arg31 : memref<!tpu.dma_semaphore, #tpu.memory_space<semaphore_mem>>)
      %mul3A_547 = arith.constant 12 : i32
      %mul3A_548 = arith.muli %scan3A_515, %mul3A_547 : i32
      %add3A_549 = arith.constant 1 : i32
      %add3A_550 = arith.addi %mul3A_548, %add3A_549 : i32
      %dma_wait3A_551 = arith.constant 0 : i32
      %dma_wait3A_552 = tpu.memref_slice %arg7[%add3A_550, %dma_wait3A_551] : memref<125x80xi32, #tpu.memory_space<vmem>> -> memref<1x80xi32, #tpu.memory_space<vmem>>
      %dma_wait3A_553 = tpu.memref_squeeze %dma_wait3A_552 : memref<1x80xi32, #tpu.memory_space<vmem>> -> memref<80xi32, #tpu.memory_space<vmem>>
      %dma_wait3A_554 = arith.constant 0 : i32
      %dma_wait3A_555 = arith.constant 0 : i32
      %dma_wait3A_556 = tpu.memref_slice %arg4[%dma_wait3A_554, %dma_wait3A_555] : memref<10000x64xf32, #tpu.memory_space<hbm>> -> memref<10000x64xf32, #tpu.memory_space<hbm>>
      tpu.wait_indirect_dma semaphore(%arg23 : memref<!tpu.dma_semaphore, #tpu.memory_space<semaphore_mem>>) src(%dma_wait3A_556 : memref<10000x64xf32, #tpu.memory_space<hbm>>) dst(%arg11 : memref<80x64xf32, #tpu.memory_space<vmem>>)
      %dma_start3A_557 = arith.constant 0 : i32
      %dma_start3A_558 = tpu.memref_slice %arg8[%add3A_550, %dma_start3A_557] : memref<125x80xi32, #tpu.memory_space<vmem>> -> memref<1x80xi32, #tpu.memory_space<vmem>>
      %dma_start3A_559 = tpu.memref_squeeze %dma_start3A_558 : memref<1x80xi32, #tpu.memory_space<vmem>> -> memref<80xi32, #tpu.memory_space<vmem>>
      %dma_start3A_560 = arith.constant 0 : i32
      %dma_start3A_561 = arith.constant 0 : i32
      %dma_start3A_562 = tpu.memref_slice %arg9[%dma_start3A_560, %dma_start3A_561] : memref<10240x64xf32, #tpu.memory_space<vmem_shared>> -> memref<10240x64xf32, #tpu.memory_space<vmem_shared>>
      tpu.enqueue_indirect_dma source(%arg11 : memref<80x64xf32, #tpu.memory_space<vmem>>) target(%dma_start3A_562 : memref<10240x64xf32, #tpu.memory_space<vmem_shared>>) offsets(%dma_start3A_559 : memref<80xi32, #tpu.memory_space<vmem>>) semaphore(%arg35 : memref<!tpu.dma_semaphore, #tpu.memory_space<semaphore_mem>>) {add = true}
      %sub3A_563 = arith.constant 3 : i32
      %sub3A_564 = arith.subi %add3A_550, %sub3A_563 : i32
      %dma_wait3A_565 = arith.constant 0 : i32
      %dma_wait3A_566 = tpu.memref_slice %arg8[%sub3A_564, %dma_wait3A_565] : memref<125x80xi32, #tpu.memory_space<vmem>> -> memref<1x80xi32, #tpu.memory_space<vmem>>
      %dma_wait3A_567 = tpu.memref_squeeze %dma_wait3A_566 : memref<1x80xi32, #tpu.memory_space<vmem>> -> memref<80xi32, #tpu.memory_space<vmem>>
      %dma_wait3A_568 = arith.constant 0 : i32
      %dma_wait3A_569 = arith.constant 0 : i32
      %dma_wait3A_570 = tpu.memref_slice %arg9[%dma_wait3A_568, %dma_wait3A_569] : memref<10240x64xf32, #tpu.memory_space<vmem_shared>> -> memref<10240x64xf32, #tpu.memory_space<vmem_shared>>
      tpu.wait_indirect_dma semaphore(%arg44 : memref<!tpu.dma_semaphore, #tpu.memory_space<semaphore_mem>>) src(%arg20 : memref<80x64xf32, #tpu.memory_space<vmem>>) dst(%dma_wait3A_570 : memref<10240x64xf32, #tpu.memory_space<vmem_shared>>)
      %add3A_571 = arith.constant 9 : i32
      %add3A_572 = arith.addi %add3A_550, %add3A_571 : i32
      %dma_start3A_573 = arith.constant 0 : i32
      %dma_start3A_574 = tpu.memref_slice %arg7[%add3A_572, %dma_start3A_573] : memref<125x80xi32, #tpu.memory_space<vmem>> -> memref<1x80xi32, #tpu.memory_space<vmem>>
      %dma_start3A_575 = tpu.memref_squeeze %dma_start3A_574 : memref<1x80xi32, #tpu.memory_space<vmem>> -> memref<80xi32, #tpu.memory_space<vmem>>
      %dma_start3A_576 = arith.constant 0 : i32
      %dma_start3A_577 = arith.constant 0 : i32
      %dma_start3A_578 = tpu.memref_slice %arg4[%dma_start3A_576, %dma_start3A_577] : memref<10000x64xf32, #tpu.memory_space<hbm>> -> memref<10000x64xf32, #tpu.memory_space<hbm>>
      tpu.enqueue_indirect_dma source(%dma_start3A_578 : memref<10000x64xf32, #tpu.memory_space<hbm>>) target(%arg20 : memref<80x64xf32, #tpu.memory_space<vmem>>) offsets(%dma_start3A_575 : memref<80xi32, #tpu.memory_space<vmem>>) semaphore(%arg32 : memref<!tpu.dma_semaphore, #tpu.memory_space<semaphore_mem>>)
      %mul3A_579 = arith.constant 12 : i32
      %mul3A_580 = arith.muli %scan3A_515, %mul3A_579 : i32
      %add3A_581 = arith.constant 2 : i32
      %add3A_582 = arith.addi %mul3A_580, %add3A_581 : i32
      %dma_wait3A_583 = arith.constant 0 : i32
      %dma_wait3A_584 = tpu.memref_slice %arg7[%add3A_582, %dma_wait3A_583] : memref<125x80xi32, #tpu.memory_space<vmem>> -> memref<1x80xi32, #tpu.memory_space<vmem>>
      %dma_wait3A_585 = tpu.memref_squeeze %dma_wait3A_584 : memref<1x80xi32, #tpu.memory_space<vmem>> -> memref<80xi32, #tpu.memory_space<vmem>>
      %dma_wait3A_586 = arith.constant 0 : i32
      %dma_wait3A_587 = arith.constant 0 : i32
      %dma_wait3A_588 = tpu.memref_slice %arg4[%dma_wait3A_586, %dma_wait3A_587] : memref<10000x64xf32, #tpu.memory_space<hbm>> -> memref<10000x64xf32, #tpu.memory_space<hbm>>
      tpu.wait_indirect_dma semaphore(%arg24 : memref<!tpu.dma_semaphore, #tpu.memory_space<semaphore_mem>>) src(%dma_wait3A_588 : memref<10000x64xf32, #tpu.memory_space<hbm>>) dst(%arg12 : memref<80x64xf32, #tpu.memory_space<vmem>>)
      %dma_start3A_589 = arith.constant 0 : i32
      %dma_start3A_590 = tpu.memref_slice %arg8[%add3A_582, %dma_start3A_589] : memref<125x80xi32, #tpu.memory_space<vmem>> -> memref<1x80xi32, #tpu.memory_space<vmem>>
      %dma_start3A_591 = tpu.memref_squeeze %dma_start3A_590 : memref<1x80xi32, #tpu.memory_space<vmem>> -> memref<80xi32, #tpu.memory_space<vmem>>
      %dma_start3A_592 = arith.constant 0 : i32
      %dma_start3A_593 = arith.constant 0 : i32
      %dma_start3A_594 = tpu.memref_slice %arg9[%dma_start3A_592, %dma_start3A_593] : memref<10240x64xf32, #tpu.memory_space<vmem_shared>> -> memref<10240x64xf32, #tpu.memory_space<vmem_shared>>
      tpu.enqueue_indirect_dma source(%arg12 : memref<80x64xf32, #tpu.memory_space<vmem>>) target(%dma_start3A_594 : memref<10240x64xf32, #tpu.memory_space<vmem_shared>>) offsets(%dma_start3A_591 : memref<80xi32, #tpu.memory_space<vmem>>) semaphore(%arg36 : memref<!tpu.dma_semaphore, #tpu.memory_space<semaphore_mem>>) {add = true}
      %sub3A_595 = arith.constant 3 : i32
      %sub3A_596 = arith.subi %add3A_582, %sub3A_595 : i32
      %dma_wait3A_597 = arith.constant 0 : i32
      %dma_wait3A_598 = tpu.memref_slice %arg8[%sub3A_596, %dma_wait3A_597] : memref<125x80xi32, #tpu.memory_space<vmem>> -> memref<1x80xi32, #tpu.memory_space<vmem>>
      %dma_wait3A_599 = tpu.memref_squeeze %dma_wait3A_598 : memref<1x80xi32, #tpu.memory_space<vmem>> -> memref<80xi32, #tpu.memory_space<vmem>>
      %dma_wait3A_600 = arith.constant 0 : i32
      %dma_wait3A_601 = arith.constant 0 : i32
      %dma_wait3A_602 = tpu.memref_slice %arg9[%dma_wait3A_600, %dma_wait3A_601] : memref<10240x64xf32, #tpu.memory_space<vmem_shared>> -> memref<10240x64xf32, #tpu.memory_space<vmem_shared>>
      tpu.wait_indirect_dma semaphore(%arg45 : memref<!tpu.dma_semaphore, #tpu.memory_space<semaphore_mem>>) src(%arg21 : memref<80x64xf32, #tpu.memory_space<vmem>>) dst(%dma_wait3A_602 : memref<10240x64xf32, #tpu.memory_space<vmem_shared>>)
      %add3A_603 = arith.constant 9 : i32
      %add3A_604 = arith.addi %add3A_582, %add3A_603 : i32
      %dma_start3A_605 = arith.constant 0 : i32
      %dma_start3A_606 = tpu.memref_slice %arg7[%add3A_604, %dma_start3A_605] : memref<125x80xi32, #tpu.memory_space<vmem>> -> memref<1x80xi32, #tpu.memory_space<vmem>>
      %dma_start3A_607 = tpu.memref_squeeze %dma_start3A_606 : memref<1x80xi32, #tpu.memory_space<vmem>> -> memref<80xi32, #tpu.memory_space<vmem>>
      %dma_start3A_608 = arith.constant 0 : i32
      %dma_start3A_609 = arith.constant 0 : i32
      %dma_start3A_610 = tpu.memref_slice %arg4[%dma_start3A_608, %dma_start3A_609] : memref<10000x64xf32, #tpu.memory_space<hbm>> -> memref<10000x64xf32, #tpu.memory_space<hbm>>
      tpu.enqueue_indirect_dma source(%dma_start3A_610 : memref<10000x64xf32, #tpu.memory_space<hbm>>) target(%arg21 : memref<80x64xf32, #tpu.memory_space<vmem>>) offsets(%dma_start3A_607 : memref<80xi32, #tpu.memory_space<vmem>>) semaphore(%arg33 : memref<!tpu.dma_semaphore, #tpu.memory_space<semaphore_mem>>)
      %mul3A_611 = arith.constant 12 : i32
      %mul3A_612 = arith.muli %scan3A_515, %mul3A_611 : i32
      %add3A_613 = arith.constant 3 : i32
      %add3A_614 = arith.addi %mul3A_612, %add3A_613 : i32
      %dma_wait3A_615 = arith.constant 0 : i32
      %dma_wait3A_616 = tpu.memref_slice %arg7[%add3A_614, %dma_wait3A_615] : memref<125x80xi32, #tpu.memory_space<vmem>> -> memref<1x80xi32, #tpu.memory_space<vmem>>
      %dma_wait3A_617 = tpu.memref_squeeze %dma_wait3A_616 : memref<1x80xi32, #tpu.memory_space<vmem>> -> memref<80xi32, #tpu.memory_space<vmem>>
      %dma_wait3A_618 = arith.constant 0 : i32
      %dma_wait3A_619 = arith.constant 0 : i32
      %dma_wait3A_620 = tpu.memref_slice %arg4[%dma_wait3A_618, %dma_wait3A_619] : memref<10000x64xf32, #tpu.memory_space<hbm>> -> memref<10000x64xf32, #tpu.memory_space<hbm>>
      tpu.wait_indirect_dma semaphore(%arg25 : memref<!tpu.dma_semaphore, #tpu.memory_space<semaphore_mem>>) src(%dma_wait3A_620 : memref<10000x64xf32, #tpu.memory_space<hbm>>) dst(%arg13 : memref<80x64xf32, #tpu.memory_space<vmem>>)
      %dma_start3A_621 = arith.constant 0 : i32
      %dma_start3A_622 = tpu.memref_slice %arg8[%add3A_614, %dma_start3A_621] : memref<125x80xi32, #tpu.memory_space<vmem>> -> memref<1x80xi32, #tpu.memory_space<vmem>>
      %dma_start3A_623 = tpu.memref_squeeze %dma_start3A_622 : memref<1x80xi32, #tpu.memory_space<vmem>> -> memref<80xi32, #tpu.memory_space<vmem>>
      %dma_start3A_624 = arith.constant 0 : i32
      %dma_start3A_625 = arith.constant 0 : i32
      %dma_start3A_626 = tpu.memref_slice %arg9[%dma_start3A_624, %dma_start3A_625] : memref<10240x64xf32, #tpu.memory_space<vmem_shared>> -> memref<10240x64xf32, #tpu.memory_space<vmem_shared>>
      tpu.enqueue_indirect_dma source(%arg13 : memref<80x64xf32, #tpu.memory_space<vmem>>) target(%dma_start3A_626 : memref<10240x64xf32, #tpu.memory_space<vmem_shared>>) offsets(%dma_start3A_623 : memref<80xi32, #tpu.memory_space<vmem>>) semaphore(%arg37 : memref<!tpu.dma_semaphore, #tpu.memory_space<semaphore_mem>>) {add = true}
      %sub3A_627 = arith.constant 3 : i32
      %sub3A_628 = arith.subi %add3A_614, %sub3A_627 : i32
      %dma_wait3A_629 = arith.constant 0 : i32
      %dma_wait3A_630 = tpu.memref_slice %arg8[%sub3A_628, %dma_wait3A_629] : memref<125x80xi32, #tpu.memory_space<vmem>> -> memref<1x80xi32, #tpu.memory_space<vmem>>
      %dma_wait3A_631 = tpu.memref_squeeze %dma_wait3A_630 : memref<1x80xi32, #tpu.memory_space<vmem>> -> memref<80xi32, #tpu.memory_space<vmem>>
      %dma_wait3A_632 = arith.constant 0 : i32
      %dma_wait3A_633 = arith.constant 0 : i32
      %dma_wait3A_634 = tpu.memref_slice %arg9[%dma_wait3A_632, %dma_wait3A_633] : memref<10240x64xf32, #tpu.memory_space<vmem_shared>> -> memref<10240x64xf32, #tpu.memory_space<vmem_shared>>
      tpu.wait_indirect_dma semaphore(%arg34 : memref<!tpu.dma_semaphore, #tpu.memory_space<semaphore_mem>>) src(%arg10 : memref<80x64xf32, #tpu.memory_space<vmem>>) dst(%dma_wait3A_634 : memref<10240x64xf32, #tpu.memory_space<vmem_shared>>)
      %add3A_635 = arith.constant 9 : i32
      %add3A_636 = arith.addi %add3A_614, %add3A_635 : i32
      %dma_start3A_637 = arith.constant 0 : i32
      %dma_start3A_638 = tpu.memref_slice %arg7[%add3A_636, %dma_start3A_637] : memref<125x80xi32, #tpu.memory_space<vmem>> -> memref<1x80xi32, #tpu.memory_space<vmem>>
      %dma_start3A_639 = tpu.memref_squeeze %dma_start3A_638 : memref<1x80xi32, #tpu.memory_space<vmem>> -> memref<80xi32, #tpu.memory_space<vmem>>
      %dma_start3A_640 = arith.constant 0 : i32
      %dma_start3A_641 = arith.constant 0 : i32
      %dma_start3A_642 = tpu.memref_slice %arg4[%dma_start3A_640, %dma_start3A_641] : memref<10000x64xf32, #tpu.memory_space<hbm>> -> memref<10000x64xf32, #tpu.memory_space<hbm>>
      tpu.enqueue_indirect_dma source(%dma_start3A_642 : memref<10000x64xf32, #tpu.memory_space<hbm>>) target(%arg10 : memref<80x64xf32, #tpu.memory_space<vmem>>) offsets(%dma_start3A_639 : memref<80xi32, #tpu.memory_space<vmem>>) semaphore(%arg22 : memref<!tpu.dma_semaphore, #tpu.memory_space<semaphore_mem>>)
      %mul3A_643 = arith.constant 12 : i32
      %mul3A_644 = arith.muli %scan3A_515, %mul3A_643 : i32
      %add3A_645 = arith.constant 4 : i32
      %add3A_646 = arith.addi %mul3A_644, %add3A_645 : i32
      %dma_wait3A_647 = arith.constant 0 : i32
      %dma_wait3A_648 = tpu.memref_slice %arg7[%add3A_646, %dma_wait3A_647] : memref<125x80xi32, #tpu.memory_space<vmem>> -> memref<1x80xi32, #tpu.memory_space<vmem>>
      %dma_wait3A_649 = tpu.memref_squeeze %dma_wait3A_648 : memref<1x80xi32, #tpu.memory_space<vmem>> -> memref<80xi32, #tpu.memory_space<vmem>>
      %dma_wait3A_650 = arith.constant 0 : i32
      %dma_wait3A_651 = arith.constant 0 : i32
      %dma_wait3A_652 = tpu.memref_slice %arg4[%dma_wait3A_650, %dma_wait3A_651] : memref<10000x64xf32, #tpu.memory_space<hbm>> -> memref<10000x64xf32, #tpu.memory_space<hbm>>
      tpu.wait_indirect_dma semaphore(%arg26 : memref<!tpu.dma_semaphore, #tpu.memory_space<semaphore_mem>>) src(%dma_wait3A_652 : memref<10000x64xf32, #tpu.memory_space<hbm>>) dst(%arg14 : memref<80x64xf32, #tpu.memory_space<vmem>>)
      %dma_start3A_653 = arith.constant 0 : i32
      %dma_start3A_654 = tpu.memref_slice %arg8[%add3A_646, %dma_start3A_653] : memref<125x80xi32, #tpu.memory_space<vmem>> -> memref<1x80xi32, #tpu.memory_space<vmem>>
      %dma_start3A_655 = tpu.memref_squeeze %dma_start3A_654 : memref<1x80xi32, #tpu.memory_space<vmem>> -> memref<80xi32, #tpu.memory_space<vmem>>
      %dma_start3A_656 = arith.constant 0 : i32
      %dma_start3A_657 = arith.constant 0 : i32
      %dma_start3A_658 = tpu.memref_slice %arg9[%dma_start3A_656, %dma_start3A_657] : memref<10240x64xf32, #tpu.memory_space<vmem_shared>> -> memref<10240x64xf32, #tpu.memory_space<vmem_shared>>
      tpu.enqueue_indirect_dma source(%arg14 : memref<80x64xf32, #tpu.memory_space<vmem>>) target(%dma_start3A_658 : memref<10240x64xf32, #tpu.memory_space<vmem_shared>>) offsets(%dma_start3A_655 : memref<80xi32, #tpu.memory_space<vmem>>) semaphore(%arg38 : memref<!tpu.dma_semaphore, #tpu.memory_space<semaphore_mem>>) {add = true}
      %sub3A_659 = arith.constant 3 : i32
      %sub3A_660 = arith.subi %add3A_646, %sub3A_659 : i32
      %dma_wait3A_661 = arith.constant 0 : i32
      %dma_wait3A_662 = tpu.memref_slice %arg8[%sub3A_660, %dma_wait3A_661] : memref<125x80xi32, #tpu.memory_space<vmem>> -> memref<1x80xi32, #tpu.memory_space<vmem>>
      %dma_wait3A_663 = tpu.memref_squeeze %dma_wait3A_662 : memref<1x80xi32, #tpu.memory_space<vmem>> -> memref<80xi32, #tpu.memory_space<vmem>>
      %dma_wait3A_664 = arith.constant 0 : i32
      %dma_wait3A_665 = arith.constant 0 : i32
      %dma_wait3A_666 = tpu.memref_slice %arg9[%dma_wait3A_664, %dma_wait3A_665] : memref<10240x64xf32, #tpu.memory_space<vmem_shared>> -> memref<10240x64xf32, #tpu.memory_space<vmem_shared>>
      tpu.wait_indirect_dma semaphore(%arg35 : memref<!tpu.dma_semaphore, #tpu.memory_space<semaphore_mem>>) src(%arg11 : memref<80x64xf32, #tpu.memory_space<vmem>>) dst(%dma_wait3A_666 : memref<10240x64xf32, #tpu.memory_space<vmem_shared>>)
      %add3A_667 = arith.constant 9 : i32
      %add3A_668 = arith.addi %add3A_646, %add3A_667 : i32
      %dma_start3A_669 = arith.constant 0 : i32
      %dma_start3A_670 = tpu.memref_slice %arg7[%add3A_668, %dma_start3A_669] : memref<125x80xi32, #tpu.memory_space<vmem>> -> memref<1x80xi32, #tpu.memory_space<vmem>>
      %dma_start3A_671 = tpu.memref_squeeze %dma_start3A_670 : memref<1x80xi32, #tpu.memory_space<vmem>> -> memref<80xi32, #tpu.memory_space<vmem>>
      %dma_start3A_672 = arith.constant 0 : i32
      %dma_start3A_673 = arith.constant 0 : i32
      %dma_start3A_674 = tpu.memref_slice %arg4[%dma_start3A_672, %dma_start3A_673] : memref<10000x64xf32, #tpu.memory_space<hbm>> -> memref<10000x64xf32, #tpu.memory_space<hbm>>
      tpu.enqueue_indirect_dma source(%dma_start3A_674 : memref<10000x64xf32, #tpu.memory_space<hbm>>) target(%arg11 : memref<80x64xf32, #tpu.memory_space<vmem>>) offsets(%dma_start3A_671 : memref<80xi32, #tpu.memory_space<vmem>>) semaphore(%arg23 : memref<!tpu.dma_semaphore, #tpu.memory_space<semaphore_mem>>)
      %mul3A_675 = arith.constant 12 : i32
      %mul3A_676 = arith.muli %scan3A_515, %mul3A_675 : i32
      %add3A_677 = arith.constant 5 : i32
      %add3A_678 = arith.addi %mul3A_676, %add3A_677 : i32
      %dma_wait3A_679 = arith.constant 0 : i32
      %dma_wait3A_680 = tpu.memref_slice %arg7[%add3A_678, %dma_wait3A_679] : memref<125x80xi32, #tpu.memory_space<vmem>> -> memref<1x80xi32, #tpu.memory_space<vmem>>
      %dma_wait3A_681 = tpu.memref_squeeze %dma_wait3A_680 : memref<1x80xi32, #tpu.memory_space<vmem>> -> memref<80xi32, #tpu.memory_space<vmem>>
      %dma_wait3A_682 = arith.constant 0 : i32
      %dma_wait3A_683 = arith.constant 0 : i32
      %dma_wait3A_684 = tpu.memref_slice %arg4[%dma_wait3A_682, %dma_wait3A_683] : memref<10000x64xf32, #tpu.memory_space<hbm>> -> memref<10000x64xf32, #tpu.memory_space<hbm>>
      tpu.wait_indirect_dma semaphore(%arg27 : memref<!tpu.dma_semaphore, #tpu.memory_space<semaphore_mem>>) src(%dma_wait3A_684 : memref<10000x64xf32, #tpu.memory_space<hbm>>) dst(%arg15 : memref<80x64xf32, #tpu.memory_space<vmem>>)
      %dma_start3A_685 = arith.constant 0 : i32
      %dma_start3A_686 = tpu.memref_slice %arg8[%add3A_678, %dma_start3A_685] : memref<125x80xi32, #tpu.memory_space<vmem>> -> memref<1x80xi32, #tpu.memory_space<vmem>>
      %dma_start3A_687 = tpu.memref_squeeze %dma_start3A_686 : memref<1x80xi32, #tpu.memory_space<vmem>> -> memref<80xi32, #tpu.memory_space<vmem>>
      %dma_start3A_688 = arith.constant 0 : i32
      %dma_start3A_689 = arith.constant 0 : i32
      %dma_start3A_690 = tpu.memref_slice %arg9[%dma_start3A_688, %dma_start3A_689] : memref<10240x64xf32, #tpu.memory_space<vmem_shared>> -> memref<10240x64xf32, #tpu.memory_space<vmem_shared>>
      tpu.enqueue_indirect_dma source(%arg15 : memref<80x64xf32, #tpu.memory_space<vmem>>) target(%dma_start3A_690 : memref<10240x64xf32, #tpu.memory_space<vmem_shared>>) offsets(%dma_start3A_687 : memref<80xi32, #tpu.memory_space<vmem>>) semaphore(%arg39 : memref<!tpu.dma_semaphore, #tpu.memory_space<semaphore_mem>>) {add = true}
      %sub3A_691 = arith.constant 3 : i32
      %sub3A_692 = arith.subi %add3A_678, %sub3A_691 : i32
      %dma_wait3A_693 = arith.constant 0 : i32
      %dma_wait3A_694 = tpu.memref_slice %arg8[%sub3A_692, %dma_wait3A_693] : memref<125x80xi32, #tpu.memory_space<vmem>> -> memref<1x80xi32, #tpu.memory_space<vmem>>
      %dma_wait3A_695 = tpu.memref_squeeze %dma_wait3A_694 : memref<1x80xi32, #tpu.memory_space<vmem>> -> memref<80xi32, #tpu.memory_space<vmem>>
      %dma_wait3A_696 = arith.constant 0 : i32
      %dma_wait3A_697 = arith.constant 0 : i32
      %dma_wait3A_698 = tpu.memref_slice %arg9[%dma_wait3A_696, %dma_wait3A_697] : memref<10240x64xf32, #tpu.memory_space<vmem_shared>> -> memref<10240x64xf32, #tpu.memory_space<vmem_shared>>
      tpu.wait_indirect_dma semaphore(%arg36 : memref<!tpu.dma_semaphore, #tpu.memory_space<semaphore_mem>>) src(%arg12 : memref<80x64xf32, #tpu.memory_space<vmem>>) dst(%dma_wait3A_698 : memref<10240x64xf32, #tpu.memory_space<vmem_shared>>)
      %add3A_699 = arith.constant 9 : i32
      %add3A_700 = arith.addi %add3A_678, %add3A_699 : i32
      %dma_start3A_701 = arith.constant 0 : i32
      %dma_start3A_702 = tpu.memref_slice %arg7[%add3A_700, %dma_start3A_701] : memref<125x80xi32, #tpu.memory_space<vmem>> -> memref<1x80xi32, #tpu.memory_space<vmem>>
      %dma_start3A_703 = tpu.memref_squeeze %dma_start3A_702 : memref<1x80xi32, #tpu.memory_space<vmem>> -> memref<80xi32, #tpu.memory_space<vmem>>
      %dma_start3A_704 = arith.constant 0 : i32
      %dma_start3A_705 = arith.constant 0 : i32
      %dma_start3A_706 = tpu.memref_slice %arg4[%dma_start3A_704, %dma_start3A_705] : memref<10000x64xf32, #tpu.memory_space<hbm>> -> memref<10000x64xf32, #tpu.memory_space<hbm>>
      tpu.enqueue_indirect_dma source(%dma_start3A_706 : memref<10000x64xf32, #tpu.memory_space<hbm>>) target(%arg12 : memref<80x64xf32, #tpu.memory_space<vmem>>) offsets(%dma_start3A_703 : memref<80xi32, #tpu.memory_space<vmem>>) semaphore(%arg24 : memref<!tpu.dma_semaphore, #tpu.memory_space<semaphore_mem>>)
      %mul3A_707 = arith.constant 12 : i32
      %mul3A_708 = arith.muli %scan3A_515, %mul3A_707 : i32
      %add3A_709 = arith.constant 6 : i32
      %add3A_710 = arith.addi %mul3A_708, %add3A_709 : i32
      %dma_wait3A_711 = arith.constant 0 : i32
      %dma_wait3A_712 = tpu.memref_slice %arg7[%add3A_710, %dma_wait3A_711] : memref<125x80xi32, #tpu.memory_space<vmem>> -> memref<1x80xi32, #tpu.memory_space<vmem>>
      %dma_wait3A_713 = tpu.memref_squeeze %dma_wait3A_712 : memref<1x80xi32, #tpu.memory_space<vmem>> -> memref<80xi32, #tpu.memory_space<vmem>>
      %dma_wait3A_714 = arith.constant 0 : i32
      %dma_wait3A_715 = arith.constant 0 : i32
      %dma_wait3A_716 = tpu.memref_slice %arg4[%dma_wait3A_714, %dma_wait3A_715] : memref<10000x64xf32, #tpu.memory_space<hbm>> -> memref<10000x64xf32, #tpu.memory_space<hbm>>
      tpu.wait_indirect_dma semaphore(%arg28 : memref<!tpu.dma_semaphore, #tpu.memory_space<semaphore_mem>>) src(%dma_wait3A_716 : memref<10000x64xf32, #tpu.memory_space<hbm>>) dst(%arg16 : memref<80x64xf32, #tpu.memory_space<vmem>>)
      %dma_start3A_717 = arith.constant 0 : i32
      %dma_start3A_718 = tpu.memref_slice %arg8[%add3A_710, %dma_start3A_717] : memref<125x80xi32, #tpu.memory_space<vmem>> -> memref<1x80xi32, #tpu.memory_space<vmem>>
      %dma_start3A_719 = tpu.memref_squeeze %dma_start3A_718 : memref<1x80xi32, #tpu.memory_space<vmem>> -> memref<80xi32, #tpu.memory_space<vmem>>
      %dma_start3A_720 = arith.constant 0 : i32
      %dma_start3A_721 = arith.constant 0 : i32
      %dma_start3A_722 = tpu.memref_slice %arg9[%dma_start3A_720, %dma_start3A_721] : memref<10240x64xf32, #tpu.memory_space<vmem_shared>> -> memref<10240x64xf32, #tpu.memory_space<vmem_shared>>
      tpu.enqueue_indirect_dma source(%arg16 : memref<80x64xf32, #tpu.memory_space<vmem>>) target(%dma_start3A_722 : memref<10240x64xf32, #tpu.memory_space<vmem_shared>>) offsets(%dma_start3A_719 : memref<80xi32, #tpu.memory_space<vmem>>) semaphore(%arg40 : memref<!tpu.dma_semaphore, #tpu.memory_space<semaphore_mem>>) {add = true}
      %sub3A_723 = arith.constant 3 : i32
      %sub3A_724 = arith.subi %add3A_710, %sub3A_723 : i32
      %dma_wait3A_725 = arith.constant 0 : i32
      %dma_wait3A_726 = tpu.memref_slice %arg8[%sub3A_724, %dma_wait3A_725] : memref<125x80xi32, #tpu.memory_space<vmem>> -> memref<1x80xi32, #tpu.memory_space<vmem>>
      %dma_wait3A_727 = tpu.memref_squeeze %dma_wait3A_726 : memref<1x80xi32, #tpu.memory_space<vmem>> -> memref<80xi32, #tpu.memory_space<vmem>>
      %dma_wait3A_728 = arith.constant 0 : i32
      %dma_wait3A_729 = arith.constant 0 : i32
      %dma_wait3A_730 = tpu.memref_slice %arg9[%dma_wait3A_728, %dma_wait3A_729] : memref<10240x64xf32, #tpu.memory_space<vmem_shared>> -> memref<10240x64xf32, #tpu.memory_space<vmem_shared>>
      tpu.wait_indirect_dma semaphore(%arg37 : memref<!tpu.dma_semaphore, #tpu.memory_space<semaphore_mem>>) src(%arg13 : memref<80x64xf32, #tpu.memory_space<vmem>>) dst(%dma_wait3A_730 : memref<10240x64xf32, #tpu.memory_space<vmem_shared>>)
      %add3A_731 = arith.constant 9 : i32
      %add3A_732 = arith.addi %add3A_710, %add3A_731 : i32
      %dma_start3A_733 = arith.constant 0 : i32
      %dma_start3A_734 = tpu.memref_slice %arg7[%add3A_732, %dma_start3A_733] : memref<125x80xi32, #tpu.memory_space<vmem>> -> memref<1x80xi32, #tpu.memory_space<vmem>>
      %dma_start3A_735 = tpu.memref_squeeze %dma_start3A_734 : memref<1x80xi32, #tpu.memory_space<vmem>> -> memref<80xi32, #tpu.memory_space<vmem>>
      %dma_start3A_736 = arith.constant 0 : i32
      %dma_start3A_737 = arith.constant 0 : i32
      %dma_start3A_738 = tpu.memref_slice %arg4[%dma_start3A_736, %dma_start3A_737] : memref<10000x64xf32, #tpu.memory_space<hbm>> -> memref<10000x64xf32, #tpu.memory_space<hbm>>
      tpu.enqueue_indirect_dma source(%dma_start3A_738 : memref<10000x64xf32, #tpu.memory_space<hbm>>) target(%arg13 : memref<80x64xf32, #tpu.memory_space<vmem>>) offsets(%dma_start3A_735 : memref<80xi32, #tpu.memory_space<vmem>>) semaphore(%arg25 : memref<!tpu.dma_semaphore, #tpu.memory_space<semaphore_mem>>)
      %mul3A_739 = arith.constant 12 : i32
      %mul3A_740 = arith.muli %scan3A_515, %mul3A_739 : i32
      %add3A_741 = arith.constant 7 : i32
      %add3A_742 = arith.addi %mul3A_740, %add3A_741 : i32
      %dma_wait3A_743 = arith.constant 0 : i32
      %dma_wait3A_744 = tpu.memref_slice %arg7[%add3A_742, %dma_wait3A_743] : memref<125x80xi32, #tpu.memory_space<vmem>> -> memref<1x80xi32, #tpu.memory_space<vmem>>
      %dma_wait3A_745 = tpu.memref_squeeze %dma_wait3A_744 : memref<1x80xi32, #tpu.memory_space<vmem>> -> memref<80xi32, #tpu.memory_space<vmem>>
      %dma_wait3A_746 = arith.constant 0 : i32
      %dma_wait3A_747 = arith.constant 0 : i32
      %dma_wait3A_748 = tpu.memref_slice %arg4[%dma_wait3A_746, %dma_wait3A_747] : memref<10000x64xf32, #tpu.memory_space<hbm>> -> memref<10000x64xf32, #tpu.memory_space<hbm>>
      tpu.wait_indirect_dma semaphore(%arg29 : memref<!tpu.dma_semaphore, #tpu.memory_space<semaphore_mem>>) src(%dma_wait3A_748 : memref<10000x64xf32, #tpu.memory_space<hbm>>) dst(%arg17 : memref<80x64xf32, #tpu.memory_space<vmem>>)
      %dma_start3A_749 = arith.constant 0 : i32
      %dma_start3A_750 = tpu.memref_slice %arg8[%add3A_742, %dma_start3A_749] : memref<125x80xi32, #tpu.memory_space<vmem>> -> memref<1x80xi32, #tpu.memory_space<vmem>>
      %dma_start3A_751 = tpu.memref_squeeze %dma_start3A_750 : memref<1x80xi32, #tpu.memory_space<vmem>> -> memref<80xi32, #tpu.memory_space<vmem>>
      %dma_start3A_752 = arith.constant 0 : i32
      %dma_start3A_753 = arith.constant 0 : i32
      %dma_start3A_754 = tpu.memref_slice %arg9[%dma_start3A_752, %dma_start3A_753] : memref<10240x64xf32, #tpu.memory_space<vmem_shared>> -> memref<10240x64xf32, #tpu.memory_space<vmem_shared>>
      tpu.enqueue_indirect_dma source(%arg17 : memref<80x64xf32, #tpu.memory_space<vmem>>) target(%dma_start3A_754 : memref<10240x64xf32, #tpu.memory_space<vmem_shared>>) offsets(%dma_start3A_751 : memref<80xi32, #tpu.memory_space<vmem>>) semaphore(%arg41 : memref<!tpu.dma_semaphore, #tpu.memory_space<semaphore_mem>>) {add = true}
      %sub3A_755 = arith.constant 3 : i32
      %sub3A_756 = arith.subi %add3A_742, %sub3A_755 : i32
      %dma_wait3A_757 = arith.constant 0 : i32
      %dma_wait3A_758 = tpu.memref_slice %arg8[%sub3A_756, %dma_wait3A_757] : memref<125x80xi32, #tpu.memory_space<vmem>> -> memref<1x80xi32, #tpu.memory_space<vmem>>
      %dma_wait3A_759 = tpu.memref_squeeze %dma_wait3A_758 : memref<1x80xi32, #tpu.memory_space<vmem>> -> memref<80xi32, #tpu.memory_space<vmem>>
      %dma_wait3A_760 = arith.constant 0 : i32
      %dma_wait3A_761 = arith.constant 0 : i32
      %dma_wait3A_762 = tpu.memref_slice %arg9[%dma_wait3A_760, %dma_wait3A_761] : memref<10240x64xf32, #tpu.memory_space<vmem_shared>> -> memref<10240x64xf32, #tpu.memory_space<vmem_shared>>
      tpu.wait_indirect_dma semaphore(%arg38 : memref<!tpu.dma_semaphore, #tpu.memory_space<semaphore_mem>>) src(%arg14 : memref<80x64xf32, #tpu.memory_space<vmem>>) dst(%dma_wait3A_762 : memref<10240x64xf32, #tpu.memory_space<vmem_shared>>)
      %add3A_763 = arith.constant 9 : i32
      %add3A_764 = arith.addi %add3A_742, %add3A_763 : i32
      %dma_start3A_765 = arith.constant 0 : i32
      %dma_start3A_766 = tpu.memref_slice %arg7[%add3A_764, %dma_start3A_765] : memref<125x80xi32, #tpu.memory_space<vmem>> -> memref<1x80xi32, #tpu.memory_space<vmem>>
      %dma_start3A_767 = tpu.memref_squeeze %dma_start3A_766 : memref<1x80xi32, #tpu.memory_space<vmem>> -> memref<80xi32, #tpu.memory_space<vmem>>
      %dma_start3A_768 = arith.constant 0 : i32
      %dma_start3A_769 = arith.constant 0 : i32
      %dma_start3A_770 = tpu.memref_slice %arg4[%dma_start3A_768, %dma_start3A_769] : memref<10000x64xf32, #tpu.memory_space<hbm>> -> memref<10000x64xf32, #tpu.memory_space<hbm>>
      tpu.enqueue_indirect_dma source(%dma_start3A_770 : memref<10000x64xf32, #tpu.memory_space<hbm>>) target(%arg14 : memref<80x64xf32, #tpu.memory_space<vmem>>) offsets(%dma_start3A_767 : memref<80xi32, #tpu.memory_space<vmem>>) semaphore(%arg26 : memref<!tpu.dma_semaphore, #tpu.memory_space<semaphore_mem>>)
      %mul3A_771 = arith.constant 12 : i32
      %mul3A_772 = arith.muli %scan3A_515, %mul3A_771 : i32
      %add3A_773 = arith.constant 8 : i32
      %add3A_774 = arith.addi %mul3A_772, %add3A_773 : i32
      %dma_wait3A_775 = arith.constant 0 : i32
      %dma_wait3A_776 = tpu.memref_slice %arg7[%add3A_774, %dma_wait3A_775] : memref<125x80xi32, #tpu.memory_space<vmem>> -> memref<1x80xi32, #tpu.memory_space<vmem>>
      %dma_wait3A_777 = tpu.memref_squeeze %dma_wait3A_776 : memref<1x80xi32, #tpu.memory_space<vmem>> -> memref<80xi32, #tpu.memory_space<vmem>>
      %dma_wait3A_778 = arith.constant 0 : i32
      %dma_wait3A_779 = arith.constant 0 : i32
      %dma_wait3A_780 = tpu.memref_slice %arg4[%dma_wait3A_778, %dma_wait3A_779] : memref<10000x64xf32, #tpu.memory_space<hbm>> -> memref<10000x64xf32, #tpu.memory_space<hbm>>
      tpu.wait_indirect_dma semaphore(%arg30 : memref<!tpu.dma_semaphore, #tpu.memory_space<semaphore_mem>>) src(%dma_wait3A_780 : memref<10000x64xf32, #tpu.memory_space<hbm>>) dst(%arg18 : memref<80x64xf32, #tpu.memory_space<vmem>>)
      %dma_start3A_781 = arith.constant 0 : i32
      %dma_start3A_782 = tpu.memref_slice %arg8[%add3A_774, %dma_start3A_781] : memref<125x80xi32, #tpu.memory_space<vmem>> -> memref<1x80xi32, #tpu.memory_space<vmem>>
      %dma_start3A_783 = tpu.memref_squeeze %dma_start3A_782 : memref<1x80xi32, #tpu.memory_space<vmem>> -> memref<80xi32, #tpu.memory_space<vmem>>
      %dma_start3A_784 = arith.constant 0 : i32
      %dma_start3A_785 = arith.constant 0 : i32
      %dma_start3A_786 = tpu.memref_slice %arg9[%dma_start3A_784, %dma_start3A_785] : memref<10240x64xf32, #tpu.memory_space<vmem_shared>> -> memref<10240x64xf32, #tpu.memory_space<vmem_shared>>
      tpu.enqueue_indirect_dma source(%arg18 : memref<80x64xf32, #tpu.memory_space<vmem>>) target(%dma_start3A_786 : memref<10240x64xf32, #tpu.memory_space<vmem_shared>>) offsets(%dma_start3A_783 : memref<80xi32, #tpu.memory_space<vmem>>) semaphore(%arg42 : memref<!tpu.dma_semaphore, #tpu.memory_space<semaphore_mem>>) {add = true}
      %sub3A_787 = arith.constant 3 : i32
      %sub3A_788 = arith.subi %add3A_774, %sub3A_787 : i32
      %dma_wait3A_789 = arith.constant 0 : i32
      %dma_wait3A_790 = tpu.memref_slice %arg8[%sub3A_788, %dma_wait3A_789] : memref<125x80xi32, #tpu.memory_space<vmem>> -> memref<1x80xi32, #tpu.memory_space<vmem>>
      %dma_wait3A_791 = tpu.memref_squeeze %dma_wait3A_790 : memref<1x80xi32, #tpu.memory_space<vmem>> -> memref<80xi32, #tpu.memory_space<vmem>>
      %dma_wait3A_792 = arith.constant 0 : i32
      %dma_wait3A_793 = arith.constant 0 : i32
      %dma_wait3A_794 = tpu.memref_slice %arg9[%dma_wait3A_792, %dma_wait3A_793] : memref<10240x64xf32, #tpu.memory_space<vmem_shared>> -> memref<10240x64xf32, #tpu.memory_space<vmem_shared>>
      tpu.wait_indirect_dma semaphore(%arg39 : memref<!tpu.dma_semaphore, #tpu.memory_space<semaphore_mem>>) src(%arg15 : memref<80x64xf32, #tpu.memory_space<vmem>>) dst(%dma_wait3A_794 : memref<10240x64xf32, #tpu.memory_space<vmem_shared>>)
      %add3A_795 = arith.constant 9 : i32
      %add3A_796 = arith.addi %add3A_774, %add3A_795 : i32
      %dma_start3A_797 = arith.constant 0 : i32
      %dma_start3A_798 = tpu.memref_slice %arg7[%add3A_796, %dma_start3A_797] : memref<125x80xi32, #tpu.memory_space<vmem>> -> memref<1x80xi32, #tpu.memory_space<vmem>>
      %dma_start3A_799 = tpu.memref_squeeze %dma_start3A_798 : memref<1x80xi32, #tpu.memory_space<vmem>> -> memref<80xi32, #tpu.memory_space<vmem>>
      %dma_start3A_800 = arith.constant 0 : i32
      %dma_start3A_801 = arith.constant 0 : i32
      %dma_start3A_802 = tpu.memref_slice %arg4[%dma_start3A_800, %dma_start3A_801] : memref<10000x64xf32, #tpu.memory_space<hbm>> -> memref<10000x64xf32, #tpu.memory_space<hbm>>
      tpu.enqueue_indirect_dma source(%dma_start3A_802 : memref<10000x64xf32, #tpu.memory_space<hbm>>) target(%arg15 : memref<80x64xf32, #tpu.memory_space<vmem>>) offsets(%dma_start3A_799 : memref<80xi32, #tpu.memory_space<vmem>>) semaphore(%arg27 : memref<!tpu.dma_semaphore, #tpu.memory_space<semaphore_mem>>)
      %mul3A_803 = arith.constant 12 : i32
      %mul3A_804 = arith.muli %scan3A_515, %mul3A_803 : i32
      %add3A_805 = arith.constant 9 : i32
      %add3A_806 = arith.addi %mul3A_804, %add3A_805 : i32
      %dma_wait3A_807 = arith.constant 0 : i32
      %dma_wait3A_808 = tpu.memref_slice %arg7[%add3A_806, %dma_wait3A_807] : memref<125x80xi32, #tpu.memory_space<vmem>> -> memref<1x80xi32, #tpu.memory_space<vmem>>
      %dma_wait3A_809 = tpu.memref_squeeze %dma_wait3A_808 : memref<1x80xi32, #tpu.memory_space<vmem>> -> memref<80xi32, #tpu.memory_space<vmem>>
      %dma_wait3A_810 = arith.constant 0 : i32
      %dma_wait3A_811 = arith.constant 0 : i32
      %dma_wait3A_812 = tpu.memref_slice %arg4[%dma_wait3A_810, %dma_wait3A_811] : memref<10000x64xf32, #tpu.memory_space<hbm>> -> memref<10000x64xf32, #tpu.memory_space<hbm>>
      tpu.wait_indirect_dma semaphore(%arg31 : memref<!tpu.dma_semaphore, #tpu.memory_space<semaphore_mem>>) src(%dma_wait3A_812 : memref<10000x64xf32, #tpu.memory_space<hbm>>) dst(%arg19 : memref<80x64xf32, #tpu.memory_space<vmem>>)
      %dma_start3A_813 = arith.constant 0 : i32
      %dma_start3A_814 = tpu.memref_slice %arg8[%add3A_806, %dma_start3A_813] : memref<125x80xi32, #tpu.memory_space<vmem>> -> memref<1x80xi32, #tpu.memory_space<vmem>>
      %dma_start3A_815 = tpu.memref_squeeze %dma_start3A_814 : memref<1x80xi32, #tpu.memory_space<vmem>> -> memref<80xi32, #tpu.memory_space<vmem>>
      %dma_start3A_816 = arith.constant 0 : i32
      %dma_start3A_817 = arith.constant 0 : i32
      %dma_start3A_818 = tpu.memref_slice %arg9[%dma_start3A_816, %dma_start3A_817] : memref<10240x64xf32, #tpu.memory_space<vmem_shared>> -> memref<10240x64xf32, #tpu.memory_space<vmem_shared>>
      tpu.enqueue_indirect_dma source(%arg19 : memref<80x64xf32, #tpu.memory_space<vmem>>) target(%dma_start3A_818 : memref<10240x64xf32, #tpu.memory_space<vmem_shared>>) offsets(%dma_start3A_815 : memref<80xi32, #tpu.memory_space<vmem>>) semaphore(%arg43 : memref<!tpu.dma_semaphore, #tpu.memory_space<semaphore_mem>>) {add = true}
      %sub3A_819 = arith.constant 3 : i32
      %sub3A_820 = arith.subi %add3A_806, %sub3A_819 : i32
      %dma_wait3A_821 = arith.constant 0 : i32
      %dma_wait3A_822 = tpu.memref_slice %arg8[%sub3A_820, %dma_wait3A_821] : memref<125x80xi32, #tpu.memory_space<vmem>> -> memref<1x80xi32, #tpu.memory_space<vmem>>
      %dma_wait3A_823 = tpu.memref_squeeze %dma_wait3A_822 : memref<1x80xi32, #tpu.memory_space<vmem>> -> memref<80xi32, #tpu.memory_space<vmem>>
      %dma_wait3A_824 = arith.constant 0 : i32
      %dma_wait3A_825 = arith.constant 0 : i32
      %dma_wait3A_826 = tpu.memref_slice %arg9[%dma_wait3A_824, %dma_wait3A_825] : memref<10240x64xf32, #tpu.memory_space<vmem_shared>> -> memref<10240x64xf32, #tpu.memory_space<vmem_shared>>
      tpu.wait_indirect_dma semaphore(%arg40 : memref<!tpu.dma_semaphore, #tpu.memory_space<semaphore_mem>>) src(%arg16 : memref<80x64xf32, #tpu.memory_space<vmem>>) dst(%dma_wait3A_826 : memref<10240x64xf32, #tpu.memory_space<vmem_shared>>)
      %add3A_827 = arith.constant 9 : i32
      %add3A_828 = arith.addi %add3A_806, %add3A_827 : i32
      %dma_start3A_829 = arith.constant 0 : i32
      %dma_start3A_830 = tpu.memref_slice %arg7[%add3A_828, %dma_start3A_829] : memref<125x80xi32, #tpu.memory_space<vmem>> -> memref<1x80xi32, #tpu.memory_space<vmem>>
      %dma_start3A_831 = tpu.memref_squeeze %dma_start3A_830 : memref<1x80xi32, #tpu.memory_space<vmem>> -> memref<80xi32, #tpu.memory_space<vmem>>
      %dma_start3A_832 = arith.constant 0 : i32
      %dma_start3A_833 = arith.constant 0 : i32
      %dma_start3A_834 = tpu.memref_slice %arg4[%dma_start3A_832, %dma_start3A_833] : memref<10000x64xf32, #tpu.memory_space<hbm>> -> memref<10000x64xf32, #tpu.memory_space<hbm>>
      tpu.enqueue_indirect_dma source(%dma_start3A_834 : memref<10000x64xf32, #tpu.memory_space<hbm>>) target(%arg16 : memref<80x64xf32, #tpu.memory_space<vmem>>) offsets(%dma_start3A_831 : memref<80xi32, #tpu.memory_space<vmem>>) semaphore(%arg28 : memref<!tpu.dma_semaphore, #tpu.memory_space<semaphore_mem>>)
      %mul3A_835 = arith.constant 12 : i32
      %mul3A_836 = arith.muli %scan3A_515, %mul3A_835 : i32
      %add3A_837 = arith.constant 10 : i32
      %add3A_838 = arith.addi %mul3A_836, %add3A_837 : i32
      %dma_wait3A_839 = arith.constant 0 : i32
      %dma_wait3A_840 = tpu.memref_slice %arg7[%add3A_838, %dma_wait3A_839] : memref<125x80xi32, #tpu.memory_space<vmem>> -> memref<1x80xi32, #tpu.memory_space<vmem>>
      %dma_wait3A_841 = tpu.memref_squeeze %dma_wait3A_840 : memref<1x80xi32, #tpu.memory_space<vmem>> -> memref<80xi32, #tpu.memory_space<vmem>>
      %dma_wait3A_842 = arith.constant 0 : i32
      %dma_wait3A_843 = arith.constant 0 : i32
      %dma_wait3A_844 = tpu.memref_slice %arg4[%dma_wait3A_842, %dma_wait3A_843] : memref<10000x64xf32, #tpu.memory_space<hbm>> -> memref<10000x64xf32, #tpu.memory_space<hbm>>
      tpu.wait_indirect_dma semaphore(%arg32 : memref<!tpu.dma_semaphore, #tpu.memory_space<semaphore_mem>>) src(%dma_wait3A_844 : memref<10000x64xf32, #tpu.memory_space<hbm>>) dst(%arg20 : memref<80x64xf32, #tpu.memory_space<vmem>>)
      %dma_start3A_845 = arith.constant 0 : i32
      %dma_start3A_846 = tpu.memref_slice %arg8[%add3A_838, %dma_start3A_845] : memref<125x80xi32, #tpu.memory_space<vmem>> -> memref<1x80xi32, #tpu.memory_space<vmem>>
      %dma_start3A_847 = tpu.memref_squeeze %dma_start3A_846 : memref<1x80xi32, #tpu.memory_space<vmem>> -> memref<80xi32, #tpu.memory_space<vmem>>
      %dma_start3A_848 = arith.constant 0 : i32
      %dma_start3A_849 = arith.constant 0 : i32
      %dma_start3A_850 = tpu.memref_slice %arg9[%dma_start3A_848, %dma_start3A_849] : memref<10240x64xf32, #tpu.memory_space<vmem_shared>> -> memref<10240x64xf32, #tpu.memory_space<vmem_shared>>
      tpu.enqueue_indirect_dma source(%arg20 : memref<80x64xf32, #tpu.memory_space<vmem>>) target(%dma_start3A_850 : memref<10240x64xf32, #tpu.memory_space<vmem_shared>>) offsets(%dma_start3A_847 : memref<80xi32, #tpu.memory_space<vmem>>) semaphore(%arg44 : memref<!tpu.dma_semaphore, #tpu.memory_space<semaphore_mem>>) {add = true}
      %sub3A_851 = arith.constant 3 : i32
      %sub3A_852 = arith.subi %add3A_838, %sub3A_851 : i32
      %dma_wait3A_853 = arith.constant 0 : i32
      %dma_wait3A_854 = tpu.memref_slice %arg8[%sub3A_852, %dma_wait3A_853] : memref<125x80xi32, #tpu.memory_space<vmem>> -> memref<1x80xi32, #tpu.memory_space<vmem>>
      %dma_wait3A_855 = tpu.memref_squeeze %dma_wait3A_854 : memref<1x80xi32, #tpu.memory_space<vmem>> -> memref<80xi32, #tpu.memory_space<vmem>>
      %dma_wait3A_856 = arith.constant 0 : i32
      %dma_wait3A_857 = arith.constant 0 : i32
      %dma_wait3A_858 = tpu.memref_slice %arg9[%dma_wait3A_856, %dma_wait3A_857] : memref<10240x64xf32, #tpu.memory_space<vmem_shared>> -> memref<10240x64xf32, #tpu.memory_space<vmem_shared>>
      tpu.wait_indirect_dma semaphore(%arg41 : memref<!tpu.dma_semaphore, #tpu.memory_space<semaphore_mem>>) src(%arg17 : memref<80x64xf32, #tpu.memory_space<vmem>>) dst(%dma_wait3A_858 : memref<10240x64xf32, #tpu.memory_space<vmem_shared>>)
      %add3A_859 = arith.constant 9 : i32
      %add3A_860 = arith.addi %add3A_838, %add3A_859 : i32
      %dma_start3A_861 = arith.constant 0 : i32
      %dma_start3A_862 = tpu.memref_slice %arg7[%add3A_860, %dma_start3A_861] : memref<125x80xi32, #tpu.memory_space<vmem>> -> memref<1x80xi32, #tpu.memory_space<vmem>>
      %dma_start3A_863 = tpu.memref_squeeze %dma_start3A_862 : memref<1x80xi32, #tpu.memory_space<vmem>> -> memref<80xi32, #tpu.memory_space<vmem>>
      %dma_start3A_864 = arith.constant 0 : i32
      %dma_start3A_865 = arith.constant 0 : i32
      %dma_start3A_866 = tpu.memref_slice %arg4[%dma_start3A_864, %dma_start3A_865] : memref<10000x64xf32, #tpu.memory_space<hbm>> -> memref<10000x64xf32, #tpu.memory_space<hbm>>
      tpu.enqueue_indirect_dma source(%dma_start3A_866 : memref<10000x64xf32, #tpu.memory_space<hbm>>) target(%arg17 : memref<80x64xf32, #tpu.memory_space<vmem>>) offsets(%dma_start3A_863 : memref<80xi32, #tpu.memory_space<vmem>>) semaphore(%arg29 : memref<!tpu.dma_semaphore, #tpu.memory_space<semaphore_mem>>)
      %mul3A_867 = arith.constant 12 : i32
      %mul3A_868 = arith.muli %scan3A_515, %mul3A_867 : i32
      %add3A_869 = arith.constant 11 : i32
      %add3A_870 = arith.addi %mul3A_868, %add3A_869 : i32
      %dma_wait3A_871 = arith.constant 0 : i32
      %dma_wait3A_872 = tpu.memref_slice %arg7[%add3A_870, %dma_wait3A_871] : memref<125x80xi32, #tpu.memory_space<vmem>> -> memref<1x80xi32, #tpu.memory_space<vmem>>
      %dma_wait3A_873 = tpu.memref_squeeze %dma_wait3A_872 : memref<1x80xi32, #tpu.memory_space<vmem>> -> memref<80xi32, #tpu.memory_space<vmem>>
      %dma_wait3A_874 = arith.constant 0 : i32
      %dma_wait3A_875 = arith.constant 0 : i32
      %dma_wait3A_876 = tpu.memref_slice %arg4[%dma_wait3A_874, %dma_wait3A_875] : memref<10000x64xf32, #tpu.memory_space<hbm>> -> memref<10000x64xf32, #tpu.memory_space<hbm>>
      tpu.wait_indirect_dma semaphore(%arg33 : memref<!tpu.dma_semaphore, #tpu.memory_space<semaphore_mem>>) src(%dma_wait3A_876 : memref<10000x64xf32, #tpu.memory_space<hbm>>) dst(%arg21 : memref<80x64xf32, #tpu.memory_space<vmem>>)
      %dma_start3A_877 = arith.constant 0 : i32
      %dma_start3A_878 = tpu.memref_slice %arg8[%add3A_870, %dma_start3A_877] : memref<125x80xi32, #tpu.memory_space<vmem>> -> memref<1x80xi32, #tpu.memory_space<vmem>>
      %dma_start3A_879 = tpu.memref_squeeze %dma_start3A_878 : memref<1x80xi32, #tpu.memory_space<vmem>> -> memref<80xi32, #tpu.memory_space<vmem>>
      %dma_start3A_880 = arith.constant 0 : i32
      %dma_start3A_881 = arith.constant 0 : i32
      %dma_start3A_882 = tpu.memref_slice %arg9[%dma_start3A_880, %dma_start3A_881] : memref<10240x64xf32, #tpu.memory_space<vmem_shared>> -> memref<10240x64xf32, #tpu.memory_space<vmem_shared>>
      tpu.enqueue_indirect_dma source(%arg21 : memref<80x64xf32, #tpu.memory_space<vmem>>) target(%dma_start3A_882 : memref<10240x64xf32, #tpu.memory_space<vmem_shared>>) offsets(%dma_start3A_879 : memref<80xi32, #tpu.memory_space<vmem>>) semaphore(%arg45 : memref<!tpu.dma_semaphore, #tpu.memory_space<semaphore_mem>>) {add = true}
      %sub3A_883 = arith.constant 3 : i32
      %sub3A_884 = arith.subi %add3A_870, %sub3A_883 : i32
      %dma_wait3A_885 = arith.constant 0 : i32
      %dma_wait3A_886 = tpu.memref_slice %arg8[%sub3A_884, %dma_wait3A_885] : memref<125x80xi32, #tpu.memory_space<vmem>> -> memref<1x80xi32, #tpu.memory_space<vmem>>
      %dma_wait3A_887 = tpu.memref_squeeze %dma_wait3A_886 : memref<1x80xi32, #tpu.memory_space<vmem>> -> memref<80xi32, #tpu.memory_space<vmem>>
      %dma_wait3A_888 = arith.constant 0 : i32
      %dma_wait3A_889 = arith.constant 0 : i32
      %dma_wait3A_890 = tpu.memref_slice %arg9[%dma_wait3A_888, %dma_wait3A_889] : memref<10240x64xf32, #tpu.memory_space<vmem_shared>> -> memref<10240x64xf32, #tpu.memory_space<vmem_shared>>
      tpu.wait_indirect_dma semaphore(%arg42 : memref<!tpu.dma_semaphore, #tpu.memory_space<semaphore_mem>>) src(%arg18 : memref<80x64xf32, #tpu.memory_space<vmem>>) dst(%dma_wait3A_890 : memref<10240x64xf32, #tpu.memory_space<vmem_shared>>)
      %add3A_891 = arith.constant 9 : i32
      %add3A_892 = arith.addi %add3A_870, %add3A_891 : i32
      %dma_start3A_893 = arith.constant 0 : i32
      %dma_start3A_894 = tpu.memref_slice %arg7[%add3A_892, %dma_start3A_893] : memref<125x80xi32, #tpu.memory_space<vmem>> -> memref<1x80xi32, #tpu.memory_space<vmem>>
      %dma_start3A_895 = tpu.memref_squeeze %dma_start3A_894 : memref<1x80xi32, #tpu.memory_space<vmem>> -> memref<80xi32, #tpu.memory_space<vmem>>
      %dma_start3A_896 = arith.constant 0 : i32
      %dma_start3A_897 = arith.constant 0 : i32
      %dma_start3A_898 = tpu.memref_slice %arg4[%dma_start3A_896, %dma_start3A_897] : memref<10000x64xf32, #tpu.memory_space<hbm>> -> memref<10000x64xf32, #tpu.memory_space<hbm>>
      tpu.enqueue_indirect_dma source(%dma_start3A_898 : memref<10000x64xf32, #tpu.memory_space<hbm>>) target(%arg18 : memref<80x64xf32, #tpu.memory_space<vmem>>) offsets(%dma_start3A_895 : memref<80xi32, #tpu.memory_space<vmem>>) semaphore(%arg30 : memref<!tpu.dma_semaphore, #tpu.memory_space<semaphore_mem>>)
    }
    %scan3A_383 = arith.constant 9 : i32
    %dma_wait3A_384 = arith.constant 120 : i32
    %dma_wait3A_385 = arith.constant 0 : i32
    %dma_wait3A_386 = tpu.memref_slice %arg7[%dma_wait3A_384, %dma_wait3A_385] : memref<125x80xi32, #tpu.memory_space<vmem>> -> memref<1x80xi32, #tpu.memory_space<vmem>>
    %dma_wait3A_387 = tpu.memref_squeeze %dma_wait3A_386 : memref<1x80xi32, #tpu.memory_space<vmem>> -> memref<80xi32, #tpu.memory_space<vmem>>
    %dma_wait3A_388 = arith.constant 0 : i32
    %dma_wait3A_389 = arith.constant 0 : i32
    %dma_wait3A_390 = tpu.memref_slice %arg4[%dma_wait3A_388, %dma_wait3A_389] : memref<10000x64xf32, #tpu.memory_space<hbm>> -> memref<10000x64xf32, #tpu.memory_space<hbm>>
    tpu.wait_indirect_dma semaphore(%arg22 : memref<!tpu.dma_semaphore, #tpu.memory_space<semaphore_mem>>) src(%dma_wait3A_390 : memref<10000x64xf32, #tpu.memory_space<hbm>>) dst(%arg10 : memref<80x64xf32, #tpu.memory_space<vmem>>)
    %dma_start3A_391 = arith.constant 120 : i32
    %dma_start3A_392 = arith.constant 0 : i32
    %dma_start3A_393 = tpu.memref_slice %arg8[%dma_start3A_391, %dma_start3A_392] : memref<125x80xi32, #tpu.memory_space<vmem>> -> memref<1x80xi32, #tpu.memory_space<vmem>>
    %dma_start3A_394 = tpu.memref_squeeze %dma_start3A_393 : memref<1x80xi32, #tpu.memory_space<vmem>> -> memref<80xi32, #tpu.memory_space<vmem>>
    %dma_start3A_395 = arith.constant 0 : i32
    %dma_start3A_396 = arith.constant 0 : i32
    %dma_start3A_397 = tpu.memref_slice %arg9[%dma_start3A_395, %dma_start3A_396] : memref<10240x64xf32, #tpu.memory_space<vmem_shared>> -> memref<10240x64xf32, #tpu.memory_space<vmem_shared>>
    tpu.enqueue_indirect_dma source(%arg10 : memref<80x64xf32, #tpu.memory_space<vmem>>) target(%dma_start3A_397 : memref<10240x64xf32, #tpu.memory_space<vmem_shared>>) offsets(%dma_start3A_394 : memref<80xi32, #tpu.memory_space<vmem>>) semaphore(%arg34 : memref<!tpu.dma_semaphore, #tpu.memory_space<semaphore_mem>>) {add = true}
    %dma_wait3A_398 = arith.constant 117 : i32
    %dma_wait3A_399 = arith.constant 0 : i32
    %dma_wait3A_400 = tpu.memref_slice %arg8[%dma_wait3A_398, %dma_wait3A_399] : memref<125x80xi32, #tpu.memory_space<vmem>> -> memref<1x80xi32, #tpu.memory_space<vmem>>
    %dma_wait3A_401 = tpu.memref_squeeze %dma_wait3A_400 : memref<1x80xi32, #tpu.memory_space<vmem>> -> memref<80xi32, #tpu.memory_space<vmem>>
    %dma_wait3A_402 = arith.constant 0 : i32
    %dma_wait3A_403 = arith.constant 0 : i32
    %dma_wait3A_404 = tpu.memref_slice %arg9[%dma_wait3A_402, %dma_wait3A_403] : memref<10240x64xf32, #tpu.memory_space<vmem_shared>> -> memref<10240x64xf32, #tpu.memory_space<vmem_shared>>
    tpu.wait_indirect_dma semaphore(%arg43 : memref<!tpu.dma_semaphore, #tpu.memory_space<semaphore_mem>>) src(%arg19 : memref<80x64xf32, #tpu.memory_space<vmem>>) dst(%dma_wait3A_404 : memref<10240x64xf32, #tpu.memory_space<vmem_shared>>)
    %dma_wait3A_405 = arith.constant 121 : i32
    %dma_wait3A_406 = arith.constant 0 : i32
    %dma_wait3A_407 = tpu.memref_slice %arg7[%dma_wait3A_405, %dma_wait3A_406] : memref<125x80xi32, #tpu.memory_space<vmem>> -> memref<1x80xi32, #tpu.memory_space<vmem>>
    %dma_wait3A_408 = tpu.memref_squeeze %dma_wait3A_407 : memref<1x80xi32, #tpu.memory_space<vmem>> -> memref<80xi32, #tpu.memory_space<vmem>>
    %dma_wait3A_409 = arith.constant 0 : i32
    %dma_wait3A_410 = arith.constant 0 : i32
    %dma_wait3A_411 = tpu.memref_slice %arg4[%dma_wait3A_409, %dma_wait3A_410] : memref<10000x64xf32, #tpu.memory_space<hbm>> -> memref<10000x64xf32, #tpu.memory_space<hbm>>
    tpu.wait_indirect_dma semaphore(%arg23 : memref<!tpu.dma_semaphore, #tpu.memory_space<semaphore_mem>>) src(%dma_wait3A_411 : memref<10000x64xf32, #tpu.memory_space<hbm>>) dst(%arg11 : memref<80x64xf32, #tpu.memory_space<vmem>>)
    %dma_start3A_412 = arith.constant 121 : i32
    %dma_start3A_413 = arith.constant 0 : i32
    %dma_start3A_414 = tpu.memref_slice %arg8[%dma_start3A_412, %dma_start3A_413] : memref<125x80xi32, #tpu.memory_space<vmem>> -> memref<1x80xi32, #tpu.memory_space<vmem>>
    %dma_start3A_415 = tpu.memref_squeeze %dma_start3A_414 : memref<1x80xi32, #tpu.memory_space<vmem>> -> memref<80xi32, #tpu.memory_space<vmem>>
    %dma_start3A_416 = arith.constant 0 : i32
    %dma_start3A_417 = arith.constant 0 : i32
    %dma_start3A_418 = tpu.memref_slice %arg9[%dma_start3A_416, %dma_start3A_417] : memref<10240x64xf32, #tpu.memory_space<vmem_shared>> -> memref<10240x64xf32, #tpu.memory_space<vmem_shared>>
    tpu.enqueue_indirect_dma source(%arg11 : memref<80x64xf32, #tpu.memory_space<vmem>>) target(%dma_start3A_418 : memref<10240x64xf32, #tpu.memory_space<vmem_shared>>) offsets(%dma_start3A_415 : memref<80xi32, #tpu.memory_space<vmem>>) semaphore(%arg35 : memref<!tpu.dma_semaphore, #tpu.memory_space<semaphore_mem>>) {add = true}
    %dma_wait3A_419 = arith.constant 118 : i32
    %dma_wait3A_420 = arith.constant 0 : i32
    %dma_wait3A_421 = tpu.memref_slice %arg8[%dma_wait3A_419, %dma_wait3A_420] : memref<125x80xi32, #tpu.memory_space<vmem>> -> memref<1x80xi32, #tpu.memory_space<vmem>>
    %dma_wait3A_422 = tpu.memref_squeeze %dma_wait3A_421 : memref<1x80xi32, #tpu.memory_space<vmem>> -> memref<80xi32, #tpu.memory_space<vmem>>
    %dma_wait3A_423 = arith.constant 0 : i32
    %dma_wait3A_424 = arith.constant 0 : i32
    %dma_wait3A_425 = tpu.memref_slice %arg9[%dma_wait3A_423, %dma_wait3A_424] : memref<10240x64xf32, #tpu.memory_space<vmem_shared>> -> memref<10240x64xf32, #tpu.memory_space<vmem_shared>>
    tpu.wait_indirect_dma semaphore(%arg44 : memref<!tpu.dma_semaphore, #tpu.memory_space<semaphore_mem>>) src(%arg20 : memref<80x64xf32, #tpu.memory_space<vmem>>) dst(%dma_wait3A_425 : memref<10240x64xf32, #tpu.memory_space<vmem_shared>>)
    %dma_wait3A_426 = arith.constant 122 : i32
    %dma_wait3A_427 = arith.constant 0 : i32
    %dma_wait3A_428 = tpu.memref_slice %arg7[%dma_wait3A_426, %dma_wait3A_427] : memref<125x80xi32, #tpu.memory_space<vmem>> -> memref<1x80xi32, #tpu.memory_space<vmem>>
    %dma_wait3A_429 = tpu.memref_squeeze %dma_wait3A_428 : memref<1x80xi32, #tpu.memory_space<vmem>> -> memref<80xi32, #tpu.memory_space<vmem>>
    %dma_wait3A_430 = arith.constant 0 : i32
    %dma_wait3A_431 = arith.constant 0 : i32
    %dma_wait3A_432 = tpu.memref_slice %arg4[%dma_wait3A_430, %dma_wait3A_431] : memref<10000x64xf32, #tpu.memory_space<hbm>> -> memref<10000x64xf32, #tpu.memory_space<hbm>>
    tpu.wait_indirect_dma semaphore(%arg24 : memref<!tpu.dma_semaphore, #tpu.memory_space<semaphore_mem>>) src(%dma_wait3A_432 : memref<10000x64xf32, #tpu.memory_space<hbm>>) dst(%arg12 : memref<80x64xf32, #tpu.memory_space<vmem>>)
    %dma_start3A_433 = arith.constant 122 : i32
    %dma_start3A_434 = arith.constant 0 : i32
    %dma_start3A_435 = tpu.memref_slice %arg8[%dma_start3A_433, %dma_start3A_434] : memref<125x80xi32, #tpu.memory_space<vmem>> -> memref<1x80xi32, #tpu.memory_space<vmem>>
    %dma_start3A_436 = tpu.memref_squeeze %dma_start3A_435 : memref<1x80xi32, #tpu.memory_space<vmem>> -> memref<80xi32, #tpu.memory_space<vmem>>
    %dma_start3A_437 = arith.constant 0 : i32
    %dma_start3A_438 = arith.constant 0 : i32
    %dma_start3A_439 = tpu.memref_slice %arg9[%dma_start3A_437, %dma_start3A_438] : memref<10240x64xf32, #tpu.memory_space<vmem_shared>> -> memref<10240x64xf32, #tpu.memory_space<vmem_shared>>
    tpu.enqueue_indirect_dma source(%arg12 : memref<80x64xf32, #tpu.memory_space<vmem>>) target(%dma_start3A_439 : memref<10240x64xf32, #tpu.memory_space<vmem_shared>>) offsets(%dma_start3A_436 : memref<80xi32, #tpu.memory_space<vmem>>) semaphore(%arg36 : memref<!tpu.dma_semaphore, #tpu.memory_space<semaphore_mem>>) {add = true}
    %dma_wait3A_440 = arith.constant 119 : i32
    %dma_wait3A_441 = arith.constant 0 : i32
    %dma_wait3A_442 = tpu.memref_slice %arg8[%dma_wait3A_440, %dma_wait3A_441] : memref<125x80xi32, #tpu.memory_space<vmem>> -> memref<1x80xi32, #tpu.memory_space<vmem>>
    %dma_wait3A_443 = tpu.memref_squeeze %dma_wait3A_442 : memref<1x80xi32, #tpu.memory_space<vmem>> -> memref<80xi32, #tpu.memory_space<vmem>>
    %dma_wait3A_444 = arith.constant 0 : i32
    %dma_wait3A_445 = arith.constant 0 : i32
    %dma_wait3A_446 = tpu.memref_slice %arg9[%dma_wait3A_444, %dma_wait3A_445] : memref<10240x64xf32, #tpu.memory_space<vmem_shared>> -> memref<10240x64xf32, #tpu.memory_space<vmem_shared>>
    tpu.wait_indirect_dma semaphore(%arg45 : memref<!tpu.dma_semaphore, #tpu.memory_space<semaphore_mem>>) src(%arg21 : memref<80x64xf32, #tpu.memory_space<vmem>>) dst(%dma_wait3A_446 : memref<10240x64xf32, #tpu.memory_space<vmem_shared>>)
    %dma_wait3A_447 = arith.constant 123 : i32
    %dma_wait3A_448 = arith.constant 0 : i32
    %dma_wait3A_449 = tpu.memref_slice %arg7[%dma_wait3A_447, %dma_wait3A_448] : memref<125x80xi32, #tpu.memory_space<vmem>> -> memref<1x80xi32, #tpu.memory_space<vmem>>
    %dma_wait3A_450 = tpu.memref_squeeze %dma_wait3A_449 : memref<1x80xi32, #tpu.memory_space<vmem>> -> memref<80xi32, #tpu.memory_space<vmem>>
    %dma_wait3A_451 = arith.constant 0 : i32
    %dma_wait3A_452 = arith.constant 0 : i32
    %dma_wait3A_453 = tpu.memref_slice %arg4[%dma_wait3A_451, %dma_wait3A_452] : memref<10000x64xf32, #tpu.memory_space<hbm>> -> memref<10000x64xf32, #tpu.memory_space<hbm>>
    tpu.wait_indirect_dma semaphore(%arg25 : memref<!tpu.dma_semaphore, #tpu.memory_space<semaphore_mem>>) src(%dma_wait3A_453 : memref<10000x64xf32, #tpu.memory_space<hbm>>) dst(%arg13 : memref<80x64xf32, #tpu.memory_space<vmem>>)
    %dma_start3A_454 = arith.constant 123 : i32
    %dma_start3A_455 = arith.constant 0 : i32
    %dma_start3A_456 = tpu.memref_slice %arg8[%dma_start3A_454, %dma_start3A_455] : memref<125x80xi32, #tpu.memory_space<vmem>> -> memref<1x80xi32, #tpu.memory_space<vmem>>
    %dma_start3A_457 = tpu.memref_squeeze %dma_start3A_456 : memref<1x80xi32, #tpu.memory_space<vmem>> -> memref<80xi32, #tpu.memory_space<vmem>>
    %dma_start3A_458 = arith.constant 0 : i32
    %dma_start3A_459 = arith.constant 0 : i32
    %dma_start3A_460 = tpu.memref_slice %arg9[%dma_start3A_458, %dma_start3A_459] : memref<10240x64xf32, #tpu.memory_space<vmem_shared>> -> memref<10240x64xf32, #tpu.memory_space<vmem_shared>>
    tpu.enqueue_indirect_dma source(%arg13 : memref<80x64xf32, #tpu.memory_space<vmem>>) target(%dma_start3A_460 : memref<10240x64xf32, #tpu.memory_space<vmem_shared>>) offsets(%dma_start3A_457 : memref<80xi32, #tpu.memory_space<vmem>>) semaphore(%arg37 : memref<!tpu.dma_semaphore, #tpu.memory_space<semaphore_mem>>) {add = true}
    %dma_wait3A_461 = arith.constant 120 : i32
    %dma_wait3A_462 = arith.constant 0 : i32
    %dma_wait3A_463 = tpu.memref_slice %arg8[%dma_wait3A_461, %dma_wait3A_462] : memref<125x80xi32, #tpu.memory_space<vmem>> -> memref<1x80xi32, #tpu.memory_space<vmem>>
    %dma_wait3A_464 = tpu.memref_squeeze %dma_wait3A_463 : memref<1x80xi32, #tpu.memory_space<vmem>> -> memref<80xi32, #tpu.memory_space<vmem>>
    %dma_wait3A_465 = arith.constant 0 : i32
    %dma_wait3A_466 = arith.constant 0 : i32
    %dma_wait3A_467 = tpu.memref_slice %arg9[%dma_wait3A_465, %dma_wait3A_466] : memref<10240x64xf32, #tpu.memory_space<vmem_shared>> -> memref<10240x64xf32, #tpu.memory_space<vmem_shared>>
    tpu.wait_indirect_dma semaphore(%arg34 : memref<!tpu.dma_semaphore, #tpu.memory_space<semaphore_mem>>) src(%arg10 : memref<80x64xf32, #tpu.memory_space<vmem>>) dst(%dma_wait3A_467 : memref<10240x64xf32, #tpu.memory_space<vmem_shared>>)
    %dma_wait3A_468 = arith.constant 124 : i32
    %dma_wait3A_469 = arith.constant 0 : i32
    %dma_wait3A_470 = tpu.memref_slice %arg7[%dma_wait3A_468, %dma_wait3A_469] : memref<125x80xi32, #tpu.memory_space<vmem>> -> memref<1x80xi32, #tpu.memory_space<vmem>>
    %dma_wait3A_471 = tpu.memref_squeeze %dma_wait3A_470 : memref<1x80xi32, #tpu.memory_space<vmem>> -> memref<80xi32, #tpu.memory_space<vmem>>
    %dma_wait3A_472 = arith.constant 0 : i32
    %dma_wait3A_473 = arith.constant 0 : i32
    %dma_wait3A_474 = tpu.memref_slice %arg4[%dma_wait3A_472, %dma_wait3A_473] : memref<10000x64xf32, #tpu.memory_space<hbm>> -> memref<10000x64xf32, #tpu.memory_space<hbm>>
    tpu.wait_indirect_dma semaphore(%arg26 : memref<!tpu.dma_semaphore, #tpu.memory_space<semaphore_mem>>) src(%dma_wait3A_474 : memref<10000x64xf32, #tpu.memory_space<hbm>>) dst(%arg14 : memref<80x64xf32, #tpu.memory_space<vmem>>)
    %dma_start3A_475 = arith.constant 124 : i32
    %dma_start3A_476 = arith.constant 0 : i32
    %dma_start3A_477 = tpu.memref_slice %arg8[%dma_start3A_475, %dma_start3A_476] : memref<125x80xi32, #tpu.memory_space<vmem>> -> memref<1x80xi32, #tpu.memory_space<vmem>>
    %dma_start3A_478 = tpu.memref_squeeze %dma_start3A_477 : memref<1x80xi32, #tpu.memory_space<vmem>> -> memref<80xi32, #tpu.memory_space<vmem>>
    %dma_start3A_479 = arith.constant 0 : i32
    %dma_start3A_480 = arith.constant 0 : i32
    %dma_start3A_481 = tpu.memref_slice %arg9[%dma_start3A_479, %dma_start3A_480] : memref<10240x64xf32, #tpu.memory_space<vmem_shared>> -> memref<10240x64xf32, #tpu.memory_space<vmem_shared>>
    tpu.enqueue_indirect_dma source(%arg14 : memref<80x64xf32, #tpu.memory_space<vmem>>) target(%dma_start3A_481 : memref<10240x64xf32, #tpu.memory_space<vmem_shared>>) offsets(%dma_start3A_478 : memref<80xi32, #tpu.memory_space<vmem>>) semaphore(%arg38 : memref<!tpu.dma_semaphore, #tpu.memory_space<semaphore_mem>>) {add = true}
    %dma_wait3A_482 = arith.constant 121 : i32
    %dma_wait3A_483 = arith.constant 0 : i32
    %dma_wait3A_484 = tpu.memref_slice %arg8[%dma_wait3A_482, %dma_wait3A_483] : memref<125x80xi32, #tpu.memory_space<vmem>> -> memref<1x80xi32, #tpu.memory_space<vmem>>
    %dma_wait3A_485 = tpu.memref_squeeze %dma_wait3A_484 : memref<1x80xi32, #tpu.memory_space<vmem>> -> memref<80xi32, #tpu.memory_space<vmem>>
    %dma_wait3A_486 = arith.constant 0 : i32
    %dma_wait3A_487 = arith.constant 0 : i32
    %dma_wait3A_488 = tpu.memref_slice %arg9[%dma_wait3A_486, %dma_wait3A_487] : memref<10240x64xf32, #tpu.memory_space<vmem_shared>> -> memref<10240x64xf32, #tpu.memory_space<vmem_shared>>
    tpu.wait_indirect_dma semaphore(%arg35 : memref<!tpu.dma_semaphore, #tpu.memory_space<semaphore_mem>>) src(%arg11 : memref<80x64xf32, #tpu.memory_space<vmem>>) dst(%dma_wait3A_488 : memref<10240x64xf32, #tpu.memory_space<vmem_shared>>)
    %dma_wait3A_489 = arith.constant 122 : i32
    %dma_wait3A_490 = arith.constant 0 : i32
    %dma_wait3A_491 = tpu.memref_slice %arg8[%dma_wait3A_489, %dma_wait3A_490] : memref<125x80xi32, #tpu.memory_space<vmem>> -> memref<1x80xi32, #tpu.memory_space<vmem>>
    %dma_wait3A_492 = tpu.memref_squeeze %dma_wait3A_491 : memref<1x80xi32, #tpu.memory_space<vmem>> -> memref<80xi32, #tpu.memory_space<vmem>>
    %dma_wait3A_493 = arith.constant 0 : i32
    %dma_wait3A_494 = arith.constant 0 : i32
    %dma_wait3A_495 = tpu.memref_slice %arg9[%dma_wait3A_493, %dma_wait3A_494] : memref<10240x64xf32, #tpu.memory_space<vmem_shared>> -> memref<10240x64xf32, #tpu.memory_space<vmem_shared>>
    tpu.wait_indirect_dma semaphore(%arg36 : memref<!tpu.dma_semaphore, #tpu.memory_space<semaphore_mem>>) src(%arg12 : memref<80x64xf32, #tpu.memory_space<vmem>>) dst(%dma_wait3A_495 : memref<10240x64xf32, #tpu.memory_space<vmem_shared>>)
    %dma_wait3A_496 = arith.constant 123 : i32
    %dma_wait3A_497 = arith.constant 0 : i32
    %dma_wait3A_498 = tpu.memref_slice %arg8[%dma_wait3A_496, %dma_wait3A_497] : memref<125x80xi32, #tpu.memory_space<vmem>> -> memref<1x80xi32, #tpu.memory_space<vmem>>
    %dma_wait3A_499 = tpu.memref_squeeze %dma_wait3A_498 : memref<1x80xi32, #tpu.memory_space<vmem>> -> memref<80xi32, #tpu.memory_space<vmem>>
    %dma_wait3A_500 = arith.constant 0 : i32
    %dma_wait3A_501 = arith.constant 0 : i32
    %dma_wait3A_502 = tpu.memref_slice %arg9[%dma_wait3A_500, %dma_wait3A_501] : memref<10240x64xf32, #tpu.memory_space<vmem_shared>> -> memref<10240x64xf32, #tpu.memory_space<vmem_shared>>
    tpu.wait_indirect_dma semaphore(%arg37 : memref<!tpu.dma_semaphore, #tpu.memory_space<semaphore_mem>>) src(%arg13 : memref<80x64xf32, #tpu.memory_space<vmem>>) dst(%dma_wait3A_502 : memref<10240x64xf32, #tpu.memory_space<vmem_shared>>)
    %dma_wait3A_503 = arith.constant 124 : i32
    %dma_wait3A_504 = arith.constant 0 : i32
    %dma_wait3A_505 = tpu.memref_slice %arg8[%dma_wait3A_503, %dma_wait3A_504] : memref<125x80xi32, #tpu.memory_space<vmem>> -> memref<1x80xi32, #tpu.memory_space<vmem>>
    %dma_wait3A_506 = tpu.memref_squeeze %dma_wait3A_505 : memref<1x80xi32, #tpu.memory_space<vmem>> -> memref<80xi32, #tpu.memory_space<vmem>>
    %dma_wait3A_507 = arith.constant 0 : i32
    %dma_wait3A_508 = arith.constant 0 : i32
    %dma_wait3A_509 = tpu.memref_slice %arg9[%dma_wait3A_507, %dma_wait3A_508] : memref<10240x64xf32, #tpu.memory_space<vmem_shared>> -> memref<10240x64xf32, #tpu.memory_space<vmem_shared>>
    tpu.wait_indirect_dma semaphore(%arg38 : memref<!tpu.dma_semaphore, #tpu.memory_space<semaphore_mem>>) src(%arg14 : memref<80x64xf32, #tpu.memory_space<vmem>>) dst(%dma_wait3A_509 : memref<10240x64xf32, #tpu.memory_space<vmem_shared>>)
    %barrier3A_510 = arith.constant 0 : index
    tpu.barrier barrier_id(%barrier3A_510)
    %mul3A_511 = arith.constant 640 : i32
    %mul3A_512 = arith.muli %arg1, %mul3A_511 : i32
    %mul3A_513 = arith.constant 640 : i32
    %mul3A_514 = arith.muli %arg1, %mul3A_513 : i32
    "tpu.region"() ({
      %run_scoped3A = tpu.sem_alloc : memref<!tpu.dma_semaphore, #tpu.memory_space<semaphore_mem>>
      %dma_start3A_515 = arith.constant 0 : i32
      %dma_start3A_516 = tpu.memref_slice %arg6[%arg0, %mul3A_514, %dma_start3A_515] : memref<2x10240x64xf32, #tpu.memory_space<hbm>> -> memref<1x640x64xf32, #tpu.memory_space<hbm>>
      %dma_start3A_517 = tpu.memref_squeeze %dma_start3A_516 : memref<1x640x64xf32, #tpu.memory_space<hbm>> -> memref<640x64xf32, #tpu.memory_space<hbm>>
      %dma_start3A_518 = arith.constant 0 : i32
      %dma_start3A_519 = tpu.memref_slice %arg9[%mul3A_512, %dma_start3A_518] : memref<10240x64xf32, #tpu.memory_space<vmem_shared>> -> memref<640x64xf32, #tpu.memory_space<vmem_shared>>
      tpu.enqueue_dma source(%dma_start3A_519 : memref<640x64xf32, #tpu.memory_space<vmem_shared>>) target(%dma_start3A_517 : memref<640x64xf32, #tpu.memory_space<hbm>>) target_semaphore(%run_scoped3A : memref<!tpu.dma_semaphore, #tpu.memory_space<semaphore_mem>>)
      %dma_wait3A_520 = arith.constant 0 : i32
      %dma_wait3A_521 = tpu.memref_slice %arg6[%arg0, %mul3A_514, %dma_wait3A_520] : memref<2x10240x64xf32, #tpu.memory_space<hbm>> -> memref<1x640x64xf32, #tpu.memory_space<hbm>>
      %dma_wait3A_522 = tpu.memref_squeeze %dma_wait3A_521 : memref<1x640x64xf32, #tpu.memory_space<hbm>> -> memref<640x64xf32, #tpu.memory_space<hbm>>
      %dma_wait3A_523 = arith.constant 0 : i32
      %dma_wait3A_524 = tpu.memref_slice %arg9[%mul3A_512, %dma_wait3A_523] : memref<10240x64xf32, #tpu.memory_space<vmem_shared>> -> memref<640x64xf32, #tpu.memory_space<vmem_shared>>
      tpu.wait_dma2 semaphore(%run_scoped3A : memref<!tpu.dma_semaphore, #tpu.memory_space<semaphore_mem>>) src(%dma_wait3A_524 : memref<640x64xf32, #tpu.memory_space<vmem_shared>>) dst(%dma_wait3A_522 : memref<640x64xf32, #tpu.memory_space<hbm>>)
      tpu.yield
    }) : () -> ()
    return
  }
}

module attributes {stable_mosaic.version = 14 : i64} {
  func.func @_mm1_kernel(%arg0: i32, %arg1: memref<2000x128xf32, #tpu.memory_space<vmem>>, %arg2: memref<128x64xf32, #tpu.memory_space<vmem>>, %arg3: memref<1x64xf32, #tpu.memory_space<vmem>>, %arg4: memref<64x64xf32, #tpu.memory_space<vmem>>, %arg5: memref<2x2000x16xf32, #tpu.memory_space<vmem>>, %arg6: memref<2000x64xf32, #tpu.memory_space<vmem>>) attributes {dimension_semantics = [#tpu.dimension_semantics<arbitrary>], iteration_bounds = array<i64: 5>, scalar_prefetch = 0 : i64, scratch_operands = 0 : i64, tpu.core_type = #tpu.core_type<tc>, window_params = [{transform_indices = @transform_0, window_bounds = array<i64: 2000, 128>}, {pipeline_mode = #tpu.pipeline_mode<synchronous>, transform_indices = @transform_1, window_bounds = array<i64: 128, 64>}, {pipeline_mode = #tpu.pipeline_mode<synchronous>, transform_indices = @transform_2, window_bounds = array<i64: 1, 64>}, {pipeline_mode = #tpu.pipeline_mode<synchronous>, transform_indices = @transform_3, window_bounds = array<i64: 64, 64>}, {transform_indices = @transform_4, window_bounds = array<i64: 2, 2000, 16>}, {transform_indices = @transform_5, window_bounds = array<i64: 2000, 64>}]} {
    %get3A = arith.constant 0 : index
    %get3A_0 = arith.constant 0 : index
    %get3A_1 = vector.load %arg1[%get3A, %get3A_0] : memref<2000x128xf32, #tpu.memory_space<vmem>>, vector<2000x128xf32>
    %get3A_2 = arith.constant 0 : index
    %get3A_3 = arith.constant 0 : index
    %get3A_4 = vector.load %arg2[%get3A_2, %get3A_3] : memref<128x64xf32, #tpu.memory_space<vmem>>, vector<128x64xf32>
    %dot_general3A = arith.constant dense<0.000000e+00> : vector<2000x64xf32>
    %dot_general3A_5 = tpu.matmul %get3A_1, %get3A_4, %dot_general3A {dimension_numbers = #tpu.dot_dimension_numbers<[1], [0], [0], [1], [0, 0, 1, 1], [], []>, transpose_lhs_hint = false} : vector<2000x128xf32>, vector<128x64xf32>, vector<2000x64xf32> -> vector<2000x64xf32>
    %get3A_6 = arith.constant 0 : index
    %get3A_7 = arith.constant 0 : index
    %get3A_8 = vector.load %arg3[%get3A_6, %get3A_7] : memref<1x64xf32, #tpu.memory_space<vmem>>, vector<1x64xf32>
    %add3A = vector.broadcast %get3A_8 : vector<1x64xf32> to vector<2000x64xf32>
    %add3A_9 = arith.addf %dot_general3A_5, %add3A : vector<2000x64xf32>
    %max3A = arith.constant 0.000000e+00 : f32
    %max3A_10 = vector.broadcast %max3A : f32 to vector<2000x64xf32>
    %max3A_11 = arith.maximumf %add3A_9, %max3A_10 : vector<2000x64xf32>
    %get3A_12 = arith.constant 0 : index
    %get3A_13 = arith.constant 0 : index
    %get3A_14 = vector.load %arg4[%get3A_12, %get3A_13] : memref<64x64xf32, #tpu.memory_space<vmem>>, vector<64x64xf32>
    %dot_general3A_15 = arith.constant dense<0.000000e+00> : vector<2000x64xf32>
    %dot_general3A_16 = tpu.matmul %max3A_11, %get3A_14, %dot_general3A_15 {dimension_numbers = #tpu.dot_dimension_numbers<[1], [0], [0], [1], [0, 0, 1, 1], [], []>, transpose_lhs_hint = false} : vector<2000x64xf32>, vector<64x64xf32>, vector<2000x64xf32> -> vector<2000x64xf32>
    %get3A_17 = arith.constant 0 : index
    %get3A_18 = arith.constant 0 : index
    %get3A_19 = arith.constant 0 : index
    %get3A_20 = vector.load %arg5[%get3A_17, %get3A_18, %get3A_19] : memref<2x2000x16xf32, #tpu.memory_space<vmem>>, vector<1x2000x1xf32>
    %get3A_21 = vector.shape_cast %get3A_20 : vector<1x2000x1xf32> to vector<2000x1xf32>
    %add3A_22 = arith.constant 1.000000e+00 : f32
    %add3A_23 = vector.broadcast %add3A_22 : f32 to vector<2000x1xf32>
    %add3A_24 = arith.addf %add3A_23, %get3A_21 : vector<2000x1xf32>
    %get3A_25 = arith.constant 1 : index
    %get3A_26 = arith.constant 0 : index
    %get3A_27 = arith.constant 0 : index
    %get3A_28 = vector.load %arg5[%get3A_25, %get3A_26, %get3A_27] : memref<2x2000x16xf32, #tpu.memory_space<vmem>>, vector<1x2000x1xf32>
    %get3A_29 = vector.shape_cast %get3A_28 : vector<1x2000x1xf32> to vector<2000x1xf32>
    %add3A_30 = arith.addf %add3A_24, %get3A_29 : vector<2000x1xf32>
    %sqrt3A = math.sqrt %add3A_30 : vector<2000x1xf32>
    %div3A = arith.constant 1.000000e+00 : f32
    %div3A_31 = vector.broadcast %div3A : f32 to vector<2000x1xf32>
    %div3A_32 = arith.divf %div3A_31, %sqrt3A : vector<2000x1xf32>
    %mul3A = vector.broadcast %div3A_32 : vector<2000x1xf32> to vector<2000x64xf32>
    %mul3A_33 = arith.mulf %dot_general3A_16, %mul3A : vector<2000x64xf32>
    %swap3A = arith.constant 0 : index
    %swap3A_34 = arith.constant 0 : index
    %swap3A_35 = vector.load %arg6[%swap3A, %swap3A_34] : memref<2000x64xf32, #tpu.memory_space<vmem>>, vector<2000x64xf32>
    tpu.vector_store %arg6[%swap3A, %swap3A_34], %mul3A_33 {strides = array<i32>} : memref<2000x64xf32, #tpu.memory_space<vmem>>, vector<2000x64xf32>,
    return
  }
  func.func @transform_0(%arg0: i32) -> (i32, i32) {
    %c0_i32 = arith.constant 0 : i32
    %c0_i32_0 = arith.constant 0 : i32
    return %arg0, %c0_i32 : i32, i32
  }
  func.func @transform_1(%arg0: i32) -> (i32, i32) {
    %c0_i32 = arith.constant 0 : i32
    %c0_i32_0 = arith.constant 0 : i32
    %c0_i32_1 = arith.constant 0 : i32
    return %c0_i32, %c0_i32_0 : i32, i32
  }
  func.func @transform_2(%arg0: i32) -> (i32, i32) {
    %c0_i32 = arith.constant 0 : i32
    %c0_i32_0 = arith.constant 0 : i32
    %c0_i32_1 = arith.constant 0 : i32
    return %c0_i32, %c0_i32_0 : i32, i32
  }
  func.func @transform_3(%arg0: i32) -> (i32, i32) {
    %c0_i32 = arith.constant 0 : i32
    %c0_i32_0 = arith.constant 0 : i32
    %c0_i32_1 = arith.constant 0 : i32
    return %c0_i32, %c0_i32_0 : i32, i32
  }
  func.func @transform_4(%arg0: i32) -> (i32, i32, i32) {
    %c0_i32 = arith.constant 0 : i32
    %c0_i32_0 = arith.constant 0 : i32
    %c0_i32_1 = arith.constant 0 : i32
    return %c0_i32, %arg0, %c0_i32_0 : i32, i32, i32
  }
  func.func @transform_5(%arg0: i32) -> (i32, i32) {
    %c0_i32 = arith.constant 0 : i32
    %c0_i32_0 = arith.constant 0 : i32
    return %arg0, %c0_i32 : i32, i32
  }
}

module attributes {stable_mosaic.version = 14 : i64} {
  func.func @_mm2_kernel(%arg0: i32, %arg1: memref<2x2000x64xf32, #tpu.memory_space<vmem>>, %arg2: memref<2000x64xf32, #tpu.memory_space<vmem>>, %arg3: memref<2x2000x16xf32, #tpu.memory_space<vmem>>, %arg4: memref<1x64xf32, #tpu.memory_space<vmem>>, %arg5: memref<64x64xf32, #tpu.memory_space<vmem>>, %arg6: memref<2000x64xf32, #tpu.memory_space<vmem>>) attributes {dimension_semantics = [#tpu.dimension_semantics<arbitrary>], iteration_bounds = array<i64: 5>, scalar_prefetch = 0 : i64, scratch_operands = 0 : i64, tpu.core_type = #tpu.core_type<tc>, window_params = [{transform_indices = @transform_0, window_bounds = array<i64: 2, 2000, 64>}, {transform_indices = @transform_1, window_bounds = array<i64: 2000, 64>}, {transform_indices = @transform_2, window_bounds = array<i64: 2, 2000, 16>}, {pipeline_mode = #tpu.pipeline_mode<synchronous>, transform_indices = @transform_3, window_bounds = array<i64: 1, 64>}, {pipeline_mode = #tpu.pipeline_mode<synchronous>, transform_indices = @transform_4, window_bounds = array<i64: 64, 64>}, {transform_indices = @transform_5, window_bounds = array<i64: 2000, 64>}]} {
    %get3A = arith.constant 0 : index
    %get3A_0 = arith.constant 0 : index
    %get3A_1 = arith.constant 0 : index
    %get3A_2 = vector.load %arg3[%get3A, %get3A_0, %get3A_1] : memref<2x2000x16xf32, #tpu.memory_space<vmem>>, vector<1x2000x1xf32>
    %get3A_3 = vector.shape_cast %get3A_2 : vector<1x2000x1xf32> to vector<2000x1xf32>
    %add3A = arith.constant 1.000000e+00 : f32
    %add3A_4 = vector.broadcast %add3A : f32 to vector<2000x1xf32>
    %add3A_5 = arith.addf %add3A_4, %get3A_3 : vector<2000x1xf32>
    %get3A_6 = arith.constant 1 : index
    %get3A_7 = arith.constant 0 : index
    %get3A_8 = arith.constant 0 : index
    %get3A_9 = vector.load %arg3[%get3A_6, %get3A_7, %get3A_8] : memref<2x2000x16xf32, #tpu.memory_space<vmem>>, vector<1x2000x1xf32>
    %get3A_10 = vector.shape_cast %get3A_9 : vector<1x2000x1xf32> to vector<2000x1xf32>
    %add3A_11 = arith.addf %add3A_5, %get3A_10 : vector<2000x1xf32>
    %sqrt3A = math.sqrt %add3A_11 : vector<2000x1xf32>
    %div3A = arith.constant 1.000000e+00 : f32
    %div3A_12 = vector.broadcast %div3A : f32 to vector<2000x1xf32>
    %div3A_13 = arith.divf %div3A_12, %sqrt3A : vector<2000x1xf32>
    %get3A_14 = arith.constant 0 : index
    %get3A_15 = arith.constant 0 : index
    %get3A_16 = arith.constant 0 : index
    %get3A_17 = vector.load %arg1[%get3A_14, %get3A_15, %get3A_16] : memref<2x2000x64xf32, #tpu.memory_space<vmem>>, vector<1x2000x64xf32>
    %get3A_18 = vector.shape_cast %get3A_17 : vector<1x2000x64xf32> to vector<2000x64xf32>
    %get3A_19 = arith.constant 1 : index
    %get3A_20 = arith.constant 0 : index
    %get3A_21 = arith.constant 0 : index
    %get3A_22 = vector.load %arg1[%get3A_19, %get3A_20, %get3A_21] : memref<2x2000x64xf32, #tpu.memory_space<vmem>>, vector<1x2000x64xf32>
    %get3A_23 = vector.shape_cast %get3A_22 : vector<1x2000x64xf32> to vector<2000x64xf32>
    %add3A_24 = arith.addf %get3A_18, %get3A_23 : vector<2000x64xf32>
    %get3A_25 = arith.constant 0 : index
    %get3A_26 = arith.constant 0 : index
    %get3A_27 = vector.load %arg2[%get3A_25, %get3A_26] : memref<2000x64xf32, #tpu.memory_space<vmem>>, vector<2000x64xf32>
    %add3A_28 = arith.addf %add3A_24, %get3A_27 : vector<2000x64xf32>
    %mul3A = vector.broadcast %div3A_13 : vector<2000x1xf32> to vector<2000x64xf32>
    %mul3A_29 = arith.mulf %add3A_28, %mul3A : vector<2000x64xf32>
    %get3A_30 = arith.constant 0 : index
    %get3A_31 = arith.constant 0 : index
    %get3A_32 = vector.load %arg4[%get3A_30, %get3A_31] : memref<1x64xf32, #tpu.memory_space<vmem>>, vector<1x64xf32>
    %add3A_33 = vector.broadcast %get3A_32 : vector<1x64xf32> to vector<2000x64xf32>
    %add3A_34 = arith.addf %mul3A_29, %add3A_33 : vector<2000x64xf32>
    %max3A = arith.constant 0.000000e+00 : f32
    %max3A_35 = vector.broadcast %max3A : f32 to vector<2000x64xf32>
    %max3A_36 = arith.maximumf %add3A_34, %max3A_35 : vector<2000x64xf32>
    %get3A_37 = arith.constant 0 : index
    %get3A_38 = arith.constant 0 : index
    %get3A_39 = vector.load %arg5[%get3A_37, %get3A_38] : memref<64x64xf32, #tpu.memory_space<vmem>>, vector<64x64xf32>
    %dot_general3A = arith.constant dense<0.000000e+00> : vector<2000x64xf32>
    %dot_general3A_40 = tpu.matmul %max3A_36, %get3A_39, %dot_general3A {dimension_numbers = #tpu.dot_dimension_numbers<[1], [0], [0], [1], [0, 0, 1, 1], [], []>, transpose_lhs_hint = false} : vector<2000x64xf32>, vector<64x64xf32>, vector<2000x64xf32> -> vector<2000x64xf32>
    %mul3A_41 = vector.broadcast %div3A_13 : vector<2000x1xf32> to vector<2000x64xf32>
    %mul3A_42 = arith.mulf %dot_general3A_40, %mul3A_41 : vector<2000x64xf32>
    %swap3A = arith.constant 0 : index
    %swap3A_43 = arith.constant 0 : index
    %swap3A_44 = vector.load %arg6[%swap3A, %swap3A_43] : memref<2000x64xf32, #tpu.memory_space<vmem>>, vector<2000x64xf32>
    tpu.vector_store %arg6[%swap3A, %swap3A_43], %mul3A_42 {strides = array<i32>} : memref<2000x64xf32, #tpu.memory_space<vmem>>, vector<2000x64xf32>,
    return
  }
  func.func @transform_0(%arg0: i32) -> (i32, i32, i32) {
    %c0_i32 = arith.constant 0 : i32
    %c0_i32_0 = arith.constant 0 : i32
    %c0_i32_1 = arith.constant 0 : i32
    return %c0_i32, %arg0, %c0_i32_0 : i32, i32, i32
  }
  func.func @transform_1(%arg0: i32) -> (i32, i32) {
    %c0_i32 = arith.constant 0 : i32
    %c0_i32_0 = arith.constant 0 : i32
    return %arg0, %c0_i32 : i32, i32
  }
  func.func @transform_2(%arg0: i32) -> (i32, i32, i32) {
    %c0_i32 = arith.constant 0 : i32
    %c0_i32_0 = arith.constant 0 : i32
    %c0_i32_1 = arith.constant 0 : i32
    return %c0_i32, %arg0, %c0_i32_0 : i32, i32, i32
  }
  func.func @transform_3(%arg0: i32) -> (i32, i32) {
    %c0_i32 = arith.constant 0 : i32
    %c0_i32_0 = arith.constant 0 : i32
    %c0_i32_1 = arith.constant 0 : i32
    return %c0_i32, %c0_i32_0 : i32, i32
  }
  func.func @transform_4(%arg0: i32) -> (i32, i32) {
    %c0_i32 = arith.constant 0 : i32
    %c0_i32_0 = arith.constant 0 : i32
    %c0_i32_1 = arith.constant 0 : i32
    return %c0_i32, %c0_i32_0 : i32, i32
  }
  func.func @transform_5(%arg0: i32) -> (i32, i32) {
    %c0_i32 = arith.constant 0 : i32
    %c0_i32_0 = arith.constant 0 : i32
    return %arg0, %c0_i32 : i32, i32
  }
}

module attributes {stable_mosaic.version = 14 : i64} {
  func.func @_fin_kernel(%arg0: i32, %arg1: memref<2x2000x64xf32, #tpu.memory_space<vmem>>, %arg2: memref<2000x64xf32, #tpu.memory_space<vmem>>, %arg3: memref<2x2000x16xf32, #tpu.memory_space<vmem>>, %arg4: memref<1x64xf32, #tpu.memory_space<vmem>>, %arg5: memref<64x10xf32, #tpu.memory_space<vmem>>, %arg6: memref<1x10xf32, #tpu.memory_space<vmem>>, %arg7: memref<64x1xf32, #tpu.memory_space<vmem>>, %arg8: memref<1x1xf32, #tpu.memory_space<vmem>>, %arg9: memref<1x10xf32, #tpu.memory_space<vmem>>, %arg10: memref<1x1xf32, #tpu.memory_space<vmem>>, %arg11: memref<1x64xf32, #tpu.memory_space<vmem>>) attributes {dimension_semantics = [#tpu.dimension_semantics<arbitrary>], iteration_bounds = array<i64: 5>, scalar_prefetch = 0 : i64, scratch_operands = 1 : i64, tpu.core_type = #tpu.core_type<tc>, window_params = [{transform_indices = @transform_0, window_bounds = array<i64: 2, 2000, 64>}, {transform_indices = @transform_1, window_bounds = array<i64: 2000, 64>}, {transform_indices = @transform_2, window_bounds = array<i64: 2, 2000, 16>}, {pipeline_mode = #tpu.pipeline_mode<synchronous>, transform_indices = @transform_3, window_bounds = array<i64: 1, 64>}, {pipeline_mode = #tpu.pipeline_mode<synchronous>, transform_indices = @transform_4, window_bounds = array<i64: 64, 10>}, {pipeline_mode = #tpu.pipeline_mode<synchronous>, transform_indices = @transform_5, window_bounds = array<i64: 1, 10>}, {pipeline_mode = #tpu.pipeline_mode<synchronous>, transform_indices = @transform_6, window_bounds = array<i64: 64, 1>}, {pipeline_mode = #tpu.pipeline_mode<synchronous>, transform_indices = @transform_7, window_bounds = array<i64: 1, 1>}, {pipeline_mode = #tpu.pipeline_mode<synchronous>, transform_indices = @transform_8, window_bounds = array<i64: 1, 10>}, {pipeline_mode = #tpu.pipeline_mode<synchronous>, transform_indices = @transform_9, window_bounds = array<i64: 1, 1>}]} {
    %get3A = arith.constant 0 : index
    %get3A_0 = arith.constant 0 : index
    %get3A_1 = arith.constant 0 : index
    %get3A_2 = vector.load %arg3[%get3A, %get3A_0, %get3A_1] : memref<2x2000x16xf32, #tpu.memory_space<vmem>>, vector<1x2000x1xf32>
    %get3A_3 = vector.shape_cast %get3A_2 : vector<1x2000x1xf32> to vector<2000x1xf32>
    %add3A = arith.constant 1.000000e+00 : f32
    %add3A_4 = vector.broadcast %add3A : f32 to vector<2000x1xf32>
    %add3A_5 = arith.addf %add3A_4, %get3A_3 : vector<2000x1xf32>
    %get3A_6 = arith.constant 1 : index
    %get3A_7 = arith.constant 0 : index
    %get3A_8 = arith.constant 0 : index
    %get3A_9 = vector.load %arg3[%get3A_6, %get3A_7, %get3A_8] : memref<2x2000x16xf32, #tpu.memory_space<vmem>>, vector<1x2000x1xf32>
    %get3A_10 = vector.shape_cast %get3A_9 : vector<1x2000x1xf32> to vector<2000x1xf32>
    %add3A_11 = arith.addf %add3A_5, %get3A_10 : vector<2000x1xf32>
    %sqrt3A = math.sqrt %add3A_11 : vector<2000x1xf32>
    %div3A = arith.constant 1.000000e+00 : f32
    %div3A_12 = vector.broadcast %div3A : f32 to vector<2000x1xf32>
    %div3A_13 = arith.divf %div3A_12, %sqrt3A : vector<2000x1xf32>
    %get3A_14 = arith.constant 0 : index
    %get3A_15 = arith.constant 0 : index
    %get3A_16 = arith.constant 0 : index
    %get3A_17 = vector.load %arg1[%get3A_14, %get3A_15, %get3A_16] : memref<2x2000x64xf32, #tpu.memory_space<vmem>>, vector<1x2000x64xf32>
    %get3A_18 = vector.shape_cast %get3A_17 : vector<1x2000x64xf32> to vector<2000x64xf32>
    %get3A_19 = arith.constant 1 : index
    %get3A_20 = arith.constant 0 : index
    %get3A_21 = arith.constant 0 : index
    %get3A_22 = vector.load %arg1[%get3A_19, %get3A_20, %get3A_21] : memref<2x2000x64xf32, #tpu.memory_space<vmem>>, vector<1x2000x64xf32>
    %get3A_23 = vector.shape_cast %get3A_22 : vector<1x2000x64xf32> to vector<2000x64xf32>
    %add3A_24 = arith.addf %get3A_18, %get3A_23 : vector<2000x64xf32>
    %get3A_25 = arith.constant 0 : index
    %get3A_26 = arith.constant 0 : index
    %get3A_27 = vector.load %arg2[%get3A_25, %get3A_26] : memref<2000x64xf32, #tpu.memory_space<vmem>>, vector<2000x64xf32>
    %add3A_28 = arith.addf %add3A_24, %get3A_27 : vector<2000x64xf32>
    %mul3A = vector.broadcast %div3A_13 : vector<2000x1xf32> to vector<2000x64xf32>
    %mul3A_29 = arith.mulf %add3A_28, %mul3A : vector<2000x64xf32>
    %get3A_30 = arith.constant 0 : index
    %get3A_31 = arith.constant 0 : index
    %get3A_32 = vector.load %arg4[%get3A_30, %get3A_31] : memref<1x64xf32, #tpu.memory_space<vmem>>, vector<1x64xf32>
    %add3A_33 = vector.broadcast %get3A_32 : vector<1x64xf32> to vector<2000x64xf32>
    %add3A_34 = arith.addf %mul3A_29, %add3A_33 : vector<2000x64xf32>
    %max3A = arith.constant 0.000000e+00 : f32
    %max3A_35 = vector.broadcast %max3A : f32 to vector<2000x64xf32>
    %max3A_36 = arith.maximumf %add3A_34, %max3A_35 : vector<2000x64xf32>
    %reduce_sum3A = arith.constant dense<0.000000e+00> : vector<64xf32>
    %reduce_sum3A_37 = vector.multi_reduction <add>, %max3A_36, %reduce_sum3A [0] : vector<2000x64xf32> to vector<64xf32>
    %broadcast_in_dim3A = vector.shape_cast %reduce_sum3A_37 : vector<64xf32> to vector<1x64xf32>
    %eq3A = arith.constant 0 : i32
    %eq3A_38 = arith.cmpi eq, %arg0, %eq3A : i32
    %convert_element_type3A = arith.extui %eq3A_38 : i1 to i32
    %cond3A = arith.constant 0 : i32
    %cond3A_39 = arith.cmpi ne, %convert_element_type3A, %cond3A : i32
    scf.if %cond3A_39 {
      %broadcast_in_dim3A_51 = arith.constant 0.000000e+00 : f32
      %broadcast_in_dim3A_52 = vector.broadcast %broadcast_in_dim3A_51 : f32 to vector<1x64xf32>
      %swap3A_53 = arith.constant 0 : index
      %swap3A_54 = arith.constant 0 : index
      %swap3A_55 = vector.load %arg11[%swap3A_53, %swap3A_54] : memref<1x64xf32, #tpu.memory_space<vmem>>, vector<1x64xf32>
      tpu.vector_store %arg11[%swap3A_53, %swap3A_54], %broadcast_in_dim3A_52 {strides = array<i32>} : memref<1x64xf32, #tpu.memory_space<vmem>>, vector<1x64xf32>,
    } else {
    }
    %get3A_40 = arith.constant 0 : index
    %get3A_41 = arith.constant 0 : index
    %get3A_42 = vector.load %arg11[%get3A_40, %get3A_41] : memref<1x64xf32, #tpu.memory_space<vmem>>, vector<1x64xf32>
    %add3A_43 = arith.addf %get3A_42, %broadcast_in_dim3A : vector<1x64xf32>
    %swap3A = arith.constant 0 : index
    %swap3A_44 = arith.constant 0 : index
    %swap3A_45 = vector.load %arg11[%swap3A, %swap3A_44] : memref<1x64xf32, #tpu.memory_space<vmem>>, vector<1x64xf32>
    tpu.vector_store %arg11[%swap3A, %swap3A_44], %add3A_43 {strides = array<i32>} : memref<1x64xf32, #tpu.memory_space<vmem>>, vector<1x64xf32>,
    %eq3A_46 = arith.constant 4 : i32
    %eq3A_47 = arith.cmpi eq, %arg0, %eq3A_46 : i32
    %convert_element_type3A_48 = arith.extui %eq3A_47 : i1 to i32
    %cond3A_49 = arith.constant 0 : i32
    %cond3A_50 = arith.cmpi ne, %convert_element_type3A_48, %cond3A_49 : i32
    scf.if %cond3A_50 {
      %get3A_51 = arith.constant 0 : index
      %get3A_52 = arith.constant 0 : index
      %get3A_53 = vector.load %arg11[%get3A_51, %get3A_52] : memref<1x64xf32, #tpu.memory_space<vmem>>, vector<1x64xf32>
      %mul3A_54 = arith.constant 9.99999974E-5 : f32
      %mul3A_55 = vector.broadcast %mul3A_54 : f32 to vector<1x64xf32>
      %mul3A_56 = arith.mulf %get3A_53, %mul3A_55 : vector<1x64xf32>
      %get3A_57 = arith.constant 0 : index
      %get3A_58 = arith.constant 0 : index
      %get3A_59 = vector.load %arg5[%get3A_57, %get3A_58] : memref<64x10xf32, #tpu.memory_space<vmem>>, vector<64x10xf32>
      %dot_general3A = arith.constant dense<0.000000e+00> : vector<1x10xf32>
      %dot_general3A_60 = tpu.matmul %mul3A_56, %get3A_59, %dot_general3A {dimension_numbers = #tpu.dot_dimension_numbers<[1], [0], [0], [1], [0, 0, 1, 1], [], []>, precision = #tpu.contract_precision<fp32>, transpose_lhs_hint = false} : vector<1x64xf32>, vector<64x10xf32>, vector<1x10xf32> -> vector<1x10xf32>
      %get3A_61 = arith.constant 0 : index
      %get3A_62 = arith.constant 0 : index
      %get3A_63 = vector.load %arg6[%get3A_61, %get3A_62] : memref<1x10xf32, #tpu.memory_space<vmem>>, vector<1x10xf32>
      %add3A_64 = arith.addf %dot_general3A_60, %get3A_63 : vector<1x10xf32>
      %swap3A_65 = arith.constant 0 : index
      %swap3A_66 = arith.constant 0 : index
      %swap3A_67 = vector.load %arg9[%swap3A_65, %swap3A_66] : memref<1x10xf32, #tpu.memory_space<vmem>>, vector<1x10xf32>
      tpu.vector_store %arg9[%swap3A_65, %swap3A_66], %add3A_64 {strides = array<i32>} : memref<1x10xf32, #tpu.memory_space<vmem>>, vector<1x10xf32>,
      %get3A_68 = arith.constant 0 : index
      %get3A_69 = arith.constant 0 : index
      %get3A_70 = vector.load %arg7[%get3A_68, %get3A_69] : memref<64x1xf32, #tpu.memory_space<vmem>>, vector<64x1xf32>
      %dot_general3A_71 = arith.constant dense<0.000000e+00> : vector<1x1xf32>
      %dot_general3A_72 = tpu.matmul %mul3A_56, %get3A_70, %dot_general3A_71 {dimension_numbers = #tpu.dot_dimension_numbers<[1], [0], [0], [1], [0, 0, 1, 1], [], []>, precision = #tpu.contract_precision<fp32>, transpose_lhs_hint = false} : vector<1x64xf32>, vector<64x1xf32>, vector<1x1xf32> -> vector<1x1xf32>
      %get3A_73 = arith.constant 0 : index
      %get3A_74 = arith.constant 0 : index
      %get3A_75 = vector.load %arg8[%get3A_73, %get3A_74] : memref<1x1xf32, #tpu.memory_space<vmem>>, vector<1x1xf32>
      %add3A_76 = arith.addf %dot_general3A_72, %get3A_75 : vector<1x1xf32>
      %swap3A_77 = arith.constant 0 : index
      %swap3A_78 = arith.constant 0 : index
      %swap3A_79 = vector.load %arg10[%swap3A_77, %swap3A_78] : memref<1x1xf32, #tpu.memory_space<vmem>>, vector<1x1xf32>
      tpu.vector_store %arg10[%swap3A_77, %swap3A_78], %add3A_76 {strides = array<i32>} : memref<1x1xf32, #tpu.memory_space<vmem>>, vector<1x1xf32>,
    } else {
    }
    return
  }
  func.func @transform_0(%arg0: i32) -> (i32, i32, i32) {
    %c0_i32 = arith.constant 0 : i32
    %c0_i32_0 = arith.constant 0 : i32
    %c0_i32_1 = arith.constant 0 : i32
    return %c0_i32, %arg0, %c0_i32_0 : i32, i32, i32
  }
  func.func @transform_1(%arg0: i32) -> (i32, i32) {
    %c0_i32 = arith.constant 0 : i32
    %c0_i32_0 = arith.constant 0 : i32
    return %arg0, %c0_i32 : i32, i32
  }
  func.func @transform_2(%arg0: i32) -> (i32, i32, i32) {
    %c0_i32 = arith.constant 0 : i32
    %c0_i32_0 = arith.constant 0 : i32
    %c0_i32_1 = arith.constant 0 : i32
    return %c0_i32, %arg0, %c0_i32_0 : i32, i32, i32
  }
  func.func @transform_3(%arg0: i32) -> (i32, i32) {
    %c0_i32 = arith.constant 0 : i32
    %c0_i32_0 = arith.constant 0 : i32
    %c0_i32_1 = arith.constant 0 : i32
    return %c0_i32, %c0_i32_0 : i32, i32
  }
  func.func @transform_4(%arg0: i32) -> (i32, i32) {
    %c0_i32 = arith.constant 0 : i32
    %c0_i32_0 = arith.constant 0 : i32
    %c0_i32_1 = arith.constant 0 : i32
    return %c0_i32, %c0_i32_0 : i32, i32
  }
  func.func @transform_5(%arg0: i32) -> (i32, i32) {
    %c0_i32 = arith.constant 0 : i32
    %c0_i32_0 = arith.constant 0 : i32
    %c0_i32_1 = arith.constant 0 : i32
    return %c0_i32, %c0_i32_0 : i32, i32
  }
  func.func @transform_6(%arg0: i32) -> (i32, i32) {
    %c0_i32 = arith.constant 0 : i32
    %c0_i32_0 = arith.constant 0 : i32
    %c0_i32_1 = arith.constant 0 : i32
    return %c0_i32, %c0_i32_0 : i32, i32
  }
  func.func @transform_7(%arg0: i32) -> (i32, i32) {
    %c0_i32 = arith.constant 0 : i32
    %c0_i32_0 = arith.constant 0 : i32
    %c0_i32_1 = arith.constant 0 : i32
    return %c0_i32, %c0_i32_0 : i32, i32
  }
  func.func @transform_8(%arg0: i32) -> (i32, i32) {
    %c0_i32 = arith.constant 0 : i32
    %c0_i32_0 = arith.constant 0 : i32
    %c0_i32_1 = arith.constant 0 : i32
    return %c0_i32, %c0_i32_0 : i32, i32
  }
  func.func @transform_9(%arg0: i32) -> (i32, i32) {
    %c0_i32 = arith.constant 0 : i32
    %c0_i32_0 = arith.constant 0 : i32
    %c0_i32_1 = arith.constant 0 : i32
    return %c0_i32, %c0_i32_0 : i32, i32
  }
}

</mosaic_0001>

<sc_bundles>
// kernel: kernel.11.cloned.1.call-start
scs
__scs_entry_jumppad:
0x0: {  	(pc) =	sbr.rel $0x88, $3  }
0x1: {  	(tag) =	ssettag $0x0;
	lr =	simm.s32 $0x1  }
0x2: {  	[smem:$0x3F95] =	sst lr;
	_ =	strace $0xD0000000  }
0x3: {  	_ = 	snop  }
0x4: {  	_ = 	snop  }
0x5: {  	_ = 	snop  }
0x6: {  	_ = 	snop  }
0x7: {  	_ = 	snop  }
__scs_overlays_trampoline_lowered:
0x8: {  	[smem:$0x3FA4] =	sst s0  }
0x9: {  	[smem:$0x3FA5] =	sst s1  }
0xa: {  	[smem:$0x3FA6] =	sst s2  }
0xb: {  	[smem:$0x3FA7] =	sst s3  }
0xc: {  	[smem:$0x3FA8] =	sst s4  }
0xd: {  	[smem:$0x3FA9] =	sst s5  }
0xe: {  	[smem:$0x3FAA] =	sst s6  }
0xf: {  	[smem:$0x3FAB] =	sst s7  }
0x10: {  	[smem:$0x3FAC] =	sst s8  }
0x11: {  	[smem:$0x3FAD] =	sst s9;
	s0 =	simm.s32 @!p0 $0x0  }
0x12: {  	s1 =	sld [smem:$0x3F93];
	s0 =	simm.s32 @p0 $0x1  }
0x13: {  	[smem:$0x3FAE] =	sst s0;
	s0 =	simm.s32 @!p1 $0x0  }
0x14: {  	s2 =	sld [smem:$0x3F92];
	s0 =	simm.s32 @p1 $0x1  }
0x15: {  	[smem:$0x3FAF] =	sst s0;
	s0 =	simm.s32 @!p2 $0x0  }
0x16: {  	s3 =	sld [smem:$0x3FDB];
	s0 =	simm.s32 @p2 $0x1  }
0x17: {  	s4 =	simm.s32 $0x1BF5;
	[smem:$0x3FB1] =	sst s0  }
0x18: {  	s0 =	sld [smem:$0x3F94];
	_ =	swait.ge [sflag:s4], $0x0  }
0x19: {  	s7 =	sld [smem:$0x3F95]  }
0x1a: {  	s8 =	sadd.s32 $0xFFFFE003, lr  }
0x1b: {  	s9 =	sadd.s32 $0xFFFFFEF7, lr;
	s5 =	simm.s32 $0xFFFFFFFF;
	p2 =	slt.u32 s8, $0xFFFFF086  }
0x1c: {  	p1 =	slt.u32 s9, $0xF7A;
	s5 =	simm.s32 @!p2 $0x0  }
0x1d: {  	s5 =	simm.s32 @p1 $0x1;
	p0 =	seq.s32 s7, s2  }
0x1e: {  	s7 =	smul.u32 @!p0 $0xF7A, s2;
	p2 =	seq.s32 @!p0 s5, $0x0  }
0x1f: {  	s9 =	smul.u32 $0xF7A, s1;
	s8 =	simm.s32 @!p0 $0x1BF5;
	p2 =	por !p2, p0  }
0x20: {  	[sflag:s8] =	ssyncset.s32 @!p0 $0xFFFFF086;
	s6 =	sadd.s32 @!p0 s3, s7;
	s7 =	simm.s32 @!p0 $0x108  }
0x21: {  	s3 =	sadd.s32 s3, s9;
	s6 =	sadd.s32 @!p0 $0x88, s6;
	s7 =	simm.s32 @p2 $0x1082  }
0x22: {  	[simem:s7], [sflag:s8] =	dma.local @!p0 [hbm:s6], $0xF7A  }
0x23: {  	s9 =	sor.u32 $0xD0000000, s2;
	s6 =	simm.s32 $0x108;
	_ =	swait.ge @!p0 [sflag:s8], $0x0  }
0x24: {  	s3 =	sadd.s32 $0x88, s3;
	s6 =	simm.s32 @!p1 $0x1082;
	[sflag:s4] =	ssyncset.s32 $0xFFFFF086  }
0x25: {  	[simem:s6], [sflag:s4] =	dma.local [hbm:s3], $0xF7A  }
0x26: {  	[smem:$0x3F95] =	sst s1;
	(tag) =	ssettag s2;
	_ =	strace s9  }
0x27: {  	s1 =	sld [smem:$0x3FA5]  }
0x28: {  	s2 =	sld [smem:$0x3FA6]  }
0x29: {  	s4 =	sld [smem:$0x3FA8]  }
0x2a: {  	p0 =	seq.s32 s5, $0x0;
	s5 =	sld [smem:$0x3FA9]  }
0x2b: {  	s6 =	sld [smem:$0x3FAA]  }
0x2c: {  	s7 =	sld [smem:$0x3FAB]  }
0x2d: {  	s3 =	simm.s32 $0x108;
	s8 =	sld [smem:$0x3FAC]  }
0x2e: {  	s3 =	simm.s32 @!p0 $0x1082;
	s9 =	sld [smem:$0x3FAD]  }
0x2f: {  	lr =	sadd.s32 s0, s3;
	s0 =	sld [smem:$0x3FA4]  }
0x30: {  	s3 =	sld [smem:$0x3FA7]  }
0x31: {  	[smem:$0x3FB0] =	sst s10  }
0x32: {  	s10 =	sld [smem:$0x3FAE];
	_ =	sdelay $0x3  }
0x33: {  	p0 =	seq.s32 s10, $0x1;
	s10 =	sld [smem:$0x3FB0];
	_ =	sdelay $0x3  }
0x34: {  	[smem:$0x3FB0] =	sst s10  }
0x35: {  	s10 =	sld [smem:$0x3FAF];
	_ =	sdelay $0x3  }
0x36: {  	p1 =	seq.s32 s10, $0x1;
	s10 =	sld [smem:$0x3FB0];
	_ =	sdelay $0x3  }
0x37: {  	[smem:$0x3FB0] =	sst s10  }
0x38: {  	s10 =	sld [smem:$0x3FB1]  }
0x39: {  	_ = 	snop;
	(pc) =	sbr.ind lr, $3  }
0x3a: {  	_ = 	snop  }
0x3b: {  	_ = 	snop  }
0x3c: {  	p2 =	seq.s32 s10, $0x1;
	s10 =	sld [smem:$0x3FB0]  }
0x3d: {  	_ =	shalt  }
0x3e: {  	_ =	shalt  }
0x3f: {  	_ =	shalt  }
0x40: {  	_ =	shalt  }
0x41: {  	_ =	shalt  }
0x42: {  	_ =	shalt  }
0x43: {  	_ =	shalt  }
0x44: {  	_ =	shalt  }
0x45: {  	_ =	shalt  }
0x46: {  	_ =	shalt  }
0x47: {  	_ =	shalt  }
0x48: {  	_ =	shalt  }
0x49: {  	_ =	shalt  }
0x4a: {  	_ =	shalt  }
0x4b: {  	_ =	shalt  }
0x4c: {  	_ =	shalt  }
0x4d: {  	_ =	shalt  }
0x4e: {  	_ =	shalt  }
0x4f: {  	_ =	shalt  }
0x50: {  	_ =	shalt  }
0x51: {  	_ =	shalt  }
0x52: {  	_ =	shalt  }
0x53: {  	_ =	shalt  }
0x54: {  	_ =	shalt  }
0x55: {  	_ =	shalt  }
0x56: {  	_ =	shalt  }
0x57: {  	_ =	shalt  }
0x58: {  	_ =	shalt  }
0x59: {  	_ =	shalt  }
0x5a: {  	_ =	shalt  }
0x5b: {  	_ =	shalt  }
0x5c: {  	_ =	shalt  }
0x5d: {  	_ =	shalt  }
0x5e: {  	_ =	shalt  }
0x5f: {  	_ =	shalt  }
0x60: {  	_ =	shalt  }
0x61: {  	_ =	shalt  }
0x62: {  	_ =	shalt  }
0x63: {  	_ =	shalt  }
0x64: {  	_ =	shalt  }
0x65: {  	_ =	shalt  }
0x66: {  	_ =	shalt  }
0x67: {  	_ =	shalt  }
0x68: {  	_ =	shalt  }
0x69: {  	_ =	shalt  }
0x6a: {  	_ =	shalt  }
0x6b: {  	_ =	shalt  }
0x6c: {  	_ =	shalt  }
0x6d: {  	_ =	shalt  }
0x6e: {  	_ =	shalt  }
0x6f: {  	_ =	shalt  }
0x70: {  	_ =	shalt  }
0x71: {  	_ =	shalt  }
0x72: {  	_ =	shalt  }
0x73: {  	_ =	shalt  }
0x74: {  	_ =	shalt  }
0x75: {  	_ =	shalt  }
0x76: {  	_ =	shalt  }
0x77: {  	_ =	shalt  }
0x78: {  	_ =	shalt  }
0x79: {  	_ =	shalt  }
0x7a: {  	_ =	shalt  }
0x7b: {  	_ =	shalt  }
0x7c: {  	_ =	shalt  }
0x7d: {  	_ =	shalt  }
0x7e: {  	_ =	shalt  }
0x7f: {  	_ =	shalt  }
0x80: {  	_ =	shalt  }
0x81: {  	_ =	shalt  }
0x82: {  	_ =	shalt  }
0x83: {  	_ =	shalt  }
0x84: {  	_ =	shalt  }
0x85: {  	_ =	shalt  }
0x86: {  	_ =	shalt  }
0x87: {  	_ =	shalt  }
.Lfunc_end0:
.L_simem_size_0:
called_computation.1_lowered:
.L_overlay_start_0:
0x88: {  	s2 =	sld [smem:$0x3FD9]  }
0x89: {  	s3 =	sld [smem:$0x3FFE];
	_ =	sdelay $0x1  }
0x8a: {  	s1 =	srdreg.scid  }
0x8b: {  	s0 =	sand.u32 $0x1, s1  }
0x8c: {  	s16 =	sshll.u32 s0, $0xA;
	s2 =	sadd.s32 s3, s2  }
0x8d: {  	s2 =	sadd.s32 s2, s16  }
0x8e: {  	[smem:$0x3FBC] =	sst s2  }
0x8f: {  	_ = 	snop  }
0x90: {  	(tm) =	ssettm $0x1  }
0x91: {  	s17 =	sld [smem:$0x3FFB];
	_ =	sdelay $0x3  }
0x92: {  	_ =	strace s17  }
0x93: {  	s2 =	sld [smem:$0x3FFC];
	_ =	sdelay $0x3  }
0x94: {  	_ =	strace s2  }
0x95: {  	s2 =	sld [smem:$0x3FFD];
	_ =	sdelay $0x3  }
0x96: {  	_ =	strace s2  }
0x97: {  	_ =	strace $0x8FFFFFFF  }
0x98: {  	s18 =	sld [smem:$0x3FDB];
	_ =	sdelay $0x1  }
0x99: {  	s19 =	simm.s32 $_scs_section_size  }
0x9a: {  	s4 =	simm.s32 $_size__tile_overlayer_lowered;
	s5 =	simm.s32 $_tile_overlayer_lowered  }
0x9b: {  	s22 =	simm.s32 $0x1BFF;
	s21 =	sshll.u32 s5, $0x1;
	s2 =	sadd.s32 s19, s18  }
0x9c: {  	s6 =	simm.s32 $0x0;
	s20 =	sshll.u32 s4, $0x1;
	s4 =	sadd.s32 s21, s2  }
0x9d: {  	[timem:s6], [sflag:s22] =	dma.local [hbm:s4], s20  }
0x9e: {  	_ =	swait.ge [sflag:s22], s20  }
0x9f: {  	s3 =	ssub.s32 $0x0, s20;
	[sflag:s22] =	ssyncset.done $0x0  }
0xa0: {  	[sflag:s22] =	ssyncadd.s32 s3;
	_ =	sdelay $0x1  }
0xa1: {  	s23 =	simm.s32 $0x1B8B  }
0xa2: {  	_ =	swait.ge [sflag:s23], $0x1  }
0xa3: {  	[sflag:s23] =	ssyncset.done $0x0  }
0xa4: {  	s25 =	simm.s32 $0x1B8E;
	s24 =	sld [smem:$0x3FFE];
	[sflag:s23] =	ssyncadd.s32 $0xFFFFFFFF  }
0xa5: {  	s26 =	simm.s32 $execute0_lowered;
	[smem:$0x3FD2] =	sst s25  }
0xa6: {  	s4 =	sshll.u32 s26, $0x1;
	_ =	strace $0x80000049;
	[dreg:$0x1] =	wrdreg $0xFFFFFFFF  }
0xa7: {  	s28 =	simm.s32 $_size_execute0_lowered;
	s2 =	sadd.s32 s2, s4;
	[dreg:$0x0] =	wrdreg $0x0  }
0xa8: {  	s4 =	sshll.u32 s28, $0x1;
	[dreg:$0x2] =	wrdreg s2  }
0xa9: {  	[dreg:$0x3] =	wrdreg s4  }
0xaa: {  	[dreg:$0x4] =	wrdreg $0xC0  }
0xab: {  	_ =	task [dreg:s6], $0x5FFFF  }
0xac: {  	[dreg:$0x1] =	wrdreg $0xFFFFFFFF  }
0xad: {  	[dreg:$0x0] =	wrdreg $0x60  }
0xae: {  	[dreg:$0x2] =	wrdreg s24  }
0xaf: {  	[dreg:$0x3] =	wrdreg $0x4E200  }
0xb0: {  	[dreg:$0x4] =	wrdreg $0x9  }
0xb1: {  	_ =	task.clear_ibuf [dreg:s6], $0x5FFFF;
	_ =	strace $0x90000049  }
0xb2: {  	s29 =	simm.s32 $0x9;
	_ =	strace $0x8000004B  }
0xb3: {  	_ =	swait.ge [sflag:s29], $0x1  }
0xb4: {  	[sflag:s29] =	ssyncadd.s32 $0xFFFFFFFF  }
0xb5: {  	_ =	strace $0x9000004B  }
0xb6: {  	_ =	sfence  }
0xb7: {  	s30 =	sld [smem:$0x0];
	_ =	sdelay $0x2  }
0xb8: {  	s31 =	sshll.u32 s1, $0xD;
	s1 =	sshrl.u32 s1, $0x2  }
0xb9: {  	s3 =	sand.u32 $0x4000, s31;
	s1 =	sadd.s32 s1, s30  }
0xba: {  	s0 =	sor.u32 s3, s0;
	s1 =	sshll.u32 s1, $0x11  }
0xbb: {  	s0 =	sor.u32 s1, s0  }
0xbc: {  	s0 =	sadd.s32 $0x8F2B, s0  }
0xbd: {  	[sflag:s0] =	ssyncadd.remote.s32 $0x1  }
0xbe: {  	_ =	sfence.sel $0xFFFF  }
0xbf: {  	[dreg:$0x0] =	wrdreg $0xFFFFFFFF;
	(pc) =	sbr.abs _section_cstart, $3  }
0xc0: {  	[dreg:$0x1] =	wrdreg $0xFFFFFFFF  }
0xc1: {  	_ =	task.clear_ibuf [dreg:s6], $0x2FFFF;
	_ =	strace $0x9FFFFFFF  }
0xc2: {  	(tm) =	ssettm $0x7FFFFFFF  }
0xc3: {  	_ =	shalt  }
tec
execute0_lowered:
.L_overlay_start_1:
0x0: {  	(tag) =	ssettag $0x1  }
0x1: {  	s0 =	srdreg.scid;
	s3 =	rddreg [dreg:$0x0]  }
0x2: {  	s7 =	stileid.u32;
	s2 =	rddreg [dreg:$0x1]  }
0x3: {  	s6 =	simm.s32 $0x0;
	s14 =	simm.s32 $0x50;
	s28 =	simm.s32 $0x15220  }
0x4: {  	s30 =	simm.s32 $0x16620;
	s11 =	simm.s32 $0x12;
	s12 =	simm.s32 $0xA  }
0x5: {  	s15 =	simm.s32 $0x13;
	s16 =	simm.s32 $0xB;
	s18 =	simm.s32 $0x14  }
0x6: {  	s20 =	simm.s32 $0xC;
	s22 =	simm.s32 $0x15;
	s29 =	simm.s32 $0x18  }
0x7: {  	s0 =	sand.u32 $0x1, s0;
	s5 =	smul.u32 $0xA000, s7;
	[smem:$0x7FF] =	sst s6  }
0x8: {  	s8 =	sadd.s32 $0xA0C00, s3;
	s25 =	sshll.u32 s7, $0x6;
	s1 =	sshll.u32 s0, $0x4  }
0x9: {  	s4 =	smul.u32 $0xA0000, s0;
	_ =	strace $0x8000004A;
	s0 =	ssub.s32 $0x2, s0  }
0xa: {  	[dreg:$0x3] =	wrdreg s8;
	s1 =	sor.u32 s7, s1;
	s24 =	sshrl.u32 s0, $0x1  }
0xb: {  	s7 =	sor.u32 $0x1C19, s25;
	s1 =	smul.u32 $0x4E2, s1;
	s23 =	sadd.s32 s5, s4  }
0xc: {  	s4 =	sadd.s32 $0x8D200, s3;
	s0 =	ssub.s32 s0, s24;
	s5 =	sadd.s32 s5, s2  }
0xd: {  	[dreg:$0x4] =	wrdreg s7;
	s6 =	sshrl.u32 s23, $0x3;
	s0 =	smax.u32 s0, $0x1  }
0xe: {  	s25 =	sshrl.u32 s5, $0x3;
	s1 =	sadd.s32 s1, s3;
	[dreg:$0x8] =	wrdreg s0  }
0xf: {  	s3 =	sadd.s32 s6, s3;
	[dreg:$0x9] =	wrdreg s25;
	s26 =	sadd.s32 $0xC200, s1  }
0x10: {  	s6 =	simm.s32 $0x9;
	s1 =	sadd.s32 $0x2400, s1;
	[dreg:$0x5] =	wrdreg s26  }
0x11: {  	s0 =	simm.s32 $0x0;
	s31 =	sadd.s32 $0xA2000, s3;
	[dreg:$0x6] =	wrdreg s1  }
0x12: {  	s3 =	simm.s32 $0x8;
	[dreg:$0x7] =	wrdreg s31;
	s26 =	simm.s32 $0x17A20  }
.LBB2_1:
0x13: {  	[dreg:$0xa] =	wrdreg s0  }
0x14: {  	s31 =	simm.s32 $0x19;
	s17 =	rddreg [dreg:$0x3]  }
0x15: {  	[spmem:s25], [sflag:s7] =	dma.local [hbm:s17], $0x1400  }
0x16: {  	_ =	swait.ge [sflag:s31], $0x1400  }
0x17: {  	[sflag:s31] =	ssyncset.done $0x0  }
0x18: {  	s19 =	simm.s32 $0x0;
	s21 =	rddreg [dreg:$0x5];
	[sflag:s31] =	ssyncadd.s32 $0xFFFFEC00  }
0x19: {  	[tilespmem:s19], [sflag:$0x19] =	stream.linear.gather [hbm4b:s21+s19], $0x2710, $0x38;
	[tilespmem:$0x1DE20] =	vst v63  }
0x1a: {  	_ =	swait.ge [sflag:s31], $0x2710  }
0x1b: {  	[sflag:s31] =	ssyncset.done $0x0  }
0x1c: {  	s13 =	simm.s32 $0x2710;
	s23 =	rddreg [dreg:$0x6];
	[sflag:s31] =	ssyncadd.s32 $0xFFFFD8F0  }
0x1d: {  	[tilespmem:s13], [sflag:$0x19] =	stream.linear.gather [hbm4b:s23+s19], $0x2710, $0x38;
	[tilespmem:$0x1DE20] =	vst v63  }
0x1e: {  	_ =	swait.ge [sflag:s31], $0x2710  }
0x1f: {  	[sflag:s31] =	ssyncset.done $0x0  }
0x20: {  	[sflag:s31] =	ssyncadd.s32 $0xFFFFD8F0  }
0x21: {  	s24 =	simm.s32 $0xEE20;
	[bflag:$0x0] =	sbarrier.arrive $0xFFFF  }
0x22: {  	[tilespmem:s24], [sflag:$0x1] =	stream.indirect.gather [hbm4b:s4+s14], $0x40, s19, s14, $0xb8;
	[tilespmem:$0x1DE20] =	vst v63  }
0x23: {  	s25 =	simm.s32 $0x10220  }
0x24: {  	[tilespmem:s25], [sflag:$0x2] =	stream.indirect.gather [hbm4b:s4+s14], $0x40, s14, s14, $0xb8;
	[tilespmem:$0x1DE20] =	vst v63  }
0x25: {  	s1 =	simm.s32 $0xA0;
	s5 =	simm.s32 $0x11620  }
0x26: {  	[tilespmem:s5], [sflag:$0x3] =	stream.indirect.gather [hbm4b:s4+s14], $0x40, s1, s14, $0xb8;
	[tilespmem:$0x1DE20] =	vst v63  }
0x27: {  	s8 =	simm.s32 $0xF0;
	s19 =	simm.s32 $0x12A20  }
0x28: {  	[tilespmem:s19], [sflag:$0x4] =	stream.indirect.gather [hbm4b:s4+s14], $0x40, s8, s14, $0xb8;
	[tilespmem:$0x1DE20] =	vst v63  }
0x29: {  	s21 =	simm.s32 $0x140;
	s23 =	simm.s32 $0x13E20  }
0x2a: {  	[tilespmem:s23], [sflag:$0x5] =	stream.indirect.gather [hbm4b:s4+s14], $0x40, s21, s14, $0xb8;
	[tilespmem:$0x1DE20] =	vst v63  }
0x2b: {  	s24 =	simm.s32 $0x190  }
0x2c: {  	[tilespmem:s28], [sflag:$0x6] =	stream.indirect.gather [hbm4b:s4+s14], $0x40, s24, s14, $0xb8;
	[tilespmem:$0x1DE20] =	vst v63  }
0x2d: {  	s25 =	simm.s32 $0x1E0  }
0x2e: {  	[tilespmem:s30], [sflag:$0x7] =	stream.indirect.gather [hbm4b:s4+s14], $0x40, s25, s14, $0xb8;
	[tilespmem:$0x1DE20] =	vst v63  }
0x2f: {  	s1 =	simm.s32 $0x230  }
0x30: {  	[tilespmem:s26], [sflag:$0x8] =	stream.indirect.gather [hbm4b:s4+s14], $0x40, s1, s14, $0xb8;
	[tilespmem:$0x1DE20] =	vst v63  }
0x31: {  	s0 =	simm.s32 $0x1;
	s17 =	simm.s32 $0x280;
	s1 =	simm.s32 $0x18E20  }
0x32: {  	[tilespmem:s1], [sflag:$0x9] =	stream.indirect.gather [hbm4b:s4+s14], $0x40, s17, s14, $0xb8;
	[tilespmem:$0x1DE20] =	vst v63  }
0x33: {  	_ =	swait.ge [sflag:s0], $0x1400  }
0x34: {  	[sflag:s0] =	ssyncset.done $0x0  }
0x35: {  	s7 =	simm.s32 $0xEE20;
	[sflag:s0] =	ssyncadd.s32 $0xFFFFEC00  }
0x36: {  	[spmem:s2] =	stream.indirect.scatter.add.f32 [tilespmem:s7], [sflag:$0xD], $0x40, s13, s14, $0xb8;
	[tilespmem:$0x1DE20] =	vst v63  }
0x37: {  	s19 =	simm.s32 $0x2D0;
	s21 =	simm.s32 $0x1A220;
	s7 =	simm.s32 $0x2  }
0x38: {  	[tilespmem:s21], [sflag:$0xA] =	stream.indirect.gather [hbm4b:s4+s14], $0x40, s19, s14, $0xb8;
	[tilespmem:$0x1DE20] =	vst v63  }
0x39: {  	_ =	swait.ge [sflag:s7], $0x1400  }
0x3a: {  	[sflag:s7] =	ssyncset.done $0x0  }
0x3b: {  	s10 =	simm.s32 $0x10220;
	s23 =	simm.s32 $0x2760;
	[sflag:s7] =	ssyncadd.s32 $0xFFFFEC00  }
0x3c: {  	[spmem:s2] =	stream.indirect.scatter.add.f32 [tilespmem:s10], [sflag:$0xE], $0x40, s23, s14, $0xb8;
	[tilespmem:$0x1DE20] =	vst v63  }
0x3d: {  	s31 =	simm.s32 $0x3;
	s24 =	simm.s32 $0x320;
	s25 =	simm.s32 $0x1B620  }
0x3e: {  	[tilespmem:s25], [sflag:$0xB] =	stream.indirect.gather [hbm4b:s4+s14], $0x40, s24, s14, $0xb8;
	[tilespmem:$0x1DE20] =	vst v63  }
0x3f: {  	_ =	swait.ge [sflag:s31], $0x1400  }
0x40: {  	[sflag:s31] =	ssyncset.done $0x0  }
0x41: {  	s9 =	simm.s32 $0x11620;
	s1 =	simm.s32 $0x27B0;
	[sflag:s31] =	ssyncadd.s32 $0xFFFFEC00  }
0x42: {  	[spmem:s2] =	stream.indirect.scatter.add.f32 [tilespmem:s9], [sflag:$0xF], $0x40, s1, s14, $0xb8;
	[tilespmem:$0x1DE20] =	vst v63  }
0x43: {  	s19 =	simm.s32 $0x1CA20;
	s10 =	simm.s32 $0x370;
	s1 =	simm.s32 $0x4  }
0x44: {  	[tilespmem:s19], [sflag:$0xC] =	stream.indirect.gather [hbm4b:s4+s14], $0x40, s10, s14, $0xb8;
	[tilespmem:$0x1DE20] =	vst v63  }
0x45: {  	_ =	swait.ge [sflag:s1], $0x1400  }
0x46: {  	[sflag:s1] =	ssyncset.done $0x0  }
0x47: {  	s5 =	simm.s32 $0x12A20;
	s23 =	simm.s32 $0x2800;
	[sflag:s1] =	ssyncadd.s32 $0xFFFFEC00  }
0x48: {  	[spmem:s2] =	stream.indirect.scatter.add.f32 [tilespmem:s5], [sflag:$0x10], $0x40, s23, s14, $0xb8;
	[tilespmem:$0x1DE20] =	vst v63  }
0x49: {  	s5 =	simm.s32 $0xD  }
0x4a: {  	_ =	swait.ge [sflag:s5], $0x1400  }
0x4b: {  	[sflag:s5] =	ssyncset.done $0x0  }
0x4c: {  	s13 =	simm.s32 $0xEE20;
	s24 =	simm.s32 $0x3C0;
	[sflag:s5] =	ssyncadd.s32 $0xFFFFEC00  }
0x4d: {  	[tilespmem:s13], [sflag:$0x1] =	stream.indirect.gather [hbm4b:s4+s14], $0x40, s24, s14, $0xb8;
	[tilespmem:$0x1DE20] =	vst v63  }
0x4e: {  	s13 =	simm.s32 $0x5  }
0x4f: {  	_ =	swait.ge [sflag:s13], $0x1400  }
0x50: {  	s8 =	simm.s32 $0x13E20;
	[sflag:s13] =	ssyncset.done $0x0  }
0x51: {  	s25 =	simm.s32 $0x2850;
	s19 =	simm.s32 $0xE;
	[sflag:s13] =	ssyncadd.s32 $0xFFFFEC00  }
0x52: {  	[spmem:s2] =	stream.indirect.scatter.add.f32 [tilespmem:s8], [sflag:$0x11], $0x40, s25, s14, $0xb8;
	[tilespmem:$0x1DE20] =	vst v63  }
0x53: {  	_ =	swait.ge [sflag:s19], $0x1400  }
0x54: {  	[sflag:s19] =	ssyncset.done $0x0  }
0x55: {  	s21 =	simm.s32 $0x10220;
	s8 =	simm.s32 $0x410;
	[sflag:s19] =	ssyncadd.s32 $0xFFFFEC00  }
0x56: {  	[tilespmem:s21], [sflag:$0x2] =	stream.indirect.gather [hbm4b:s4+s14], $0x40, s8, s14, $0xb8;
	[tilespmem:$0x1DE20] =	vst v63  }
0x57: {  	s8 =	simm.s32 $0x6  }
0x58: {  	_ =	swait.ge [sflag:s8], $0x1400  }
0x59: {  	[sflag:s8] =	ssyncset.done $0x0  }
0x5a: {  	s21 =	simm.s32 $0x28A0;
	[sflag:s8] =	ssyncadd.s32 $0xFFFFEC00  }
0x5b: {  	[spmem:s2] =	stream.indirect.scatter.add.f32 [tilespmem:s28], [sflag:$0x12], $0x40, s21, s14, $0xb8;
	[tilespmem:$0x1DE20] =	vst v63  }
0x5c: {  	s21 =	simm.s32 $0xF  }
0x5d: {  	_ =	swait.ge [sflag:s21], $0x1400  }
0x5e: {  	[sflag:s21] =	ssyncset.done $0x0  }
0x5f: {  	s9 =	simm.s32 $0x11620;
	s24 =	simm.s32 $0x460;
	[sflag:s21] =	ssyncadd.s32 $0xFFFFEC00  }
0x60: {  	[tilespmem:s9], [sflag:$0x3] =	stream.indirect.gather [hbm4b:s4+s14], $0x40, s24, s14, $0xb8;
	[tilespmem:$0x1DE20] =	vst v63  }
0x61: {  	s9 =	simm.s32 $0x7  }
0x62: {  	_ =	swait.ge [sflag:s9], $0x1400  }
0x63: {  	[sflag:s9] =	ssyncset.done $0x0  }
0x64: {  	s25 =	simm.s32 $0x28F0;
	s24 =	simm.s32 $0x10;
	[sflag:s9] =	ssyncadd.s32 $0xFFFFEC00  }
0x65: {  	[spmem:s2] =	stream.indirect.scatter.add.f32 [tilespmem:s30], [sflag:$0x13], $0x40, s25, s14, $0xb8;
	[tilespmem:$0x1DE20] =	vst v63  }
0x66: {  	_ =	swait.ge [sflag:s24], $0x1400  }
0x67: {  	[sflag:s24] =	ssyncset.done $0x0  }
0x68: {  	s23 =	simm.s32 $0x12A20;
	s25 =	simm.s32 $0x4B0;
	[sflag:s24] =	ssyncadd.s32 $0xFFFFEC00  }
0x69: {  	[tilespmem:s23], [sflag:$0x4] =	stream.indirect.gather [hbm4b:s4+s14], $0x40, s25, s14, $0xb8;
	[tilespmem:$0x1DE20] =	vst v63  }
0x6a: {  	_ =	swait.ge [sflag:s3], $0x1400  }
0x6b: {  	[sflag:s3] =	ssyncset.done $0x0  }
0x6c: {  	s24 =	simm.s32 $0x11;
	s23 =	simm.s32 $0x2940;
	[sflag:s3] =	ssyncadd.s32 $0xFFFFEC00  }
0x6d: {  	[spmem:s2] =	stream.indirect.scatter.add.f32 [tilespmem:s26], [sflag:$0x14], $0x40, s23, s14, $0xb8;
	[tilespmem:$0x1DE20] =	vst v63  }
0x6e: {  	_ =	swait.ge [sflag:s24], $0x1400  }
0x6f: {  	[sflag:s24] =	ssyncset.done $0x0  }
0x70: {  	s10 =	simm.s32 $0x13E20;
	s25 =	simm.s32 $0x500;
	[sflag:s24] =	ssyncadd.s32 $0xFFFFEC00  }
0x71: {  	[tilespmem:s10], [sflag:$0x5] =	stream.indirect.gather [hbm4b:s4+s14], $0x40, s25, s14, $0xb8;
	[tilespmem:$0x1DE20] =	vst v63  }
0x72: {  	_ =	swait.ge [sflag:s6], $0x1400  }
0x73: {  	[sflag:s6] =	ssyncset.done $0x0  }
0x74: {  	s24 =	simm.s32 $0x18E20;
	s10 =	simm.s32 $0x2990;
	[sflag:s6] =	ssyncadd.s32 $0xFFFFEC00  }
0x75: {  	[spmem:s2] =	stream.indirect.scatter.add.f32 [tilespmem:s24], [sflag:$0x15], $0x40, s10, s14, $0xb8;
	[tilespmem:$0x1DE20] =	vst v63  }
0x76: {  	_ =	swait.ge [sflag:s11], $0x1400  }
0x77: {  	[sflag:s11] =	ssyncset.done $0x0  }
0x78: {  	s23 =	simm.s32 $0x550;
	[sflag:s11] =	ssyncadd.s32 $0xFFFFEC00  }
0x79: {  	[tilespmem:s28], [sflag:$0x6] =	stream.indirect.gather [hbm4b:s4+s14], $0x40, s23, s14, $0xb8;
	[tilespmem:$0x1DE20] =	vst v63  }
0x7a: {  	_ =	swait.ge [sflag:s12], $0x1400  }
0x7b: {  	[sflag:s12] =	ssyncset.done $0x0  }
0x7c: {  	s25 =	simm.s32 $0x29E0;
	s23 =	simm.s32 $0x1A220;
	[sflag:s12] =	ssyncadd.s32 $0xFFFFEC00  }
0x7d: {  	[spmem:s2] =	stream.indirect.scatter.add.f32 [tilespmem:s23], [sflag:$0x16], $0x40, s25, s14, $0xb8;
	[tilespmem:$0x1DE20] =	vst v63  }
0x7e: {  	_ =	swait.ge [sflag:s15], $0x1400  }
0x7f: {  	[sflag:s15] =	ssyncset.done $0x0  }
0x80: {  	s10 =	simm.s32 $0x5A0;
	[sflag:s15] =	ssyncadd.s32 $0xFFFFEC00  }
0x81: {  	[tilespmem:s30], [sflag:$0x7] =	stream.indirect.gather [hbm4b:s4+s14], $0x40, s10, s14, $0xb8;
	[tilespmem:$0x1DE20] =	vst v63  }
0x82: {  	_ =	swait.ge [sflag:s16], $0x1400  }
0x83: {  	[sflag:s16] =	ssyncset.done $0x0  }
0x84: {  	s25 =	simm.s32 $0x2A30;
	s10 =	simm.s32 $0x1B620;
	[sflag:s16] =	ssyncadd.s32 $0xFFFFEC00  }
0x85: {  	[spmem:s2] =	stream.indirect.scatter.add.f32 [tilespmem:s10], [sflag:$0x17], $0x40, s25, s14, $0xb8;
	[tilespmem:$0x1DE20] =	vst v63  }
0x86: {  	_ =	swait.ge [sflag:s18], $0x1400  }
0x87: {  	[sflag:s18] =	ssyncset.done $0x0  }
0x88: {  	s25 =	simm.s32 $0x5F0;
	[sflag:s18] =	ssyncadd.s32 $0xFFFFEC00  }
0x89: {  	[tilespmem:s26], [sflag:$0x8] =	stream.indirect.gather [hbm4b:s4+s14], $0x40, s25, s14, $0xb8;
	[tilespmem:$0x1DE20] =	vst v63  }
0x8a: {  	_ =	swait.ge [sflag:s20], $0x1400  }
0x8b: {  	[sflag:s20] =	ssyncset.done $0x0  }
0x8c: {  	s17 =	simm.s32 $0x2A80;
	s25 =	simm.s32 $0x1CA20;
	[sflag:s20] =	ssyncadd.s32 $0xFFFFEC00  }
0x8d: {  	[spmem:s2] =	stream.indirect.scatter.add.f32 [tilespmem:s25], [sflag:$0x18], $0x40, s17, s14, $0xb8;
	[tilespmem:$0x1DE20] =	vst v63  }
0x8e: {  	_ =	swait.ge [sflag:s22], $0x1400  }
0x8f: {  	[sflag:s22] =	ssyncset.done $0x0  }
0x90: {  	s25 =	simm.s32 $0x640;
	[sflag:s22] =	ssyncadd.s32 $0xFFFFEC00  }
0x91: {  	[tilespmem:s24], [sflag:$0x9] =	stream.indirect.gather [hbm4b:s4+s14], $0x40, s25, s14, $0xb8;
	[tilespmem:$0x1DE20] =	vst v63  }
0x92: {  	_ =	swait.ge [sflag:s0], $0x1400  }
0x93: {  	s25 =	simm.s32 $0xEE20;
	[sflag:s0] =	ssyncset.done $0x0  }
0x94: {  	s24 =	simm.s32 $0x16;
	[sflag:s0] =	ssyncadd.s32 $0xFFFFEC00;
	s0 =	simm.s32 $0x2AD0  }
0x95: {  	[spmem:s2] =	stream.indirect.scatter.add.f32 [tilespmem:s25], [sflag:$0xD], $0x40, s0, s14, $0xb8;
	[tilespmem:$0x1DE20] =	vst v63  }
0x96: {  	_ =	swait.ge [sflag:s24], $0x1400  }
0x97: {  	[sflag:s24] =	ssyncset.done $0x0  }
0x98: {  	s0 =	simm.s32 $0x690;
	[sflag:s24] =	ssyncadd.s32 $0xFFFFEC00  }
0x99: {  	[tilespmem:s23], [sflag:$0xA] =	stream.indirect.gather [hbm4b:s4+s14], $0x40, s0, s14, $0xb8;
	[tilespmem:$0x1DE20] =	vst v63  }
0x9a: {  	_ =	swait.ge [sflag:s7], $0x1400  }
0x9b: {  	s24 =	simm.s32 $0x10220;
	[sflag:s7] =	ssyncset.done $0x0  }
0x9c: {  	s23 =	simm.s32 $0x17;
	[sflag:s7] =	ssyncadd.s32 $0xFFFFEC00;
	s7 =	simm.s32 $0x2B20  }
0x9d: {  	[spmem:s2] =	stream.indirect.scatter.add.f32 [tilespmem:s24], [sflag:$0xE], $0x40, s7, s14, $0xb8;
	[tilespmem:$0x1DE20] =	vst v63  }
0x9e: {  	_ =	swait.ge [sflag:s23], $0x1400  }
0x9f: {  	[sflag:s23] =	ssyncset.done $0x0  }
0xa0: {  	s7 =	simm.s32 $0x6E0;
	[sflag:s23] =	ssyncadd.s32 $0xFFFFEC00  }
0xa1: {  	[tilespmem:s10], [sflag:$0xB] =	stream.indirect.gather [hbm4b:s4+s14], $0x40, s7, s14, $0xb8;
	[tilespmem:$0x1DE20] =	vst v63  }
0xa2: {  	_ =	swait.ge [sflag:s31], $0x1400  }
0xa3: {  	[sflag:s31] =	ssyncset.done $0x0  }
0xa4: {  	s23 =	simm.s32 $0x11620;
	s10 =	simm.s32 $0x2B70;
	[sflag:s31] =	ssyncadd.s32 $0xFFFFEC00  }
0xa5: {  	[spmem:s2] =	stream.indirect.scatter.add.f32 [tilespmem:s23], [sflag:$0xF], $0x40, s10, s14, $0xb8;
	[tilespmem:$0x1DE20] =	vst v63  }
0xa6: {  	_ =	swait.ge [sflag:s29], $0x1400  }
0xa7: {  	[sflag:s29] =	ssyncset.done $0x0  }
0xa8: {  	s0 =	simm.s32 $0x730;
	s10 =	simm.s32 $0x1CA20;
	[sflag:s29] =	ssyncadd.s32 $0xFFFFEC00  }
0xa9: {  	[tilespmem:s10], [sflag:$0xC] =	stream.indirect.gather [hbm4b:s4+s14], $0x40, s0, s14, $0xb8;
	[tilespmem:$0x1DE20] =	vst v63  }
0xaa: {  	_ =	swait.ge [sflag:s1], $0x1400  }
0xab: {  	[sflag:s1] =	ssyncset.done $0x0  }
0xac: {  	s10 =	simm.s32 $0x12A20;
	[sflag:s1] =	ssyncadd.s32 $0xFFFFEC00;
	s1 =	simm.s32 $0x2BC0  }
0xad: {  	[spmem:s2] =	stream.indirect.scatter.add.f32 [tilespmem:s10], [sflag:$0x10], $0x40, s1, s14, $0xb8;
	[tilespmem:$0x1DE20] =	vst v63  }
0xae: {  	_ =	swait.ge [sflag:s5], $0x1400  }
0xaf: {  	[sflag:s5] =	ssyncset.done $0x0  }
0xb0: {  	[sflag:s5] =	ssyncadd.s32 $0xFFFFEC00;
	s5 =	simm.s32 $0x780  }
0xb1: {  	[tilespmem:s25], [sflag:$0x1] =	stream.indirect.gather [hbm4b:s4+s14], $0x40, s5, s14, $0xb8;
	[tilespmem:$0x1DE20] =	vst v63  }
0xb2: {  	_ =	swait.ge [sflag:s13], $0x1400  }
0xb3: {  	[sflag:s13] =	ssyncset.done $0x0  }
0xb4: {  	s1 =	simm.s32 $0x13E20;
	[sflag:s13] =	ssyncadd.s32 $0xFFFFEC00;
	s13 =	simm.s32 $0x2C10  }
0xb5: {  	[spmem:s2] =	stream.indirect.scatter.add.f32 [tilespmem:s1], [sflag:$0x11], $0x40, s13, s14, $0xb8;
	[tilespmem:$0x1DE20] =	vst v63  }
0xb6: {  	_ =	swait.ge [sflag:s19], $0x1400  }
0xb7: {  	[sflag:s19] =	ssyncset.done $0x0  }
0xb8: {  	s25 =	simm.s32 $0x7D0;
	[sflag:s19] =	ssyncadd.s32 $0xFFFFEC00  }
0xb9: {  	[tilespmem:s24], [sflag:$0x2] =	stream.indirect.gather [hbm4b:s4+s14], $0x40, s25, s14, $0xb8;
	[tilespmem:$0x1DE20] =	vst v63  }
0xba: {  	_ =	swait.ge [sflag:s8], $0x1400  }
0xbb: {  	[sflag:s8] =	ssyncset.done $0x0  }
0xbc: {  	s5 =	simm.s32 $0x2C60;
	[sflag:s8] =	ssyncadd.s32 $0xFFFFEC00  }
0xbd: {  	[spmem:s2] =	stream.indirect.scatter.add.f32 [tilespmem:s28], [sflag:$0x12], $0x40, s5, s14, $0xb8;
	[tilespmem:$0x1DE20] =	vst v63  }
0xbe: {  	_ =	swait.ge [sflag:s21], $0x1400  }
0xbf: {  	[sflag:s21] =	ssyncset.done $0x0  }
0xc0: {  	s13 =	simm.s32 $0x820;
	[sflag:s21] =	ssyncadd.s32 $0xFFFFEC00  }
0xc1: {  	[tilespmem:s23], [sflag:$0x3] =	stream.indirect.gather [hbm4b:s4+s14], $0x40, s13, s14, $0xb8;
	[tilespmem:$0x1DE20] =	vst v63  }
0xc2: {  	_ =	swait.ge [sflag:s9], $0x1400  }
0xc3: {  	[sflag:s9] =	ssyncset.done $0x0  }
0xc4: {  	s19 =	simm.s32 $0x2CB0;
	s21 =	simm.s32 $0x10;
	[sflag:s9] =	ssyncadd.s32 $0xFFFFEC00  }
0xc5: {  	[spmem:s2] =	stream.indirect.scatter.add.f32 [tilespmem:s30], [sflag:$0x13], $0x40, s19, s14, $0xb8;
	[tilespmem:$0x1DE20] =	vst v63  }
0xc6: {  	_ =	swait.ge [sflag:s21], $0x1400  }
0xc7: {  	[sflag:s21] =	ssyncset.done $0x0  }
0xc8: {  	s23 =	simm.s32 $0x870;
	[sflag:s21] =	ssyncadd.s32 $0xFFFFEC00  }
0xc9: {  	[tilespmem:s10], [sflag:$0x4] =	stream.indirect.gather [hbm4b:s4+s14], $0x40, s23, s14, $0xb8;
	[tilespmem:$0x1DE20] =	vst v63  }
0xca: {  	_ =	swait.ge [sflag:s3], $0x1400  }
0xcb: {  	[sflag:s3] =	ssyncset.done $0x0  }
0xcc: {  	s24 =	simm.s32 $0x2D00;
	s25 =	simm.s32 $0x11;
	[sflag:s3] =	ssyncadd.s32 $0xFFFFEC00  }
0xcd: {  	[spmem:s2] =	stream.indirect.scatter.add.f32 [tilespmem:s26], [sflag:$0x14], $0x40, s24, s14, $0xb8;
	[tilespmem:$0x1DE20] =	vst v63  }
0xce: {  	_ =	swait.ge [sflag:s25], $0x1400  }
0xcf: {  	[sflag:s25] =	ssyncset.done $0x0  }
0xd0: {  	s5 =	simm.s32 $0x8C0;
	[sflag:s25] =	ssyncadd.s32 $0xFFFFEC00  }
0xd1: {  	[tilespmem:s1], [sflag:$0x5] =	stream.indirect.gather [hbm4b:s4+s14], $0x40, s5, s14, $0xb8;
	[tilespmem:$0x1DE20] =	vst v63  }
0xd2: {  	_ =	swait.ge [sflag:s6], $0x1400  }
0xd3: {  	[sflag:s6] =	ssyncset.done $0x0  }
0xd4: {  	s10 =	simm.s32 $0x18E20;
	[sflag:s6] =	ssyncadd.s32 $0xFFFFEC00;
	s6 =	simm.s32 $0x2D50  }
0xd5: {  	[spmem:s2] =	stream.indirect.scatter.add.f32 [tilespmem:s10], [sflag:$0x15], $0x40, s6, s14, $0xb8;
	[tilespmem:$0x1DE20] =	vst v63  }
0xd6: {  	_ =	swait.ge [sflag:s11], $0x1400  }
0xd7: {  	[sflag:s11] =	ssyncset.done $0x0  }
0xd8: {  	s13 =	simm.s32 $0x910;
	[sflag:s11] =	ssyncadd.s32 $0xFFFFEC00  }
0xd9: {  	[tilespmem:s28], [sflag:$0x6] =	stream.indirect.gather [hbm4b:s4+s14], $0x40, s13, s14, $0xb8;
	[tilespmem:$0x1DE20] =	vst v63  }
0xda: {  	_ =	swait.ge [sflag:s12], $0x1400  }
0xdb: {  	[sflag:s12] =	ssyncset.done $0x0  }
0xdc: {  	s19 =	simm.s32 $0x2DA0;
	s21 =	simm.s32 $0x1A220;
	[sflag:s12] =	ssyncadd.s32 $0xFFFFEC00  }
0xdd: {  	[spmem:s2] =	stream.indirect.scatter.add.f32 [tilespmem:s21], [sflag:$0x16], $0x40, s19, s14, $0xb8;
	[tilespmem:$0x1DE20] =	vst v63  }
0xde: {  	_ =	swait.ge [sflag:s15], $0x1400  }
0xdf: {  	[sflag:s15] =	ssyncset.done $0x0  }
0xe0: {  	s23 =	simm.s32 $0x960;
	[sflag:s15] =	ssyncadd.s32 $0xFFFFEC00  }
0xe1: {  	[tilespmem:s30], [sflag:$0x7] =	stream.indirect.gather [hbm4b:s4+s14], $0x40, s23, s14, $0xb8;
	[tilespmem:$0x1DE20] =	vst v63  }
0xe2: {  	_ =	swait.ge [sflag:s16], $0x1400  }
0xe3: {  	[sflag:s16] =	ssyncset.done $0x0  }
0xe4: {  	s7 =	simm.s32 $0x1B620;
	s24 =	simm.s32 $0x2DF0;
	[sflag:s16] =	ssyncadd.s32 $0xFFFFEC00  }
0xe5: {  	[spmem:s2] =	stream.indirect.scatter.add.f32 [tilespmem:s7], [sflag:$0x17], $0x40, s24, s14, $0xb8;
	[tilespmem:$0x1DE20] =	vst v63  }
0xe6: {  	s17 =	simm.s32 $0xA00;
	_ =	swait.ge [sflag:s18], $0x1400  }
0xe7: {  	s31 =	simm.s32 $0xF00;
	s0 =	simm.s32 $0x1CA20;
	[sflag:s18] =	ssyncset.done $0x0  }
0xe8: {  	s3 =	simm.s32 $0x8;
	s25 =	simm.s32 $0x9B0;
	[sflag:s18] =	ssyncadd.s32 $0xFFFFEC00  }
0xe9: {  	[tilespmem:s26], [sflag:$0x8] =	stream.indirect.gather [hbm4b:s4+s14], $0x40, s25, s14, $0xb8;
	[tilespmem:$0x1DE20] =	vst v63  }
0xea: {  	s5 =	simm.s32 $0x16620;
	s11 =	simm.s32 $0x9;
	_ =	swait.ge [sflag:s20], $0x1400  }
0xeb: {  	s28 =	simm.s32 $0x2E40;
	s13 =	simm.s32 $0x17A20;
	[sflag:s20] =	ssyncset.done $0x0  }
0xec: {  	s12 =	simm.s32 $0x12;
	s15 =	simm.s32 $0xA;
	[sflag:s20] =	ssyncadd.s32 $0xFFFFEC00  }
0xed: {  	[spmem:s2] =	stream.indirect.scatter.add.f32 [tilespmem:s0], [sflag:$0x18], $0x40, s28, s14, $0xb8;
	[tilespmem:$0x1DE20] =	vst v63  }
0xee: {  	s30 =	simm.s32 $0x15220;
	s16 =	simm.s32 $0x13;
	_ =	swait.ge [sflag:s22], $0x1400  }
0xef: {  	s24 =	simm.s32 $0x15;
	s18 =	simm.s32 $0xB;
	[sflag:s22] =	ssyncset.done $0x0  }
0xf0: {  	s20 =	simm.s32 $0x14;
	[sflag:s22] =	ssyncadd.s32 $0xFFFFEC00;
	s22 =	simm.s32 $0xC  }
.LBB2_2:
0xf1: {  	s7 =	simm.s32 $0x18E20  }
0xf2: {  	[tilespmem:s7], [sflag:$0x9] =	stream.indirect.gather [hbm4b:s4+s14], $0x40, s17, s14, $0xb8;
	[tilespmem:$0x1DE20] =	vst v63  }
0xf3: {  	s0 =	simm.s32 $0x1;
	s17 =	smov.u32 s31  }
0xf4: {  	p0 =	sne.s32 s31, $0x7800;
	s31 =	sadd.s32 $0xF00, s31;
	_ =	swait.ge [sflag:s0], $0x1400  }
0xf5: {  	s1 =	simm.s32 $0xEE20;
	s17 =	sshra.s32 s17, $0x2;
	[sflag:s0] =	ssyncset.done $0x0  }
0xf6: {  	s25 =	sadd.s32 $0x2AD0, s17;
	[sflag:s0] =	ssyncadd.s32 $0xFFFFEC00;
	s0 =	simm.s32 $0x16  }
0xf7: {  	[spmem:s2] =	stream.indirect.scatter.add.f32 [tilespmem:s1], [sflag:$0xD], $0x40, s25, s14, $0xb8;
	[tilespmem:$0x1DE20] =	vst v63  }
0xf8: {  	_ =	swait.ge [sflag:s0], $0x1400  }
0xf9: {  	s10 =	simm.s32 $0x1A220;
	[sflag:s0] =	ssyncset.done $0x0  }
0xfa: {  	s25 =	sadd.s32 $0x690, s17;
	[sflag:s0] =	ssyncadd.s32 $0xFFFFEC00;
	s0 =	simm.s32 $0x2  }
0xfb: {  	[tilespmem:s10], [sflag:$0xA] =	stream.indirect.gather [hbm4b:s4+s14], $0x40, s25, s14, $0xb8;
	[tilespmem:$0x1DE20] =	vst v63  }
0xfc: {  	_ =	swait.ge [sflag:s0], $0x1400  }
0xfd: {  	s19 =	simm.s32 $0x10220;
	[sflag:s0] =	ssyncset.done $0x0  }
0xfe: {  	s25 =	sadd.s32 $0x2B20, s17;
	[sflag:s0] =	ssyncadd.s32 $0xFFFFEC00;
	s0 =	simm.s32 $0x17  }
0xff: {  	[spmem:s2] =	stream.indirect.scatter.add.f32 [tilespmem:s19], [sflag:$0xE], $0x40, s25, s14, $0xb8;
	[tilespmem:$0x1DE20] =	vst v63  }
0x100: {  	_ =	swait.ge [sflag:s0], $0x1400  }
0x101: {  	s6 =	simm.s32 $0x1B620;
	[sflag:s0] =	ssyncset.done $0x0  }
0x102: {  	s25 =	sadd.s32 $0x6E0, s17;
	[sflag:s0] =	ssyncadd.s32 $0xFFFFEC00;
	s0 =	simm.s32 $0x3  }
0x103: {  	[tilespmem:s6], [sflag:$0xB] =	stream.indirect.gather [hbm4b:s4+s14], $0x40, s25, s14, $0xb8;
	[tilespmem:$0x1DE20] =	vst v63  }
0x104: {  	_ =	swait.ge [sflag:s0], $0x1400  }
0x105: {  	[sflag:s0] =	ssyncset.done $0x0  }
0x106: {  	s28 =	simm.s32 $0x11620;
	s25 =	sadd.s32 $0x2B70, s17;
	[sflag:s0] =	ssyncadd.s32 $0xFFFFEC00  }
0x107: {  	[spmem:s2] =	stream.indirect.scatter.add.f32 [tilespmem:s28], [sflag:$0xF], $0x40, s25, s14, $0xb8;
	[tilespmem:$0x1DE20] =	vst v63  }
0x108: {  	_ =	swait.ge [sflag:s29], $0x1400  }
0x109: {  	s26 =	simm.s32 $0x1CA20;
	[sflag:s29] =	ssyncset.done $0x0  }
0x10a: {  	s0 =	simm.s32 $0x4;
	s25 =	sadd.s32 $0x730, s17;
	[sflag:s29] =	ssyncadd.s32 $0xFFFFEC00  }
0x10b: {  	[tilespmem:s26], [sflag:$0xC] =	stream.indirect.gather [hbm4b:s4+s14], $0x40, s25, s14, $0xb8;
	[tilespmem:$0x1DE20] =	vst v63  }
0x10c: {  	_ =	swait.ge [sflag:s0], $0x1400  }
0x10d: {  	s23 =	simm.s32 $0x12A20;
	[sflag:s0] =	ssyncset.done $0x0  }
0x10e: {  	s25 =	sadd.s32 $0x2BC0, s17;
	[sflag:s0] =	ssyncadd.s32 $0xFFFFEC00;
	s0 =	simm.s32 $0xD  }
0x10f: {  	[spmem:s2] =	stream.indirect.scatter.add.f32 [tilespmem:s23], [sflag:$0x10], $0x40, s25, s14, $0xb8;
	[tilespmem:$0x1DE20] =	vst v63  }
0x110: {  	_ =	swait.ge [sflag:s0], $0x1400  }
0x111: {  	s21 =	simm.s32 $0xEE20;
	[sflag:s0] =	ssyncset.done $0x0  }
0x112: {  	s25 =	sadd.s32 $0x780, s17;
	[sflag:s0] =	ssyncadd.s32 $0xFFFFEC00;
	s0 =	simm.s32 $0x5  }
0x113: {  	[tilespmem:s1], [sflag:$0x1] =	stream.indirect.gather [hbm4b:s4+s14], $0x40, s25, s14, $0xb8;
	[tilespmem:$0x1DE20] =	vst v63  }
0x114: {  	_ =	swait.ge [sflag:s0], $0x1400  }
0x115: {  	s25 =	sadd.s32 $0x2C10, s17;
	[sflag:s0] =	ssyncset.done $0x0  }
0x116: {  	s1 =	simm.s32 $0xE;
	[sflag:s0] =	ssyncadd.s32 $0xFFFFEC00;
	s0 =	simm.s32 $0x13E20  }
0x117: {  	[spmem:s2] =	stream.indirect.scatter.add.f32 [tilespmem:s0], [sflag:$0x11], $0x40, s25, s14, $0xb8;
	[tilespmem:$0x1DE20] =	vst v63  }
0x118: {  	_ =	swait.ge [sflag:s1], $0x1400  }
0x119: {  	[sflag:s1] =	ssyncset.done $0x0  }
0x11a: {  	s25 =	sadd.s32 $0x7D0, s17;
	[sflag:s1] =	ssyncadd.s32 $0xFFFFEC00;
	s1 =	simm.s32 $0x10220  }
0x11b: {  	[tilespmem:s19], [sflag:$0x2] =	stream.indirect.gather [hbm4b:s4+s14], $0x40, s25, s14, $0xb8;
	[tilespmem:$0x1DE20] =	vst v63  }
0x11c: {  	_ =	swait.ge [sflag:s8], $0x1400  }
0x11d: {  	[sflag:s8] =	ssyncset.done $0x0  }
0x11e: {  	s25 =	sadd.s32 $0x2C60, s17;
	s19 =	simm.s32 $0xF;
	[sflag:s8] =	ssyncadd.s32 $0xFFFFEC00  }
0x11f: {  	[spmem:s2] =	stream.indirect.scatter.add.f32 [tilespmem:s30], [sflag:$0x12], $0x40, s25, s14, $0xb8;
	[tilespmem:$0x1DE20] =	vst v63  }
0x120: {  	_ =	swait.ge [sflag:s19], $0x1400  }
0x121: {  	[sflag:s19] =	ssyncset.done $0x0  }
0x122: {  	s25 =	sadd.s32 $0x820, s17;
	[sflag:s19] =	ssyncadd.s32 $0xFFFFEC00;
	s19 =	simm.s32 $0x11620  }
0x123: {  	[tilespmem:s28], [sflag:$0x3] =	stream.indirect.gather [hbm4b:s4+s14], $0x40, s25, s14, $0xb8;
	[tilespmem:$0x1DE20] =	vst v63  }
0x124: {  	_ =	swait.ge [sflag:s9], $0x1400  }
0x125: {  	[sflag:s9] =	ssyncset.done $0x0  }
0x126: {  	s25 =	sadd.s32 $0x2CB0, s17;
	[sflag:s9] =	ssyncadd.s32 $0xFFFFEC00  }
0x127: {  	[spmem:s2] =	stream.indirect.scatter.add.f32 [tilespmem:s5], [sflag:$0x13], $0x40, s25, s14, $0xb8;
	[tilespmem:$0x1DE20] =	vst v63  }
0x128: {  	s25 =	simm.s32 $0x10  }
0x129: {  	_ =	swait.ge [sflag:s25], $0x1400  }
0x12a: {  	[sflag:s25] =	ssyncset.done $0x0  }
0x12b: {  	s28 =	simm.s32 $0x12A20;
	[sflag:s25] =	ssyncadd.s32 $0xFFFFEC00;
	s25 =	sadd.s32 $0x870, s17  }
0x12c: {  	[tilespmem:s23], [sflag:$0x4] =	stream.indirect.gather [hbm4b:s4+s14], $0x40, s25, s14, $0xb8;
	[tilespmem:$0x1DE20] =	vst v63  }
0x12d: {  	_ =	swait.ge [sflag:s3], $0x1400  }
0x12e: {  	[sflag:s3] =	ssyncset.done $0x0  }
0x12f: {  	s25 =	sadd.s32 $0x2D00, s17;
	s23 =	simm.s32 $0x11;
	[sflag:s3] =	ssyncadd.s32 $0xFFFFEC00  }
0x130: {  	[spmem:s2] =	stream.indirect.scatter.add.f32 [tilespmem:s13], [sflag:$0x14], $0x40, s25, s14, $0xb8;
	[tilespmem:$0x1DE20] =	vst v63  }
0x131: {  	_ =	swait.ge [sflag:s23], $0x1400  }
0x132: {  	[sflag:s23] =	ssyncset.done $0x0  }
0x133: {  	s25 =	sadd.s32 $0x8C0, s17;
	[sflag:s23] =	ssyncadd.s32 $0xFFFFEC00;
	s23 =	simm.s32 $0x13E20  }
0x134: {  	[tilespmem:s0], [sflag:$0x5] =	stream.indirect.gather [hbm4b:s4+s14], $0x40, s25, s14, $0xb8;
	[tilespmem:$0x1DE20] =	vst v63  }
0x135: {  	_ =	swait.ge [sflag:s11], $0x1400  }
0x136: {  	[sflag:s11] =	ssyncset.done $0x0  }
0x137: {  	s25 =	sadd.s32 $0x2D50, s17;
	s0 =	simm.s32 $0x18E20;
	[sflag:s11] =	ssyncadd.s32 $0xFFFFEC00  }
0x138: {  	[spmem:s2] =	stream.indirect.scatter.add.f32 [tilespmem:s7], [sflag:$0x15], $0x40, s25, s14, $0xb8;
	[tilespmem:$0x1DE20] =	vst v63  }
0x139: {  	_ =	swait.ge [sflag:s12], $0x1400  }
0x13a: {  	[sflag:s12] =	ssyncset.done $0x0  }
0x13b: {  	s25 =	sadd.s32 $0x910, s17;
	[sflag:s12] =	ssyncadd.s32 $0xFFFFEC00  }
0x13c: {  	[tilespmem:s30], [sflag:$0x6] =	stream.indirect.gather [hbm4b:s4+s14], $0x40, s25, s14, $0xb8;
	[tilespmem:$0x1DE20] =	vst v63  }
0x13d: {  	_ =	swait.ge [sflag:s15], $0x1400  }
0x13e: {  	[sflag:s15] =	ssyncset.done $0x0  }
0x13f: {  	s25 =	sadd.s32 $0x2DA0, s17;
	[sflag:s15] =	ssyncadd.s32 $0xFFFFEC00  }
0x140: {  	[spmem:s2] =	stream.indirect.scatter.add.f32 [tilespmem:s10], [sflag:$0x16], $0x40, s25, s14, $0xb8;
	[tilespmem:$0x1DE20] =	vst v63  }
0x141: {  	_ =	swait.ge [sflag:s16], $0x1400  }
0x142: {  	[sflag:s16] =	ssyncset.done $0x0  }
0x143: {  	s25 =	sadd.s32 $0x960, s17;
	[sflag:s16] =	ssyncadd.s32 $0xFFFFEC00  }
0x144: {  	[tilespmem:s5], [sflag:$0x7] =	stream.indirect.gather [hbm4b:s4+s14], $0x40, s25, s14, $0xb8;
	[tilespmem:$0x1DE20] =	vst v63  }
0x145: {  	_ =	swait.ge [sflag:s18], $0x1400  }
0x146: {  	[sflag:s18] =	ssyncset.done $0x0  }
0x147: {  	s25 =	sadd.s32 $0x2DF0, s17;
	[sflag:s18] =	ssyncadd.s32 $0xFFFFEC00  }
0x148: {  	[spmem:s2] =	stream.indirect.scatter.add.f32 [tilespmem:s6], [sflag:$0x17], $0x40, s25, s14, $0xb8;
	[tilespmem:$0x1DE20] =	vst v63  }
0x149: {  	_ =	swait.ge [sflag:s20], $0x1400  }
0x14a: {  	[sflag:s20] =	ssyncset.done $0x0  }
0x14b: {  	s25 =	sadd.s32 $0x9B0, s17;
	[sflag:s20] =	ssyncadd.s32 $0xFFFFEC00  }
0x14c: {  	[tilespmem:s13], [sflag:$0x8] =	stream.indirect.gather [hbm4b:s4+s14], $0x40, s25, s14, $0xb8;
	[tilespmem:$0x1DE20] =	vst v63  }
0x14d: {  	_ =	swait.ge [sflag:s22], $0x1400  }
0x14e: {  	[sflag:s22] =	ssyncset.done $0x0  }
.Ltmp0:
0x14f: {  	s25 =	sadd.s32 $0x2E40, s17;
	[sflag:s22] =	ssyncadd.s32 $0xFFFFEC00;
	(pc) =	sbr.rel @p0 .LBB2_2-.Ltmp0, $4  }
0x150: {  	[spmem:s2] =	stream.indirect.scatter.add.f32 [tilespmem:s26], [sflag:$0x18], $0x40, s25, s14, $0xb8;
	[tilespmem:$0x1DE20] =	vst v63  }
0x151: {  	_ =	swait.ge [sflag:s24], $0x1400  }
0x152: {  	[sflag:s24] =	ssyncset.done $0x0  }
0x153: {  	s17 =	sadd.s32 $0xA00, s17;
	[sflag:s24] =	ssyncadd.s32 $0xFFFFEC00  }
0x154: {  	[tilespmem:s0], [sflag:$0x9] =	stream.indirect.gather [hbm4b:s4+s14], $0x40, s17, s14, $0xb8;
	[tilespmem:$0x1DE20] =	vst v63  }
0x155: {  	s3 =	simm.s32 $0x1  }
0x156: {  	_ =	swait.ge [sflag:s3], $0x1400  }
0x157: {  	[sflag:s3] =	ssyncset.done $0x0  }
0x158: {  	s5 =	simm.s32 $0x4C90;
	s6 =	simm.s32 $0x16;
	[sflag:s3] =	ssyncadd.s32 $0xFFFFEC00  }
0x159: {  	[spmem:s2] =	stream.indirect.scatter.add.f32 [tilespmem:s21], [sflag:$0xD], $0x40, s5, s14, $0xb8;
	[tilespmem:$0x1DE20] =	vst v63  }
0x15a: {  	_ =	swait.ge [sflag:s6], $0x1400  }
0x15b: {  	[sflag:s6] =	ssyncset.done $0x0  }
0x15c: {  	s7 =	simm.s32 $0x2;
	[sflag:s6] =	ssyncadd.s32 $0xFFFFEC00  }
0x15d: {  	_ =	swait.ge [sflag:s7], $0x1400  }
0x15e: {  	[sflag:s7] =	ssyncset.done $0x0  }
0x15f: {  	s8 =	simm.s32 $0x4CE0;
	s9 =	simm.s32 $0x17;
	[sflag:s7] =	ssyncadd.s32 $0xFFFFEC00  }
0x160: {  	[spmem:s2] =	stream.indirect.scatter.add.f32 [tilespmem:s1], [sflag:$0xE], $0x40, s8, s14, $0xb8;
	[tilespmem:$0x1DE20] =	vst v63  }
0x161: {  	_ =	swait.ge [sflag:s9], $0x1400  }
0x162: {  	[sflag:s9] =	ssyncset.done $0x0  }
0x163: {  	s10 =	simm.s32 $0x3;
	[sflag:s9] =	ssyncadd.s32 $0xFFFFEC00  }
0x164: {  	_ =	swait.ge [sflag:s10], $0x1400  }
0x165: {  	[sflag:s10] =	ssyncset.done $0x0  }
0x166: {  	s11 =	simm.s32 $0x4D30;
	[sflag:s10] =	ssyncadd.s32 $0xFFFFEC00  }
0x167: {  	[spmem:s2] =	stream.indirect.scatter.add.f32 [tilespmem:s19], [sflag:$0xF], $0x40, s11, s14, $0xb8;
	[tilespmem:$0x1DE20] =	vst v63  }
0x168: {  	_ =	swait.ge [sflag:s29], $0x1400  }
0x169: {  	[sflag:s29] =	ssyncset.done $0x0  }
0x16a: {  	s12 =	simm.s32 $0x4;
	[sflag:s29] =	ssyncadd.s32 $0xFFFFEC00  }
0x16b: {  	_ =	swait.ge [sflag:s12], $0x1400  }
0x16c: {  	[sflag:s12] =	ssyncset.done $0x0  }
0x16d: {  	s13 =	simm.s32 $0x4D80;
	s15 =	simm.s32 $0xD;
	[sflag:s12] =	ssyncadd.s32 $0xFFFFEC00  }
0x16e: {  	[spmem:s2] =	stream.indirect.scatter.add.f32 [tilespmem:s28], [sflag:$0x10], $0x40, s13, s14, $0xb8;
	[tilespmem:$0x1DE20] =	vst v63  }
0x16f: {  	_ =	swait.ge [sflag:s15], $0x1400  }
0x170: {  	[sflag:s15] =	ssyncset.done $0x0  }
0x171: {  	s16 =	simm.s32 $0x5;
	[sflag:s15] =	ssyncadd.s32 $0xFFFFEC00  }
0x172: {  	_ =	swait.ge [sflag:s16], $0x1400  }
0x173: {  	[sflag:s16] =	ssyncset.done $0x0  }
0x174: {  	s17 =	simm.s32 $0x4DD0;
	s18 =	simm.s32 $0xE;
	[sflag:s16] =	ssyncadd.s32 $0xFFFFEC00  }
0x175: {  	[spmem:s2] =	stream.indirect.scatter.add.f32 [tilespmem:s23], [sflag:$0x11], $0x40, s17, s14, $0xb8;
	[tilespmem:$0x1DE20] =	vst v63  }
0x176: {  	_ =	swait.ge [sflag:s18], $0x1400  }
0x177: {  	[sflag:s18] =	ssyncset.done $0x0  }
0x178: {  	s19 =	simm.s32 $0xF;
	[sflag:s18] =	ssyncadd.s32 $0xFFFFEC00  }
0x179: {  	_ =	swait.ge [sflag:s19], $0x1400  }
0x17a: {  	[sflag:s19] =	ssyncset.done $0x0  }
0x17b: {  	s20 =	simm.s32 $0x10;
	[sflag:s19] =	ssyncadd.s32 $0xFFFFEC00  }
0x17c: {  	_ =	swait.ge [sflag:s20], $0x1400  }
0x17d: {  	[sflag:s20] =	ssyncset.done $0x0  }
0x17e: {  	s21 =	simm.s32 $0x11;
	[sflag:s20] =	ssyncadd.s32 $0xFFFFEC00  }
0x17f: {  	_ =	swait.ge [sflag:s21], $0x1400  }
0x180: {  	[sflag:s21] =	ssyncset.done $0x0  }
0x181: {  	[sflag:s21] =	ssyncadd.s32 $0xFFFFEC00  }
0x182: {  	[bflag:$0x0] =	sbarrier.arrive $0xFFFF  }
0x183: {  	s7 =	rddreg [dreg:$0x4]  }
0x184: {  	s22 =	rddreg [dreg:$0x7]  }
0x185: {  	s23 =	simm.s32 $0x19;
	s25 =	rddreg [dreg:$0x9]  }
0x186: {  	[hbm:s22], [sflag:s7] =	dma.local [spmem:s25], $0x1400  }
0x187: {  	_ =	swait.ge [sflag:s23], $0x1400  }
0x188: {  	s24 =	rddreg [dreg:$0xa]  }
0x189: {  	s26 =	rddreg [dreg:$0x8];
	s0 =	sadd.s32 $0x1, s24  }
0x18a: {  	s31 =	simm.s32 $0x19;
	p0 =	sne.s32 s0, s26  }
.Ltmp1:
0x18b: {  	s30 =	simm.s32 $0x16620;
	s3 =	simm.s32 $0x8;
	(pc) =	sbr.rel @p0 .LBB2_1-.Ltmp1, $4  }
0x18c: {  	s6 =	simm.s32 $0x9;
	s11 =	simm.s32 $0x12;
	s12 =	simm.s32 $0xA  }
0x18d: {  	s28 =	simm.s32 $0x15220;
	s15 =	simm.s32 $0x13;
	s16 =	simm.s32 $0xB  }
0x18e: {  	s18 =	simm.s32 $0x14;
	s20 =	simm.s32 $0xC;
	[sflag:s23] =	ssyncset.done $0x0  }
0x18f: {  	s22 =	simm.s32 $0x15;
	[sflag:s31] =	ssyncadd.s32 $0xFFFFEC00;
	s26 =	simm.s32 $0x17A20  }
0x190: {  	_ =	sfence.sel $0x180000  }
0x191: {  	[bflag:$0x0] =	sbarrier.arrive $0xFFFF  }
0x192: {  	_ =	strace $0x9000004A  }
0x193: {  	s0 =	stileid.u32;
	[bflag:$0x2] =	sbarrier.arrive $0xFFFF  }
0x194: {  	p0 =	sne.s32 s0, $0x0;
	s0 =	rddreg [dreg:$0x2]  }
0x195: {  	s0 =	sadd.s32 @!p0 $0x100000, s0  }
0x196: {  	[sflag:s0] =	ssyncadd.tile.s32 @!p0 $0x1;
	_ =	shalt  }
.Lfunc_end2:
_tile_overlayer_lowered:
.L_overlay_start_2:
0x197: {  	(tag) =	ssettag $0x2  }
0x198: {  	s0 =	rddreg [dreg:$0x0];
	s2 =	stileid.u32  }
0x199: {  	s1 =	rddreg [dreg:$0x1];
	p0 =	sne.s32 s2, $0x0  }
0x19a: {  	s3 =	rddreg [dreg:$0x2];
	[bflag:$0x3] =	sbarrier.arrive $0xFFFF;
	s2 =	simm.s32 @!p0 $0x1C19  }
0x19b: {  	[timem:s3], [sflag:s2] =	dma.local @!p0 [hbm:s0], s1  }
0x19c: {  	s0 =	simm.s32 @!p0 $0x19  }
0x19d: {  	_ =	swait.ge @!p0 [sflag:s0], s1  }
0x19e: {  	s1 =	ssub.s32 @!p0 $0x0, s1;
	[sflag:s0] =	ssyncset.done @!p0 $0x0  }
0x19f: {  	[sflag:s0] =	ssyncadd.s32 @!p0 s1  }
0x1a0: {  	[bflag:$0x3] =	sbarrier.arrive $0xFFFF  }
0x1a1: {  	_ =	shalt  }

// kernel: kernel.14.cloned.1.call-start
scs
__scs_entry_jumppad:
0x0: {  	(pc) =	sbr.rel $0x88, $3  }
0x1: {  	(tag) =	ssettag $0x0;
	lr =	simm.s32 $0x1  }
0x2: {  	[smem:$0x3F95] =	sst lr;
	_ =	strace $0xD0000000  }
0x3: {  	_ = 	snop  }
0x4: {  	_ = 	snop  }
0x5: {  	_ = 	snop  }
0x6: {  	_ = 	snop  }
0x7: {  	_ = 	snop  }
__scs_overlays_trampoline_lowered:
0x8: {  	[smem:$0x3FA4] =	sst s0  }
0x9: {  	[smem:$0x3FA5] =	sst s1  }
0xa: {  	[smem:$0x3FA6] =	sst s2  }
0xb: {  	[smem:$0x3FA7] =	sst s3  }
0xc: {  	[smem:$0x3FA8] =	sst s4  }
0xd: {  	[smem:$0x3FA9] =	sst s5  }
0xe: {  	[smem:$0x3FAA] =	sst s6  }
0xf: {  	[smem:$0x3FAB] =	sst s7  }
0x10: {  	[smem:$0x3FAC] =	sst s8  }
0x11: {  	[smem:$0x3FAD] =	sst s9;
	s0 =	simm.s32 @!p0 $0x0  }
0x12: {  	s1 =	sld [smem:$0x3F93];
	s0 =	simm.s32 @p0 $0x1  }
0x13: {  	[smem:$0x3FAE] =	sst s0;
	s0 =	simm.s32 @!p1 $0x0  }
0x14: {  	s2 =	sld [smem:$0x3F92];
	s0 =	simm.s32 @p1 $0x1  }
0x15: {  	[smem:$0x3FAF] =	sst s0;
	s0 =	simm.s32 @!p2 $0x0  }
0x16: {  	s3 =	sld [smem:$0x3FDB];
	s0 =	simm.s32 @p2 $0x1  }
0x17: {  	s4 =	simm.s32 $0x1BF5;
	[smem:$0x3FB1] =	sst s0  }
0x18: {  	s0 =	sld [smem:$0x3F94];
	_ =	swait.ge [sflag:s4], $0x0  }
0x19: {  	s7 =	sld [smem:$0x3F95]  }
0x1a: {  	s8 =	sadd.s32 $0xFFFFE003, lr  }
0x1b: {  	s9 =	sadd.s32 $0xFFFFFEF7, lr;
	s5 =	simm.s32 $0xFFFFFFFF;
	p2 =	slt.u32 s8, $0xFFFFF086  }
0x1c: {  	p1 =	slt.u32 s9, $0xF7A;
	s5 =	simm.s32 @!p2 $0x0  }
0x1d: {  	s5 =	simm.s32 @p1 $0x1;
	p0 =	seq.s32 s7, s2  }
0x1e: {  	s7 =	smul.u32 @!p0 $0xF7A, s2;
	p2 =	seq.s32 @!p0 s5, $0x0  }
0x1f: {  	s9 =	smul.u32 $0xF7A, s1;
	s8 =	simm.s32 @!p0 $0x1BF5;
	p2 =	por !p2, p0  }
0x20: {  	[sflag:s8] =	ssyncset.s32 @!p0 $0xFFFFF086;
	s6 =	sadd.s32 @!p0 s3, s7;
	s7 =	simm.s32 @!p0 $0x108  }
0x21: {  	s3 =	sadd.s32 s3, s9;
	s6 =	sadd.s32 @!p0 $0x88, s6;
	s7 =	simm.s32 @p2 $0x1082  }
0x22: {  	[simem:s7], [sflag:s8] =	dma.local @!p0 [hbm:s6], $0xF7A  }
0x23: {  	s9 =	sor.u32 $0xD0000000, s2;
	s6 =	simm.s32 $0x108;
	_ =	swait.ge @!p0 [sflag:s8], $0x0  }
0x24: {  	s3 =	sadd.s32 $0x88, s3;
	s6 =	simm.s32 @!p1 $0x1082;
	[sflag:s4] =	ssyncset.s32 $0xFFFFF086  }
0x25: {  	[simem:s6], [sflag:s4] =	dma.local [hbm:s3], $0xF7A  }
0x26: {  	[smem:$0x3F95] =	sst s1;
	(tag) =	ssettag s2;
	_ =	strace s9  }
0x27: {  	s1 =	sld [smem:$0x3FA5]  }
0x28: {  	s2 =	sld [smem:$0x3FA6]  }
0x29: {  	s4 =	sld [smem:$0x3FA8]  }
0x2a: {  	p0 =	seq.s32 s5, $0x0;
	s5 =	sld [smem:$0x3FA9]  }
0x2b: {  	s6 =	sld [smem:$0x3FAA]  }
0x2c: {  	s7 =	sld [smem:$0x3FAB]  }
0x2d: {  	s3 =	simm.s32 $0x108;
	s8 =	sld [smem:$0x3FAC]  }
0x2e: {  	s3 =	simm.s32 @!p0 $0x1082;
	s9 =	sld [smem:$0x3FAD]  }
0x2f: {  	lr =	sadd.s32 s0, s3;
	s0 =	sld [smem:$0x3FA4]  }
0x30: {  	s3 =	sld [smem:$0x3FA7]  }
0x31: {  	[smem:$0x3FB0] =	sst s10  }
0x32: {  	s10 =	sld [smem:$0x3FAE];
	_ =	sdelay $0x3  }
0x33: {  	p0 =	seq.s32 s10, $0x1;
	s10 =	sld [smem:$0x3FB0];
	_ =	sdelay $0x3  }
0x34: {  	[smem:$0x3FB0] =	sst s10  }
0x35: {  	s10 =	sld [smem:$0x3FAF];
	_ =	sdelay $0x3  }
0x36: {  	p1 =	seq.s32 s10, $0x1;
	s10 =	sld [smem:$0x3FB0];
	_ =	sdelay $0x3  }
0x37: {  	[smem:$0x3FB0] =	sst s10  }
0x38: {  	s10 =	sld [smem:$0x3FB1]  }
0x39: {  	_ = 	snop;
	(pc) =	sbr.ind lr, $3  }
0x3a: {  	_ = 	snop  }
0x3b: {  	_ = 	snop  }
0x3c: {  	p2 =	seq.s32 s10, $0x1;
	s10 =	sld [smem:$0x3FB0]  }
0x3d: {  	_ =	shalt  }
0x3e: {  	_ =	shalt  }
0x3f: {  	_ =	shalt  }
0x40: {  	_ =	shalt  }
0x41: {  	_ =	shalt  }
0x42: {  	_ =	shalt  }
0x43: {  	_ =	shalt  }
0x44: {  	_ =	shalt  }
0x45: {  	_ =	shalt  }
0x46: {  	_ =	shalt  }
0x47: {  	_ =	shalt  }
0x48: {  	_ =	shalt  }
0x49: {  	_ =	shalt  }
0x4a: {  	_ =	shalt  }
0x4b: {  	_ =	shalt  }
0x4c: {  	_ =	shalt  }
0x4d: {  	_ =	shalt  }
0x4e: {  	_ =	shalt  }
0x4f: {  	_ =	shalt  }
0x50: {  	_ =	shalt  }
0x51: {  	_ =	shalt  }
0x52: {  	_ =	shalt  }
0x53: {  	_ =	shalt  }
0x54: {  	_ =	shalt  }
0x55: {  	_ =	shalt  }
0x56: {  	_ =	shalt  }
0x57: {  	_ =	shalt  }
0x58: {  	_ =	shalt  }
0x59: {  	_ =	shalt  }
0x5a: {  	_ =	shalt  }
0x5b: {  	_ =	shalt  }
0x5c: {  	_ =	shalt  }
0x5d: {  	_ =	shalt  }
0x5e: {  	_ =	shalt  }
0x5f: {  	_ =	shalt  }
0x60: {  	_ =	shalt  }
0x61: {  	_ =	shalt  }
0x62: {  	_ =	shalt  }
0x63: {  	_ =	shalt  }
0x64: {  	_ =	shalt  }
0x65: {  	_ =	shalt  }
0x66: {  	_ =	shalt  }
0x67: {  	_ =	shalt  }
0x68: {  	_ =	shalt  }
0x69: {  	_ =	shalt  }
0x6a: {  	_ =	shalt  }
0x6b: {  	_ =	shalt  }
0x6c: {  	_ =	shalt  }
0x6d: {  	_ =	shalt  }
0x6e: {  	_ =	shalt  }
0x6f: {  	_ =	shalt  }
0x70: {  	_ =	shalt  }
0x71: {  	_ =	shalt  }
0x72: {  	_ =	shalt  }
0x73: {  	_ =	shalt  }
0x74: {  	_ =	shalt  }
0x75: {  	_ =	shalt  }
0x76: {  	_ =	shalt  }
0x77: {  	_ =	shalt  }
0x78: {  	_ =	shalt  }
0x79: {  	_ =	shalt  }
0x7a: {  	_ =	shalt  }
0x7b: {  	_ =	shalt  }
0x7c: {  	_ =	shalt  }
0x7d: {  	_ =	shalt  }
0x7e: {  	_ =	shalt  }
0x7f: {  	_ =	shalt  }
0x80: {  	_ =	shalt  }
0x81: {  	_ =	shalt  }
0x82: {  	_ =	shalt  }
0x83: {  	_ =	shalt  }
0x84: {  	_ =	shalt  }
0x85: {  	_ =	shalt  }
0x86: {  	_ =	shalt  }
0x87: {  	_ =	shalt  }
.Lfunc_end0:
.L_simem_size_0:
called_computation.2_lowered:
.L_overlay_start_0:
0x88: {  	s2 =	sld [smem:$0x3FD9]  }
0x89: {  	s3 =	sld [smem:$0x3FFE];
	_ =	sdelay $0x1  }
0x8a: {  	s1 =	srdreg.scid  }
0x8b: {  	s0 =	sand.u32 $0x1, s1  }
0x8c: {  	s16 =	sshll.u32 s0, $0xA;
	s2 =	sadd.s32 s3, s2  }
0x8d: {  	s2 =	sadd.s32 s2, s16  }
0x8e: {  	[smem:$0x3FBC] =	sst s2  }
0x8f: {  	_ = 	snop  }
0x90: {  	(tm) =	ssettm $0x1  }
0x91: {  	s17 =	sld [smem:$0x3FFB];
	_ =	sdelay $0x3  }
0x92: {  	_ =	strace s17  }
0x93: {  	s2 =	sld [smem:$0x3FFC];
	_ =	sdelay $0x3  }
0x94: {  	_ =	strace s2  }
0x95: {  	s2 =	sld [smem:$0x3FFD];
	_ =	sdelay $0x3  }
0x96: {  	_ =	strace s2  }
0x97: {  	_ =	strace $0x8FFFFFFF  }
0x98: {  	s18 =	sld [smem:$0x3FDB];
	_ =	sdelay $0x1  }
0x99: {  	s19 =	simm.s32 $_scs_section_size  }
0x9a: {  	s4 =	simm.s32 $_size__tile_overlayer_lowered;
	s5 =	simm.s32 $_tile_overlayer_lowered  }
0x9b: {  	s22 =	simm.s32 $0x1BFF;
	s21 =	sshll.u32 s5, $0x1;
	s2 =	sadd.s32 s19, s18  }
0x9c: {  	s6 =	simm.s32 $0x0;
	s20 =	sshll.u32 s4, $0x1;
	s4 =	sadd.s32 s21, s2  }
0x9d: {  	[timem:s6], [sflag:s22] =	dma.local [hbm:s4], s20  }
0x9e: {  	_ =	swait.ge [sflag:s22], s20  }
0x9f: {  	s3 =	ssub.s32 $0x0, s20;
	[sflag:s22] =	ssyncset.done $0x0  }
0xa0: {  	[sflag:s22] =	ssyncadd.s32 s3;
	_ =	sdelay $0x1  }
0xa1: {  	s23 =	simm.s32 $0x1B8B  }
0xa2: {  	_ =	swait.ge [sflag:s23], $0x1  }
0xa3: {  	[sflag:s23] =	ssyncset.done $0x0  }
0xa4: {  	s25 =	simm.s32 $0x1B8E;
	s24 =	sld [smem:$0x3FFE];
	[sflag:s23] =	ssyncadd.s32 $0xFFFFFFFF  }
0xa5: {  	s26 =	simm.s32 $execute0_lowered;
	[smem:$0x3FD2] =	sst s25  }
0xa6: {  	s4 =	sshll.u32 s26, $0x1;
	_ =	strace $0x8000004C;
	[dreg:$0x1] =	wrdreg $0xFFFFFFFF  }
0xa7: {  	s28 =	simm.s32 $_size_execute0_lowered;
	s2 =	sadd.s32 s2, s4;
	[dreg:$0x0] =	wrdreg $0x0  }
0xa8: {  	s4 =	sshll.u32 s28, $0x1;
	[dreg:$0x2] =	wrdreg s2  }
0xa9: {  	[dreg:$0x3] =	wrdreg s4  }
0xaa: {  	[dreg:$0x4] =	wrdreg $0xC0  }
0xab: {  	_ =	task [dreg:s6], $0x5FFFF  }
0xac: {  	[dreg:$0x1] =	wrdreg $0xFFFFFFFF  }
0xad: {  	[dreg:$0x0] =	wrdreg $0x60  }
0xae: {  	[dreg:$0x2] =	wrdreg s24  }
0xaf: {  	[dreg:$0x3] =	wrdreg $0x4E200  }
0xb0: {  	[dreg:$0x4] =	wrdreg $0x9  }
0xb1: {  	_ =	task.clear_ibuf [dreg:s6], $0x5FFFF;
	_ =	strace $0x9000004C  }
0xb2: {  	s29 =	simm.s32 $0x9;
	_ =	strace $0x8000004E  }
0xb3: {  	_ =	swait.ge [sflag:s29], $0x1  }
0xb4: {  	[sflag:s29] =	ssyncadd.s32 $0xFFFFFFFF  }
0xb5: {  	_ =	strace $0x9000004E  }
0xb6: {  	_ =	sfence  }
0xb7: {  	s30 =	sld [smem:$0x0];
	_ =	sdelay $0x2  }
0xb8: {  	s31 =	sshll.u32 s1, $0xD;
	s1 =	sshrl.u32 s1, $0x2  }
0xb9: {  	s3 =	sand.u32 $0x4000, s31;
	s1 =	sadd.s32 s1, s30  }
0xba: {  	s0 =	sor.u32 s3, s0;
	s1 =	sshll.u32 s1, $0x11  }
0xbb: {  	s0 =	sor.u32 s1, s0  }
0xbc: {  	s0 =	sadd.s32 $0x8F2B, s0  }
0xbd: {  	[sflag:s0] =	ssyncadd.remote.s32 $0x1  }
0xbe: {  	_ =	sfence.sel $0xFFFF  }
0xbf: {  	[dreg:$0x0] =	wrdreg $0xFFFFFFFF;
	(pc) =	sbr.abs _section_cstart, $3  }
0xc0: {  	[dreg:$0x1] =	wrdreg $0xFFFFFFFF  }
0xc1: {  	_ =	task.clear_ibuf [dreg:s6], $0x2FFFF;
	_ =	strace $0x9FFFFFFF  }
0xc2: {  	(tm) =	ssettm $0x7FFFFFFF  }
0xc3: {  	_ =	shalt  }
tec
execute0_lowered:
.L_overlay_start_1:
0x0: {  	(tag) =	ssettag $0x1  }
0x1: {  	s0 =	srdreg.scid;
	s3 =	rddreg [dreg:$0x0]  }
0x2: {  	s7 =	stileid.u32;
	s2 =	rddreg [dreg:$0x1]  }
0x3: {  	s6 =	simm.s32 $0x0;
	s14 =	simm.s32 $0x50;
	s28 =	simm.s32 $0x15220  }
0x4: {  	s30 =	simm.s32 $0x16620;
	s11 =	simm.s32 $0x12;
	s12 =	simm.s32 $0xA  }
0x5: {  	s15 =	simm.s32 $0x13;
	s16 =	simm.s32 $0xB;
	s18 =	simm.s32 $0x14  }
0x6: {  	s20 =	simm.s32 $0xC;
	s22 =	simm.s32 $0x15;
	s29 =	simm.s32 $0x18  }
0x7: {  	s0 =	sand.u32 $0x1, s0;
	s5 =	smul.u32 $0xA000, s7;
	[smem:$0x7FF] =	sst s6  }
0x8: {  	s8 =	sadd.s32 $0xA0C00, s3;
	s25 =	sshll.u32 s7, $0x6;
	s1 =	sshll.u32 s0, $0x4  }
0x9: {  	s4 =	smul.u32 $0xA0000, s0;
	_ =	strace $0x8000004D;
	s0 =	ssub.s32 $0x2, s0  }
0xa: {  	[dreg:$0x3] =	wrdreg s8;
	s1 =	sor.u32 s7, s1;
	s24 =	sshrl.u32 s0, $0x1  }
0xb: {  	s7 =	sor.u32 $0x1C19, s25;
	s1 =	smul.u32 $0x4E2, s1;
	s23 =	sadd.s32 s5, s4  }
0xc: {  	s4 =	sadd.s32 $0x66000, s3;
	s0 =	ssub.s32 s0, s24;
	s5 =	sadd.s32 s5, s2  }
0xd: {  	[dreg:$0x4] =	wrdreg s7;
	s6 =	sshrl.u32 s23, $0x3;
	s0 =	smax.u32 s0, $0x1  }
0xe: {  	s25 =	sshrl.u32 s5, $0x3;
	s1 =	sadd.s32 s1, s3;
	[dreg:$0x8] =	wrdreg s0  }
0xf: {  	s3 =	sadd.s32 s6, s3;
	[dreg:$0x9] =	wrdreg s25;
	s26 =	sadd.s32 $0xC200, s1  }
0x10: {  	s6 =	simm.s32 $0x9;
	s1 =	sadd.s32 $0x2400, s1;
	[dreg:$0x5] =	wrdreg s26  }
0x11: {  	s0 =	simm.s32 $0x0;
	s31 =	sadd.s32 $0xA2000, s3;
	[dreg:$0x6] =	wrdreg s1  }
0x12: {  	s3 =	simm.s32 $0x8;
	[dreg:$0x7] =	wrdreg s31;
	s26 =	simm.s32 $0x17A20  }
.LBB2_1:
0x13: {  	[dreg:$0xa] =	wrdreg s0  }
0x14: {  	s31 =	simm.s32 $0x19;
	s17 =	rddreg [dreg:$0x3]  }
0x15: {  	[spmem:s25], [sflag:s7] =	dma.local [hbm:s17], $0x1400  }
0x16: {  	_ =	swait.ge [sflag:s31], $0x1400  }
0x17: {  	[sflag:s31] =	ssyncset.done $0x0  }
0x18: {  	s19 =	simm.s32 $0x0;
	s21 =	rddreg [dreg:$0x5];
	[sflag:s31] =	ssyncadd.s32 $0xFFFFEC00  }
0x19: {  	[tilespmem:s19], [sflag:$0x19] =	stream.linear.gather [hbm4b:s21+s19], $0x2710, $0x38;
	[tilespmem:$0x1DE20] =	vst v63  }
0x1a: {  	_ =	swait.ge [sflag:s31], $0x2710  }
0x1b: {  	[sflag:s31] =	ssyncset.done $0x0  }
0x1c: {  	s13 =	simm.s32 $0x2710;
	s23 =	rddreg [dreg:$0x6];
	[sflag:s31] =	ssyncadd.s32 $0xFFFFD8F0  }
0x1d: {  	[tilespmem:s13], [sflag:$0x19] =	stream.linear.gather [hbm4b:s23+s19], $0x2710, $0x38;
	[tilespmem:$0x1DE20] =	vst v63  }
0x1e: {  	_ =	swait.ge [sflag:s31], $0x2710  }
0x1f: {  	[sflag:s31] =	ssyncset.done $0x0  }
0x20: {  	[sflag:s31] =	ssyncadd.s32 $0xFFFFD8F0  }
0x21: {  	s24 =	simm.s32 $0xEE20;
	[bflag:$0x0] =	sbarrier.arrive $0xFFFF  }
0x22: {  	[tilespmem:s24], [sflag:$0x1] =	stream.indirect.gather [hbm4b:s4+s14], $0x40, s19, s14, $0xb8;
	[tilespmem:$0x1DE20] =	vst v63  }
0x23: {  	s25 =	simm.s32 $0x10220  }
0x24: {  	[tilespmem:s25], [sflag:$0x2] =	stream.indirect.gather [hbm4b:s4+s14], $0x40, s14, s14, $0xb8;
	[tilespmem:$0x1DE20] =	vst v63  }
0x25: {  	s1 =	simm.s32 $0xA0;
	s5 =	simm.s32 $0x11620  }
0x26: {  	[tilespmem:s5], [sflag:$0x3] =	stream.indirect.gather [hbm4b:s4+s14], $0x40, s1, s14, $0xb8;
	[tilespmem:$0x1DE20] =	vst v63  }
0x27: {  	s8 =	simm.s32 $0xF0;
	s19 =	simm.s32 $0x12A20  }
0x28: {  	[tilespmem:s19], [sflag:$0x4] =	stream.indirect.gather [hbm4b:s4+s14], $0x40, s8, s14, $0xb8;
	[tilespmem:$0x1DE20] =	vst v63  }
0x29: {  	s21 =	simm.s32 $0x140;
	s23 =	simm.s32 $0x13E20  }
0x2a: {  	[tilespmem:s23], [sflag:$0x5] =	stream.indirect.gather [hbm4b:s4+s14], $0x40, s21, s14, $0xb8;
	[tilespmem:$0x1DE20] =	vst v63  }
0x2b: {  	s24 =	simm.s32 $0x190  }
0x2c: {  	[tilespmem:s28], [sflag:$0x6] =	stream.indirect.gather [hbm4b:s4+s14], $0x40, s24, s14, $0xb8;
	[tilespmem:$0x1DE20] =	vst v63  }
0x2d: {  	s25 =	simm.s32 $0x1E0  }
0x2e: {  	[tilespmem:s30], [sflag:$0x7] =	stream.indirect.gather [hbm4b:s4+s14], $0x40, s25, s14, $0xb8;
	[tilespmem:$0x1DE20] =	vst v63  }
0x2f: {  	s1 =	simm.s32 $0x230  }
0x30: {  	[tilespmem:s26], [sflag:$0x8] =	stream.indirect.gather [hbm4b:s4+s14], $0x40, s1, s14, $0xb8;
	[tilespmem:$0x1DE20] =	vst v63  }
0x31: {  	s0 =	simm.s32 $0x1;
	s17 =	simm.s32 $0x280;
	s1 =	simm.s32 $0x18E20  }
0x32: {  	[tilespmem:s1], [sflag:$0x9] =	stream.indirect.gather [hbm4b:s4+s14], $0x40, s17, s14, $0xb8;
	[tilespmem:$0x1DE20] =	vst v63  }
0x33: {  	_ =	swait.ge [sflag:s0], $0x1400  }
0x34: {  	[sflag:s0] =	ssyncset.done $0x0  }
0x35: {  	s7 =	simm.s32 $0xEE20;
	[sflag:s0] =	ssyncadd.s32 $0xFFFFEC00  }
0x36: {  	[spmem:s2] =	stream.indirect.scatter.add.f32 [tilespmem:s7], [sflag:$0xD], $0x40, s13, s14, $0xb8;
	[tilespmem:$0x1DE20] =	vst v63  }
0x37: {  	s19 =	simm.s32 $0x2D0;
	s21 =	simm.s32 $0x1A220;
	s7 =	simm.s32 $0x2  }
0x38: {  	[tilespmem:s21], [sflag:$0xA] =	stream.indirect.gather [hbm4b:s4+s14], $0x40, s19, s14, $0xb8;
	[tilespmem:$0x1DE20] =	vst v63  }
0x39: {  	_ =	swait.ge [sflag:s7], $0x1400  }
0x3a: {  	[sflag:s7] =	ssyncset.done $0x0  }
0x3b: {  	s10 =	simm.s32 $0x10220;
	s23 =	simm.s32 $0x2760;
	[sflag:s7] =	ssyncadd.s32 $0xFFFFEC00  }
0x3c: {  	[spmem:s2] =	stream.indirect.scatter.add.f32 [tilespmem:s10], [sflag:$0xE], $0x40, s23, s14, $0xb8;
	[tilespmem:$0x1DE20] =	vst v63  }
0x3d: {  	s31 =	simm.s32 $0x3;
	s24 =	simm.s32 $0x320;
	s25 =	simm.s32 $0x1B620  }
0x3e: {  	[tilespmem:s25], [sflag:$0xB] =	stream.indirect.gather [hbm4b:s4+s14], $0x40, s24, s14, $0xb8;
	[tilespmem:$0x1DE20] =	vst v63  }
0x3f: {  	_ =	swait.ge [sflag:s31], $0x1400  }
0x40: {  	[sflag:s31] =	ssyncset.done $0x0  }
0x41: {  	s9 =	simm.s32 $0x11620;
	s1 =	simm.s32 $0x27B0;
	[sflag:s31] =	ssyncadd.s32 $0xFFFFEC00  }
0x42: {  	[spmem:s2] =	stream.indirect.scatter.add.f32 [tilespmem:s9], [sflag:$0xF], $0x40, s1, s14, $0xb8;
	[tilespmem:$0x1DE20] =	vst v63  }
0x43: {  	s19 =	simm.s32 $0x1CA20;
	s10 =	simm.s32 $0x370;
	s1 =	simm.s32 $0x4  }
0x44: {  	[tilespmem:s19], [sflag:$0xC] =	stream.indirect.gather [hbm4b:s4+s14], $0x40, s10, s14, $0xb8;
	[tilespmem:$0x1DE20] =	vst v63  }
0x45: {  	_ =	swait.ge [sflag:s1], $0x1400  }
0x46: {  	[sflag:s1] =	ssyncset.done $0x0  }
0x47: {  	s5 =	simm.s32 $0x12A20;
	s23 =	simm.s32 $0x2800;
	[sflag:s1] =	ssyncadd.s32 $0xFFFFEC00  }
0x48: {  	[spmem:s2] =	stream.indirect.scatter.add.f32 [tilespmem:s5], [sflag:$0x10], $0x40, s23, s14, $0xb8;
	[tilespmem:$0x1DE20] =	vst v63  }
0x49: {  	s5 =	simm.s32 $0xD  }
0x4a: {  	_ =	swait.ge [sflag:s5], $0x1400  }
0x4b: {  	[sflag:s5] =	ssyncset.done $0x0  }
0x4c: {  	s13 =	simm.s32 $0xEE20;
	s24 =	simm.s32 $0x3C0;
	[sflag:s5] =	ssyncadd.s32 $0xFFFFEC00  }
0x4d: {  	[tilespmem:s13], [sflag:$0x1] =	stream.indirect.gather [hbm4b:s4+s14], $0x40, s24, s14, $0xb8;
	[tilespmem:$0x1DE20] =	vst v63  }
0x4e: {  	s13 =	simm.s32 $0x5  }
0x4f: {  	_ =	swait.ge [sflag:s13], $0x1400  }
0x50: {  	s8 =	simm.s32 $0x13E20;
	[sflag:s13] =	ssyncset.done $0x0  }
0x51: {  	s25 =	simm.s32 $0x2850;
	s19 =	simm.s32 $0xE;
	[sflag:s13] =	ssyncadd.s32 $0xFFFFEC00  }
0x52: {  	[spmem:s2] =	stream.indirect.scatter.add.f32 [tilespmem:s8], [sflag:$0x11], $0x40, s25, s14, $0xb8;
	[tilespmem:$0x1DE20] =	vst v63  }
0x53: {  	_ =	swait.ge [sflag:s19], $0x1400  }
0x54: {  	[sflag:s19] =	ssyncset.done $0x0  }
0x55: {  	s21 =	simm.s32 $0x10220;
	s8 =	simm.s32 $0x410;
	[sflag:s19] =	ssyncadd.s32 $0xFFFFEC00  }
0x56: {  	[tilespmem:s21], [sflag:$0x2] =	stream.indirect.gather [hbm4b:s4+s14], $0x40, s8, s14, $0xb8;
	[tilespmem:$0x1DE20] =	vst v63  }
0x57: {  	s8 =	simm.s32 $0x6  }
0x58: {  	_ =	swait.ge [sflag:s8], $0x1400  }
0x59: {  	[sflag:s8] =	ssyncset.done $0x0  }
0x5a: {  	s21 =	simm.s32 $0x28A0;
	[sflag:s8] =	ssyncadd.s32 $0xFFFFEC00  }
0x5b: {  	[spmem:s2] =	stream.indirect.scatter.add.f32 [tilespmem:s28], [sflag:$0x12], $0x40, s21, s14, $0xb8;
	[tilespmem:$0x1DE20] =	vst v63  }
0x5c: {  	s21 =	simm.s32 $0xF  }
0x5d: {  	_ =	swait.ge [sflag:s21], $0x1400  }
0x5e: {  	[sflag:s21] =	ssyncset.done $0x0  }
0x5f: {  	s9 =	simm.s32 $0x11620;
	s24 =	simm.s32 $0x460;
	[sflag:s21] =	ssyncadd.s32 $0xFFFFEC00  }
0x60: {  	[tilespmem:s9], [sflag:$0x3] =	stream.indirect.gather [hbm4b:s4+s14], $0x40, s24, s14, $0xb8;
	[tilespmem:$0x1DE20] =	vst v63  }
0x61: {  	s9 =	simm.s32 $0x7  }
0x62: {  	_ =	swait.ge [sflag:s9], $0x1400  }
0x63: {  	[sflag:s9] =	ssyncset.done $0x0  }
0x64: {  	s25 =	simm.s32 $0x28F0;
	s24 =	simm.s32 $0x10;
	[sflag:s9] =	ssyncadd.s32 $0xFFFFEC00  }
0x65: {  	[spmem:s2] =	stream.indirect.scatter.add.f32 [tilespmem:s30], [sflag:$0x13], $0x40, s25, s14, $0xb8;
	[tilespmem:$0x1DE20] =	vst v63  }
0x66: {  	_ =	swait.ge [sflag:s24], $0x1400  }
0x67: {  	[sflag:s24] =	ssyncset.done $0x0  }
0x68: {  	s23 =	simm.s32 $0x12A20;
	s25 =	simm.s32 $0x4B0;
	[sflag:s24] =	ssyncadd.s32 $0xFFFFEC00  }
0x69: {  	[tilespmem:s23], [sflag:$0x4] =	stream.indirect.gather [hbm4b:s4+s14], $0x40, s25, s14, $0xb8;
	[tilespmem:$0x1DE20] =	vst v63  }
0x6a: {  	_ =	swait.ge [sflag:s3], $0x1400  }
0x6b: {  	[sflag:s3] =	ssyncset.done $0x0  }
0x6c: {  	s24 =	simm.s32 $0x11;
	s23 =	simm.s32 $0x2940;
	[sflag:s3] =	ssyncadd.s32 $0xFFFFEC00  }
0x6d: {  	[spmem:s2] =	stream.indirect.scatter.add.f32 [tilespmem:s26], [sflag:$0x14], $0x40, s23, s14, $0xb8;
	[tilespmem:$0x1DE20] =	vst v63  }
0x6e: {  	_ =	swait.ge [sflag:s24], $0x1400  }
0x6f: {  	[sflag:s24] =	ssyncset.done $0x0  }
0x70: {  	s10 =	simm.s32 $0x13E20;
	s25 =	simm.s32 $0x500;
	[sflag:s24] =	ssyncadd.s32 $0xFFFFEC00  }
0x71: {  	[tilespmem:s10], [sflag:$0x5] =	stream.indirect.gather [hbm4b:s4+s14], $0x40, s25, s14, $0xb8;
	[tilespmem:$0x1DE20] =	vst v63  }
0x72: {  	_ =	swait.ge [sflag:s6], $0x1400  }
0x73: {  	[sflag:s6] =	ssyncset.done $0x0  }
0x74: {  	s24 =	simm.s32 $0x18E20;
	s10 =	simm.s32 $0x2990;
	[sflag:s6] =	ssyncadd.s32 $0xFFFFEC00  }
0x75: {  	[spmem:s2] =	stream.indirect.scatter.add.f32 [tilespmem:s24], [sflag:$0x15], $0x40, s10, s14, $0xb8;
	[tilespmem:$0x1DE20] =	vst v63  }
0x76: {  	_ =	swait.ge [sflag:s11], $0x1400  }
0x77: {  	[sflag:s11] =	ssyncset.done $0x0  }
0x78: {  	s23 =	simm.s32 $0x550;
	[sflag:s11] =	ssyncadd.s32 $0xFFFFEC00  }
0x79: {  	[tilespmem:s28], [sflag:$0x6] =	stream.indirect.gather [hbm4b:s4+s14], $0x40, s23, s14, $0xb8;
	[tilespmem:$0x1DE20] =	vst v63  }
0x7a: {  	_ =	swait.ge [sflag:s12], $0x1400  }
0x7b: {  	[sflag:s12] =	ssyncset.done $0x0  }
0x7c: {  	s25 =	simm.s32 $0x29E0;
	s23 =	simm.s32 $0x1A220;
	[sflag:s12] =	ssyncadd.s32 $0xFFFFEC00  }
0x7d: {  	[spmem:s2] =	stream.indirect.scatter.add.f32 [tilespmem:s23], [sflag:$0x16], $0x40, s25, s14, $0xb8;
	[tilespmem:$0x1DE20] =	vst v63  }
0x7e: {  	_ =	swait.ge [sflag:s15], $0x1400  }
0x7f: {  	[sflag:s15] =	ssyncset.done $0x0  }
0x80: {  	s10 =	simm.s32 $0x5A0;
	[sflag:s15] =	ssyncadd.s32 $0xFFFFEC00  }
0x81: {  	[tilespmem:s30], [sflag:$0x7] =	stream.indirect.gather [hbm4b:s4+s14], $0x40, s10, s14, $0xb8;
	[tilespmem:$0x1DE20] =	vst v63  }
0x82: {  	_ =	swait.ge [sflag:s16], $0x1400  }
0x83: {  	[sflag:s16] =	ssyncset.done $0x0  }
0x84: {  	s25 =	simm.s32 $0x2A30;
	s10 =	simm.s32 $0x1B620;
	[sflag:s16] =	ssyncadd.s32 $0xFFFFEC00  }
0x85: {  	[spmem:s2] =	stream.indirect.scatter.add.f32 [tilespmem:s10], [sflag:$0x17], $0x40, s25, s14, $0xb8;
	[tilespmem:$0x1DE20] =	vst v63  }
0x86: {  	_ =	swait.ge [sflag:s18], $0x1400  }
0x87: {  	[sflag:s18] =	ssyncset.done $0x0  }
0x88: {  	s25 =	simm.s32 $0x5F0;
	[sflag:s18] =	ssyncadd.s32 $0xFFFFEC00  }
0x89: {  	[tilespmem:s26], [sflag:$0x8] =	stream.indirect.gather [hbm4b:s4+s14], $0x40, s25, s14, $0xb8;
	[tilespmem:$0x1DE20] =	vst v63  }
0x8a: {  	_ =	swait.ge [sflag:s20], $0x1400  }
0x8b: {  	[sflag:s20] =	ssyncset.done $0x0  }
0x8c: {  	s17 =	simm.s32 $0x2A80;
	s25 =	simm.s32 $0x1CA20;
	[sflag:s20] =	ssyncadd.s32 $0xFFFFEC00  }
0x8d: {  	[spmem:s2] =	stream.indirect.scatter.add.f32 [tilespmem:s25], [sflag:$0x18], $0x40, s17, s14, $0xb8;
	[tilespmem:$0x1DE20] =	vst v63  }
0x8e: {  	_ =	swait.ge [sflag:s22], $0x1400  }
0x8f: {  	[sflag:s22] =	ssyncset.done $0x0  }
0x90: {  	s25 =	simm.s32 $0x640;
	[sflag:s22] =	ssyncadd.s32 $0xFFFFEC00  }
0x91: {  	[tilespmem:s24], [sflag:$0x9] =	stream.indirect.gather [hbm4b:s4+s14], $0x40, s25, s14, $0xb8;
	[tilespmem:$0x1DE20] =	vst v63  }
0x92: {  	_ =	swait.ge [sflag:s0], $0x1400  }
0x93: {  	s25 =	simm.s32 $0xEE20;
	[sflag:s0] =	ssyncset.done $0x0  }
0x94: {  	s24 =	simm.s32 $0x16;
	[sflag:s0] =	ssyncadd.s32 $0xFFFFEC00;
	s0 =	simm.s32 $0x2AD0  }
0x95: {  	[spmem:s2] =	stream.indirect.scatter.add.f32 [tilespmem:s25], [sflag:$0xD], $0x40, s0, s14, $0xb8;
	[tilespmem:$0x1DE20] =	vst v63  }
0x96: {  	_ =	swait.ge [sflag:s24], $0x1400  }
0x97: {  	[sflag:s24] =	ssyncset.done $0x0  }
0x98: {  	s0 =	simm.s32 $0x690;
	[sflag:s24] =	ssyncadd.s32 $0xFFFFEC00  }
0x99: {  	[tilespmem:s23], [sflag:$0xA] =	stream.indirect.gather [hbm4b:s4+s14], $0x40, s0, s14, $0xb8;
	[tilespmem:$0x1DE20] =	vst v63  }
0x9a: {  	_ =	swait.ge [sflag:s7], $0x1400  }
0x9b: {  	s24 =	simm.s32 $0x10220;
	[sflag:s7] =	ssyncset.done $0x0  }
0x9c: {  	s23 =	simm.s32 $0x17;
	[sflag:s7] =	ssyncadd.s32 $0xFFFFEC00;
	s7 =	simm.s32 $0x2B20  }
0x9d: {  	[spmem:s2] =	stream.indirect.scatter.add.f32 [tilespmem:s24], [sflag:$0xE], $0x40, s7, s14, $0xb8;
	[tilespmem:$0x1DE20] =	vst v63  }
0x9e: {  	_ =	swait.ge [sflag:s23], $0x1400  }
0x9f: {  	[sflag:s23] =	ssyncset.done $0x0  }
0xa0: {  	s7 =	simm.s32 $0x6E0;
	[sflag:s23] =	ssyncadd.s32 $0xFFFFEC00  }
0xa1: {  	[tilespmem:s10], [sflag:$0xB] =	stream.indirect.gather [hbm4b:s4+s14], $0x40, s7, s14, $0xb8;
	[tilespmem:$0x1DE20] =	vst v63  }
0xa2: {  	_ =	swait.ge [sflag:s31], $0x1400  }
0xa3: {  	[sflag:s31] =	ssyncset.done $0x0  }
0xa4: {  	s23 =	simm.s32 $0x11620;
	s10 =	simm.s32 $0x2B70;
	[sflag:s31] =	ssyncadd.s32 $0xFFFFEC00  }
0xa5: {  	[spmem:s2] =	stream.indirect.scatter.add.f32 [tilespmem:s23], [sflag:$0xF], $0x40, s10, s14, $0xb8;
	[tilespmem:$0x1DE20] =	vst v63  }
0xa6: {  	_ =	swait.ge [sflag:s29], $0x1400  }
0xa7: {  	[sflag:s29] =	ssyncset.done $0x0  }
0xa8: {  	s0 =	simm.s32 $0x730;
	s10 =	simm.s32 $0x1CA20;
	[sflag:s29] =	ssyncadd.s32 $0xFFFFEC00  }
0xa9: {  	[tilespmem:s10], [sflag:$0xC] =	stream.indirect.gather [hbm4b:s4+s14], $0x40, s0, s14, $0xb8;
	[tilespmem:$0x1DE20] =	vst v63  }
0xaa: {  	_ =	swait.ge [sflag:s1], $0x1400  }
0xab: {  	[sflag:s1] =	ssyncset.done $0x0  }
0xac: {  	s10 =	simm.s32 $0x12A20;
	[sflag:s1] =	ssyncadd.s32 $0xFFFFEC00;
	s1 =	simm.s32 $0x2BC0  }
0xad: {  	[spmem:s2] =	stream.indirect.scatter.add.f32 [tilespmem:s10], [sflag:$0x10], $0x40, s1, s14, $0xb8;
	[tilespmem:$0x1DE20] =	vst v63  }
0xae: {  	_ =	swait.ge [sflag:s5], $0x1400  }
0xaf: {  	[sflag:s5] =	ssyncset.done $0x0  }
0xb0: {  	[sflag:s5] =	ssyncadd.s32 $0xFFFFEC00;
	s5 =	simm.s32 $0x780  }
0xb1: {  	[tilespmem:s25], [sflag:$0x1] =	stream.indirect.gather [hbm4b:s4+s14], $0x40, s5, s14, $0xb8;
	[tilespmem:$0x1DE20] =	vst v63  }
0xb2: {  	_ =	swait.ge [sflag:s13], $0x1400  }
0xb3: {  	[sflag:s13] =	ssyncset.done $0x0  }
0xb4: {  	s1 =	simm.s32 $0x13E20;
	[sflag:s13] =	ssyncadd.s32 $0xFFFFEC00;
	s13 =	simm.s32 $0x2C10  }
0xb5: {  	[spmem:s2] =	stream.indirect.scatter.add.f32 [tilespmem:s1], [sflag:$0x11], $0x40, s13, s14, $0xb8;
	[tilespmem:$0x1DE20] =	vst v63  }
0xb6: {  	_ =	swait.ge [sflag:s19], $0x1400  }
0xb7: {  	[sflag:s19] =	ssyncset.done $0x0  }
0xb8: {  	s25 =	simm.s32 $0x7D0;
	[sflag:s19] =	ssyncadd.s32 $0xFFFFEC00  }
0xb9: {  	[tilespmem:s24], [sflag:$0x2] =	stream.indirect.gather [hbm4b:s4+s14], $0x40, s25, s14, $0xb8;
	[tilespmem:$0x1DE20] =	vst v63  }
0xba: {  	_ =	swait.ge [sflag:s8], $0x1400  }
0xbb: {  	[sflag:s8] =	ssyncset.done $0x0  }
0xbc: {  	s5 =	simm.s32 $0x2C60;
	[sflag:s8] =	ssyncadd.s32 $0xFFFFEC00  }
0xbd: {  	[spmem:s2] =	stream.indirect.scatter.add.f32 [tilespmem:s28], [sflag:$0x12], $0x40, s5, s14, $0xb8;
	[tilespmem:$0x1DE20] =	vst v63  }
0xbe: {  	_ =	swait.ge [sflag:s21], $0x1400  }
0xbf: {  	[sflag:s21] =	ssyncset.done $0x0  }
0xc0: {  	s13 =	simm.s32 $0x820;
	[sflag:s21] =	ssyncadd.s32 $0xFFFFEC00  }
0xc1: {  	[tilespmem:s23], [sflag:$0x3] =	stream.indirect.gather [hbm4b:s4+s14], $0x40, s13, s14, $0xb8;
	[tilespmem:$0x1DE20] =	vst v63  }
0xc2: {  	_ =	swait.ge [sflag:s9], $0x1400  }
0xc3: {  	[sflag:s9] =	ssyncset.done $0x0  }
0xc4: {  	s19 =	simm.s32 $0x2CB0;
	s21 =	simm.s32 $0x10;
	[sflag:s9] =	ssyncadd.s32 $0xFFFFEC00  }
0xc5: {  	[spmem:s2] =	stream.indirect.scatter.add.f32 [tilespmem:s30], [sflag:$0x13], $0x40, s19, s14, $0xb8;
	[tilespmem:$0x1DE20] =	vst v63  }
0xc6: {  	_ =	swait.ge [sflag:s21], $0x1400  }
0xc7: {  	[sflag:s21] =	ssyncset.done $0x0  }
0xc8: {  	s23 =	simm.s32 $0x870;
	[sflag:s21] =	ssyncadd.s32 $0xFFFFEC00  }
0xc9: {  	[tilespmem:s10], [sflag:$0x4] =	stream.indirect.gather [hbm4b:s4+s14], $0x40, s23, s14, $0xb8;
	[tilespmem:$0x1DE20] =	vst v63  }
0xca: {  	_ =	swait.ge [sflag:s3], $0x1400  }
0xcb: {  	[sflag:s3] =	ssyncset.done $0x0  }
0xcc: {  	s24 =	simm.s32 $0x2D00;
	s25 =	simm.s32 $0x11;
	[sflag:s3] =	ssyncadd.s32 $0xFFFFEC00  }
0xcd: {  	[spmem:s2] =	stream.indirect.scatter.add.f32 [tilespmem:s26], [sflag:$0x14], $0x40, s24, s14, $0xb8;
	[tilespmem:$0x1DE20] =	vst v63  }
0xce: {  	_ =	swait.ge [sflag:s25], $0x1400  }
0xcf: {  	[sflag:s25] =	ssyncset.done $0x0  }
0xd0: {  	s5 =	simm.s32 $0x8C0;
	[sflag:s25] =	ssyncadd.s32 $0xFFFFEC00  }
0xd1: {  	[tilespmem:s1], [sflag:$0x5] =	stream.indirect.gather [hbm4b:s4+s14], $0x40, s5, s14, $0xb8;
	[tilespmem:$0x1DE20] =	vst v63  }
0xd2: {  	_ =	swait.ge [sflag:s6], $0x1400  }
0xd3: {  	[sflag:s6] =	ssyncset.done $0x0  }
0xd4: {  	s10 =	simm.s32 $0x18E20;
	[sflag:s6] =	ssyncadd.s32 $0xFFFFEC00;
	s6 =	simm.s32 $0x2D50  }
0xd5: {  	[spmem:s2] =	stream.indirect.scatter.add.f32 [tilespmem:s10], [sflag:$0x15], $0x40, s6, s14, $0xb8;
	[tilespmem:$0x1DE20] =	vst v63  }
0xd6: {  	_ =	swait.ge [sflag:s11], $0x1400  }
0xd7: {  	[sflag:s11] =	ssyncset.done $0x0  }
0xd8: {  	s13 =	simm.s32 $0x910;
	[sflag:s11] =	ssyncadd.s32 $0xFFFFEC00  }
0xd9: {  	[tilespmem:s28], [sflag:$0x6] =	stream.indirect.gather [hbm4b:s4+s14], $0x40, s13, s14, $0xb8;
	[tilespmem:$0x1DE20] =	vst v63  }
0xda: {  	_ =	swait.ge [sflag:s12], $0x1400  }
0xdb: {  	[sflag:s12] =	ssyncset.done $0x0  }
0xdc: {  	s19 =	simm.s32 $0x2DA0;
	s21 =	simm.s32 $0x1A220;
	[sflag:s12] =	ssyncadd.s32 $0xFFFFEC00  }
0xdd: {  	[spmem:s2] =	stream.indirect.scatter.add.f32 [tilespmem:s21], [sflag:$0x16], $0x40, s19, s14, $0xb8;
	[tilespmem:$0x1DE20] =	vst v63  }
0xde: {  	_ =	swait.ge [sflag:s15], $0x1400  }
0xdf: {  	[sflag:s15] =	ssyncset.done $0x0  }
0xe0: {  	s23 =	simm.s32 $0x960;
	[sflag:s15] =	ssyncadd.s32 $0xFFFFEC00  }
0xe1: {  	[tilespmem:s30], [sflag:$0x7] =	stream.indirect.gather [hbm4b:s4+s14], $0x40, s23, s14, $0xb8;
	[tilespmem:$0x1DE20] =	vst v63  }
0xe2: {  	_ =	swait.ge [sflag:s16], $0x1400  }
0xe3: {  	[sflag:s16] =	ssyncset.done $0x0  }
0xe4: {  	s7 =	simm.s32 $0x1B620;
	s24 =	simm.s32 $0x2DF0;
	[sflag:s16] =	ssyncadd.s32 $0xFFFFEC00  }
0xe5: {  	[spmem:s2] =	stream.indirect.scatter.add.f32 [tilespmem:s7], [sflag:$0x17], $0x40, s24, s14, $0xb8;
	[tilespmem:$0x1DE20] =	vst v63  }
0xe6: {  	s17 =	simm.s32 $0xA00;
	_ =	swait.ge [sflag:s18], $0x1400  }
0xe7: {  	s31 =	simm.s32 $0xF00;
	s0 =	simm.s32 $0x1CA20;
	[sflag:s18] =	ssyncset.done $0x0  }
0xe8: {  	s3 =	simm.s32 $0x8;
	s25 =	simm.s32 $0x9B0;
	[sflag:s18] =	ssyncadd.s32 $0xFFFFEC00  }
0xe9: {  	[tilespmem:s26], [sflag:$0x8] =	stream.indirect.gather [hbm4b:s4+s14], $0x40, s25, s14, $0xb8;
	[tilespmem:$0x1DE20] =	vst v63  }
0xea: {  	s5 =	simm.s32 $0x16620;
	s11 =	simm.s32 $0x9;
	_ =	swait.ge [sflag:s20], $0x1400  }
0xeb: {  	s28 =	simm.s32 $0x2E40;
	s13 =	simm.s32 $0x17A20;
	[sflag:s20] =	ssyncset.done $0x0  }
0xec: {  	s12 =	simm.s32 $0x12;
	s15 =	simm.s32 $0xA;
	[sflag:s20] =	ssyncadd.s32 $0xFFFFEC00  }
0xed: {  	[spmem:s2] =	stream.indirect.scatter.add.f32 [tilespmem:s0], [sflag:$0x18], $0x40, s28, s14, $0xb8;
	[tilespmem:$0x1DE20] =	vst v63  }
0xee: {  	s30 =	simm.s32 $0x15220;
	s16 =	simm.s32 $0x13;
	_ =	swait.ge [sflag:s22], $0x1400  }
0xef: {  	s24 =	simm.s32 $0x15;
	s18 =	simm.s32 $0xB;
	[sflag:s22] =	ssyncset.done $0x0  }
0xf0: {  	s20 =	simm.s32 $0x14;
	[sflag:s22] =	ssyncadd.s32 $0xFFFFEC00;
	s22 =	simm.s32 $0xC  }
.LBB2_2:
0xf1: {  	s7 =	simm.s32 $0x18E20  }
0xf2: {  	[tilespmem:s7], [sflag:$0x9] =	stream.indirect.gather [hbm4b:s4+s14], $0x40, s17, s14, $0xb8;
	[tilespmem:$0x1DE20] =	vst v63  }
0xf3: {  	s0 =	simm.s32 $0x1;
	s17 =	smov.u32 s31  }
0xf4: {  	p0 =	sne.s32 s31, $0x7800;
	s31 =	sadd.s32 $0xF00, s31;
	_ =	swait.ge [sflag:s0], $0x1400  }
0xf5: {  	s1 =	simm.s32 $0xEE20;
	s17 =	sshra.s32 s17, $0x2;
	[sflag:s0] =	ssyncset.done $0x0  }
0xf6: {  	s25 =	sadd.s32 $0x2AD0, s17;
	[sflag:s0] =	ssyncadd.s32 $0xFFFFEC00;
	s0 =	simm.s32 $0x16  }
0xf7: {  	[spmem:s2] =	stream.indirect.scatter.add.f32 [tilespmem:s1], [sflag:$0xD], $0x40, s25, s14, $0xb8;
	[tilespmem:$0x1DE20] =	vst v63  }
0xf8: {  	_ =	swait.ge [sflag:s0], $0x1400  }
0xf9: {  	s10 =	simm.s32 $0x1A220;
	[sflag:s0] =	ssyncset.done $0x0  }
0xfa: {  	s25 =	sadd.s32 $0x690, s17;
	[sflag:s0] =	ssyncadd.s32 $0xFFFFEC00;
	s0 =	simm.s32 $0x2  }
0xfb: {  	[tilespmem:s10], [sflag:$0xA] =	stream.indirect.gather [hbm4b:s4+s14], $0x40, s25, s14, $0xb8;
	[tilespmem:$0x1DE20] =	vst v63  }
0xfc: {  	_ =	swait.ge [sflag:s0], $0x1400  }
0xfd: {  	s19 =	simm.s32 $0x10220;
	[sflag:s0] =	ssyncset.done $0x0  }
0xfe: {  	s25 =	sadd.s32 $0x2B20, s17;
	[sflag:s0] =	ssyncadd.s32 $0xFFFFEC00;
	s0 =	simm.s32 $0x17  }
0xff: {  	[spmem:s2] =	stream.indirect.scatter.add.f32 [tilespmem:s19], [sflag:$0xE], $0x40, s25, s14, $0xb8;
	[tilespmem:$0x1DE20] =	vst v63  }
0x100: {  	_ =	swait.ge [sflag:s0], $0x1400  }
0x101: {  	s6 =	simm.s32 $0x1B620;
	[sflag:s0] =	ssyncset.done $0x0  }
0x102: {  	s25 =	sadd.s32 $0x6E0, s17;
	[sflag:s0] =	ssyncadd.s32 $0xFFFFEC00;
	s0 =	simm.s32 $0x3  }
0x103: {  	[tilespmem:s6], [sflag:$0xB] =	stream.indirect.gather [hbm4b:s4+s14], $0x40, s25, s14, $0xb8;
	[tilespmem:$0x1DE20] =	vst v63  }
0x104: {  	_ =	swait.ge [sflag:s0], $0x1400  }
0x105: {  	[sflag:s0] =	ssyncset.done $0x0  }
0x106: {  	s28 =	simm.s32 $0x11620;
	s25 =	sadd.s32 $0x2B70, s17;
	[sflag:s0] =	ssyncadd.s32 $0xFFFFEC00  }
0x107: {  	[spmem:s2] =	stream.indirect.scatter.add.f32 [tilespmem:s28], [sflag:$0xF], $0x40, s25, s14, $0xb8;
	[tilespmem:$0x1DE20] =	vst v63  }
0x108: {  	_ =	swait.ge [sflag:s29], $0x1400  }
0x109: {  	s26 =	simm.s32 $0x1CA20;
	[sflag:s29] =	ssyncset.done $0x0  }
0x10a: {  	s0 =	simm.s32 $0x4;
	s25 =	sadd.s32 $0x730, s17;
	[sflag:s29] =	ssyncadd.s32 $0xFFFFEC00  }
0x10b: {  	[tilespmem:s26], [sflag:$0xC] =	stream.indirect.gather [hbm4b:s4+s14], $0x40, s25, s14, $0xb8;
	[tilespmem:$0x1DE20] =	vst v63  }
0x10c: {  	_ =	swait.ge [sflag:s0], $0x1400  }
0x10d: {  	s23 =	simm.s32 $0x12A20;
	[sflag:s0] =	ssyncset.done $0x0  }
0x10e: {  	s25 =	sadd.s32 $0x2BC0, s17;
	[sflag:s0] =	ssyncadd.s32 $0xFFFFEC00;
	s0 =	simm.s32 $0xD  }
0x10f: {  	[spmem:s2] =	stream.indirect.scatter.add.f32 [tilespmem:s23], [sflag:$0x10], $0x40, s25, s14, $0xb8;
	[tilespmem:$0x1DE20] =	vst v63  }
0x110: {  	_ =	swait.ge [sflag:s0], $0x1400  }
0x111: {  	s21 =	simm.s32 $0xEE20;
	[sflag:s0] =	ssyncset.done $0x0  }
0x112: {  	s25 =	sadd.s32 $0x780, s17;
	[sflag:s0] =	ssyncadd.s32 $0xFFFFEC00;
	s0 =	simm.s32 $0x5  }
0x113: {  	[tilespmem:s1], [sflag:$0x1] =	stream.indirect.gather [hbm4b:s4+s14], $0x40, s25, s14, $0xb8;
	[tilespmem:$0x1DE20] =	vst v63  }
0x114: {  	_ =	swait.ge [sflag:s0], $0x1400  }
0x115: {  	s25 =	sadd.s32 $0x2C10, s17;
	[sflag:s0] =	ssyncset.done $0x0  }
0x116: {  	s1 =	simm.s32 $0xE;
	[sflag:s0] =	ssyncadd.s32 $0xFFFFEC00;
	s0 =	simm.s32 $0x13E20  }
0x117: {  	[spmem:s2] =	stream.indirect.scatter.add.f32 [tilespmem:s0], [sflag:$0x11], $0x40, s25, s14, $0xb8;
	[tilespmem:$0x1DE20] =	vst v63  }
0x118: {  	_ =	swait.ge [sflag:s1], $0x1400  }
0x119: {  	[sflag:s1] =	ssyncset.done $0x0  }
0x11a: {  	s25 =	sadd.s32 $0x7D0, s17;
	[sflag:s1] =	ssyncadd.s32 $0xFFFFEC00;
	s1 =	simm.s32 $0x10220  }
0x11b: {  	[tilespmem:s19], [sflag:$0x2] =	stream.indirect.gather [hbm4b:s4+s14], $0x40, s25, s14, $0xb8;
	[tilespmem:$0x1DE20] =	vst v63  }
0x11c: {  	_ =	swait.ge [sflag:s8], $0x1400  }
0x11d: {  	[sflag:s8] =	ssyncset.done $0x0  }
0x11e: {  	s25 =	sadd.s32 $0x2C60, s17;
	s19 =	simm.s32 $0xF;
	[sflag:s8] =	ssyncadd.s32 $0xFFFFEC00  }
0x11f: {  	[spmem:s2] =	stream.indirect.scatter.add.f32 [tilespmem:s30], [sflag:$0x12], $0x40, s25, s14, $0xb8;
	[tilespmem:$0x1DE20] =	vst v63  }
0x120: {  	_ =	swait.ge [sflag:s19], $0x1400  }
0x121: {  	[sflag:s19] =	ssyncset.done $0x0  }
0x122: {  	s25 =	sadd.s32 $0x820, s17;
	[sflag:s19] =	ssyncadd.s32 $0xFFFFEC00;
	s19 =	simm.s32 $0x11620  }
0x123: {  	[tilespmem:s28], [sflag:$0x3] =	stream.indirect.gather [hbm4b:s4+s14], $0x40, s25, s14, $0xb8;
	[tilespmem:$0x1DE20] =	vst v63  }
0x124: {  	_ =	swait.ge [sflag:s9], $0x1400  }
0x125: {  	[sflag:s9] =	ssyncset.done $0x0  }
0x126: {  	s25 =	sadd.s32 $0x2CB0, s17;
	[sflag:s9] =	ssyncadd.s32 $0xFFFFEC00  }
0x127: {  	[spmem:s2] =	stream.indirect.scatter.add.f32 [tilespmem:s5], [sflag:$0x13], $0x40, s25, s14, $0xb8;
	[tilespmem:$0x1DE20] =	vst v63  }
0x128: {  	s25 =	simm.s32 $0x10  }
0x129: {  	_ =	swait.ge [sflag:s25], $0x1400  }
0x12a: {  	[sflag:s25] =	ssyncset.done $0x0  }
0x12b: {  	s28 =	simm.s32 $0x12A20;
	[sflag:s25] =	ssyncadd.s32 $0xFFFFEC00;
	s25 =	sadd.s32 $0x870, s17  }
0x12c: {  	[tilespmem:s23], [sflag:$0x4] =	stream.indirect.gather [hbm4b:s4+s14], $0x40, s25, s14, $0xb8;
	[tilespmem:$0x1DE20] =	vst v63  }
0x12d: {  	_ =	swait.ge [sflag:s3], $0x1400  }
0x12e: {  	[sflag:s3] =	ssyncset.done $0x0  }
0x12f: {  	s25 =	sadd.s32 $0x2D00, s17;
	s23 =	simm.s32 $0x11;
	[sflag:s3] =	ssyncadd.s32 $0xFFFFEC00  }
0x130: {  	[spmem:s2] =	stream.indirect.scatter.add.f32 [tilespmem:s13], [sflag:$0x14], $0x40, s25, s14, $0xb8;
	[tilespmem:$0x1DE20] =	vst v63  }
0x131: {  	_ =	swait.ge [sflag:s23], $0x1400  }
0x132: {  	[sflag:s23] =	ssyncset.done $0x0  }
0x133: {  	s25 =	sadd.s32 $0x8C0, s17;
	[sflag:s23] =	ssyncadd.s32 $0xFFFFEC00;
	s23 =	simm.s32 $0x13E20  }
0x134: {  	[tilespmem:s0], [sflag:$0x5] =	stream.indirect.gather [hbm4b:s4+s14], $0x40, s25, s14, $0xb8;
	[tilespmem:$0x1DE20] =	vst v63  }
0x135: {  	_ =	swait.ge [sflag:s11], $0x1400  }
0x136: {  	[sflag:s11] =	ssyncset.done $0x0  }
0x137: {  	s25 =	sadd.s32 $0x2D50, s17;
	s0 =	simm.s32 $0x18E20;
	[sflag:s11] =	ssyncadd.s32 $0xFFFFEC00  }
0x138: {  	[spmem:s2] =	stream.indirect.scatter.add.f32 [tilespmem:s7], [sflag:$0x15], $0x40, s25, s14, $0xb8;
	[tilespmem:$0x1DE20] =	vst v63  }
0x139: {  	_ =	swait.ge [sflag:s12], $0x1400  }
0x13a: {  	[sflag:s12] =	ssyncset.done $0x0  }
0x13b: {  	s25 =	sadd.s32 $0x910, s17;
	[sflag:s12] =	ssyncadd.s32 $0xFFFFEC00  }
0x13c: {  	[tilespmem:s30], [sflag:$0x6] =	stream.indirect.gather [hbm4b:s4+s14], $0x40, s25, s14, $0xb8;
	[tilespmem:$0x1DE20] =	vst v63  }
0x13d: {  	_ =	swait.ge [sflag:s15], $0x1400  }
0x13e: {  	[sflag:s15] =	ssyncset.done $0x0  }
0x13f: {  	s25 =	sadd.s32 $0x2DA0, s17;
	[sflag:s15] =	ssyncadd.s32 $0xFFFFEC00  }
0x140: {  	[spmem:s2] =	stream.indirect.scatter.add.f32 [tilespmem:s10], [sflag:$0x16], $0x40, s25, s14, $0xb8;
	[tilespmem:$0x1DE20] =	vst v63  }
0x141: {  	_ =	swait.ge [sflag:s16], $0x1400  }
0x142: {  	[sflag:s16] =	ssyncset.done $0x0  }
0x143: {  	s25 =	sadd.s32 $0x960, s17;
	[sflag:s16] =	ssyncadd.s32 $0xFFFFEC00  }
0x144: {  	[tilespmem:s5], [sflag:$0x7] =	stream.indirect.gather [hbm4b:s4+s14], $0x40, s25, s14, $0xb8;
	[tilespmem:$0x1DE20] =	vst v63  }
0x145: {  	_ =	swait.ge [sflag:s18], $0x1400  }
0x146: {  	[sflag:s18] =	ssyncset.done $0x0  }
0x147: {  	s25 =	sadd.s32 $0x2DF0, s17;
	[sflag:s18] =	ssyncadd.s32 $0xFFFFEC00  }
0x148: {  	[spmem:s2] =	stream.indirect.scatter.add.f32 [tilespmem:s6], [sflag:$0x17], $0x40, s25, s14, $0xb8;
	[tilespmem:$0x1DE20] =	vst v63  }
0x149: {  	_ =	swait.ge [sflag:s20], $0x1400  }
0x14a: {  	[sflag:s20] =	ssyncset.done $0x0  }
0x14b: {  	s25 =	sadd.s32 $0x9B0, s17;
	[sflag:s20] =	ssyncadd.s32 $0xFFFFEC00  }
0x14c: {  	[tilespmem:s13], [sflag:$0x8] =	stream.indirect.gather [hbm4b:s4+s14], $0x40, s25, s14, $0xb8;
	[tilespmem:$0x1DE20] =	vst v63  }
0x14d: {  	_ =	swait.ge [sflag:s22], $0x1400  }
0x14e: {  	[sflag:s22] =	ssyncset.done $0x0  }
.Ltmp0:
0x14f: {  	s25 =	sadd.s32 $0x2E40, s17;
	[sflag:s22] =	ssyncadd.s32 $0xFFFFEC00;
	(pc) =	sbr.rel @p0 .LBB2_2-.Ltmp0, $4  }
0x150: {  	[spmem:s2] =	stream.indirect.scatter.add.f32 [tilespmem:s26], [sflag:$0x18], $0x40, s25, s14, $0xb8;
	[tilespmem:$0x1DE20] =	vst v63  }
0x151: {  	_ =	swait.ge [sflag:s24], $0x1400  }
0x152: {  	[sflag:s24] =	ssyncset.done $0x0  }
0x153: {  	s17 =	sadd.s32 $0xA00, s17;
	[sflag:s24] =	ssyncadd.s32 $0xFFFFEC00  }
0x154: {  	[tilespmem:s0], [sflag:$0x9] =	stream.indirect.gather [hbm4b:s4+s14], $0x40, s17, s14, $0xb8;
	[tilespmem:$0x1DE20] =	vst v63  }
0x155: {  	s3 =	simm.s32 $0x1  }
0x156: {  	_ =	swait.ge [sflag:s3], $0x1400  }
0x157: {  	[sflag:s3] =	ssyncset.done $0x0  }
0x158: {  	s5 =	simm.s32 $0x4C90;
	s6 =	simm.s32 $0x16;
	[sflag:s3] =	ssyncadd.s32 $0xFFFFEC00  }
0x159: {  	[spmem:s2] =	stream.indirect.scatter.add.f32 [tilespmem:s21], [sflag:$0xD], $0x40, s5, s14, $0xb8;
	[tilespmem:$0x1DE20] =	vst v63  }
0x15a: {  	_ =	swait.ge [sflag:s6], $0x1400  }
0x15b: {  	[sflag:s6] =	ssyncset.done $0x0  }
0x15c: {  	s7 =	simm.s32 $0x2;
	[sflag:s6] =	ssyncadd.s32 $0xFFFFEC00  }
0x15d: {  	_ =	swait.ge [sflag:s7], $0x1400  }
0x15e: {  	[sflag:s7] =	ssyncset.done $0x0  }
0x15f: {  	s8 =	simm.s32 $0x4CE0;
	s9 =	simm.s32 $0x17;
	[sflag:s7] =	ssyncadd.s32 $0xFFFFEC00  }
0x160: {  	[spmem:s2] =	stream.indirect.scatter.add.f32 [tilespmem:s1], [sflag:$0xE], $0x40, s8, s14, $0xb8;
	[tilespmem:$0x1DE20] =	vst v63  }
0x161: {  	_ =	swait.ge [sflag:s9], $0x1400  }
0x162: {  	[sflag:s9] =	ssyncset.done $0x0  }
0x163: {  	s10 =	simm.s32 $0x3;
	[sflag:s9] =	ssyncadd.s32 $0xFFFFEC00  }
0x164: {  	_ =	swait.ge [sflag:s10], $0x1400  }
0x165: {  	[sflag:s10] =	ssyncset.done $0x0  }
0x166: {  	s11 =	simm.s32 $0x4D30;
	[sflag:s10] =	ssyncadd.s32 $0xFFFFEC00  }
0x167: {  	[spmem:s2] =	stream.indirect.scatter.add.f32 [tilespmem:s19], [sflag:$0xF], $0x40, s11, s14, $0xb8;
	[tilespmem:$0x1DE20] =	vst v63  }
0x168: {  	_ =	swait.ge [sflag:s29], $0x1400  }
0x169: {  	[sflag:s29] =	ssyncset.done $0x0  }
0x16a: {  	s12 =	simm.s32 $0x4;
	[sflag:s29] =	ssyncadd.s32 $0xFFFFEC00  }
0x16b: {  	_ =	swait.ge [sflag:s12], $0x1400  }
0x16c: {  	[sflag:s12] =	ssyncset.done $0x0  }
0x16d: {  	s13 =	simm.s32 $0x4D80;
	s15 =	simm.s32 $0xD;
	[sflag:s12] =	ssyncadd.s32 $0xFFFFEC00  }
0x16e: {  	[spmem:s2] =	stream.indirect.scatter.add.f32 [tilespmem:s28], [sflag:$0x10], $0x40, s13, s14, $0xb8;
	[tilespmem:$0x1DE20] =	vst v63  }
0x16f: {  	_ =	swait.ge [sflag:s15], $0x1400  }
0x170: {  	[sflag:s15] =	ssyncset.done $0x0  }
0x171: {  	s16 =	simm.s32 $0x5;
	[sflag:s15] =	ssyncadd.s32 $0xFFFFEC00  }
0x172: {  	_ =	swait.ge [sflag:s16], $0x1400  }
0x173: {  	[sflag:s16] =	ssyncset.done $0x0  }
0x174: {  	s17 =	simm.s32 $0x4DD0;
	s18 =	simm.s32 $0xE;
	[sflag:s16] =	ssyncadd.s32 $0xFFFFEC00  }
0x175: {  	[spmem:s2] =	stream.indirect.scatter.add.f32 [tilespmem:s23], [sflag:$0x11], $0x40, s17, s14, $0xb8;
	[tilespmem:$0x1DE20] =	vst v63  }
0x176: {  	_ =	swait.ge [sflag:s18], $0x1400  }
0x177: {  	[sflag:s18] =	ssyncset.done $0x0  }
0x178: {  	s19 =	simm.s32 $0xF;
	[sflag:s18] =	ssyncadd.s32 $0xFFFFEC00  }
0x179: {  	_ =	swait.ge [sflag:s19], $0x1400  }
0x17a: {  	[sflag:s19] =	ssyncset.done $0x0  }
0x17b: {  	s20 =	simm.s32 $0x10;
	[sflag:s19] =	ssyncadd.s32 $0xFFFFEC00  }
0x17c: {  	_ =	swait.ge [sflag:s20], $0x1400  }
0x17d: {  	[sflag:s20] =	ssyncset.done $0x0  }
0x17e: {  	s21 =	simm.s32 $0x11;
	[sflag:s20] =	ssyncadd.s32 $0xFFFFEC00  }
0x17f: {  	_ =	swait.ge [sflag:s21], $0x1400  }
0x180: {  	[sflag:s21] =	ssyncset.done $0x0  }
0x181: {  	[sflag:s21] =	ssyncadd.s32 $0xFFFFEC00  }
0x182: {  	[bflag:$0x0] =	sbarrier.arrive $0xFFFF  }
0x183: {  	s7 =	rddreg [dreg:$0x4]  }
0x184: {  	s22 =	rddreg [dreg:$0x7]  }
0x185: {  	s23 =	simm.s32 $0x19;
	s25 =	rddreg [dreg:$0x9]  }
0x186: {  	[hbm:s22], [sflag:s7] =	dma.local [spmem:s25], $0x1400  }
0x187: {  	_ =	swait.ge [sflag:s23], $0x1400  }
0x188: {  	s24 =	rddreg [dreg:$0xa]  }
0x189: {  	s26 =	rddreg [dreg:$0x8];
	s0 =	sadd.s32 $0x1, s24  }
0x18a: {  	s31 =	simm.s32 $0x19;
	p0 =	sne.s32 s0, s26  }
.Ltmp1:
0x18b: {  	s30 =	simm.s32 $0x16620;
	s3 =	simm.s32 $0x8;
	(pc) =	sbr.rel @p0 .LBB2_1-.Ltmp1, $4  }
0x18c: {  	s6 =	simm.s32 $0x9;
	s11 =	simm.s32 $0x12;
	s12 =	simm.s32 $0xA  }
0x18d: {  	s28 =	simm.s32 $0x15220;
	s15 =	simm.s32 $0x13;
	s16 =	simm.s32 $0xB  }
0x18e: {  	s18 =	simm.s32 $0x14;
	s20 =	simm.s32 $0xC;
	[sflag:s23] =	ssyncset.done $0x0  }
0x18f: {  	s22 =	simm.s32 $0x15;
	[sflag:s31] =	ssyncadd.s32 $0xFFFFEC00;
	s26 =	simm.s32 $0x17A20  }
0x190: {  	_ =	sfence.sel $0x180000  }
0x191: {  	[bflag:$0x0] =	sbarrier.arrive $0xFFFF  }
0x192: {  	_ =	strace $0x9000004D  }
0x193: {  	s0 =	stileid.u32;
	[bflag:$0x2] =	sbarrier.arrive $0xFFFF  }
0x194: {  	p0 =	sne.s32 s0, $0x0;
	s0 =	rddreg [dreg:$0x2]  }
0x195: {  	s0 =	sadd.s32 @!p0 $0x100000, s0  }
0x196: {  	[sflag:s0] =	ssyncadd.tile.s32 @!p0 $0x1;
	_ =	shalt  }
.Lfunc_end2:
_tile_overlayer_lowered:
.L_overlay_start_2:
0x197: {  	(tag) =	ssettag $0x2  }
0x198: {  	s0 =	rddreg [dreg:$0x0];
	s2 =	stileid.u32  }
0x199: {  	s1 =	rddreg [dreg:$0x1];
	p0 =	sne.s32 s2, $0x0  }
0x19a: {  	s3 =	rddreg [dreg:$0x2];
	[bflag:$0x3] =	sbarrier.arrive $0xFFFF;
	s2 =	simm.s32 @!p0 $0x1C19  }
0x19b: {  	[timem:s3], [sflag:s2] =	dma.local @!p0 [hbm:s0], s1  }
0x19c: {  	s0 =	simm.s32 @!p0 $0x19  }
0x19d: {  	_ =	swait.ge @!p0 [sflag:s0], s1  }
0x19e: {  	s1 =	ssub.s32 @!p0 $0x0, s1;
	[sflag:s0] =	ssyncset.done @!p0 $0x0  }
0x19f: {  	[sflag:s0] =	ssyncadd.s32 @!p0 s1  }
0x1a0: {  	[bflag:$0x3] =	sbarrier.arrive $0xFFFF  }
0x1a1: {  	_ =	shalt  }

// kernel: kernel.8.cloned.1.call-start
scs
__scs_entry_jumppad:
0x0: {  	(pc) =	sbr.rel $0x88, $3  }
0x1: {  	(tag) =	ssettag $0x0;
	lr =	simm.s32 $0x1  }
0x2: {  	[smem:$0x3F95] =	sst lr;
	_ =	strace $0xD0000000  }
0x3: {  	_ = 	snop  }
0x4: {  	_ = 	snop  }
0x5: {  	_ = 	snop  }
0x6: {  	_ = 	snop  }
0x7: {  	_ = 	snop  }
__scs_overlays_trampoline_lowered:
0x8: {  	[smem:$0x3FA4] =	sst s0  }
0x9: {  	[smem:$0x3FA5] =	sst s1  }
0xa: {  	[smem:$0x3FA6] =	sst s2  }
0xb: {  	[smem:$0x3FA7] =	sst s3  }
0xc: {  	[smem:$0x3FA8] =	sst s4  }
0xd: {  	[smem:$0x3FA9] =	sst s5  }
0xe: {  	[smem:$0x3FAA] =	sst s6  }
0xf: {  	[smem:$0x3FAB] =	sst s7  }
0x10: {  	[smem:$0x3FAC] =	sst s8  }
0x11: {  	[smem:$0x3FAD] =	sst s9;
	s0 =	simm.s32 @!p0 $0x0  }
0x12: {  	s1 =	sld [smem:$0x3F93];
	s0 =	simm.s32 @p0 $0x1  }
0x13: {  	[smem:$0x3FAE] =	sst s0;
	s0 =	simm.s32 @!p1 $0x0  }
0x14: {  	s2 =	sld [smem:$0x3F92];
	s0 =	simm.s32 @p1 $0x1  }
0x15: {  	[smem:$0x3FAF] =	sst s0;
	s0 =	simm.s32 @!p2 $0x0  }
0x16: {  	s3 =	sld [smem:$0x3FDB];
	s0 =	simm.s32 @p2 $0x1  }
0x17: {  	s4 =	simm.s32 $0x1BF5;
	[smem:$0x3FB1] =	sst s0  }
0x18: {  	s0 =	sld [smem:$0x3F94];
	_ =	swait.ge [sflag:s4], $0x0  }
0x19: {  	s7 =	sld [smem:$0x3F95]  }
0x1a: {  	s8 =	sadd.s32 $0xFFFFE003, lr  }
0x1b: {  	s9 =	sadd.s32 $0xFFFFFEF7, lr;
	s5 =	simm.s32 $0xFFFFFFFF;
	p2 =	slt.u32 s8, $0xFFFFF086  }
0x1c: {  	p1 =	slt.u32 s9, $0xF7A;
	s5 =	simm.s32 @!p2 $0x0  }
0x1d: {  	s5 =	simm.s32 @p1 $0x1;
	p0 =	seq.s32 s7, s2  }
0x1e: {  	s7 =	smul.u32 @!p0 $0xF7A, s2;
	p2 =	seq.s32 @!p0 s5, $0x0  }
0x1f: {  	s9 =	smul.u32 $0xF7A, s1;
	s8 =	simm.s32 @!p0 $0x1BF5;
	p2 =	por !p2, p0  }
0x20: {  	[sflag:s8] =	ssyncset.s32 @!p0 $0xFFFFF086;
	s6 =	sadd.s32 @!p0 s3, s7;
	s7 =	simm.s32 @!p0 $0x108  }
0x21: {  	s3 =	sadd.s32 s3, s9;
	s6 =	sadd.s32 @!p0 $0x88, s6;
	s7 =	simm.s32 @p2 $0x1082  }
0x22: {  	[simem:s7], [sflag:s8] =	dma.local @!p0 [hbm:s6], $0xF7A  }
0x23: {  	s9 =	sor.u32 $0xD0000000, s2;
	s6 =	simm.s32 $0x108;
	_ =	swait.ge @!p0 [sflag:s8], $0x0  }
0x24: {  	s3 =	sadd.s32 $0x88, s3;
	s6 =	simm.s32 @!p1 $0x1082;
	[sflag:s4] =	ssyncset.s32 $0xFFFFF086  }
0x25: {  	[simem:s6], [sflag:s4] =	dma.local [hbm:s3], $0xF7A  }
0x26: {  	[smem:$0x3F95] =	sst s1;
	(tag) =	ssettag s2;
	_ =	strace s9  }
0x27: {  	s1 =	sld [smem:$0x3FA5]  }
0x28: {  	s2 =	sld [smem:$0x3FA6]  }
0x29: {  	s4 =	sld [smem:$0x3FA8]  }
0x2a: {  	p0 =	seq.s32 s5, $0x0;
	s5 =	sld [smem:$0x3FA9]  }
0x2b: {  	s6 =	sld [smem:$0x3FAA]  }
0x2c: {  	s7 =	sld [smem:$0x3FAB]  }
0x2d: {  	s3 =	simm.s32 $0x108;
	s8 =	sld [smem:$0x3FAC]  }
0x2e: {  	s3 =	simm.s32 @!p0 $0x1082;
	s9 =	sld [smem:$0x3FAD]  }
0x2f: {  	lr =	sadd.s32 s0, s3;
	s0 =	sld [smem:$0x3FA4]  }
0x30: {  	s3 =	sld [smem:$0x3FA7]  }
0x31: {  	[smem:$0x3FB0] =	sst s10  }
0x32: {  	s10 =	sld [smem:$0x3FAE];
	_ =	sdelay $0x3  }
0x33: {  	p0 =	seq.s32 s10, $0x1;
	s10 =	sld [smem:$0x3FB0];
	_ =	sdelay $0x3  }
0x34: {  	[smem:$0x3FB0] =	sst s10  }
0x35: {  	s10 =	sld [smem:$0x3FAF];
	_ =	sdelay $0x3  }
0x36: {  	p1 =	seq.s32 s10, $0x1;
	s10 =	sld [smem:$0x3FB0];
	_ =	sdelay $0x3  }
0x37: {  	[smem:$0x3FB0] =	sst s10  }
0x38: {  	s10 =	sld [smem:$0x3FB1]  }
0x39: {  	_ = 	snop;
	(pc) =	sbr.ind lr, $3  }
0x3a: {  	_ = 	snop  }
0x3b: {  	_ = 	snop  }
0x3c: {  	p2 =	seq.s32 s10, $0x1;
	s10 =	sld [smem:$0x3FB0]  }
0x3d: {  	_ =	shalt  }
0x3e: {  	_ =	shalt  }
0x3f: {  	_ =	shalt  }
0x40: {  	_ =	shalt  }
0x41: {  	_ =	shalt  }
0x42: {  	_ =	shalt  }
0x43: {  	_ =	shalt  }
0x44: {  	_ =	shalt  }
0x45: {  	_ =	shalt  }
0x46: {  	_ =	shalt  }
0x47: {  	_ =	shalt  }
0x48: {  	_ =	shalt  }
0x49: {  	_ =	shalt  }
0x4a: {  	_ =	shalt  }
0x4b: {  	_ =	shalt  }
0x4c: {  	_ =	shalt  }
0x4d: {  	_ =	shalt  }
0x4e: {  	_ =	shalt  }
0x4f: {  	_ =	shalt  }
0x50: {  	_ =	shalt  }
0x51: {  	_ =	shalt  }
0x52: {  	_ =	shalt  }
0x53: {  	_ =	shalt  }
0x54: {  	_ =	shalt  }
0x55: {  	_ =	shalt  }
0x56: {  	_ =	shalt  }
0x57: {  	_ =	shalt  }
0x58: {  	_ =	shalt  }
0x59: {  	_ =	shalt  }
0x5a: {  	_ =	shalt  }
0x5b: {  	_ =	shalt  }
0x5c: {  	_ =	shalt  }
0x5d: {  	_ =	shalt  }
0x5e: {  	_ =	shalt  }
0x5f: {  	_ =	shalt  }
0x60: {  	_ =	shalt  }
0x61: {  	_ =	shalt  }
0x62: {  	_ =	shalt  }
0x63: {  	_ =	shalt  }
0x64: {  	_ =	shalt  }
0x65: {  	_ =	shalt  }
0x66: {  	_ =	shalt  }
0x67: {  	_ =	shalt  }
0x68: {  	_ =	shalt  }
0x69: {  	_ =	shalt  }
0x6a: {  	_ =	shalt  }
0x6b: {  	_ =	shalt  }
0x6c: {  	_ =	shalt  }
0x6d: {  	_ =	shalt  }
0x6e: {  	_ =	shalt  }
0x6f: {  	_ =	shalt  }
0x70: {  	_ =	shalt  }
0x71: {  	_ =	shalt  }
0x72: {  	_ =	shalt  }
0x73: {  	_ =	shalt  }
0x74: {  	_ =	shalt  }
0x75: {  	_ =	shalt  }
0x76: {  	_ =	shalt  }
0x77: {  	_ =	shalt  }
0x78: {  	_ =	shalt  }
0x79: {  	_ =	shalt  }
0x7a: {  	_ =	shalt  }
0x7b: {  	_ =	shalt  }
0x7c: {  	_ =	shalt  }
0x7d: {  	_ =	shalt  }
0x7e: {  	_ =	shalt  }
0x7f: {  	_ =	shalt  }
0x80: {  	_ =	shalt  }
0x81: {  	_ =	shalt  }
0x82: {  	_ =	shalt  }
0x83: {  	_ =	shalt  }
0x84: {  	_ =	shalt  }
0x85: {  	_ =	shalt  }
0x86: {  	_ =	shalt  }
0x87: {  	_ =	shalt  }
.Lfunc_end0:
.L_simem_size_0:
called_computation_lowered:
.L_overlay_start_0:
0x88: {  	s2 =	sld [smem:$0x3FD9]  }
0x89: {  	s3 =	sld [smem:$0x3FFE];
	_ =	sdelay $0x1  }
0x8a: {  	s1 =	srdreg.scid  }
0x8b: {  	s0 =	sand.u32 $0x1, s1  }
0x8c: {  	s16 =	sshll.u32 s0, $0xA;
	s2 =	sadd.s32 s3, s2  }
0x8d: {  	s2 =	sadd.s32 s2, s16  }
0x8e: {  	[smem:$0x3FBC] =	sst s2  }
0x8f: {  	_ = 	snop  }
0x90: {  	(tm) =	ssettm $0x1  }
0x91: {  	s17 =	sld [smem:$0x3FFB];
	_ =	sdelay $0x3  }
0x92: {  	_ =	strace s17  }
0x93: {  	s2 =	sld [smem:$0x3FFC];
	_ =	sdelay $0x3  }
0x94: {  	_ =	strace s2  }
0x95: {  	s2 =	sld [smem:$0x3FFD];
	_ =	sdelay $0x3  }
0x96: {  	_ =	strace s2  }
0x97: {  	_ =	strace $0x8FFFFFFF  }
0x98: {  	s18 =	sld [smem:$0x3FDB];
	_ =	sdelay $0x1  }
0x99: {  	s19 =	simm.s32 $_scs_section_size  }
0x9a: {  	s4 =	simm.s32 $_size__tile_overlayer_lowered;
	s5 =	simm.s32 $_tile_overlayer_lowered  }
0x9b: {  	s22 =	simm.s32 $0x1BFF;
	s21 =	sshll.u32 s5, $0x1;
	s2 =	sadd.s32 s19, s18  }
0x9c: {  	s6 =	simm.s32 $0x0;
	s20 =	sshll.u32 s4, $0x1;
	s4 =	sadd.s32 s21, s2  }
0x9d: {  	[timem:s6], [sflag:s22] =	dma.local [hbm:s4], s20  }
0x9e: {  	_ =	swait.ge [sflag:s22], s20  }
0x9f: {  	s3 =	ssub.s32 $0x0, s20;
	[sflag:s22] =	ssyncset.done $0x0  }
0xa0: {  	[sflag:s22] =	ssyncadd.s32 s3;
	_ =	sdelay $0x1  }
0xa1: {  	s23 =	simm.s32 $0x1B8B  }
0xa2: {  	_ =	swait.ge [sflag:s23], $0x1  }
0xa3: {  	[sflag:s23] =	ssyncset.done $0x0  }
0xa4: {  	s25 =	simm.s32 $0x1B8E;
	s24 =	sld [smem:$0x3FFE];
	[sflag:s23] =	ssyncadd.s32 $0xFFFFFFFF  }
0xa5: {  	s26 =	simm.s32 $execute0_lowered;
	[smem:$0x3FD2] =	sst s25  }
0xa6: {  	s4 =	sshll.u32 s26, $0x1;
	_ =	strace $0x80000046;
	[dreg:$0x1] =	wrdreg $0xFFFFFFFF  }
0xa7: {  	s28 =	simm.s32 $_size_execute0_lowered;
	s2 =	sadd.s32 s2, s4;
	[dreg:$0x0] =	wrdreg $0x0  }
0xa8: {  	s4 =	sshll.u32 s28, $0x1;
	[dreg:$0x2] =	wrdreg s2  }
0xa9: {  	[dreg:$0x3] =	wrdreg s4  }
0xaa: {  	[dreg:$0x4] =	wrdreg $0xC0  }
0xab: {  	_ =	task [dreg:s6], $0x5FFFF  }
0xac: {  	[dreg:$0x1] =	wrdreg $0xFFFFFFFF  }
0xad: {  	[dreg:$0x0] =	wrdreg $0x60  }
0xae: {  	[dreg:$0x2] =	wrdreg s24  }
0xaf: {  	[dreg:$0x3] =	wrdreg $0x2C100  }
0xb0: {  	[dreg:$0x4] =	wrdreg $0x9  }
0xb1: {  	_ =	task.clear_ibuf [dreg:s6], $0x5FFFF;
	_ =	strace $0x90000046  }
0xb2: {  	s29 =	simm.s32 $0x9;
	_ =	strace $0x80000048  }
0xb3: {  	_ =	swait.ge [sflag:s29], $0x1  }
0xb4: {  	[sflag:s29] =	ssyncadd.s32 $0xFFFFFFFF  }
0xb5: {  	_ =	strace $0x90000048  }
0xb6: {  	_ =	sfence  }
0xb7: {  	s30 =	sld [smem:$0x0];
	_ =	sdelay $0x2  }
0xb8: {  	s31 =	sshll.u32 s1, $0xD;
	s1 =	sshrl.u32 s1, $0x2  }
0xb9: {  	s3 =	sand.u32 $0x4000, s31;
	s1 =	sadd.s32 s1, s30  }
0xba: {  	s0 =	sor.u32 s3, s0;
	s1 =	sshll.u32 s1, $0x11  }
0xbb: {  	s0 =	sor.u32 s1, s0  }
0xbc: {  	s0 =	sadd.s32 $0x8F2B, s0  }
0xbd: {  	[sflag:s0] =	ssyncadd.remote.s32 $0x1  }
0xbe: {  	_ =	sfence.sel $0xFFFF  }
0xbf: {  	[dreg:$0x0] =	wrdreg $0xFFFFFFFF;
	(pc) =	sbr.abs _section_cstart, $3  }
0xc0: {  	[dreg:$0x1] =	wrdreg $0xFFFFFFFF  }
0xc1: {  	_ =	task.clear_ibuf [dreg:s6], $0x2FFFF;
	_ =	strace $0x9FFFFFFF  }
0xc2: {  	(tm) =	ssettm $0x7FFFFFFF  }
0xc3: {  	_ =	shalt  }
tec
execute0_lowered:
.L_overlay_start_1:
0x0: {  	(tag) =	ssettag $0x1  }
0x1: {  	s0 =	srdreg.scid;
	s7 =	rddreg [dreg:$0x0]  }
0x2: {  	s2 =	rddreg [dreg:$0x1];
	s3 =	simm.s32 $0x0;
	s14 =	simm.s32 $0x1  }
0x3: {  	s15 =	simm.s32 $0x0;
	s6 =	sand.u32 $0x1, s0;
	s0 =	stileid.u32  }
0x4: {  	[smem:$0x7FF] =	sst s3;
	s1 =	sshll.u32 s6, $0x4;
	s8 =	smul.u32 $0x2800, s0  }
0x5: {  	s5 =	smul.u32 $0x28000, s6;
	s6 =	ssub.s32 $0x2, s6;
	s1 =	sor.u32 s0, s1  }
0x6: {  	s11 =	sshll.u32 s0, $0x6;
	s31 =	sshrl.u32 s6, $0x1;
	s4 =	smul.u32 $0x4E2, s1  }
0x7: {  	s1 =	rddreg [dreg:$0x2];
	_ =	strace $0x80000047;
	s10 =	sadd.s32 s8, s5  }
0x8: {  	s5 =	sadd.s32 $0x16000, s7;
	s12 =	ssub.s32 s6, s31;
	s13 =	sadd.s32 s8, s2  }
0x9: {  	s6 =	sor.u32 $0x1C02, s11;
	s11 =	simm.s32 $0x2;
	s10 =	sshrl.u32 s10, $0x3  }
0xa: {  	s9 =	sadd.s32 s4, s7;
	s4 =	sadd.s32 $0x16600, s7;
	s10 =	sadd.s32 s10, s7  }
0xb: {  	s7 =	sadd.s32 $0x2400, s9;
	s8 =	sadd.s32 $0x16800, s10;
	s9 =	smax.u32 s12, $0x1  }
0xc: {  	s10 =	sshrl.u32 s13, $0x3;
	s12 =	simm.s32 $0x2710;
	s13 =	simm.s32 $0x50  }
.LBB2_1:
0xd: {  	[spmem:s10], [sflag:s6] =	dma.local [hbm:s5], $0x500  }
0xe: {  	_ =	swait.ge [sflag:s11], $0x500  }
0xf: {  	[sflag:s11] =	ssyncset.done $0x0  }
0x10: {  	[sflag:s11] =	ssyncadd.s32 $0xFFFFFB00  }
0x11: {  	[tilespmem:s3], [sflag:$0x2] =	stream.linear.gather [hbm4b:s7+s3], $0x2710, $0x38;
	[tilespmem:$0x5410] =	vst v63  }
0x12: {  	_ =	swait.ge [sflag:s11], $0x2710  }
0x13: {  	[sflag:s11] =	ssyncset.done $0x0  }
0x14: {  	[sflag:s11] =	ssyncadd.s32 $0xFFFFD8F0  }
0x15: {  	[tilespmem:s12], [sflag:$0x2] =	stream.linear.gather [hbm4b:s4+s3], $0x500, $0x38;
	[tilespmem:$0x5410] =	vst v63  }
0x16: {  	_ =	swait.ge [sflag:s11], $0x500  }
0x17: {  	[sflag:s11] =	ssyncset.done $0x0  }
0x18: {  	[sflag:s11] =	ssyncadd.s32 $0xFFFFFB00  }
0x19: {  	s16 =	simm.s32 $0x0;
	[bflag:$0x0] =	sbarrier.arrive $0xFFFF  }
.LBB2_2:
0x1a: {  	p0 =	sne.s32 s16, $0x9B00  }
.Ltmp0:
0x1b: {  	_ = 	snop;
	(pc) =	sbr.rel @p0 .LBB2_2-.Ltmp0, $3  }
0x1c: {  	_ =	sdelay $0x1  }
0x1d: {  	s17 =	sshra.s32 s16, $0x2;
	s16 =	sadd.s32 $0x140, s16  }
0x1e: {  	[spmem:s2] =	stream.indirect.scatter.add.f32 [tilespmem:s12], [sflag:$0x1], $0x10, s17, s13, $0xb8;
	[tilespmem:$0x5410] =	vst v63  }
0x1f: {  	_ =	swait.ge [sflag:s14], $0x500  }
0x20: {  	s16 =	simm.s32 $0x7C;
	[sflag:s14] =	ssyncset.done $0x0  }
.LBB2_4:
0x21: {  	p0 =	sne.s32 s16, $0x1;
	s16 =	sadd.s32 $0xFFFFFFFF, s16;
	[sflag:s14] =	ssyncadd.s32 $0xFFFFFB00  }
.Ltmp1:
0x22: {  	(pc) =	sbr.rel @p0 .LBB2_4-.Ltmp1, $3  }
0x23: {  	_ =	sdelay $0x1  }
0x24: {  	_ =	swait.ge [sflag:s14], $0x500  }
0x25: {  	[sflag:s14] =	ssyncset.done $0x0  }
0x26: {  	s15 =	sadd.s32 $0x1, s15  }
0x27: {  	[sflag:s14] =	ssyncadd.s32 $0xFFFFFB00;
	p0 =	sne.s32 s15, s9  }
.Ltmp2:
0x28: {  	[bflag:$0x0] =	sbarrier.arrive $0xFFFF;
	(pc) =	sbr.rel @p0 .LBB2_1-.Ltmp2, $4  }
0x29: {  	[hbm:s8], [sflag:s6] =	dma.local [spmem:s10], $0x500  }
0x2a: {  	_ =	swait.ge [sflag:s11], $0x500  }
0x2b: {  	[sflag:s11] =	ssyncset.done $0x0  }
0x2c: {  	[sflag:s11] =	ssyncadd.s32 $0xFFFFFB00  }
0x2d: {  	_ =	sfence.sel $0x180000  }
0x2e: {  	[bflag:$0x0] =	sbarrier.arrive $0xFFFF  }
0x2f: {  	p0 =	sne.s32 s0, $0x0;
	_ =	strace $0x90000047  }
0x30: {  	s0 =	sadd.s32 @!p0 $0x100000, s1;
	[bflag:$0x2] =	sbarrier.arrive $0xFFFF  }
0x31: {  	[sflag:s0] =	ssyncadd.tile.s32 @!p0 $0x1;
	_ =	shalt  }
.Lfunc_end2:
_tile_overlayer_lowered:
.L_overlay_start_2:
0x32: {  	(tag) =	ssettag $0x2  }
0x33: {  	s0 =	rddreg [dreg:$0x0];
	s2 =	stileid.u32  }
0x34: {  	s1 =	rddreg [dreg:$0x1];
	p0 =	sne.s32 s2, $0x0  }
0x35: {  	s3 =	rddreg [dreg:$0x2];
	[bflag:$0x3] =	sbarrier.arrive $0xFFFF;
	s2 =	simm.s32 @!p0 $0x1C02  }
0x36: {  	[timem:s3], [sflag:s2] =	dma.local @!p0 [hbm:s0], s1  }
0x37: {  	s0 =	simm.s32 @!p0 $0x2  }
0x38: {  	_ =	swait.ge @!p0 [sflag:s0], s1  }
0x39: {  	s1 =	ssub.s32 @!p0 $0x0, s1;
	[sflag:s0] =	ssyncset.done @!p0 $0x0  }
0x3a: {  	[sflag:s0] =	ssyncadd.s32 @!p0 s1  }
0x3b: {  	[bflag:$0x3] =	sbarrier.arrive $0xFFFF  }
0x3c: {  	_ =	shalt  }

</sc_bundles>
